<compile_context>
chip_gen: v7x
topology: tpu7x:2x2x1
jax: 0.10.2.dev20260603
libtpu: 0.0.44.dev20260713+nightly
codegen_flags: <defaults>
</compile_context>

<pallas_src>
import functools
import math

import jax
import jax.numpy as jnp
from jax import lax
from jax.experimental import pallas as pl
from jax.experimental.pallas import tpu as pltpu
from jax.experimental.pallas import tpu_sc as plsc

N = 10000
E = 160000
D = 256
H = 128
NS = 16
NC = 2
CH = 126
EPS = E // NS
EPSP = 10080
NCHUNK = EPSP // CH
HALF = NCHUNK // 2
NP = 10240
ROWS_PT = NP // NS
EPW = E // (NS * NC)
DEG_ROWS = N // 16
BLK = 1000
GRID = N // BLK

_mesh = plsc.VectorSubcoreMesh(core_axis_name="c", subcore_axis_name="s")


@functools.partial(
    pl.kernel,
    out_type=jax.ShapeDtypeStruct((NC * NS, N), jnp.float32),
    mesh=_mesh,
    scratch_types=[
        pltpu.VMEM((EPW + 16,), jnp.int32),
        pltpu.VMEM((N,), jnp.float32),
    ],
    compiler_params=pltpu.CompilerParams(needs_layout_passes=False),
)
def _deg(dst_hbm, zeros_hbm, out_hbm, dstv, priv):
    c = lax.axis_index("c")
    s = lax.axis_index("s")
    wid = s * NC + c
    pltpu.sync_copy(dst_hbm.at[pl.ds(wid * EPW, EPW)], dstv.at[pl.ds(0, EPW)])
    pltpu.sync_copy(zeros_hbm, priv)

    iota = lax.iota(jnp.int32, 16)
    ones = jnp.full((16,), 1.0, jnp.float32)

    def body(q, carry):
        dv = dstv[pl.ds(q * 16, 16)]
        msk = (iota + q * 16) < EPW
        plsc.addupdate_scatter(priv, [dv], ones, mask=msk)
        return carry

    lax.fori_loop(0, (EPW + 15) // 16, body, 0)
    pltpu.sync_copy(priv, out_hbm.at[wid])


@functools.partial(
    pl.kernel,
    out_type=jax.ShapeDtypeStruct((NC, NP, H), jnp.float32),
    mesh=_mesh,
    scratch_types=[
        pltpu.VMEM((HALF, CH), jnp.int32),
        pltpu.VMEM((HALF, CH), jnp.int32),
        pltpu.VMEM((CH, H), jnp.float32),
        pltpu.VMEM((CH, H), jnp.float32),
        pltpu.VMEM_SHARED((NP, H), jnp.float32),
        pltpu.SemaphoreType.DMA,
        pltpu.SemaphoreType.DMA,
    ],
    compiler_params=pltpu.CompilerParams(needs_layout_passes=False),
)
def _agg(gp_hbm, srcm_hbm, dstm_hbm, zeros_hbm, out_hbm,
         srcv, dstv, rows0, rows1, acc, sem0, sem1):
    c = lax.axis_index("c")
    s = lax.axis_index("s")

    gp = gp_hbm.at[c]

    def gather(r, buf, sem):
        pltpu.async_copy(gp.at[srcv.at[r]], buf, sem)

    def wait(r, buf, sem):
        pltpu.make_async_copy(gp.at[srcv.at[r]], buf, sem).wait()

    def scat(r, buf):
        pltpu.sync_copy(buf, acc.at[dstv.at[r]], add=True)

    for half in range(2):
        pltpu.sync_copy(srcm_hbm.at[s, half], srcv)
        pltpu.sync_copy(dstm_hbm.at[s, half], dstv)
        gather(0, rows0, sem0)
        if half == 0:
            pltpu.sync_copy(zeros_hbm, acc.at[pl.ds(s * ROWS_PT, ROWS_PT)])
            plsc.subcore_barrier()

        def body(g, carry):
            r = 2 * g
            gather(r + 1, rows1, sem1)
            wait(r, rows0, sem0)
            scat(r, rows0)
            gather(r + 2, rows0, sem0)
            wait(r + 1, rows1, sem1)
            scat(r + 1, rows1)
            return carry

        lax.fori_loop(0, HALF // 2 - 1, body, 0)
        gather(HALF - 1, rows1, sem1)
        wait(HALF - 2, rows0, sem0)
        scat(HALF - 2, rows0)
        wait(HALF - 1, rows1, sem1)
        scat(HALF - 1, rows1)
    plsc.subcore_barrier()
    pltpu.sync_copy(acc.at[pl.ds(s * ROWS_PT, ROWS_PT)],
                    out_hbm.at[c, pl.ds(s * ROWS_PT, ROWS_PT)])


def _ln(h, g, b):
    mu = jnp.mean(h, axis=-1, keepdims=True)
    var = jnp.mean((h - mu) ** 2, axis=-1, keepdims=True)
    return (h - mu) * lax.rsqrt(var + 1e-5) * g + b


_DNUM = (((1,), (0,)), ((), ()))


def _mm(a, w_ref):
    return lax.dot_general(a.astype(jnp.bfloat16), w_ref[...], _DNUM,
                           preferred_element_type=jnp.float32)


def _stage_a_body(x_ref, deg2_ref, ln1g_ref, ln1b_ref, win_ref, bin_ref,
                  ln2g_ref, ln2b_ref, wg_ref, h_out, gp_out):
    x = x_ref[...]
    deg = jnp.sum(deg2_ref[...], axis=1, keepdims=True) + 1.0
    dinv = lax.rsqrt(deg)
    h = _ln(x, ln1g_ref[...], ln1b_ref[...])
    h = _mm(h, win_ref) + bin_ref[...]
    h = 0.5 * h * (1.0 + lax.erf(h * (1.0 / math.sqrt(2.0))))
    g = _ln(h, ln2g_ref[...], ln2b_ref[...])
    g = _mm(g, wg_ref)
    gp = dinv * g
    h_out[...] = h
    gp_out[0] = gp[:, :H]
    gp_out[1] = gp[:, H:]


def _stage_a(x, deg2, ln1g, ln1b, win, b_in, ln2g, ln2b, wg):
    return pl.pallas_call(
        _stage_a_body,
        grid=(GRID,),
        in_specs=[
            pl.BlockSpec((BLK, D), lambda i: (i, 0)),
            pl.BlockSpec((BLK, NC * NS), lambda i: (i, 0)),
            pl.BlockSpec((1, D), lambda i: (0, 0)),
            pl.BlockSpec((1, D), lambda i: (0, 0)),
            pl.BlockSpec((D, D), lambda i: (0, 0)),
            pl.BlockSpec((1, D), lambda i: (0, 0)),
            pl.BlockSpec((1, D), lambda i: (0, 0)),
            pl.BlockSpec((1, D), lambda i: (0, 0)),
            pl.BlockSpec((D, D), lambda i: (0, 0)),
        ],
        out_specs=[
            pl.BlockSpec((BLK, D), lambda i: (i, 0)),
            pl.BlockSpec((NC, BLK, H), lambda i: (0, i, 0)),
        ],
        out_shape=[
            jax.ShapeDtypeStruct((N, D), jnp.float32),
            jax.ShapeDtypeStruct((NC, N, H), jnp.float32),
        ],
    )(x, deg2, ln1g, ln1b, win, b_in, ln2g, ln2b, wg)


def _stage_b_body(x_ref, h_ref, gp_ref, agg_ref, deg2_ref, bg_ref, wout_ref,
                  bout_ref, out_ref):
    deg = jnp.sum(deg2_ref[...], axis=1, keepdims=True) + 1.0
    dinv = lax.rsqrt(deg)
    aggf = jnp.concatenate(
        [agg_ref[0] + gp_ref[0], agg_ref[1] + gp_ref[1]], axis=1)
    gate = jnp.tanh(dinv * aggf + bg_ref[...])
    m = gate * h_ref[...]
    out_ref[...] = x_ref[...] + _mm(m, wout_ref) + bout_ref[...]


def _stage_b(x, h, gp, agg, deg2, bg, wout, bout):
    return pl.pallas_call(
        _stage_b_body,
        grid=(GRID,),
        in_specs=[
            pl.BlockSpec((BLK, D), lambda i: (i, 0)),
            pl.BlockSpec((BLK, D), lambda i: (i, 0)),
            pl.BlockSpec((NC, BLK, H), lambda i: (0, i, 0)),
            pl.BlockSpec((NC, BLK, H), lambda i: (0, i, 0)),
            pl.BlockSpec((BLK, NC * NS), lambda i: (i, 0)),
            pl.BlockSpec((1, D), lambda i: (0, 0)),
            pl.BlockSpec((D, D), lambda i: (0, 0)),
            pl.BlockSpec((1, D), lambda i: (0, 0)),
        ],
        out_specs=pl.BlockSpec((BLK, D), lambda i: (i, 0)),
        out_shape=jax.ShapeDtypeStruct((N, D), jnp.float32),
    )(x, h, gp, agg, deg2, bg, wout, bout)


def _stage_ba_body(x_ref, h_ref, gp_ref, agg_ref, deg2_ref, bg_ref, wout_ref,
                   bout_ref, ln1g_ref, ln1b_ref, win_ref, bin_ref, ln2g_ref,
                   ln2b_ref, wg_ref, x_out, h_out, gp_out):
    deg = jnp.sum(deg2_ref[...], axis=1, keepdims=True) + 1.0
    dinv = lax.rsqrt(deg)
    aggf = jnp.concatenate(
        [agg_ref[0] + gp_ref[0], agg_ref[1] + gp_ref[1]], axis=1)
    gate = jnp.tanh(dinv * aggf + bg_ref[...])
    m = gate * h_ref[...]
    xn = x_ref[...] + _mm(m, wout_ref) + bout_ref[...]
    x_out[...] = xn
    h = _ln(xn, ln1g_ref[...], ln1b_ref[...])
    h = _mm(h, win_ref) + bin_ref[...]
    h = 0.5 * h * (1.0 + lax.erf(h * (1.0 / math.sqrt(2.0))))
    g = _ln(h, ln2g_ref[...], ln2b_ref[...])
    g = _mm(g, wg_ref)
    gp = dinv * g
    h_out[...] = h
    gp_out[0] = gp[:, :H]
    gp_out[1] = gp[:, H:]


def _stage_ba(x, h, gp, agg, deg2, bg, wout, bout,
              ln1g, ln1b, win, b_in, ln2g, ln2b, wg):
    full = lambda i: (0, 0)
    return pl.pallas_call(
        _stage_ba_body,
        grid=(GRID,),
        in_specs=[
            pl.BlockSpec((BLK, D), lambda i: (i, 0)),
            pl.BlockSpec((BLK, D), lambda i: (i, 0)),
            pl.BlockSpec((NC, BLK, H), lambda i: (0, i, 0)),
            pl.BlockSpec((NC, BLK, H), lambda i: (0, i, 0)),
            pl.BlockSpec((BLK, NC * NS), lambda i: (i, 0)),
            pl.BlockSpec((1, D), full),
            pl.BlockSpec((D, D), full),
            pl.BlockSpec((1, D), full),
            pl.BlockSpec((1, D), full),
            pl.BlockSpec((1, D), full),
            pl.BlockSpec((D, D), full),
            pl.BlockSpec((1, D), full),
            pl.BlockSpec((1, D), full),
            pl.BlockSpec((1, D), full),
            pl.BlockSpec((D, D), full),
        ],
        out_specs=[
            pl.BlockSpec((BLK, D), lambda i: (i, 0)),
            pl.BlockSpec((BLK, D), lambda i: (i, 0)),
            pl.BlockSpec((NC, BLK, H), lambda i: (0, i, 0)),
        ],
        out_shape=[
            jax.ShapeDtypeStruct((N, D), jnp.float32),
            jax.ShapeDtypeStruct((N, D), jnp.float32),
            jax.ShapeDtypeStruct((NC, N, H), jnp.float32),
        ],
    )(x, h, gp, agg, deg2, bg, wout, bout, ln1g, ln1b, win, b_in, ln2g,
      ln2b, wg)


@jax.jit
def kernel(x, edge_index, ln1_g, ln1_b, Win, b_in, ln2_g, ln2_b, Wg, bg,
           Wout, bout):
    src = edge_index[0].astype(jnp.int32)
    dst = edge_index[1].astype(jnp.int32)
    npad = EPSP - EPS
    k = jnp.arange(npad, dtype=jnp.int32)
    padsrc = jnp.broadcast_to((k * 37) % N, (NS, npad))
    srcm = jnp.concatenate([src.reshape(NS, EPS), padsrc], axis=1)
    srcm = srcm.reshape(NS, 2, HALF, CH)
    padrows = (N + 15 * jnp.arange(NS, dtype=jnp.int32)[:, None]
               + (k[None, :] % 15))
    dstm = jnp.concatenate([dst.reshape(NS, EPS), padrows], axis=1)
    dstm = dstm.reshape(NS, 2, HALF, CH)
    zeros_deg = jnp.zeros((N,), jnp.float32)
    zeros_agg = jnp.zeros((ROWS_PT, H), jnp.float32)

    WinT = jnp.swapaxes(Win, 1, 2).astype(jnp.bfloat16)
    WgT = jnp.swapaxes(Wg, 1, 2).astype(jnp.bfloat16)
    WoutT = jnp.swapaxes(Wout, 1, 2).astype(jnp.bfloat16)

    deg2 = _deg(dst, zeros_deg).T

    h, gp = _stage_a(x, deg2, ln1_g[0:1], ln1_b[0:1], WinT[0], b_in[0:1],
                     ln2_g[0:1], ln2_b[0:1], WgT[0])
    for i in range(3):
        agg = _agg(gp, srcm, dstm, zeros_agg)
        if i < 2:
            x, h, gp = _stage_ba(x, h, gp, agg, deg2, bg[i:i + 1], WoutT[i],
                                 bout[i:i + 1], ln1_g[i + 1:i + 2],
                                 ln1_b[i + 1:i + 2], WinT[i + 1],
                                 b_in[i + 1:i + 2], ln2_g[i + 1:i + 2],
                                 ln2_b[i + 1:i + 2], WgT[i + 1])
        else:
            x = _stage_b(x, h, gp, agg, deg2, bg[i:i + 1], WoutT[i],
                         bout[i:i + 1])
    return x

# --- scband reference (transcript-rebuilt; emitter-appended) ---
"""Pipeline reference for scband-g2-mlp-11699490914446 (READ-ONLY COPY).

The authoritative reference and input builder live on the scoring server;
editing this copy changes nothing except your own understanding.
"""

import jax, jax.numpy as jnp
import numpy as np

N = 10000
E = 160000
D = 256
L = 3

def setup_inputs(seed: int = 0) -> dict:
    key = jax.random.key(seed)
    ks = jax.random.split(key, 12)
    x = jax.random.normal(ks[0], (N, D), jnp.float32)
    edge_index = jax.random.randint(ks[1], (2, E), 0, N)
    init_eps = 0.001 / D
    inp = {
        'x': x,
        'edge_index': edge_index,
        'ln1_g': jnp.ones((L, D), jnp.float32),
        'ln1_b': jnp.zeros((L, D), jnp.float32),
        'Win': jax.random.normal(ks[2], (L, D, D), jnp.float32) * 0.05,
        'b_in': jax.random.normal(ks[3], (L, D), jnp.float32) * 0.02,
        'ln2_g': jnp.ones((L, D), jnp.float32),
        'ln2_b': jnp.zeros((L, D), jnp.float32),
        'Wg': jax.random.uniform(ks[4], (L, D, D), jnp.float32, -init_eps, init_eps),
        'bg': jnp.ones((L, D), jnp.float32),
        'Wout': jax.random.normal(ks[5], (L, D, D), jnp.float32) * 0.05,
        'bout': jax.random.normal(ks[6], (L, D), jnp.float32) * 0.02,
    }
    return inp

def _layernorm(h, g, b):
    mu = jnp.mean(h, axis=-1, keepdims=True)
    var = jnp.mean((h - mu) ** 2, axis=-1, keepdims=True)
    return (h - mu) / jnp.sqrt(var + 1e-5) * g + b

def reference(x, edge_index, ln1_g, ln1_b, Win, b_in, ln2_g, ln2_b, Wg, bg, Wout, bout):
    # GCN normalization with self-loops (PyG gcn_norm, add_self_loops=True)
    loop = jnp.arange(N, dtype=edge_index.dtype)
    src = jnp.concatenate([edge_index[0], loop])
    dst = jnp.concatenate([edge_index[1], loop])
    deg = jnp.zeros((N,), x.dtype).at[dst].add(1.0)
    dinv = jax.lax.rsqrt(deg)  # deg >= 1 due to self-loops
    coef = dinv[src] * dinv[dst]
    for i in range(L):
        h = _layernorm(x, ln1_g[i], ln1_b[i])
        h = h @ Win[i].T + b_in[i]
        h = jax.nn.gelu(h, approximate=False)
        gate = _layernorm(h, ln2_g[i], ln2_b[i])
        gate = gate @ Wg[i].T
        agg = jnp.zeros((N, D), h.dtype).at[dst].add(coef[:, None] * gate[src])
        gate = jnp.tanh(agg + bg[i])
        h = gate * h
        h = h @ Wout[i].T + bout[i]
        x = x + h
    return x

if __name__ == "__main__":
    import jax
    _d = setup_inputs()
    print(jax.jit(kernel)(*tuple(_d.values())))

</pallas_src>

<mosaic_0001>
#map = affine_map<(d0, d1) -> (0)>
#map1 = affine_map<(d0, d1) -> (0, 0)>
module attributes {stable_mosaic.version = 14 : i64} {
  func.func @_deg(%arg0: i32, %arg1: i32, %arg2: memref<160000xi32, #tpu.memory_space<hbm>>, %arg3: memref<10000xf32, #tpu.memory_space<hbm>>, %arg4: memref<32x10000xf32, #tpu.memory_space<hbm>>, %arg5: memref<5016xi32, #tpu.memory_space<vmem>>, %arg6: memref<10000xf32, #tpu.memory_space<vmem>>) attributes {dimension_semantics = [#tpu.dimension_semantics<core_parallel>, #tpu.dimension_semantics<subcore_parallel>], iteration_bounds = array<i64: 2, 16>, scalar_prefetch = 0 : i64, scratch_operands = 2 : i64, tpu.core_type = #tpu.core_type<sc_vector_subcore>, window_params = [{transform_indices = #map}, {transform_indices = #map}, {transform_indices = #map1}]} {
    %mul3A = arith.constant 2 : i32
    %mul3A_0 = arith.muli %arg1, %mul3A : i32
    %add3A = arith.addi %mul3A_0, %arg0 : i32
    %mul3A_1 = arith.constant 5000 : i32
    %mul3A_2 = arith.muli %add3A, %mul3A_1 : i32
    "tpu.region"() ({
      %run_scoped3A = tpu.sem_alloc : memref<!tpu.dma_semaphore, #tpu.memory_space<semaphore_mem>>
      %dma_start3A = arith.constant 0 : i32
      %dma_start3A_9 = tpu.memref_slice %arg5[%dma_start3A] : memref<5016xi32, #tpu.memory_space<vmem>> -> memref<5000xi32, #tpu.memory_space<vmem>>
      %dma_start3A_10 = tpu.memref_slice %arg2[%mul3A_2] : memref<160000xi32, #tpu.memory_space<hbm>> -> memref<5000xi32, #tpu.memory_space<hbm>>
      %dma_start3A_11 = arith.constant 0 : i32
      %dma_start3A_12 = tpu.memref_slice %arg5[%dma_start3A_11] : memref<5016xi32, #tpu.memory_space<vmem>> -> memref<5000xi32, #tpu.memory_space<vmem>>
      %dma_start3A_13 = tpu.memref_slice %arg2[%mul3A_2] : memref<160000xi32, #tpu.memory_space<hbm>> -> memref<5000xi32, #tpu.memory_space<hbm>>
      tpu.enqueue_dma source(%dma_start3A_13 : memref<5000xi32, #tpu.memory_space<hbm>>) target(%dma_start3A_12 : memref<5000xi32, #tpu.memory_space<vmem>>) target_semaphore(%run_scoped3A : memref<!tpu.dma_semaphore, #tpu.memory_space<semaphore_mem>>)
      %dma_wait3A = arith.constant 0 : i32
      %dma_wait3A_14 = tpu.memref_slice %arg5[%dma_wait3A] : memref<5016xi32, #tpu.memory_space<vmem>> -> memref<5000xi32, #tpu.memory_space<vmem>>
      %dma_wait3A_15 = tpu.memref_slice %arg2[%mul3A_2] : memref<160000xi32, #tpu.memory_space<hbm>> -> memref<5000xi32, #tpu.memory_space<hbm>>
      %dma_wait3A_16 = arith.constant 0 : i32
      %dma_wait3A_17 = tpu.memref_slice %arg5[%dma_wait3A_16] : memref<5016xi32, #tpu.memory_space<vmem>> -> memref<5000xi32, #tpu.memory_space<vmem>>
      %dma_wait3A_18 = tpu.memref_slice %arg2[%mul3A_2] : memref<160000xi32, #tpu.memory_space<hbm>> -> memref<5000xi32, #tpu.memory_space<hbm>>
      tpu.wait_dma2 semaphore(%run_scoped3A : memref<!tpu.dma_semaphore, #tpu.memory_space<semaphore_mem>>) src(%dma_wait3A_18 : memref<5000xi32, #tpu.memory_space<hbm>>) dst(%dma_wait3A_17 : memref<5000xi32, #tpu.memory_space<vmem>>)
      tpu.yield
    }) : () -> ()
    "tpu.region"() ({
      %run_scoped3A = tpu.sem_alloc : memref<!tpu.dma_semaphore, #tpu.memory_space<semaphore_mem>>
      tpu.enqueue_dma source(%arg3 : memref<10000xf32, #tpu.memory_space<hbm>>) target(%arg6 : memref<10000xf32, #tpu.memory_space<vmem>>) target_semaphore(%run_scoped3A : memref<!tpu.dma_semaphore, #tpu.memory_space<semaphore_mem>>)
      tpu.wait_dma2 semaphore(%run_scoped3A : memref<!tpu.dma_semaphore, #tpu.memory_space<semaphore_mem>>) src(%arg3 : memref<10000xf32, #tpu.memory_space<hbm>>) dst(%arg6 : memref<10000xf32, #tpu.memory_space<vmem>>)
      tpu.yield
    }) : () -> ()
    %iota3A = tpu.iota {dimensions = array<i32: 0>} : vector<16xi32>
    %broadcast_in_dim3A = arith.constant 1.000000e+00 : f32
    %broadcast_in_dim3A_3 = vector.broadcast %broadcast_in_dim3A : f32 to vector<16xf32>
    %scan3A = arith.constant 0 : i32
    %scan3A_4 = arith.constant 0 : i32
    %scan3A_5 = arith.constant 313 : i32
    %scan3A_6 = arith.addi %scan3A_4, %scan3A_5 : i32
    %scan3A_7 = arith.constant 1 : i32
    scf.for %scan3A_9 = %scan3A_4 to %scan3A_6 step %scan3A_7  : i32 {
      %mul3A_10 = arith.constant 16 : i32
      %mul3A_11 = arith.muli %scan3A_9, %mul3A_10 : i32
      %get3A = arith.index_cast %mul3A_11 : i32 to index
      %get3A_12 = tpu.vector_load %arg5[%get3A] {strides = array<i32>} : memref<5016xi32, #tpu.memory_space<vmem>>, vector<16xi32>,
      %mul3A_13 = arith.constant 16 : i32
      %mul3A_14 = arith.muli %scan3A_9, %mul3A_13 : i32
      %add3A_15 = vector.broadcast %mul3A_14 : i32 to vector<16xi32>
      %add3A_16 = arith.addi %iota3A, %add3A_15 : vector<16xi32>
      %lt3A = arith.constant 5000 : i32
      %lt3A_17 = vector.broadcast %lt3A : i32 to vector<16xi32>
      %lt3A_18 = arith.cmpi slt, %add3A_16, %lt3A_17 : vector<16xi32>
      tpu.vector_store_idx %arg6[%get3A_12], %broadcast_in_dim3A_3 masked %lt3A_18 {add = true} : memref<10000xf32, #tpu.memory_space<vmem>>[vector<16xi32>], vector<16xf32>, vector<16xi1>
    }
    %scan3A_8 = arith.constant 313 : i32
    "tpu.region"() ({
      %run_scoped3A = tpu.sem_alloc : memref<!tpu.dma_semaphore, #tpu.memory_space<semaphore_mem>>
      %dma_start3A = arith.constant 0 : i32
      %dma_start3A_9 = tpu.memref_slice %arg4[%add3A, %dma_start3A] : memref<32x10000xf32, #tpu.memory_space<hbm>> -> memref<1x10000xf32, #tpu.memory_space<hbm>>
      %dma_start3A_10 = tpu.memref_squeeze %dma_start3A_9 : memref<1x10000xf32, #tpu.memory_space<hbm>> -> memref<10000xf32, #tpu.memory_space<hbm>>
      %dma_start3A_11 = arith.constant 0 : i32
      %dma_start3A_12 = tpu.memref_slice %arg4[%add3A, %dma_start3A_11] : memref<32x10000xf32, #tpu.memory_space<hbm>> -> memref<1x10000xf32, #tpu.memory_space<hbm>>
      %dma_start3A_13 = tpu.memref_squeeze %dma_start3A_12 : memref<1x10000xf32, #tpu.memory_space<hbm>> -> memref<10000xf32, #tpu.memory_space<hbm>>
      tpu.enqueue_dma source(%arg6 : memref<10000xf32, #tpu.memory_space<vmem>>) target(%dma_start3A_13 : memref<10000xf32, #tpu.memory_space<hbm>>) target_semaphore(%run_scoped3A : memref<!tpu.dma_semaphore, #tpu.memory_space<semaphore_mem>>)
      %dma_wait3A = arith.constant 0 : i32
      %dma_wait3A_14 = tpu.memref_slice %arg4[%add3A, %dma_wait3A] : memref<32x10000xf32, #tpu.memory_space<hbm>> -> memref<1x10000xf32, #tpu.memory_space<hbm>>
      %dma_wait3A_15 = tpu.memref_squeeze %dma_wait3A_14 : memref<1x10000xf32, #tpu.memory_space<hbm>> -> memref<10000xf32, #tpu.memory_space<hbm>>
      %dma_wait3A_16 = arith.constant 0 : i32
      %dma_wait3A_17 = tpu.memref_slice %arg4[%add3A, %dma_wait3A_16] : memref<32x10000xf32, #tpu.memory_space<hbm>> -> memref<1x10000xf32, #tpu.memory_space<hbm>>
      %dma_wait3A_18 = tpu.memref_squeeze %dma_wait3A_17 : memref<1x10000xf32, #tpu.memory_space<hbm>> -> memref<10000xf32, #tpu.memory_space<hbm>>
      tpu.wait_dma2 semaphore(%run_scoped3A : memref<!tpu.dma_semaphore, #tpu.memory_space<semaphore_mem>>) src(%arg6 : memref<10000xf32, #tpu.memory_space<vmem>>) dst(%dma_wait3A_18 : memref<10000xf32, #tpu.memory_space<hbm>>)
      tpu.yield
    }) : () -> ()
    return
  }
}

#map = affine_map<(d0, d1) -> (0, 0, 0)>
#map1 = affine_map<(d0, d1) -> (0, 0, 0, 0)>
#map2 = affine_map<(d0, d1) -> (0, 0)>
module attributes {stable_mosaic.version = 14 : i64} {
  func.func @_agg(%arg0: i32, %arg1: i32, %arg2: memref<2x10000x128xf32, #tpu.memory_space<hbm>>, %arg3: memref<16x2x40x126xi32, #tpu.memory_space<hbm>>, %arg4: memref<16x2x40x126xi32, #tpu.memory_space<hbm>>, %arg5: memref<640x128xf32, #tpu.memory_space<hbm>>, %arg6: memref<2x10240x128xf32, #tpu.memory_space<hbm>>, %arg7: memref<40x126xi32, #tpu.memory_space<vmem>>, %arg8: memref<40x126xi32, #tpu.memory_space<vmem>>, %arg9: memref<126x128xf32, #tpu.memory_space<vmem>>, %arg10: memref<126x128xf32, #tpu.memory_space<vmem>>, %arg11: memref<10240x128xf32, #tpu.memory_space<vmem_shared>>, %arg12: memref<!tpu.dma_semaphore, #tpu.memory_space<semaphore_mem>>, %arg13: memref<!tpu.dma_semaphore, #tpu.memory_space<semaphore_mem>>) attributes {dimension_semantics = [#tpu.dimension_semantics<core_parallel>, #tpu.dimension_semantics<subcore_parallel>], iteration_bounds = array<i64: 2, 16>, scalar_prefetch = 0 : i64, scratch_operands = 7 : i64, tpu.core_type = #tpu.core_type<sc_vector_subcore>, window_params = [{transform_indices = #map}, {transform_indices = #map1}, {transform_indices = #map1}, {transform_indices = #map2}, {transform_indices = #map}]} {
    %run_scoped3A = arith.constant 0 : i32
    "tpu.region"() ({
      %run_scoped3A_110 = tpu.sem_alloc : memref<!tpu.dma_semaphore, #tpu.memory_space<semaphore_mem>>
      %dma_start3A_111 = arith.constant 0 : i32
      %dma_start3A_112 = arith.constant 0 : i32
      %dma_start3A_113 = tpu.memref_slice %arg3[%arg1, %run_scoped3A, %dma_start3A_111, %dma_start3A_112] : memref<16x2x40x126xi32, #tpu.memory_space<hbm>> -> memref<1x1x40x126xi32, #tpu.memory_space<hbm>>
      %dma_start3A_114 = tpu.memref_squeeze %dma_start3A_113 : memref<1x1x40x126xi32, #tpu.memory_space<hbm>> -> memref<40x126xi32, #tpu.memory_space<hbm>>
      %dma_start3A_115 = arith.constant 0 : i32
      %dma_start3A_116 = arith.constant 0 : i32
      %dma_start3A_117 = tpu.memref_slice %arg3[%arg1, %run_scoped3A, %dma_start3A_115, %dma_start3A_116] : memref<16x2x40x126xi32, #tpu.memory_space<hbm>> -> memref<1x1x40x126xi32, #tpu.memory_space<hbm>>
      %dma_start3A_118 = tpu.memref_squeeze %dma_start3A_117 : memref<1x1x40x126xi32, #tpu.memory_space<hbm>> -> memref<40x126xi32, #tpu.memory_space<hbm>>
      tpu.enqueue_dma source(%dma_start3A_118 : memref<40x126xi32, #tpu.memory_space<hbm>>) target(%arg7 : memref<40x126xi32, #tpu.memory_space<vmem>>) target_semaphore(%run_scoped3A_110 : memref<!tpu.dma_semaphore, #tpu.memory_space<semaphore_mem>>)
      %dma_wait3A_119 = arith.constant 0 : i32
      %dma_wait3A_120 = arith.constant 0 : i32
      %dma_wait3A_121 = tpu.memref_slice %arg3[%arg1, %run_scoped3A, %dma_wait3A_119, %dma_wait3A_120] : memref<16x2x40x126xi32, #tpu.memory_space<hbm>> -> memref<1x1x40x126xi32, #tpu.memory_space<hbm>>
      %dma_wait3A_122 = tpu.memref_squeeze %dma_wait3A_121 : memref<1x1x40x126xi32, #tpu.memory_space<hbm>> -> memref<40x126xi32, #tpu.memory_space<hbm>>
      %dma_wait3A_123 = arith.constant 0 : i32
      %dma_wait3A_124 = arith.constant 0 : i32
      %dma_wait3A_125 = tpu.memref_slice %arg3[%arg1, %run_scoped3A, %dma_wait3A_123, %dma_wait3A_124] : memref<16x2x40x126xi32, #tpu.memory_space<hbm>> -> memref<1x1x40x126xi32, #tpu.memory_space<hbm>>
      %dma_wait3A_126 = tpu.memref_squeeze %dma_wait3A_125 : memref<1x1x40x126xi32, #tpu.memory_space<hbm>> -> memref<40x126xi32, #tpu.memory_space<hbm>>
      tpu.wait_dma2 semaphore(%run_scoped3A_110 : memref<!tpu.dma_semaphore, #tpu.memory_space<semaphore_mem>>) src(%dma_wait3A_126 : memref<40x126xi32, #tpu.memory_space<hbm>>) dst(%arg7 : memref<40x126xi32, #tpu.memory_space<vmem>>)
      tpu.yield
    }) : () -> ()
    %run_scoped3A_0 = arith.constant 0 : i32
    "tpu.region"() ({
      %run_scoped3A_110 = tpu.sem_alloc : memref<!tpu.dma_semaphore, #tpu.memory_space<semaphore_mem>>
      %dma_start3A_111 = arith.constant 0 : i32
      %dma_start3A_112 = arith.constant 0 : i32
      %dma_start3A_113 = tpu.memref_slice %arg4[%arg1, %run_scoped3A_0, %dma_start3A_111, %dma_start3A_112] : memref<16x2x40x126xi32, #tpu.memory_space<hbm>> -> memref<1x1x40x126xi32, #tpu.memory_space<hbm>>
      %dma_start3A_114 = tpu.memref_squeeze %dma_start3A_113 : memref<1x1x40x126xi32, #tpu.memory_space<hbm>> -> memref<40x126xi32, #tpu.memory_space<hbm>>
      %dma_start3A_115 = arith.constant 0 : i32
      %dma_start3A_116 = arith.constant 0 : i32
      %dma_start3A_117 = tpu.memref_slice %arg4[%arg1, %run_scoped3A_0, %dma_start3A_115, %dma_start3A_116] : memref<16x2x40x126xi32, #tpu.memory_space<hbm>> -> memref<1x1x40x126xi32, #tpu.memory_space<hbm>>
      %dma_start3A_118 = tpu.memref_squeeze %dma_start3A_117 : memref<1x1x40x126xi32, #tpu.memory_space<hbm>> -> memref<40x126xi32, #tpu.memory_space<hbm>>
      tpu.enqueue_dma source(%dma_start3A_118 : memref<40x126xi32, #tpu.memory_space<hbm>>) target(%arg8 : memref<40x126xi32, #tpu.memory_space<vmem>>) target_semaphore(%run_scoped3A_110 : memref<!tpu.dma_semaphore, #tpu.memory_space<semaphore_mem>>)
      %dma_wait3A_119 = arith.constant 0 : i32
      %dma_wait3A_120 = arith.constant 0 : i32
      %dma_wait3A_121 = tpu.memref_slice %arg4[%arg1, %run_scoped3A_0, %dma_wait3A_119, %dma_wait3A_120] : memref<16x2x40x126xi32, #tpu.memory_space<hbm>> -> memref<1x1x40x126xi32, #tpu.memory_space<hbm>>
      %dma_wait3A_122 = tpu.memref_squeeze %dma_wait3A_121 : memref<1x1x40x126xi32, #tpu.memory_space<hbm>> -> memref<40x126xi32, #tpu.memory_space<hbm>>
      %dma_wait3A_123 = arith.constant 0 : i32
      %dma_wait3A_124 = arith.constant 0 : i32
      %dma_wait3A_125 = tpu.memref_slice %arg4[%arg1, %run_scoped3A_0, %dma_wait3A_123, %dma_wait3A_124] : memref<16x2x40x126xi32, #tpu.memory_space<hbm>> -> memref<1x1x40x126xi32, #tpu.memory_space<hbm>>
      %dma_wait3A_126 = tpu.memref_squeeze %dma_wait3A_125 : memref<1x1x40x126xi32, #tpu.memory_space<hbm>> -> memref<40x126xi32, #tpu.memory_space<hbm>>
      tpu.wait_dma2 semaphore(%run_scoped3A_110 : memref<!tpu.dma_semaphore, #tpu.memory_space<semaphore_mem>>) src(%dma_wait3A_126 : memref<40x126xi32, #tpu.memory_space<hbm>>) dst(%arg8 : memref<40x126xi32, #tpu.memory_space<vmem>>)
      tpu.yield
    }) : () -> ()
    %dma_start3A = arith.constant 0 : i32
    %dma_start3A_1 = arith.constant 0 : i32
    %dma_start3A_2 = tpu.memref_slice %arg7[%dma_start3A, %dma_start3A_1] : memref<40x126xi32, #tpu.memory_space<vmem>> -> memref<1x126xi32, #tpu.memory_space<vmem>>
    %dma_start3A_3 = tpu.memref_squeeze %dma_start3A_2 : memref<1x126xi32, #tpu.memory_space<vmem>> -> memref<126xi32, #tpu.memory_space<vmem>>
    %dma_start3A_4 = arith.constant 0 : i32
    %dma_start3A_5 = arith.constant 0 : i32
    %dma_start3A_6 = tpu.memref_slice %arg2[%arg0, %dma_start3A_4, %dma_start3A_5] : memref<2x10000x128xf32, #tpu.memory_space<hbm>> -> memref<1x10000x128xf32, #tpu.memory_space<hbm>>
    %dma_start3A_7 = tpu.memref_squeeze %dma_start3A_6 : memref<1x10000x128xf32, #tpu.memory_space<hbm>> -> memref<10000x128xf32, #tpu.memory_space<hbm>>
    %dma_start3A_8 = arith.constant 0 : i32
    %dma_start3A_9 = arith.constant 0 : i32
    %dma_start3A_10 = tpu.memref_slice %dma_start3A_7[%dma_start3A_8, %dma_start3A_9] : memref<10000x128xf32, #tpu.memory_space<hbm>> -> memref<10000x128xf32, #tpu.memory_space<hbm>>
    tpu.enqueue_indirect_dma source(%dma_start3A_10 : memref<10000x128xf32, #tpu.memory_space<hbm>>) target(%arg9 : memref<126x128xf32, #tpu.memory_space<vmem>>) offsets(%dma_start3A_3 : memref<126xi32, #tpu.memory_space<vmem>>) semaphore(%arg12 : memref<!tpu.dma_semaphore, #tpu.memory_space<semaphore_mem>>)
    %mul3A = arith.constant 640 : i32
    %mul3A_11 = arith.muli %arg1, %mul3A : i32
    "tpu.region"() ({
      %run_scoped3A_110 = tpu.sem_alloc : memref<!tpu.dma_semaphore, #tpu.memory_space<semaphore_mem>>
      %dma_start3A_111 = arith.constant 0 : i32
      %dma_start3A_112 = tpu.memref_slice %arg11[%mul3A_11, %dma_start3A_111] : memref<10240x128xf32, #tpu.memory_space<vmem_shared>> -> memref<640x128xf32, #tpu.memory_space<vmem_shared>>
      tpu.enqueue_dma source(%arg5 : memref<640x128xf32, #tpu.memory_space<hbm>>) target(%dma_start3A_112 : memref<640x128xf32, #tpu.memory_space<vmem_shared>>) target_semaphore(%run_scoped3A_110 : memref<!tpu.dma_semaphore, #tpu.memory_space<semaphore_mem>>)
      %dma_wait3A_113 = arith.constant 0 : i32
      %dma_wait3A_114 = tpu.memref_slice %arg11[%mul3A_11, %dma_wait3A_113] : memref<10240x128xf32, #tpu.memory_space<vmem_shared>> -> memref<640x128xf32, #tpu.memory_space<vmem_shared>>
      tpu.wait_dma2 semaphore(%run_scoped3A_110 : memref<!tpu.dma_semaphore, #tpu.memory_space<semaphore_mem>>) src(%arg5 : memref<640x128xf32, #tpu.memory_space<hbm>>) dst(%dma_wait3A_114 : memref<640x128xf32, #tpu.memory_space<vmem_shared>>)
      tpu.yield
    }) : () -> ()
    %barrier3A = arith.constant 0 : index
    tpu.barrier barrier_id(%barrier3A)
    %scan3A = arith.constant 0 : i32
    %scan3A_12 = arith.constant 0 : i32
    %scan3A_13 = arith.constant 19 : i32
    %scan3A_14 = arith.addi %scan3A_12, %scan3A_13 : i32
    %scan3A_15 = arith.constant 1 : i32
    scf.for %scan3A_110 = %scan3A_12 to %scan3A_14 step %scan3A_15  : i32 {
      %mul3A_111 = arith.constant 2 : i32
      %mul3A_112 = arith.muli %mul3A_111, %scan3A_110 : i32
      %add3A = arith.constant 1 : i32
      %add3A_113 = arith.addi %mul3A_112, %add3A : i32
      %dma_start3A_114 = arith.constant 0 : i32
      %dma_start3A_115 = tpu.memref_slice %arg7[%add3A_113, %dma_start3A_114] : memref<40x126xi32, #tpu.memory_space<vmem>> -> memref<1x126xi32, #tpu.memory_space<vmem>>
      %dma_start3A_116 = tpu.memref_squeeze %dma_start3A_115 : memref<1x126xi32, #tpu.memory_space<vmem>> -> memref<126xi32, #tpu.memory_space<vmem>>
      %dma_start3A_117 = arith.constant 0 : i32
      %dma_start3A_118 = arith.constant 0 : i32
      %dma_start3A_119 = tpu.memref_slice %arg2[%arg0, %dma_start3A_117, %dma_start3A_118] : memref<2x10000x128xf32, #tpu.memory_space<hbm>> -> memref<1x10000x128xf32, #tpu.memory_space<hbm>>
      %dma_start3A_120 = tpu.memref_squeeze %dma_start3A_119 : memref<1x10000x128xf32, #tpu.memory_space<hbm>> -> memref<10000x128xf32, #tpu.memory_space<hbm>>
      %dma_start3A_121 = arith.constant 0 : i32
      %dma_start3A_122 = arith.constant 0 : i32
      %dma_start3A_123 = tpu.memref_slice %dma_start3A_120[%dma_start3A_121, %dma_start3A_122] : memref<10000x128xf32, #tpu.memory_space<hbm>> -> memref<10000x128xf32, #tpu.memory_space<hbm>>
      tpu.enqueue_indirect_dma source(%dma_start3A_123 : memref<10000x128xf32, #tpu.memory_space<hbm>>) target(%arg10 : memref<126x128xf32, #tpu.memory_space<vmem>>) offsets(%dma_start3A_116 : memref<126xi32, #tpu.memory_space<vmem>>) semaphore(%arg13 : memref<!tpu.dma_semaphore, #tpu.memory_space<semaphore_mem>>)
      %dma_wait3A_124 = arith.constant 0 : i32
      %dma_wait3A_125 = tpu.memref_slice %arg7[%mul3A_112, %dma_wait3A_124] : memref<40x126xi32, #tpu.memory_space<vmem>> -> memref<1x126xi32, #tpu.memory_space<vmem>>
      %dma_wait3A_126 = tpu.memref_squeeze %dma_wait3A_125 : memref<1x126xi32, #tpu.memory_space<vmem>> -> memref<126xi32, #tpu.memory_space<vmem>>
      %dma_wait3A_127 = arith.constant 0 : i32
      %dma_wait3A_128 = arith.constant 0 : i32
      %dma_wait3A_129 = tpu.memref_slice %arg2[%arg0, %dma_wait3A_127, %dma_wait3A_128] : memref<2x10000x128xf32, #tpu.memory_space<hbm>> -> memref<1x10000x128xf32, #tpu.memory_space<hbm>>
      %dma_wait3A_130 = tpu.memref_squeeze %dma_wait3A_129 : memref<1x10000x128xf32, #tpu.memory_space<hbm>> -> memref<10000x128xf32, #tpu.memory_space<hbm>>
      %dma_wait3A_131 = arith.constant 0 : i32
      %dma_wait3A_132 = arith.constant 0 : i32
      %dma_wait3A_133 = tpu.memref_slice %dma_wait3A_130[%dma_wait3A_131, %dma_wait3A_132] : memref<10000x128xf32, #tpu.memory_space<hbm>> -> memref<10000x128xf32, #tpu.memory_space<hbm>>
      tpu.wait_indirect_dma semaphore(%arg12 : memref<!tpu.dma_semaphore, #tpu.memory_space<semaphore_mem>>) src(%dma_wait3A_133 : memref<10000x128xf32, #tpu.memory_space<hbm>>) dst(%arg9 : memref<126x128xf32, #tpu.memory_space<vmem>>)
      "tpu.region"() ({
        %run_scoped3A_160 = tpu.sem_alloc : memref<!tpu.dma_semaphore, #tpu.memory_space<semaphore_mem>>
        %dma_start3A_161 = arith.constant 0 : i32
        %dma_start3A_162 = tpu.memref_slice %arg8[%mul3A_112, %dma_start3A_161] : memref<40x126xi32, #tpu.memory_space<vmem>> -> memref<1x126xi32, #tpu.memory_space<vmem>>
        %dma_start3A_163 = tpu.memref_squeeze %dma_start3A_162 : memref<1x126xi32, #tpu.memory_space<vmem>> -> memref<126xi32, #tpu.memory_space<vmem>>
        %dma_start3A_164 = arith.constant 0 : i32
        %dma_start3A_165 = arith.constant 0 : i32
        %dma_start3A_166 = tpu.memref_slice %arg11[%dma_start3A_164, %dma_start3A_165] : memref<10240x128xf32, #tpu.memory_space<vmem_shared>> -> memref<10240x128xf32, #tpu.memory_space<vmem_shared>>
        tpu.enqueue_indirect_dma source(%arg9 : memref<126x128xf32, #tpu.memory_space<vmem>>) target(%dma_start3A_166 : memref<10240x128xf32, #tpu.memory_space<vmem_shared>>) offsets(%dma_start3A_163 : memref<126xi32, #tpu.memory_space<vmem>>) semaphore(%run_scoped3A_160 : memref<!tpu.dma_semaphore, #tpu.memory_space<semaphore_mem>>) {add = true}
        %dma_wait3A_167 = arith.constant 0 : i32
        %dma_wait3A_168 = tpu.memref_slice %arg8[%mul3A_112, %dma_wait3A_167] : memref<40x126xi32, #tpu.memory_space<vmem>> -> memref<1x126xi32, #tpu.memory_space<vmem>>
        %dma_wait3A_169 = tpu.memref_squeeze %dma_wait3A_168 : memref<1x126xi32, #tpu.memory_space<vmem>> -> memref<126xi32, #tpu.memory_space<vmem>>
        %dma_wait3A_170 = arith.constant 0 : i32
        %dma_wait3A_171 = arith.constant 0 : i32
        %dma_wait3A_172 = tpu.memref_slice %arg11[%dma_wait3A_170, %dma_wait3A_171] : memref<10240x128xf32, #tpu.memory_space<vmem_shared>> -> memref<10240x128xf32, #tpu.memory_space<vmem_shared>>
        tpu.wait_indirect_dma semaphore(%run_scoped3A_160 : memref<!tpu.dma_semaphore, #tpu.memory_space<semaphore_mem>>) src(%arg9 : memref<126x128xf32, #tpu.memory_space<vmem>>) dst(%dma_wait3A_172 : memref<10240x128xf32, #tpu.memory_space<vmem_shared>>)
        tpu.yield
      }) : () -> ()
      %add3A_134 = arith.constant 2 : i32
      %add3A_135 = arith.addi %mul3A_112, %add3A_134 : i32
      %dma_start3A_136 = arith.constant 0 : i32
      %dma_start3A_137 = tpu.memref_slice %arg7[%add3A_135, %dma_start3A_136] : memref<40x126xi32, #tpu.memory_space<vmem>> -> memref<1x126xi32, #tpu.memory_space<vmem>>
      %dma_start3A_138 = tpu.memref_squeeze %dma_start3A_137 : memref<1x126xi32, #tpu.memory_space<vmem>> -> memref<126xi32, #tpu.memory_space<vmem>>
      %dma_start3A_139 = arith.constant 0 : i32
      %dma_start3A_140 = arith.constant 0 : i32
      %dma_start3A_141 = tpu.memref_slice %arg2[%arg0, %dma_start3A_139, %dma_start3A_140] : memref<2x10000x128xf32, #tpu.memory_space<hbm>> -> memref<1x10000x128xf32, #tpu.memory_space<hbm>>
      %dma_start3A_142 = tpu.memref_squeeze %dma_start3A_141 : memref<1x10000x128xf32, #tpu.memory_space<hbm>> -> memref<10000x128xf32, #tpu.memory_space<hbm>>
      %dma_start3A_143 = arith.constant 0 : i32
      %dma_start3A_144 = arith.constant 0 : i32
      %dma_start3A_145 = tpu.memref_slice %dma_start3A_142[%dma_start3A_143, %dma_start3A_144] : memref<10000x128xf32, #tpu.memory_space<hbm>> -> memref<10000x128xf32, #tpu.memory_space<hbm>>
      tpu.enqueue_indirect_dma source(%dma_start3A_145 : memref<10000x128xf32, #tpu.memory_space<hbm>>) target(%arg9 : memref<126x128xf32, #tpu.memory_space<vmem>>) offsets(%dma_start3A_138 : memref<126xi32, #tpu.memory_space<vmem>>) semaphore(%arg12 : memref<!tpu.dma_semaphore, #tpu.memory_space<semaphore_mem>>)
      %add3A_146 = arith.constant 1 : i32
      %add3A_147 = arith.addi %mul3A_112, %add3A_146 : i32
      %dma_wait3A_148 = arith.constant 0 : i32
      %dma_wait3A_149 = tpu.memref_slice %arg7[%add3A_147, %dma_wait3A_148] : memref<40x126xi32, #tpu.memory_space<vmem>> -> memref<1x126xi32, #tpu.memory_space<vmem>>
      %dma_wait3A_150 = tpu.memref_squeeze %dma_wait3A_149 : memref<1x126xi32, #tpu.memory_space<vmem>> -> memref<126xi32, #tpu.memory_space<vmem>>
      %dma_wait3A_151 = arith.constant 0 : i32
      %dma_wait3A_152 = arith.constant 0 : i32
      %dma_wait3A_153 = tpu.memref_slice %arg2[%arg0, %dma_wait3A_151, %dma_wait3A_152] : memref<2x10000x128xf32, #tpu.memory_space<hbm>> -> memref<1x10000x128xf32, #tpu.memory_space<hbm>>
      %dma_wait3A_154 = tpu.memref_squeeze %dma_wait3A_153 : memref<1x10000x128xf32, #tpu.memory_space<hbm>> -> memref<10000x128xf32, #tpu.memory_space<hbm>>
      %dma_wait3A_155 = arith.constant 0 : i32
      %dma_wait3A_156 = arith.constant 0 : i32
      %dma_wait3A_157 = tpu.memref_slice %dma_wait3A_154[%dma_wait3A_155, %dma_wait3A_156] : memref<10000x128xf32, #tpu.memory_space<hbm>> -> memref<10000x128xf32, #tpu.memory_space<hbm>>
      tpu.wait_indirect_dma semaphore(%arg13 : memref<!tpu.dma_semaphore, #tpu.memory_space<semaphore_mem>>) src(%dma_wait3A_157 : memref<10000x128xf32, #tpu.memory_space<hbm>>) dst(%arg10 : memref<126x128xf32, #tpu.memory_space<vmem>>)
      %add3A_158 = arith.constant 1 : i32
      %add3A_159 = arith.addi %mul3A_112, %add3A_158 : i32
      "tpu.region"() ({
        %run_scoped3A_160 = tpu.sem_alloc : memref<!tpu.dma_semaphore, #tpu.memory_space<semaphore_mem>>
        %dma_start3A_161 = arith.constant 0 : i32
        %dma_start3A_162 = tpu.memref_slice %arg8[%add3A_159, %dma_start3A_161] : memref<40x126xi32, #tpu.memory_space<vmem>> -> memref<1x126xi32, #tpu.memory_space<vmem>>
        %dma_start3A_163 = tpu.memref_squeeze %dma_start3A_162 : memref<1x126xi32, #tpu.memory_space<vmem>> -> memref<126xi32, #tpu.memory_space<vmem>>
        %dma_start3A_164 = arith.constant 0 : i32
        %dma_start3A_165 = arith.constant 0 : i32
        %dma_start3A_166 = tpu.memref_slice %arg11[%dma_start3A_164, %dma_start3A_165] : memref<10240x128xf32, #tpu.memory_space<vmem_shared>> -> memref<10240x128xf32, #tpu.memory_space<vmem_shared>>
        tpu.enqueue_indirect_dma source(%arg10 : memref<126x128xf32, #tpu.memory_space<vmem>>) target(%dma_start3A_166 : memref<10240x128xf32, #tpu.memory_space<vmem_shared>>) offsets(%dma_start3A_163 : memref<126xi32, #tpu.memory_space<vmem>>) semaphore(%run_scoped3A_160 : memref<!tpu.dma_semaphore, #tpu.memory_space<semaphore_mem>>) {add = true}
        %dma_wait3A_167 = arith.constant 0 : i32
        %dma_wait3A_168 = tpu.memref_slice %arg8[%add3A_159, %dma_wait3A_167] : memref<40x126xi32, #tpu.memory_space<vmem>> -> memref<1x126xi32, #tpu.memory_space<vmem>>
        %dma_wait3A_169 = tpu.memref_squeeze %dma_wait3A_168 : memref<1x126xi32, #tpu.memory_space<vmem>> -> memref<126xi32, #tpu.memory_space<vmem>>
        %dma_wait3A_170 = arith.constant 0 : i32
        %dma_wait3A_171 = arith.constant 0 : i32
        %dma_wait3A_172 = tpu.memref_slice %arg11[%dma_wait3A_170, %dma_wait3A_171] : memref<10240x128xf32, #tpu.memory_space<vmem_shared>> -> memref<10240x128xf32, #tpu.memory_space<vmem_shared>>
        tpu.wait_indirect_dma semaphore(%run_scoped3A_160 : memref<!tpu.dma_semaphore, #tpu.memory_space<semaphore_mem>>) src(%arg10 : memref<126x128xf32, #tpu.memory_space<vmem>>) dst(%dma_wait3A_172 : memref<10240x128xf32, #tpu.memory_space<vmem_shared>>)
        tpu.yield
      }) : () -> ()
    }
    %scan3A_16 = arith.constant 19 : i32
    %dma_start3A_17 = arith.constant 39 : i32
    %dma_start3A_18 = arith.constant 0 : i32
    %dma_start3A_19 = tpu.memref_slice %arg7[%dma_start3A_17, %dma_start3A_18] : memref<40x126xi32, #tpu.memory_space<vmem>> -> memref<1x126xi32, #tpu.memory_space<vmem>>
    %dma_start3A_20 = tpu.memref_squeeze %dma_start3A_19 : memref<1x126xi32, #tpu.memory_space<vmem>> -> memref<126xi32, #tpu.memory_space<vmem>>
    %dma_start3A_21 = arith.constant 0 : i32
    %dma_start3A_22 = arith.constant 0 : i32
    %dma_start3A_23 = tpu.memref_slice %arg2[%arg0, %dma_start3A_21, %dma_start3A_22] : memref<2x10000x128xf32, #tpu.memory_space<hbm>> -> memref<1x10000x128xf32, #tpu.memory_space<hbm>>
    %dma_start3A_24 = tpu.memref_squeeze %dma_start3A_23 : memref<1x10000x128xf32, #tpu.memory_space<hbm>> -> memref<10000x128xf32, #tpu.memory_space<hbm>>
    %dma_start3A_25 = arith.constant 0 : i32
    %dma_start3A_26 = arith.constant 0 : i32
    %dma_start3A_27 = tpu.memref_slice %dma_start3A_24[%dma_start3A_25, %dma_start3A_26] : memref<10000x128xf32, #tpu.memory_space<hbm>> -> memref<10000x128xf32, #tpu.memory_space<hbm>>
    tpu.enqueue_indirect_dma source(%dma_start3A_27 : memref<10000x128xf32, #tpu.memory_space<hbm>>) target(%arg10 : memref<126x128xf32, #tpu.memory_space<vmem>>) offsets(%dma_start3A_20 : memref<126xi32, #tpu.memory_space<vmem>>) semaphore(%arg13 : memref<!tpu.dma_semaphore, #tpu.memory_space<semaphore_mem>>)
    %dma_wait3A = arith.constant 38 : i32
    %dma_wait3A_28 = arith.constant 0 : i32
    %dma_wait3A_29 = tpu.memref_slice %arg7[%dma_wait3A, %dma_wait3A_28] : memref<40x126xi32, #tpu.memory_space<vmem>> -> memref<1x126xi32, #tpu.memory_space<vmem>>
    %dma_wait3A_30 = tpu.memref_squeeze %dma_wait3A_29 : memref<1x126xi32, #tpu.memory_space<vmem>> -> memref<126xi32, #tpu.memory_space<vmem>>
    %dma_wait3A_31 = arith.constant 0 : i32
    %dma_wait3A_32 = arith.constant 0 : i32
    %dma_wait3A_33 = tpu.memref_slice %arg2[%arg0, %dma_wait3A_31, %dma_wait3A_32] : memref<2x10000x128xf32, #tpu.memory_space<hbm>> -> memref<1x10000x128xf32, #tpu.memory_space<hbm>>
    %dma_wait3A_34 = tpu.memref_squeeze %dma_wait3A_33 : memref<1x10000x128xf32, #tpu.memory_space<hbm>> -> memref<10000x128xf32, #tpu.memory_space<hbm>>
    %dma_wait3A_35 = arith.constant 0 : i32
    %dma_wait3A_36 = arith.constant 0 : i32
    %dma_wait3A_37 = tpu.memref_slice %dma_wait3A_34[%dma_wait3A_35, %dma_wait3A_36] : memref<10000x128xf32, #tpu.memory_space<hbm>> -> memref<10000x128xf32, #tpu.memory_space<hbm>>
    tpu.wait_indirect_dma semaphore(%arg12 : memref<!tpu.dma_semaphore, #tpu.memory_space<semaphore_mem>>) src(%dma_wait3A_37 : memref<10000x128xf32, #tpu.memory_space<hbm>>) dst(%arg9 : memref<126x128xf32, #tpu.memory_space<vmem>>)
    %run_scoped3A_38 = arith.constant 38 : i32
    "tpu.region"() ({
      %run_scoped3A_110 = tpu.sem_alloc : memref<!tpu.dma_semaphore, #tpu.memory_space<semaphore_mem>>
      %dma_start3A_111 = arith.constant 0 : i32
      %dma_start3A_112 = tpu.memref_slice %arg8[%run_scoped3A_38, %dma_start3A_111] : memref<40x126xi32, #tpu.memory_space<vmem>> -> memref<1x126xi32, #tpu.memory_space<vmem>>
      %dma_start3A_113 = tpu.memref_squeeze %dma_start3A_112 : memref<1x126xi32, #tpu.memory_space<vmem>> -> memref<126xi32, #tpu.memory_space<vmem>>
      %dma_start3A_114 = arith.constant 0 : i32
      %dma_start3A_115 = arith.constant 0 : i32
      %dma_start3A_116 = tpu.memref_slice %arg11[%dma_start3A_114, %dma_start3A_115] : memref<10240x128xf32, #tpu.memory_space<vmem_shared>> -> memref<10240x128xf32, #tpu.memory_space<vmem_shared>>
      tpu.enqueue_indirect_dma source(%arg9 : memref<126x128xf32, #tpu.memory_space<vmem>>) target(%dma_start3A_116 : memref<10240x128xf32, #tpu.memory_space<vmem_shared>>) offsets(%dma_start3A_113 : memref<126xi32, #tpu.memory_space<vmem>>) semaphore(%run_scoped3A_110 : memref<!tpu.dma_semaphore, #tpu.memory_space<semaphore_mem>>) {add = true}
      %dma_wait3A_117 = arith.constant 0 : i32
      %dma_wait3A_118 = tpu.memref_slice %arg8[%run_scoped3A_38, %dma_wait3A_117] : memref<40x126xi32, #tpu.memory_space<vmem>> -> memref<1x126xi32, #tpu.memory_space<vmem>>
      %dma_wait3A_119 = tpu.memref_squeeze %dma_wait3A_118 : memref<1x126xi32, #tpu.memory_space<vmem>> -> memref<126xi32, #tpu.memory_space<vmem>>
      %dma_wait3A_120 = arith.constant 0 : i32
      %dma_wait3A_121 = arith.constant 0 : i32
      %dma_wait3A_122 = tpu.memref_slice %arg11[%dma_wait3A_120, %dma_wait3A_121] : memref<10240x128xf32, #tpu.memory_space<vmem_shared>> -> memref<10240x128xf32, #tpu.memory_space<vmem_shared>>
      tpu.wait_indirect_dma semaphore(%run_scoped3A_110 : memref<!tpu.dma_semaphore, #tpu.memory_space<semaphore_mem>>) src(%arg9 : memref<126x128xf32, #tpu.memory_space<vmem>>) dst(%dma_wait3A_122 : memref<10240x128xf32, #tpu.memory_space<vmem_shared>>)
      tpu.yield
    }) : () -> ()
    %dma_wait3A_39 = arith.constant 39 : i32
    %dma_wait3A_40 = arith.constant 0 : i32
    %dma_wait3A_41 = tpu.memref_slice %arg7[%dma_wait3A_39, %dma_wait3A_40] : memref<40x126xi32, #tpu.memory_space<vmem>> -> memref<1x126xi32, #tpu.memory_space<vmem>>
    %dma_wait3A_42 = tpu.memref_squeeze %dma_wait3A_41 : memref<1x126xi32, #tpu.memory_space<vmem>> -> memref<126xi32, #tpu.memory_space<vmem>>
    %dma_wait3A_43 = arith.constant 0 : i32
    %dma_wait3A_44 = arith.constant 0 : i32
    %dma_wait3A_45 = tpu.memref_slice %arg2[%arg0, %dma_wait3A_43, %dma_wait3A_44] : memref<2x10000x128xf32, #tpu.memory_space<hbm>> -> memref<1x10000x128xf32, #tpu.memory_space<hbm>>
    %dma_wait3A_46 = tpu.memref_squeeze %dma_wait3A_45 : memref<1x10000x128xf32, #tpu.memory_space<hbm>> -> memref<10000x128xf32, #tpu.memory_space<hbm>>
    %dma_wait3A_47 = arith.constant 0 : i32
    %dma_wait3A_48 = arith.constant 0 : i32
    %dma_wait3A_49 = tpu.memref_slice %dma_wait3A_46[%dma_wait3A_47, %dma_wait3A_48] : memref<10000x128xf32, #tpu.memory_space<hbm>> -> memref<10000x128xf32, #tpu.memory_space<hbm>>
    tpu.wait_indirect_dma semaphore(%arg13 : memref<!tpu.dma_semaphore, #tpu.memory_space<semaphore_mem>>) src(%dma_wait3A_49 : memref<10000x128xf32, #tpu.memory_space<hbm>>) dst(%arg10 : memref<126x128xf32, #tpu.memory_space<vmem>>)
    %run_scoped3A_50 = arith.constant 39 : i32
    "tpu.region"() ({
      %run_scoped3A_110 = tpu.sem_alloc : memref<!tpu.dma_semaphore, #tpu.memory_space<semaphore_mem>>
      %dma_start3A_111 = arith.constant 0 : i32
      %dma_start3A_112 = tpu.memref_slice %arg8[%run_scoped3A_50, %dma_start3A_111] : memref<40x126xi32, #tpu.memory_space<vmem>> -> memref<1x126xi32, #tpu.memory_space<vmem>>
      %dma_start3A_113 = tpu.memref_squeeze %dma_start3A_112 : memref<1x126xi32, #tpu.memory_space<vmem>> -> memref<126xi32, #tpu.memory_space<vmem>>
      %dma_start3A_114 = arith.constant 0 : i32
      %dma_start3A_115 = arith.constant 0 : i32
      %dma_start3A_116 = tpu.memref_slice %arg11[%dma_start3A_114, %dma_start3A_115] : memref<10240x128xf32, #tpu.memory_space<vmem_shared>> -> memref<10240x128xf32, #tpu.memory_space<vmem_shared>>
      tpu.enqueue_indirect_dma source(%arg10 : memref<126x128xf32, #tpu.memory_space<vmem>>) target(%dma_start3A_116 : memref<10240x128xf32, #tpu.memory_space<vmem_shared>>) offsets(%dma_start3A_113 : memref<126xi32, #tpu.memory_space<vmem>>) semaphore(%run_scoped3A_110 : memref<!tpu.dma_semaphore, #tpu.memory_space<semaphore_mem>>) {add = true}
      %dma_wait3A_117 = arith.constant 0 : i32
      %dma_wait3A_118 = tpu.memref_slice %arg8[%run_scoped3A_50, %dma_wait3A_117] : memref<40x126xi32, #tpu.memory_space<vmem>> -> memref<1x126xi32, #tpu.memory_space<vmem>>
      %dma_wait3A_119 = tpu.memref_squeeze %dma_wait3A_118 : memref<1x126xi32, #tpu.memory_space<vmem>> -> memref<126xi32, #tpu.memory_space<vmem>>
      %dma_wait3A_120 = arith.constant 0 : i32
      %dma_wait3A_121 = arith.constant 0 : i32
      %dma_wait3A_122 = tpu.memref_slice %arg11[%dma_wait3A_120, %dma_wait3A_121] : memref<10240x128xf32, #tpu.memory_space<vmem_shared>> -> memref<10240x128xf32, #tpu.memory_space<vmem_shared>>
      tpu.wait_indirect_dma semaphore(%run_scoped3A_110 : memref<!tpu.dma_semaphore, #tpu.memory_space<semaphore_mem>>) src(%arg10 : memref<126x128xf32, #tpu.memory_space<vmem>>) dst(%dma_wait3A_122 : memref<10240x128xf32, #tpu.memory_space<vmem_shared>>)
      tpu.yield
    }) : () -> ()
    %run_scoped3A_51 = arith.constant 1 : i32
    "tpu.region"() ({
      %run_scoped3A_110 = tpu.sem_alloc : memref<!tpu.dma_semaphore, #tpu.memory_space<semaphore_mem>>
      %dma_start3A_111 = arith.constant 0 : i32
      %dma_start3A_112 = arith.constant 0 : i32
      %dma_start3A_113 = tpu.memref_slice %arg3[%arg1, %run_scoped3A_51, %dma_start3A_111, %dma_start3A_112] : memref<16x2x40x126xi32, #tpu.memory_space<hbm>> -> memref<1x1x40x126xi32, #tpu.memory_space<hbm>>
      %dma_start3A_114 = tpu.memref_squeeze %dma_start3A_113 : memref<1x1x40x126xi32, #tpu.memory_space<hbm>> -> memref<40x126xi32, #tpu.memory_space<hbm>>
      %dma_start3A_115 = arith.constant 0 : i32
      %dma_start3A_116 = arith.constant 0 : i32
      %dma_start3A_117 = tpu.memref_slice %arg3[%arg1, %run_scoped3A_51, %dma_start3A_115, %dma_start3A_116] : memref<16x2x40x126xi32, #tpu.memory_space<hbm>> -> memref<1x1x40x126xi32, #tpu.memory_space<hbm>>
      %dma_start3A_118 = tpu.memref_squeeze %dma_start3A_117 : memref<1x1x40x126xi32, #tpu.memory_space<hbm>> -> memref<40x126xi32, #tpu.memory_space<hbm>>
      tpu.enqueue_dma source(%dma_start3A_118 : memref<40x126xi32, #tpu.memory_space<hbm>>) target(%arg7 : memref<40x126xi32, #tpu.memory_space<vmem>>) target_semaphore(%run_scoped3A_110 : memref<!tpu.dma_semaphore, #tpu.memory_space<semaphore_mem>>)
      %dma_wait3A_119 = arith.constant 0 : i32
      %dma_wait3A_120 = arith.constant 0 : i32
      %dma_wait3A_121 = tpu.memref_slice %arg3[%arg1, %run_scoped3A_51, %dma_wait3A_119, %dma_wait3A_120] : memref<16x2x40x126xi32, #tpu.memory_space<hbm>> -> memref<1x1x40x126xi32, #tpu.memory_space<hbm>>
      %dma_wait3A_122 = tpu.memref_squeeze %dma_wait3A_121 : memref<1x1x40x126xi32, #tpu.memory_space<hbm>> -> memref<40x126xi32, #tpu.memory_space<hbm>>
      %dma_wait3A_123 = arith.constant 0 : i32
      %dma_wait3A_124 = arith.constant 0 : i32
      %dma_wait3A_125 = tpu.memref_slice %arg3[%arg1, %run_scoped3A_51, %dma_wait3A_123, %dma_wait3A_124] : memref<16x2x40x126xi32, #tpu.memory_space<hbm>> -> memref<1x1x40x126xi32, #tpu.memory_space<hbm>>
      %dma_wait3A_126 = tpu.memref_squeeze %dma_wait3A_125 : memref<1x1x40x126xi32, #tpu.memory_space<hbm>> -> memref<40x126xi32, #tpu.memory_space<hbm>>
      tpu.wait_dma2 semaphore(%run_scoped3A_110 : memref<!tpu.dma_semaphore, #tpu.memory_space<semaphore_mem>>) src(%dma_wait3A_126 : memref<40x126xi32, #tpu.memory_space<hbm>>) dst(%arg7 : memref<40x126xi32, #tpu.memory_space<vmem>>)
      tpu.yield
    }) : () -> ()
    %run_scoped3A_52 = arith.constant 1 : i32
    "tpu.region"() ({
      %run_scoped3A_110 = tpu.sem_alloc : memref<!tpu.dma_semaphore, #tpu.memory_space<semaphore_mem>>
      %dma_start3A_111 = arith.constant 0 : i32
      %dma_start3A_112 = arith.constant 0 : i32
      %dma_start3A_113 = tpu.memref_slice %arg4[%arg1, %run_scoped3A_52, %dma_start3A_111, %dma_start3A_112] : memref<16x2x40x126xi32, #tpu.memory_space<hbm>> -> memref<1x1x40x126xi32, #tpu.memory_space<hbm>>
      %dma_start3A_114 = tpu.memref_squeeze %dma_start3A_113 : memref<1x1x40x126xi32, #tpu.memory_space<hbm>> -> memref<40x126xi32, #tpu.memory_space<hbm>>
      %dma_start3A_115 = arith.constant 0 : i32
      %dma_start3A_116 = arith.constant 0 : i32
      %dma_start3A_117 = tpu.memref_slice %arg4[%arg1, %run_scoped3A_52, %dma_start3A_115, %dma_start3A_116] : memref<16x2x40x126xi32, #tpu.memory_space<hbm>> -> memref<1x1x40x126xi32, #tpu.memory_space<hbm>>
      %dma_start3A_118 = tpu.memref_squeeze %dma_start3A_117 : memref<1x1x40x126xi32, #tpu.memory_space<hbm>> -> memref<40x126xi32, #tpu.memory_space<hbm>>
      tpu.enqueue_dma source(%dma_start3A_118 : memref<40x126xi32, #tpu.memory_space<hbm>>) target(%arg8 : memref<40x126xi32, #tpu.memory_space<vmem>>) target_semaphore(%run_scoped3A_110 : memref<!tpu.dma_semaphore, #tpu.memory_space<semaphore_mem>>)
      %dma_wait3A_119 = arith.constant 0 : i32
      %dma_wait3A_120 = arith.constant 0 : i32
      %dma_wait3A_121 = tpu.memref_slice %arg4[%arg1, %run_scoped3A_52, %dma_wait3A_119, %dma_wait3A_120] : memref<16x2x40x126xi32, #tpu.memory_space<hbm>> -> memref<1x1x40x126xi32, #tpu.memory_space<hbm>>
      %dma_wait3A_122 = tpu.memref_squeeze %dma_wait3A_121 : memref<1x1x40x126xi32, #tpu.memory_space<hbm>> -> memref<40x126xi32, #tpu.memory_space<hbm>>
      %dma_wait3A_123 = arith.constant 0 : i32
      %dma_wait3A_124 = arith.constant 0 : i32
      %dma_wait3A_125 = tpu.memref_slice %arg4[%arg1, %run_scoped3A_52, %dma_wait3A_123, %dma_wait3A_124] : memref<16x2x40x126xi32, #tpu.memory_space<hbm>> -> memref<1x1x40x126xi32, #tpu.memory_space<hbm>>
      %dma_wait3A_126 = tpu.memref_squeeze %dma_wait3A_125 : memref<1x1x40x126xi32, #tpu.memory_space<hbm>> -> memref<40x126xi32, #tpu.memory_space<hbm>>
      tpu.wait_dma2 semaphore(%run_scoped3A_110 : memref<!tpu.dma_semaphore, #tpu.memory_space<semaphore_mem>>) src(%dma_wait3A_126 : memref<40x126xi32, #tpu.memory_space<hbm>>) dst(%arg8 : memref<40x126xi32, #tpu.memory_space<vmem>>)
      tpu.yield
    }) : () -> ()
    %dma_start3A_53 = arith.constant 0 : i32
    %dma_start3A_54 = arith.constant 0 : i32
    %dma_start3A_55 = tpu.memref_slice %arg7[%dma_start3A_53, %dma_start3A_54] : memref<40x126xi32, #tpu.memory_space<vmem>> -> memref<1x126xi32, #tpu.memory_space<vmem>>
    %dma_start3A_56 = tpu.memref_squeeze %dma_start3A_55 : memref<1x126xi32, #tpu.memory_space<vmem>> -> memref<126xi32, #tpu.memory_space<vmem>>
    %dma_start3A_57 = arith.constant 0 : i32
    %dma_start3A_58 = arith.constant 0 : i32
    %dma_start3A_59 = tpu.memref_slice %arg2[%arg0, %dma_start3A_57, %dma_start3A_58] : memref<2x10000x128xf32, #tpu.memory_space<hbm>> -> memref<1x10000x128xf32, #tpu.memory_space<hbm>>
    %dma_start3A_60 = tpu.memref_squeeze %dma_start3A_59 : memref<1x10000x128xf32, #tpu.memory_space<hbm>> -> memref<10000x128xf32, #tpu.memory_space<hbm>>
    %dma_start3A_61 = arith.constant 0 : i32
    %dma_start3A_62 = arith.constant 0 : i32
    %dma_start3A_63 = tpu.memref_slice %dma_start3A_60[%dma_start3A_61, %dma_start3A_62] : memref<10000x128xf32, #tpu.memory_space<hbm>> -> memref<10000x128xf32, #tpu.memory_space<hbm>>
    tpu.enqueue_indirect_dma source(%dma_start3A_63 : memref<10000x128xf32, #tpu.memory_space<hbm>>) target(%arg9 : memref<126x128xf32, #tpu.memory_space<vmem>>) offsets(%dma_start3A_56 : memref<126xi32, #tpu.memory_space<vmem>>) semaphore(%arg12 : memref<!tpu.dma_semaphore, #tpu.memory_space<semaphore_mem>>)
    %scan3A_64 = arith.constant 0 : i32
    %scan3A_65 = arith.constant 0 : i32
    %scan3A_66 = arith.constant 19 : i32
    %scan3A_67 = arith.addi %scan3A_65, %scan3A_66 : i32
    %scan3A_68 = arith.constant 1 : i32
    scf.for %scan3A_110 = %scan3A_65 to %scan3A_67 step %scan3A_68  : i32 {
      %mul3A_111 = arith.constant 2 : i32
      %mul3A_112 = arith.muli %mul3A_111, %scan3A_110 : i32
      %add3A = arith.constant 1 : i32
      %add3A_113 = arith.addi %mul3A_112, %add3A : i32
      %dma_start3A_114 = arith.constant 0 : i32
      %dma_start3A_115 = tpu.memref_slice %arg7[%add3A_113, %dma_start3A_114] : memref<40x126xi32, #tpu.memory_space<vmem>> -> memref<1x126xi32, #tpu.memory_space<vmem>>
      %dma_start3A_116 = tpu.memref_squeeze %dma_start3A_115 : memref<1x126xi32, #tpu.memory_space<vmem>> -> memref<126xi32, #tpu.memory_space<vmem>>
      %dma_start3A_117 = arith.constant 0 : i32
      %dma_start3A_118 = arith.constant 0 : i32
      %dma_start3A_119 = tpu.memref_slice %arg2[%arg0, %dma_start3A_117, %dma_start3A_118] : memref<2x10000x128xf32, #tpu.memory_space<hbm>> -> memref<1x10000x128xf32, #tpu.memory_space<hbm>>
      %dma_start3A_120 = tpu.memref_squeeze %dma_start3A_119 : memref<1x10000x128xf32, #tpu.memory_space<hbm>> -> memref<10000x128xf32, #tpu.memory_space<hbm>>
      %dma_start3A_121 = arith.constant 0 : i32
      %dma_start3A_122 = arith.constant 0 : i32
      %dma_start3A_123 = tpu.memref_slice %dma_start3A_120[%dma_start3A_121, %dma_start3A_122] : memref<10000x128xf32, #tpu.memory_space<hbm>> -> memref<10000x128xf32, #tpu.memory_space<hbm>>
      tpu.enqueue_indirect_dma source(%dma_start3A_123 : memref<10000x128xf32, #tpu.memory_space<hbm>>) target(%arg10 : memref<126x128xf32, #tpu.memory_space<vmem>>) offsets(%dma_start3A_116 : memref<126xi32, #tpu.memory_space<vmem>>) semaphore(%arg13 : memref<!tpu.dma_semaphore, #tpu.memory_space<semaphore_mem>>)
      %dma_wait3A_124 = arith.constant 0 : i32
      %dma_wait3A_125 = tpu.memref_slice %arg7[%mul3A_112, %dma_wait3A_124] : memref<40x126xi32, #tpu.memory_space<vmem>> -> memref<1x126xi32, #tpu.memory_space<vmem>>
      %dma_wait3A_126 = tpu.memref_squeeze %dma_wait3A_125 : memref<1x126xi32, #tpu.memory_space<vmem>> -> memref<126xi32, #tpu.memory_space<vmem>>
      %dma_wait3A_127 = arith.constant 0 : i32
      %dma_wait3A_128 = arith.constant 0 : i32
      %dma_wait3A_129 = tpu.memref_slice %arg2[%arg0, %dma_wait3A_127, %dma_wait3A_128] : memref<2x10000x128xf32, #tpu.memory_space<hbm>> -> memref<1x10000x128xf32, #tpu.memory_space<hbm>>
      %dma_wait3A_130 = tpu.memref_squeeze %dma_wait3A_129 : memref<1x10000x128xf32, #tpu.memory_space<hbm>> -> memref<10000x128xf32, #tpu.memory_space<hbm>>
      %dma_wait3A_131 = arith.constant 0 : i32
      %dma_wait3A_132 = arith.constant 0 : i32
      %dma_wait3A_133 = tpu.memref_slice %dma_wait3A_130[%dma_wait3A_131, %dma_wait3A_132] : memref<10000x128xf32, #tpu.memory_space<hbm>> -> memref<10000x128xf32, #tpu.memory_space<hbm>>
      tpu.wait_indirect_dma semaphore(%arg12 : memref<!tpu.dma_semaphore, #tpu.memory_space<semaphore_mem>>) src(%dma_wait3A_133 : memref<10000x128xf32, #tpu.memory_space<hbm>>) dst(%arg9 : memref<126x128xf32, #tpu.memory_space<vmem>>)
      "tpu.region"() ({
        %run_scoped3A_160 = tpu.sem_alloc : memref<!tpu.dma_semaphore, #tpu.memory_space<semaphore_mem>>
        %dma_start3A_161 = arith.constant 0 : i32
        %dma_start3A_162 = tpu.memref_slice %arg8[%mul3A_112, %dma_start3A_161] : memref<40x126xi32, #tpu.memory_space<vmem>> -> memref<1x126xi32, #tpu.memory_space<vmem>>
        %dma_start3A_163 = tpu.memref_squeeze %dma_start3A_162 : memref<1x126xi32, #tpu.memory_space<vmem>> -> memref<126xi32, #tpu.memory_space<vmem>>
        %dma_start3A_164 = arith.constant 0 : i32
        %dma_start3A_165 = arith.constant 0 : i32
        %dma_start3A_166 = tpu.memref_slice %arg11[%dma_start3A_164, %dma_start3A_165] : memref<10240x128xf32, #tpu.memory_space<vmem_shared>> -> memref<10240x128xf32, #tpu.memory_space<vmem_shared>>
        tpu.enqueue_indirect_dma source(%arg9 : memref<126x128xf32, #tpu.memory_space<vmem>>) target(%dma_start3A_166 : memref<10240x128xf32, #tpu.memory_space<vmem_shared>>) offsets(%dma_start3A_163 : memref<126xi32, #tpu.memory_space<vmem>>) semaphore(%run_scoped3A_160 : memref<!tpu.dma_semaphore, #tpu.memory_space<semaphore_mem>>) {add = true}
        %dma_wait3A_167 = arith.constant 0 : i32
        %dma_wait3A_168 = tpu.memref_slice %arg8[%mul3A_112, %dma_wait3A_167] : memref<40x126xi32, #tpu.memory_space<vmem>> -> memref<1x126xi32, #tpu.memory_space<vmem>>
        %dma_wait3A_169 = tpu.memref_squeeze %dma_wait3A_168 : memref<1x126xi32, #tpu.memory_space<vmem>> -> memref<126xi32, #tpu.memory_space<vmem>>
        %dma_wait3A_170 = arith.constant 0 : i32
        %dma_wait3A_171 = arith.constant 0 : i32
        %dma_wait3A_172 = tpu.memref_slice %arg11[%dma_wait3A_170, %dma_wait3A_171] : memref<10240x128xf32, #tpu.memory_space<vmem_shared>> -> memref<10240x128xf32, #tpu.memory_space<vmem_shared>>
        tpu.wait_indirect_dma semaphore(%run_scoped3A_160 : memref<!tpu.dma_semaphore, #tpu.memory_space<semaphore_mem>>) src(%arg9 : memref<126x128xf32, #tpu.memory_space<vmem>>) dst(%dma_wait3A_172 : memref<10240x128xf32, #tpu.memory_space<vmem_shared>>)
        tpu.yield
      }) : () -> ()
      %add3A_134 = arith.constant 2 : i32
      %add3A_135 = arith.addi %mul3A_112, %add3A_134 : i32
      %dma_start3A_136 = arith.constant 0 : i32
      %dma_start3A_137 = tpu.memref_slice %arg7[%add3A_135, %dma_start3A_136] : memref<40x126xi32, #tpu.memory_space<vmem>> -> memref<1x126xi32, #tpu.memory_space<vmem>>
      %dma_start3A_138 = tpu.memref_squeeze %dma_start3A_137 : memref<1x126xi32, #tpu.memory_space<vmem>> -> memref<126xi32, #tpu.memory_space<vmem>>
      %dma_start3A_139 = arith.constant 0 : i32
      %dma_start3A_140 = arith.constant 0 : i32
      %dma_start3A_141 = tpu.memref_slice %arg2[%arg0, %dma_start3A_139, %dma_start3A_140] : memref<2x10000x128xf32, #tpu.memory_space<hbm>> -> memref<1x10000x128xf32, #tpu.memory_space<hbm>>
      %dma_start3A_142 = tpu.memref_squeeze %dma_start3A_141 : memref<1x10000x128xf32, #tpu.memory_space<hbm>> -> memref<10000x128xf32, #tpu.memory_space<hbm>>
      %dma_start3A_143 = arith.constant 0 : i32
      %dma_start3A_144 = arith.constant 0 : i32
      %dma_start3A_145 = tpu.memref_slice %dma_start3A_142[%dma_start3A_143, %dma_start3A_144] : memref<10000x128xf32, #tpu.memory_space<hbm>> -> memref<10000x128xf32, #tpu.memory_space<hbm>>
      tpu.enqueue_indirect_dma source(%dma_start3A_145 : memref<10000x128xf32, #tpu.memory_space<hbm>>) target(%arg9 : memref<126x128xf32, #tpu.memory_space<vmem>>) offsets(%dma_start3A_138 : memref<126xi32, #tpu.memory_space<vmem>>) semaphore(%arg12 : memref<!tpu.dma_semaphore, #tpu.memory_space<semaphore_mem>>)
      %add3A_146 = arith.constant 1 : i32
      %add3A_147 = arith.addi %mul3A_112, %add3A_146 : i32
      %dma_wait3A_148 = arith.constant 0 : i32
      %dma_wait3A_149 = tpu.memref_slice %arg7[%add3A_147, %dma_wait3A_148] : memref<40x126xi32, #tpu.memory_space<vmem>> -> memref<1x126xi32, #tpu.memory_space<vmem>>
      %dma_wait3A_150 = tpu.memref_squeeze %dma_wait3A_149 : memref<1x126xi32, #tpu.memory_space<vmem>> -> memref<126xi32, #tpu.memory_space<vmem>>
      %dma_wait3A_151 = arith.constant 0 : i32
      %dma_wait3A_152 = arith.constant 0 : i32
      %dma_wait3A_153 = tpu.memref_slice %arg2[%arg0, %dma_wait3A_151, %dma_wait3A_152] : memref<2x10000x128xf32, #tpu.memory_space<hbm>> -> memref<1x10000x128xf32, #tpu.memory_space<hbm>>
      %dma_wait3A_154 = tpu.memref_squeeze %dma_wait3A_153 : memref<1x10000x128xf32, #tpu.memory_space<hbm>> -> memref<10000x128xf32, #tpu.memory_space<hbm>>
      %dma_wait3A_155 = arith.constant 0 : i32
      %dma_wait3A_156 = arith.constant 0 : i32
      %dma_wait3A_157 = tpu.memref_slice %dma_wait3A_154[%dma_wait3A_155, %dma_wait3A_156] : memref<10000x128xf32, #tpu.memory_space<hbm>> -> memref<10000x128xf32, #tpu.memory_space<hbm>>
      tpu.wait_indirect_dma semaphore(%arg13 : memref<!tpu.dma_semaphore, #tpu.memory_space<semaphore_mem>>) src(%dma_wait3A_157 : memref<10000x128xf32, #tpu.memory_space<hbm>>) dst(%arg10 : memref<126x128xf32, #tpu.memory_space<vmem>>)
      %add3A_158 = arith.constant 1 : i32
      %add3A_159 = arith.addi %mul3A_112, %add3A_158 : i32
      "tpu.region"() ({
        %run_scoped3A_160 = tpu.sem_alloc : memref<!tpu.dma_semaphore, #tpu.memory_space<semaphore_mem>>
        %dma_start3A_161 = arith.constant 0 : i32
        %dma_start3A_162 = tpu.memref_slice %arg8[%add3A_159, %dma_start3A_161] : memref<40x126xi32, #tpu.memory_space<vmem>> -> memref<1x126xi32, #tpu.memory_space<vmem>>
        %dma_start3A_163 = tpu.memref_squeeze %dma_start3A_162 : memref<1x126xi32, #tpu.memory_space<vmem>> -> memref<126xi32, #tpu.memory_space<vmem>>
        %dma_start3A_164 = arith.constant 0 : i32
        %dma_start3A_165 = arith.constant 0 : i32
        %dma_start3A_166 = tpu.memref_slice %arg11[%dma_start3A_164, %dma_start3A_165] : memref<10240x128xf32, #tpu.memory_space<vmem_shared>> -> memref<10240x128xf32, #tpu.memory_space<vmem_shared>>
        tpu.enqueue_indirect_dma source(%arg10 : memref<126x128xf32, #tpu.memory_space<vmem>>) target(%dma_start3A_166 : memref<10240x128xf32, #tpu.memory_space<vmem_shared>>) offsets(%dma_start3A_163 : memref<126xi32, #tpu.memory_space<vmem>>) semaphore(%run_scoped3A_160 : memref<!tpu.dma_semaphore, #tpu.memory_space<semaphore_mem>>) {add = true}
        %dma_wait3A_167 = arith.constant 0 : i32
        %dma_wait3A_168 = tpu.memref_slice %arg8[%add3A_159, %dma_wait3A_167] : memref<40x126xi32, #tpu.memory_space<vmem>> -> memref<1x126xi32, #tpu.memory_space<vmem>>
        %dma_wait3A_169 = tpu.memref_squeeze %dma_wait3A_168 : memref<1x126xi32, #tpu.memory_space<vmem>> -> memref<126xi32, #tpu.memory_space<vmem>>
        %dma_wait3A_170 = arith.constant 0 : i32
        %dma_wait3A_171 = arith.constant 0 : i32
        %dma_wait3A_172 = tpu.memref_slice %arg11[%dma_wait3A_170, %dma_wait3A_171] : memref<10240x128xf32, #tpu.memory_space<vmem_shared>> -> memref<10240x128xf32, #tpu.memory_space<vmem_shared>>
        tpu.wait_indirect_dma semaphore(%run_scoped3A_160 : memref<!tpu.dma_semaphore, #tpu.memory_space<semaphore_mem>>) src(%arg10 : memref<126x128xf32, #tpu.memory_space<vmem>>) dst(%dma_wait3A_172 : memref<10240x128xf32, #tpu.memory_space<vmem_shared>>)
        tpu.yield
      }) : () -> ()
    }
    %scan3A_69 = arith.constant 19 : i32
    %dma_start3A_70 = arith.constant 39 : i32
    %dma_start3A_71 = arith.constant 0 : i32
    %dma_start3A_72 = tpu.memref_slice %arg7[%dma_start3A_70, %dma_start3A_71] : memref<40x126xi32, #tpu.memory_space<vmem>> -> memref<1x126xi32, #tpu.memory_space<vmem>>
    %dma_start3A_73 = tpu.memref_squeeze %dma_start3A_72 : memref<1x126xi32, #tpu.memory_space<vmem>> -> memref<126xi32, #tpu.memory_space<vmem>>
    %dma_start3A_74 = arith.constant 0 : i32
    %dma_start3A_75 = arith.constant 0 : i32
    %dma_start3A_76 = tpu.memref_slice %arg2[%arg0, %dma_start3A_74, %dma_start3A_75] : memref<2x10000x128xf32, #tpu.memory_space<hbm>> -> memref<1x10000x128xf32, #tpu.memory_space<hbm>>
    %dma_start3A_77 = tpu.memref_squeeze %dma_start3A_76 : memref<1x10000x128xf32, #tpu.memory_space<hbm>> -> memref<10000x128xf32, #tpu.memory_space<hbm>>
    %dma_start3A_78 = arith.constant 0 : i32
    %dma_start3A_79 = arith.constant 0 : i32
    %dma_start3A_80 = tpu.memref_slice %dma_start3A_77[%dma_start3A_78, %dma_start3A_79] : memref<10000x128xf32, #tpu.memory_space<hbm>> -> memref<10000x128xf32, #tpu.memory_space<hbm>>
    tpu.enqueue_indirect_dma source(%dma_start3A_80 : memref<10000x128xf32, #tpu.memory_space<hbm>>) target(%arg10 : memref<126x128xf32, #tpu.memory_space<vmem>>) offsets(%dma_start3A_73 : memref<126xi32, #tpu.memory_space<vmem>>) semaphore(%arg13 : memref<!tpu.dma_semaphore, #tpu.memory_space<semaphore_mem>>)
    %dma_wait3A_81 = arith.constant 38 : i32
    %dma_wait3A_82 = arith.constant 0 : i32
    %dma_wait3A_83 = tpu.memref_slice %arg7[%dma_wait3A_81, %dma_wait3A_82] : memref<40x126xi32, #tpu.memory_space<vmem>> -> memref<1x126xi32, #tpu.memory_space<vmem>>
    %dma_wait3A_84 = tpu.memref_squeeze %dma_wait3A_83 : memref<1x126xi32, #tpu.memory_space<vmem>> -> memref<126xi32, #tpu.memory_space<vmem>>
    %dma_wait3A_85 = arith.constant 0 : i32
    %dma_wait3A_86 = arith.constant 0 : i32
    %dma_wait3A_87 = tpu.memref_slice %arg2[%arg0, %dma_wait3A_85, %dma_wait3A_86] : memref<2x10000x128xf32, #tpu.memory_space<hbm>> -> memref<1x10000x128xf32, #tpu.memory_space<hbm>>
    %dma_wait3A_88 = tpu.memref_squeeze %dma_wait3A_87 : memref<1x10000x128xf32, #tpu.memory_space<hbm>> -> memref<10000x128xf32, #tpu.memory_space<hbm>>
    %dma_wait3A_89 = arith.constant 0 : i32
    %dma_wait3A_90 = arith.constant 0 : i32
    %dma_wait3A_91 = tpu.memref_slice %dma_wait3A_88[%dma_wait3A_89, %dma_wait3A_90] : memref<10000x128xf32, #tpu.memory_space<hbm>> -> memref<10000x128xf32, #tpu.memory_space<hbm>>
    tpu.wait_indirect_dma semaphore(%arg12 : memref<!tpu.dma_semaphore, #tpu.memory_space<semaphore_mem>>) src(%dma_wait3A_91 : memref<10000x128xf32, #tpu.memory_space<hbm>>) dst(%arg9 : memref<126x128xf32, #tpu.memory_space<vmem>>)
    %run_scoped3A_92 = arith.constant 38 : i32
    "tpu.region"() ({
      %run_scoped3A_110 = tpu.sem_alloc : memref<!tpu.dma_semaphore, #tpu.memory_space<semaphore_mem>>
      %dma_start3A_111 = arith.constant 0 : i32
      %dma_start3A_112 = tpu.memref_slice %arg8[%run_scoped3A_92, %dma_start3A_111] : memref<40x126xi32, #tpu.memory_space<vmem>> -> memref<1x126xi32, #tpu.memory_space<vmem>>
      %dma_start3A_113 = tpu.memref_squeeze %dma_start3A_112 : memref<1x126xi32, #tpu.memory_space<vmem>> -> memref<126xi32, #tpu.memory_space<vmem>>
      %dma_start3A_114 = arith.constant 0 : i32
      %dma_start3A_115 = arith.constant 0 : i32
      %dma_start3A_116 = tpu.memref_slice %arg11[%dma_start3A_114, %dma_start3A_115] : memref<10240x128xf32, #tpu.memory_space<vmem_shared>> -> memref<10240x128xf32, #tpu.memory_space<vmem_shared>>
      tpu.enqueue_indirect_dma source(%arg9 : memref<126x128xf32, #tpu.memory_space<vmem>>) target(%dma_start3A_116 : memref<10240x128xf32, #tpu.memory_space<vmem_shared>>) offsets(%dma_start3A_113 : memref<126xi32, #tpu.memory_space<vmem>>) semaphore(%run_scoped3A_110 : memref<!tpu.dma_semaphore, #tpu.memory_space<semaphore_mem>>) {add = true}
      %dma_wait3A_117 = arith.constant 0 : i32
      %dma_wait3A_118 = tpu.memref_slice %arg8[%run_scoped3A_92, %dma_wait3A_117] : memref<40x126xi32, #tpu.memory_space<vmem>> -> memref<1x126xi32, #tpu.memory_space<vmem>>
      %dma_wait3A_119 = tpu.memref_squeeze %dma_wait3A_118 : memref<1x126xi32, #tpu.memory_space<vmem>> -> memref<126xi32, #tpu.memory_space<vmem>>
      %dma_wait3A_120 = arith.constant 0 : i32
      %dma_wait3A_121 = arith.constant 0 : i32
      %dma_wait3A_122 = tpu.memref_slice %arg11[%dma_wait3A_120, %dma_wait3A_121] : memref<10240x128xf32, #tpu.memory_space<vmem_shared>> -> memref<10240x128xf32, #tpu.memory_space<vmem_shared>>
      tpu.wait_indirect_dma semaphore(%run_scoped3A_110 : memref<!tpu.dma_semaphore, #tpu.memory_space<semaphore_mem>>) src(%arg9 : memref<126x128xf32, #tpu.memory_space<vmem>>) dst(%dma_wait3A_122 : memref<10240x128xf32, #tpu.memory_space<vmem_shared>>)
      tpu.yield
    }) : () -> ()
    %dma_wait3A_93 = arith.constant 39 : i32
    %dma_wait3A_94 = arith.constant 0 : i32
    %dma_wait3A_95 = tpu.memref_slice %arg7[%dma_wait3A_93, %dma_wait3A_94] : memref<40x126xi32, #tpu.memory_space<vmem>> -> memref<1x126xi32, #tpu.memory_space<vmem>>
    %dma_wait3A_96 = tpu.memref_squeeze %dma_wait3A_95 : memref<1x126xi32, #tpu.memory_space<vmem>> -> memref<126xi32, #tpu.memory_space<vmem>>
    %dma_wait3A_97 = arith.constant 0 : i32
    %dma_wait3A_98 = arith.constant 0 : i32
    %dma_wait3A_99 = tpu.memref_slice %arg2[%arg0, %dma_wait3A_97, %dma_wait3A_98] : memref<2x10000x128xf32, #tpu.memory_space<hbm>> -> memref<1x10000x128xf32, #tpu.memory_space<hbm>>
    %dma_wait3A_100 = tpu.memref_squeeze %dma_wait3A_99 : memref<1x10000x128xf32, #tpu.memory_space<hbm>> -> memref<10000x128xf32, #tpu.memory_space<hbm>>
    %dma_wait3A_101 = arith.constant 0 : i32
    %dma_wait3A_102 = arith.constant 0 : i32
    %dma_wait3A_103 = tpu.memref_slice %dma_wait3A_100[%dma_wait3A_101, %dma_wait3A_102] : memref<10000x128xf32, #tpu.memory_space<hbm>> -> memref<10000x128xf32, #tpu.memory_space<hbm>>
    tpu.wait_indirect_dma semaphore(%arg13 : memref<!tpu.dma_semaphore, #tpu.memory_space<semaphore_mem>>) src(%dma_wait3A_103 : memref<10000x128xf32, #tpu.memory_space<hbm>>) dst(%arg10 : memref<126x128xf32, #tpu.memory_space<vmem>>)
    %run_scoped3A_104 = arith.constant 39 : i32
    "tpu.region"() ({
      %run_scoped3A_110 = tpu.sem_alloc : memref<!tpu.dma_semaphore, #tpu.memory_space<semaphore_mem>>
      %dma_start3A_111 = arith.constant 0 : i32
      %dma_start3A_112 = tpu.memref_slice %arg8[%run_scoped3A_104, %dma_start3A_111] : memref<40x126xi32, #tpu.memory_space<vmem>> -> memref<1x126xi32, #tpu.memory_space<vmem>>
      %dma_start3A_113 = tpu.memref_squeeze %dma_start3A_112 : memref<1x126xi32, #tpu.memory_space<vmem>> -> memref<126xi32, #tpu.memory_space<vmem>>
      %dma_start3A_114 = arith.constant 0 : i32
      %dma_start3A_115 = arith.constant 0 : i32
      %dma_start3A_116 = tpu.memref_slice %arg11[%dma_start3A_114, %dma_start3A_115] : memref<10240x128xf32, #tpu.memory_space<vmem_shared>> -> memref<10240x128xf32, #tpu.memory_space<vmem_shared>>
      tpu.enqueue_indirect_dma source(%arg10 : memref<126x128xf32, #tpu.memory_space<vmem>>) target(%dma_start3A_116 : memref<10240x128xf32, #tpu.memory_space<vmem_shared>>) offsets(%dma_start3A_113 : memref<126xi32, #tpu.memory_space<vmem>>) semaphore(%run_scoped3A_110 : memref<!tpu.dma_semaphore, #tpu.memory_space<semaphore_mem>>) {add = true}
      %dma_wait3A_117 = arith.constant 0 : i32
      %dma_wait3A_118 = tpu.memref_slice %arg8[%run_scoped3A_104, %dma_wait3A_117] : memref<40x126xi32, #tpu.memory_space<vmem>> -> memref<1x126xi32, #tpu.memory_space<vmem>>
      %dma_wait3A_119 = tpu.memref_squeeze %dma_wait3A_118 : memref<1x126xi32, #tpu.memory_space<vmem>> -> memref<126xi32, #tpu.memory_space<vmem>>
      %dma_wait3A_120 = arith.constant 0 : i32
      %dma_wait3A_121 = arith.constant 0 : i32
      %dma_wait3A_122 = tpu.memref_slice %arg11[%dma_wait3A_120, %dma_wait3A_121] : memref<10240x128xf32, #tpu.memory_space<vmem_shared>> -> memref<10240x128xf32, #tpu.memory_space<vmem_shared>>
      tpu.wait_indirect_dma semaphore(%run_scoped3A_110 : memref<!tpu.dma_semaphore, #tpu.memory_space<semaphore_mem>>) src(%arg10 : memref<126x128xf32, #tpu.memory_space<vmem>>) dst(%dma_wait3A_122 : memref<10240x128xf32, #tpu.memory_space<vmem_shared>>)
      tpu.yield
    }) : () -> ()
    %barrier3A_105 = arith.constant 0 : index
    tpu.barrier barrier_id(%barrier3A_105)
    %mul3A_106 = arith.constant 640 : i32
    %mul3A_107 = arith.muli %arg1, %mul3A_106 : i32
    %mul3A_108 = arith.constant 640 : i32
    %mul3A_109 = arith.muli %arg1, %mul3A_108 : i32
    "tpu.region"() ({
      %run_scoped3A_110 = tpu.sem_alloc : memref<!tpu.dma_semaphore, #tpu.memory_space<semaphore_mem>>
      %dma_start3A_111 = arith.constant 0 : i32
      %dma_start3A_112 = tpu.memref_slice %arg6[%arg0, %mul3A_109, %dma_start3A_111] : memref<2x10240x128xf32, #tpu.memory_space<hbm>> -> memref<1x640x128xf32, #tpu.memory_space<hbm>>
      %dma_start3A_113 = tpu.memref_squeeze %dma_start3A_112 : memref<1x640x128xf32, #tpu.memory_space<hbm>> -> memref<640x128xf32, #tpu.memory_space<hbm>>
      %dma_start3A_114 = arith.constant 0 : i32
      %dma_start3A_115 = tpu.memref_slice %arg11[%mul3A_107, %dma_start3A_114] : memref<10240x128xf32, #tpu.memory_space<vmem_shared>> -> memref<640x128xf32, #tpu.memory_space<vmem_shared>>
      tpu.enqueue_dma source(%dma_start3A_115 : memref<640x128xf32, #tpu.memory_space<vmem_shared>>) target(%dma_start3A_113 : memref<640x128xf32, #tpu.memory_space<hbm>>) target_semaphore(%run_scoped3A_110 : memref<!tpu.dma_semaphore, #tpu.memory_space<semaphore_mem>>)
      %dma_wait3A_116 = arith.constant 0 : i32
      %dma_wait3A_117 = tpu.memref_slice %arg6[%arg0, %mul3A_109, %dma_wait3A_116] : memref<2x10240x128xf32, #tpu.memory_space<hbm>> -> memref<1x640x128xf32, #tpu.memory_space<hbm>>
      %dma_wait3A_118 = tpu.memref_squeeze %dma_wait3A_117 : memref<1x640x128xf32, #tpu.memory_space<hbm>> -> memref<640x128xf32, #tpu.memory_space<hbm>>
      %dma_wait3A_119 = arith.constant 0 : i32
      %dma_wait3A_120 = tpu.memref_slice %arg11[%mul3A_107, %dma_wait3A_119] : memref<10240x128xf32, #tpu.memory_space<vmem_shared>> -> memref<640x128xf32, #tpu.memory_space<vmem_shared>>
      tpu.wait_dma2 semaphore(%run_scoped3A_110 : memref<!tpu.dma_semaphore, #tpu.memory_space<semaphore_mem>>) src(%dma_wait3A_120 : memref<640x128xf32, #tpu.memory_space<vmem_shared>>) dst(%dma_wait3A_118 : memref<640x128xf32, #tpu.memory_space<hbm>>)
      tpu.yield
    }) : () -> ()
    return
  }
}

#map = affine_map<(d0, d1) -> (0, 0, 0)>
#map1 = affine_map<(d0, d1) -> (0, 0, 0, 0)>
#map2 = affine_map<(d0, d1) -> (0, 0)>
module attributes {stable_mosaic.version = 14 : i64} {
  func.func @_agg(%arg0: i32, %arg1: i32, %arg2: memref<2x10000x128xf32, #tpu.memory_space<hbm>>, %arg3: memref<16x2x40x126xi32, #tpu.memory_space<hbm>>, %arg4: memref<16x2x40x126xi32, #tpu.memory_space<hbm>>, %arg5: memref<640x128xf32, #tpu.memory_space<hbm>>, %arg6: memref<2x10240x128xf32, #tpu.memory_space<hbm>>, %arg7: memref<40x126xi32, #tpu.memory_space<vmem>>, %arg8: memref<40x126xi32, #tpu.memory_space<vmem>>, %arg9: memref<126x128xf32, #tpu.memory_space<vmem>>, %arg10: memref<126x128xf32, #tpu.memory_space<vmem>>, %arg11: memref<10240x128xf32, #tpu.memory_space<vmem_shared>>, %arg12: memref<!tpu.dma_semaphore, #tpu.memory_space<semaphore_mem>>, %arg13: memref<!tpu.dma_semaphore, #tpu.memory_space<semaphore_mem>>) attributes {dimension_semantics = [#tpu.dimension_semantics<core_parallel>, #tpu.dimension_semantics<subcore_parallel>], iteration_bounds = array<i64: 2, 16>, scalar_prefetch = 0 : i64, scratch_operands = 7 : i64, tpu.core_type = #tpu.core_type<sc_vector_subcore>, window_params = [{transform_indices = #map}, {transform_indices = #map1}, {transform_indices = #map1}, {transform_indices = #map2}, {transform_indices = #map}]} {
    %run_scoped3A = arith.constant 0 : i32
    "tpu.region"() ({
      %run_scoped3A_110 = tpu.sem_alloc : memref<!tpu.dma_semaphore, #tpu.memory_space<semaphore_mem>>
      %dma_start3A_111 = arith.constant 0 : i32
      %dma_start3A_112 = arith.constant 0 : i32
      %dma_start3A_113 = tpu.memref_slice %arg3[%arg1, %run_scoped3A, %dma_start3A_111, %dma_start3A_112] : memref<16x2x40x126xi32, #tpu.memory_space<hbm>> -> memref<1x1x40x126xi32, #tpu.memory_space<hbm>>
      %dma_start3A_114 = tpu.memref_squeeze %dma_start3A_113 : memref<1x1x40x126xi32, #tpu.memory_space<hbm>> -> memref<40x126xi32, #tpu.memory_space<hbm>>
      %dma_start3A_115 = arith.constant 0 : i32
      %dma_start3A_116 = arith.constant 0 : i32
      %dma_start3A_117 = tpu.memref_slice %arg3[%arg1, %run_scoped3A, %dma_start3A_115, %dma_start3A_116] : memref<16x2x40x126xi32, #tpu.memory_space<hbm>> -> memref<1x1x40x126xi32, #tpu.memory_space<hbm>>
      %dma_start3A_118 = tpu.memref_squeeze %dma_start3A_117 : memref<1x1x40x126xi32, #tpu.memory_space<hbm>> -> memref<40x126xi32, #tpu.memory_space<hbm>>
      tpu.enqueue_dma source(%dma_start3A_118 : memref<40x126xi32, #tpu.memory_space<hbm>>) target(%arg7 : memref<40x126xi32, #tpu.memory_space<vmem>>) target_semaphore(%run_scoped3A_110 : memref<!tpu.dma_semaphore, #tpu.memory_space<semaphore_mem>>)
      %dma_wait3A_119 = arith.constant 0 : i32
      %dma_wait3A_120 = arith.constant 0 : i32
      %dma_wait3A_121 = tpu.memref_slice %arg3[%arg1, %run_scoped3A, %dma_wait3A_119, %dma_wait3A_120] : memref<16x2x40x126xi32, #tpu.memory_space<hbm>> -> memref<1x1x40x126xi32, #tpu.memory_space<hbm>>
      %dma_wait3A_122 = tpu.memref_squeeze %dma_wait3A_121 : memref<1x1x40x126xi32, #tpu.memory_space<hbm>> -> memref<40x126xi32, #tpu.memory_space<hbm>>
      %dma_wait3A_123 = arith.constant 0 : i32
      %dma_wait3A_124 = arith.constant 0 : i32
      %dma_wait3A_125 = tpu.memref_slice %arg3[%arg1, %run_scoped3A, %dma_wait3A_123, %dma_wait3A_124] : memref<16x2x40x126xi32, #tpu.memory_space<hbm>> -> memref<1x1x40x126xi32, #tpu.memory_space<hbm>>
      %dma_wait3A_126 = tpu.memref_squeeze %dma_wait3A_125 : memref<1x1x40x126xi32, #tpu.memory_space<hbm>> -> memref<40x126xi32, #tpu.memory_space<hbm>>
      tpu.wait_dma2 semaphore(%run_scoped3A_110 : memref<!tpu.dma_semaphore, #tpu.memory_space<semaphore_mem>>) src(%dma_wait3A_126 : memref<40x126xi32, #tpu.memory_space<hbm>>) dst(%arg7 : memref<40x126xi32, #tpu.memory_space<vmem>>)
      tpu.yield
    }) : () -> ()
    %run_scoped3A_0 = arith.constant 0 : i32
    "tpu.region"() ({
      %run_scoped3A_110 = tpu.sem_alloc : memref<!tpu.dma_semaphore, #tpu.memory_space<semaphore_mem>>
      %dma_start3A_111 = arith.constant 0 : i32
      %dma_start3A_112 = arith.constant 0 : i32
      %dma_start3A_113 = tpu.memref_slice %arg4[%arg1, %run_scoped3A_0, %dma_start3A_111, %dma_start3A_112] : memref<16x2x40x126xi32, #tpu.memory_space<hbm>> -> memref<1x1x40x126xi32, #tpu.memory_space<hbm>>
      %dma_start3A_114 = tpu.memref_squeeze %dma_start3A_113 : memref<1x1x40x126xi32, #tpu.memory_space<hbm>> -> memref<40x126xi32, #tpu.memory_space<hbm>>
      %dma_start3A_115 = arith.constant 0 : i32
      %dma_start3A_116 = arith.constant 0 : i32
      %dma_start3A_117 = tpu.memref_slice %arg4[%arg1, %run_scoped3A_0, %dma_start3A_115, %dma_start3A_116] : memref<16x2x40x126xi32, #tpu.memory_space<hbm>> -> memref<1x1x40x126xi32, #tpu.memory_space<hbm>>
      %dma_start3A_118 = tpu.memref_squeeze %dma_start3A_117 : memref<1x1x40x126xi32, #tpu.memory_space<hbm>> -> memref<40x126xi32, #tpu.memory_space<hbm>>
      tpu.enqueue_dma source(%dma_start3A_118 : memref<40x126xi32, #tpu.memory_space<hbm>>) target(%arg8 : memref<40x126xi32, #tpu.memory_space<vmem>>) target_semaphore(%run_scoped3A_110 : memref<!tpu.dma_semaphore, #tpu.memory_space<semaphore_mem>>)
      %dma_wait3A_119 = arith.constant 0 : i32
      %dma_wait3A_120 = arith.constant 0 : i32
      %dma_wait3A_121 = tpu.memref_slice %arg4[%arg1, %run_scoped3A_0, %dma_wait3A_119, %dma_wait3A_120] : memref<16x2x40x126xi32, #tpu.memory_space<hbm>> -> memref<1x1x40x126xi32, #tpu.memory_space<hbm>>
      %dma_wait3A_122 = tpu.memref_squeeze %dma_wait3A_121 : memref<1x1x40x126xi32, #tpu.memory_space<hbm>> -> memref<40x126xi32, #tpu.memory_space<hbm>>
      %dma_wait3A_123 = arith.constant 0 : i32
      %dma_wait3A_124 = arith.constant 0 : i32
      %dma_wait3A_125 = tpu.memref_slice %arg4[%arg1, %run_scoped3A_0, %dma_wait3A_123, %dma_wait3A_124] : memref<16x2x40x126xi32, #tpu.memory_space<hbm>> -> memref<1x1x40x126xi32, #tpu.memory_space<hbm>>
      %dma_wait3A_126 = tpu.memref_squeeze %dma_wait3A_125 : memref<1x1x40x126xi32, #tpu.memory_space<hbm>> -> memref<40x126xi32, #tpu.memory_space<hbm>>
      tpu.wait_dma2 semaphore(%run_scoped3A_110 : memref<!tpu.dma_semaphore, #tpu.memory_space<semaphore_mem>>) src(%dma_wait3A_126 : memref<40x126xi32, #tpu.memory_space<hbm>>) dst(%arg8 : memref<40x126xi32, #tpu.memory_space<vmem>>)
      tpu.yield
    }) : () -> ()
    %dma_start3A = arith.constant 0 : i32
    %dma_start3A_1 = arith.constant 0 : i32
    %dma_start3A_2 = tpu.memref_slice %arg7[%dma_start3A, %dma_start3A_1] : memref<40x126xi32, #tpu.memory_space<vmem>> -> memref<1x126xi32, #tpu.memory_space<vmem>>
    %dma_start3A_3 = tpu.memref_squeeze %dma_start3A_2 : memref<1x126xi32, #tpu.memory_space<vmem>> -> memref<126xi32, #tpu.memory_space<vmem>>
    %dma_start3A_4 = arith.constant 0 : i32
    %dma_start3A_5 = arith.constant 0 : i32
    %dma_start3A_6 = tpu.memref_slice %arg2[%arg0, %dma_start3A_4, %dma_start3A_5] : memref<2x10000x128xf32, #tpu.memory_space<hbm>> -> memref<1x10000x128xf32, #tpu.memory_space<hbm>>
    %dma_start3A_7 = tpu.memref_squeeze %dma_start3A_6 : memref<1x10000x128xf32, #tpu.memory_space<hbm>> -> memref<10000x128xf32, #tpu.memory_space<hbm>>
    %dma_start3A_8 = arith.constant 0 : i32
    %dma_start3A_9 = arith.constant 0 : i32
    %dma_start3A_10 = tpu.memref_slice %dma_start3A_7[%dma_start3A_8, %dma_start3A_9] : memref<10000x128xf32, #tpu.memory_space<hbm>> -> memref<10000x128xf32, #tpu.memory_space<hbm>>
    tpu.enqueue_indirect_dma source(%dma_start3A_10 : memref<10000x128xf32, #tpu.memory_space<hbm>>) target(%arg9 : memref<126x128xf32, #tpu.memory_space<vmem>>) offsets(%dma_start3A_3 : memref<126xi32, #tpu.memory_space<vmem>>) semaphore(%arg12 : memref<!tpu.dma_semaphore, #tpu.memory_space<semaphore_mem>>)
    %mul3A = arith.constant 640 : i32
    %mul3A_11 = arith.muli %arg1, %mul3A : i32
    "tpu.region"() ({
      %run_scoped3A_110 = tpu.sem_alloc : memref<!tpu.dma_semaphore, #tpu.memory_space<semaphore_mem>>
      %dma_start3A_111 = arith.constant 0 : i32
      %dma_start3A_112 = tpu.memref_slice %arg11[%mul3A_11, %dma_start3A_111] : memref<10240x128xf32, #tpu.memory_space<vmem_shared>> -> memref<640x128xf32, #tpu.memory_space<vmem_shared>>
      tpu.enqueue_dma source(%arg5 : memref<640x128xf32, #tpu.memory_space<hbm>>) target(%dma_start3A_112 : memref<640x128xf32, #tpu.memory_space<vmem_shared>>) target_semaphore(%run_scoped3A_110 : memref<!tpu.dma_semaphore, #tpu.memory_space<semaphore_mem>>)
      %dma_wait3A_113 = arith.constant 0 : i32
      %dma_wait3A_114 = tpu.memref_slice %arg11[%mul3A_11, %dma_wait3A_113] : memref<10240x128xf32, #tpu.memory_space<vmem_shared>> -> memref<640x128xf32, #tpu.memory_space<vmem_shared>>
      tpu.wait_dma2 semaphore(%run_scoped3A_110 : memref<!tpu.dma_semaphore, #tpu.memory_space<semaphore_mem>>) src(%arg5 : memref<640x128xf32, #tpu.memory_space<hbm>>) dst(%dma_wait3A_114 : memref<640x128xf32, #tpu.memory_space<vmem_shared>>)
      tpu.yield
    }) : () -> ()
    %barrier3A = arith.constant 0 : index
    tpu.barrier barrier_id(%barrier3A)
    %scan3A = arith.constant 0 : i32
    %scan3A_12 = arith.constant 0 : i32
    %scan3A_13 = arith.constant 19 : i32
    %scan3A_14 = arith.addi %scan3A_12, %scan3A_13 : i32
    %scan3A_15 = arith.constant 1 : i32
    scf.for %scan3A_110 = %scan3A_12 to %scan3A_14 step %scan3A_15  : i32 {
      %mul3A_111 = arith.constant 2 : i32
      %mul3A_112 = arith.muli %mul3A_111, %scan3A_110 : i32
      %add3A = arith.constant 1 : i32
      %add3A_113 = arith.addi %mul3A_112, %add3A : i32
      %dma_start3A_114 = arith.constant 0 : i32
      %dma_start3A_115 = tpu.memref_slice %arg7[%add3A_113, %dma_start3A_114] : memref<40x126xi32, #tpu.memory_space<vmem>> -> memref<1x126xi32, #tpu.memory_space<vmem>>
      %dma_start3A_116 = tpu.memref_squeeze %dma_start3A_115 : memref<1x126xi32, #tpu.memory_space<vmem>> -> memref<126xi32, #tpu.memory_space<vmem>>
      %dma_start3A_117 = arith.constant 0 : i32
      %dma_start3A_118 = arith.constant 0 : i32
      %dma_start3A_119 = tpu.memref_slice %arg2[%arg0, %dma_start3A_117, %dma_start3A_118] : memref<2x10000x128xf32, #tpu.memory_space<hbm>> -> memref<1x10000x128xf32, #tpu.memory_space<hbm>>
      %dma_start3A_120 = tpu.memref_squeeze %dma_start3A_119 : memref<1x10000x128xf32, #tpu.memory_space<hbm>> -> memref<10000x128xf32, #tpu.memory_space<hbm>>
      %dma_start3A_121 = arith.constant 0 : i32
      %dma_start3A_122 = arith.constant 0 : i32
      %dma_start3A_123 = tpu.memref_slice %dma_start3A_120[%dma_start3A_121, %dma_start3A_122] : memref<10000x128xf32, #tpu.memory_space<hbm>> -> memref<10000x128xf32, #tpu.memory_space<hbm>>
      tpu.enqueue_indirect_dma source(%dma_start3A_123 : memref<10000x128xf32, #tpu.memory_space<hbm>>) target(%arg10 : memref<126x128xf32, #tpu.memory_space<vmem>>) offsets(%dma_start3A_116 : memref<126xi32, #tpu.memory_space<vmem>>) semaphore(%arg13 : memref<!tpu.dma_semaphore, #tpu.memory_space<semaphore_mem>>)
      %dma_wait3A_124 = arith.constant 0 : i32
      %dma_wait3A_125 = tpu.memref_slice %arg7[%mul3A_112, %dma_wait3A_124] : memref<40x126xi32, #tpu.memory_space<vmem>> -> memref<1x126xi32, #tpu.memory_space<vmem>>
      %dma_wait3A_126 = tpu.memref_squeeze %dma_wait3A_125 : memref<1x126xi32, #tpu.memory_space<vmem>> -> memref<126xi32, #tpu.memory_space<vmem>>
      %dma_wait3A_127 = arith.constant 0 : i32
      %dma_wait3A_128 = arith.constant 0 : i32
      %dma_wait3A_129 = tpu.memref_slice %arg2[%arg0, %dma_wait3A_127, %dma_wait3A_128] : memref<2x10000x128xf32, #tpu.memory_space<hbm>> -> memref<1x10000x128xf32, #tpu.memory_space<hbm>>
      %dma_wait3A_130 = tpu.memref_squeeze %dma_wait3A_129 : memref<1x10000x128xf32, #tpu.memory_space<hbm>> -> memref<10000x128xf32, #tpu.memory_space<hbm>>
      %dma_wait3A_131 = arith.constant 0 : i32
      %dma_wait3A_132 = arith.constant 0 : i32
      %dma_wait3A_133 = tpu.memref_slice %dma_wait3A_130[%dma_wait3A_131, %dma_wait3A_132] : memref<10000x128xf32, #tpu.memory_space<hbm>> -> memref<10000x128xf32, #tpu.memory_space<hbm>>
      tpu.wait_indirect_dma semaphore(%arg12 : memref<!tpu.dma_semaphore, #tpu.memory_space<semaphore_mem>>) src(%dma_wait3A_133 : memref<10000x128xf32, #tpu.memory_space<hbm>>) dst(%arg9 : memref<126x128xf32, #tpu.memory_space<vmem>>)
      "tpu.region"() ({
        %run_scoped3A_160 = tpu.sem_alloc : memref<!tpu.dma_semaphore, #tpu.memory_space<semaphore_mem>>
        %dma_start3A_161 = arith.constant 0 : i32
        %dma_start3A_162 = tpu.memref_slice %arg8[%mul3A_112, %dma_start3A_161] : memref<40x126xi32, #tpu.memory_space<vmem>> -> memref<1x126xi32, #tpu.memory_space<vmem>>
        %dma_start3A_163 = tpu.memref_squeeze %dma_start3A_162 : memref<1x126xi32, #tpu.memory_space<vmem>> -> memref<126xi32, #tpu.memory_space<vmem>>
        %dma_start3A_164 = arith.constant 0 : i32
        %dma_start3A_165 = arith.constant 0 : i32
        %dma_start3A_166 = tpu.memref_slice %arg11[%dma_start3A_164, %dma_start3A_165] : memref<10240x128xf32, #tpu.memory_space<vmem_shared>> -> memref<10240x128xf32, #tpu.memory_space<vmem_shared>>
        tpu.enqueue_indirect_dma source(%arg9 : memref<126x128xf32, #tpu.memory_space<vmem>>) target(%dma_start3A_166 : memref<10240x128xf32, #tpu.memory_space<vmem_shared>>) offsets(%dma_start3A_163 : memref<126xi32, #tpu.memory_space<vmem>>) semaphore(%run_scoped3A_160 : memref<!tpu.dma_semaphore, #tpu.memory_space<semaphore_mem>>) {add = true}
        %dma_wait3A_167 = arith.constant 0 : i32
        %dma_wait3A_168 = tpu.memref_slice %arg8[%mul3A_112, %dma_wait3A_167] : memref<40x126xi32, #tpu.memory_space<vmem>> -> memref<1x126xi32, #tpu.memory_space<vmem>>
        %dma_wait3A_169 = tpu.memref_squeeze %dma_wait3A_168 : memref<1x126xi32, #tpu.memory_space<vmem>> -> memref<126xi32, #tpu.memory_space<vmem>>
        %dma_wait3A_170 = arith.constant 0 : i32
        %dma_wait3A_171 = arith.constant 0 : i32
        %dma_wait3A_172 = tpu.memref_slice %arg11[%dma_wait3A_170, %dma_wait3A_171] : memref<10240x128xf32, #tpu.memory_space<vmem_shared>> -> memref<10240x128xf32, #tpu.memory_space<vmem_shared>>
        tpu.wait_indirect_dma semaphore(%run_scoped3A_160 : memref<!tpu.dma_semaphore, #tpu.memory_space<semaphore_mem>>) src(%arg9 : memref<126x128xf32, #tpu.memory_space<vmem>>) dst(%dma_wait3A_172 : memref<10240x128xf32, #tpu.memory_space<vmem_shared>>)
        tpu.yield
      }) : () -> ()
      %add3A_134 = arith.constant 2 : i32
      %add3A_135 = arith.addi %mul3A_112, %add3A_134 : i32
      %dma_start3A_136 = arith.constant 0 : i32
      %dma_start3A_137 = tpu.memref_slice %arg7[%add3A_135, %dma_start3A_136] : memref<40x126xi32, #tpu.memory_space<vmem>> -> memref<1x126xi32, #tpu.memory_space<vmem>>
      %dma_start3A_138 = tpu.memref_squeeze %dma_start3A_137 : memref<1x126xi32, #tpu.memory_space<vmem>> -> memref<126xi32, #tpu.memory_space<vmem>>
      %dma_start3A_139 = arith.constant 0 : i32
      %dma_start3A_140 = arith.constant 0 : i32
      %dma_start3A_141 = tpu.memref_slice %arg2[%arg0, %dma_start3A_139, %dma_start3A_140] : memref<2x10000x128xf32, #tpu.memory_space<hbm>> -> memref<1x10000x128xf32, #tpu.memory_space<hbm>>
      %dma_start3A_142 = tpu.memref_squeeze %dma_start3A_141 : memref<1x10000x128xf32, #tpu.memory_space<hbm>> -> memref<10000x128xf32, #tpu.memory_space<hbm>>
      %dma_start3A_143 = arith.constant 0 : i32
      %dma_start3A_144 = arith.constant 0 : i32
      %dma_start3A_145 = tpu.memref_slice %dma_start3A_142[%dma_start3A_143, %dma_start3A_144] : memref<10000x128xf32, #tpu.memory_space<hbm>> -> memref<10000x128xf32, #tpu.memory_space<hbm>>
      tpu.enqueue_indirect_dma source(%dma_start3A_145 : memref<10000x128xf32, #tpu.memory_space<hbm>>) target(%arg9 : memref<126x128xf32, #tpu.memory_space<vmem>>) offsets(%dma_start3A_138 : memref<126xi32, #tpu.memory_space<vmem>>) semaphore(%arg12 : memref<!tpu.dma_semaphore, #tpu.memory_space<semaphore_mem>>)
      %add3A_146 = arith.constant 1 : i32
      %add3A_147 = arith.addi %mul3A_112, %add3A_146 : i32
      %dma_wait3A_148 = arith.constant 0 : i32
      %dma_wait3A_149 = tpu.memref_slice %arg7[%add3A_147, %dma_wait3A_148] : memref<40x126xi32, #tpu.memory_space<vmem>> -> memref<1x126xi32, #tpu.memory_space<vmem>>
      %dma_wait3A_150 = tpu.memref_squeeze %dma_wait3A_149 : memref<1x126xi32, #tpu.memory_space<vmem>> -> memref<126xi32, #tpu.memory_space<vmem>>
      %dma_wait3A_151 = arith.constant 0 : i32
      %dma_wait3A_152 = arith.constant 0 : i32
      %dma_wait3A_153 = tpu.memref_slice %arg2[%arg0, %dma_wait3A_151, %dma_wait3A_152] : memref<2x10000x128xf32, #tpu.memory_space<hbm>> -> memref<1x10000x128xf32, #tpu.memory_space<hbm>>
      %dma_wait3A_154 = tpu.memref_squeeze %dma_wait3A_153 : memref<1x10000x128xf32, #tpu.memory_space<hbm>> -> memref<10000x128xf32, #tpu.memory_space<hbm>>
      %dma_wait3A_155 = arith.constant 0 : i32
      %dma_wait3A_156 = arith.constant 0 : i32
      %dma_wait3A_157 = tpu.memref_slice %dma_wait3A_154[%dma_wait3A_155, %dma_wait3A_156] : memref<10000x128xf32, #tpu.memory_space<hbm>> -> memref<10000x128xf32, #tpu.memory_space<hbm>>
      tpu.wait_indirect_dma semaphore(%arg13 : memref<!tpu.dma_semaphore, #tpu.memory_space<semaphore_mem>>) src(%dma_wait3A_157 : memref<10000x128xf32, #tpu.memory_space<hbm>>) dst(%arg10 : memref<126x128xf32, #tpu.memory_space<vmem>>)
      %add3A_158 = arith.constant 1 : i32
      %add3A_159 = arith.addi %mul3A_112, %add3A_158 : i32
      "tpu.region"() ({
        %run_scoped3A_160 = tpu.sem_alloc : memref<!tpu.dma_semaphore, #tpu.memory_space<semaphore_mem>>
        %dma_start3A_161 = arith.constant 0 : i32
        %dma_start3A_162 = tpu.memref_slice %arg8[%add3A_159, %dma_start3A_161] : memref<40x126xi32, #tpu.memory_space<vmem>> -> memref<1x126xi32, #tpu.memory_space<vmem>>
        %dma_start3A_163 = tpu.memref_squeeze %dma_start3A_162 : memref<1x126xi32, #tpu.memory_space<vmem>> -> memref<126xi32, #tpu.memory_space<vmem>>
        %dma_start3A_164 = arith.constant 0 : i32
        %dma_start3A_165 = arith.constant 0 : i32
        %dma_start3A_166 = tpu.memref_slice %arg11[%dma_start3A_164, %dma_start3A_165] : memref<10240x128xf32, #tpu.memory_space<vmem_shared>> -> memref<10240x128xf32, #tpu.memory_space<vmem_shared>>
        tpu.enqueue_indirect_dma source(%arg10 : memref<126x128xf32, #tpu.memory_space<vmem>>) target(%dma_start3A_166 : memref<10240x128xf32, #tpu.memory_space<vmem_shared>>) offsets(%dma_start3A_163 : memref<126xi32, #tpu.memory_space<vmem>>) semaphore(%run_scoped3A_160 : memref<!tpu.dma_semaphore, #tpu.memory_space<semaphore_mem>>) {add = true}
        %dma_wait3A_167 = arith.constant 0 : i32
        %dma_wait3A_168 = tpu.memref_slice %arg8[%add3A_159, %dma_wait3A_167] : memref<40x126xi32, #tpu.memory_space<vmem>> -> memref<1x126xi32, #tpu.memory_space<vmem>>
        %dma_wait3A_169 = tpu.memref_squeeze %dma_wait3A_168 : memref<1x126xi32, #tpu.memory_space<vmem>> -> memref<126xi32, #tpu.memory_space<vmem>>
        %dma_wait3A_170 = arith.constant 0 : i32
        %dma_wait3A_171 = arith.constant 0 : i32
        %dma_wait3A_172 = tpu.memref_slice %arg11[%dma_wait3A_170, %dma_wait3A_171] : memref<10240x128xf32, #tpu.memory_space<vmem_shared>> -> memref<10240x128xf32, #tpu.memory_space<vmem_shared>>
        tpu.wait_indirect_dma semaphore(%run_scoped3A_160 : memref<!tpu.dma_semaphore, #tpu.memory_space<semaphore_mem>>) src(%arg10 : memref<126x128xf32, #tpu.memory_space<vmem>>) dst(%dma_wait3A_172 : memref<10240x128xf32, #tpu.memory_space<vmem_shared>>)
        tpu.yield
      }) : () -> ()
    }
    %scan3A_16 = arith.constant 19 : i32
    %dma_start3A_17 = arith.constant 39 : i32
    %dma_start3A_18 = arith.constant 0 : i32
    %dma_start3A_19 = tpu.memref_slice %arg7[%dma_start3A_17, %dma_start3A_18] : memref<40x126xi32, #tpu.memory_space<vmem>> -> memref<1x126xi32, #tpu.memory_space<vmem>>
    %dma_start3A_20 = tpu.memref_squeeze %dma_start3A_19 : memref<1x126xi32, #tpu.memory_space<vmem>> -> memref<126xi32, #tpu.memory_space<vmem>>
    %dma_start3A_21 = arith.constant 0 : i32
    %dma_start3A_22 = arith.constant 0 : i32
    %dma_start3A_23 = tpu.memref_slice %arg2[%arg0, %dma_start3A_21, %dma_start3A_22] : memref<2x10000x128xf32, #tpu.memory_space<hbm>> -> memref<1x10000x128xf32, #tpu.memory_space<hbm>>
    %dma_start3A_24 = tpu.memref_squeeze %dma_start3A_23 : memref<1x10000x128xf32, #tpu.memory_space<hbm>> -> memref<10000x128xf32, #tpu.memory_space<hbm>>
    %dma_start3A_25 = arith.constant 0 : i32
    %dma_start3A_26 = arith.constant 0 : i32
    %dma_start3A_27 = tpu.memref_slice %dma_start3A_24[%dma_start3A_25, %dma_start3A_26] : memref<10000x128xf32, #tpu.memory_space<hbm>> -> memref<10000x128xf32, #tpu.memory_space<hbm>>
    tpu.enqueue_indirect_dma source(%dma_start3A_27 : memref<10000x128xf32, #tpu.memory_space<hbm>>) target(%arg10 : memref<126x128xf32, #tpu.memory_space<vmem>>) offsets(%dma_start3A_20 : memref<126xi32, #tpu.memory_space<vmem>>) semaphore(%arg13 : memref<!tpu.dma_semaphore, #tpu.memory_space<semaphore_mem>>)
    %dma_wait3A = arith.constant 38 : i32
    %dma_wait3A_28 = arith.constant 0 : i32
    %dma_wait3A_29 = tpu.memref_slice %arg7[%dma_wait3A, %dma_wait3A_28] : memref<40x126xi32, #tpu.memory_space<vmem>> -> memref<1x126xi32, #tpu.memory_space<vmem>>
    %dma_wait3A_30 = tpu.memref_squeeze %dma_wait3A_29 : memref<1x126xi32, #tpu.memory_space<vmem>> -> memref<126xi32, #tpu.memory_space<vmem>>
    %dma_wait3A_31 = arith.constant 0 : i32
    %dma_wait3A_32 = arith.constant 0 : i32
    %dma_wait3A_33 = tpu.memref_slice %arg2[%arg0, %dma_wait3A_31, %dma_wait3A_32] : memref<2x10000x128xf32, #tpu.memory_space<hbm>> -> memref<1x10000x128xf32, #tpu.memory_space<hbm>>
    %dma_wait3A_34 = tpu.memref_squeeze %dma_wait3A_33 : memref<1x10000x128xf32, #tpu.memory_space<hbm>> -> memref<10000x128xf32, #tpu.memory_space<hbm>>
    %dma_wait3A_35 = arith.constant 0 : i32
    %dma_wait3A_36 = arith.constant 0 : i32
    %dma_wait3A_37 = tpu.memref_slice %dma_wait3A_34[%dma_wait3A_35, %dma_wait3A_36] : memref<10000x128xf32, #tpu.memory_space<hbm>> -> memref<10000x128xf32, #tpu.memory_space<hbm>>
    tpu.wait_indirect_dma semaphore(%arg12 : memref<!tpu.dma_semaphore, #tpu.memory_space<semaphore_mem>>) src(%dma_wait3A_37 : memref<10000x128xf32, #tpu.memory_space<hbm>>) dst(%arg9 : memref<126x128xf32, #tpu.memory_space<vmem>>)
    %run_scoped3A_38 = arith.constant 38 : i32
    "tpu.region"() ({
      %run_scoped3A_110 = tpu.sem_alloc : memref<!tpu.dma_semaphore, #tpu.memory_space<semaphore_mem>>
      %dma_start3A_111 = arith.constant 0 : i32
      %dma_start3A_112 = tpu.memref_slice %arg8[%run_scoped3A_38, %dma_start3A_111] : memref<40x126xi32, #tpu.memory_space<vmem>> -> memref<1x126xi32, #tpu.memory_space<vmem>>
      %dma_start3A_113 = tpu.memref_squeeze %dma_start3A_112 : memref<1x126xi32, #tpu.memory_space<vmem>> -> memref<126xi32, #tpu.memory_space<vmem>>
      %dma_start3A_114 = arith.constant 0 : i32
      %dma_start3A_115 = arith.constant 0 : i32
      %dma_start3A_116 = tpu.memref_slice %arg11[%dma_start3A_114, %dma_start3A_115] : memref<10240x128xf32, #tpu.memory_space<vmem_shared>> -> memref<10240x128xf32, #tpu.memory_space<vmem_shared>>
      tpu.enqueue_indirect_dma source(%arg9 : memref<126x128xf32, #tpu.memory_space<vmem>>) target(%dma_start3A_116 : memref<10240x128xf32, #tpu.memory_space<vmem_shared>>) offsets(%dma_start3A_113 : memref<126xi32, #tpu.memory_space<vmem>>) semaphore(%run_scoped3A_110 : memref<!tpu.dma_semaphore, #tpu.memory_space<semaphore_mem>>) {add = true}
      %dma_wait3A_117 = arith.constant 0 : i32
      %dma_wait3A_118 = tpu.memref_slice %arg8[%run_scoped3A_38, %dma_wait3A_117] : memref<40x126xi32, #tpu.memory_space<vmem>> -> memref<1x126xi32, #tpu.memory_space<vmem>>
      %dma_wait3A_119 = tpu.memref_squeeze %dma_wait3A_118 : memref<1x126xi32, #tpu.memory_space<vmem>> -> memref<126xi32, #tpu.memory_space<vmem>>
      %dma_wait3A_120 = arith.constant 0 : i32
      %dma_wait3A_121 = arith.constant 0 : i32
      %dma_wait3A_122 = tpu.memref_slice %arg11[%dma_wait3A_120, %dma_wait3A_121] : memref<10240x128xf32, #tpu.memory_space<vmem_shared>> -> memref<10240x128xf32, #tpu.memory_space<vmem_shared>>
      tpu.wait_indirect_dma semaphore(%run_scoped3A_110 : memref<!tpu.dma_semaphore, #tpu.memory_space<semaphore_mem>>) src(%arg9 : memref<126x128xf32, #tpu.memory_space<vmem>>) dst(%dma_wait3A_122 : memref<10240x128xf32, #tpu.memory_space<vmem_shared>>)
      tpu.yield
    }) : () -> ()
    %dma_wait3A_39 = arith.constant 39 : i32
    %dma_wait3A_40 = arith.constant 0 : i32
    %dma_wait3A_41 = tpu.memref_slice %arg7[%dma_wait3A_39, %dma_wait3A_40] : memref<40x126xi32, #tpu.memory_space<vmem>> -> memref<1x126xi32, #tpu.memory_space<vmem>>
    %dma_wait3A_42 = tpu.memref_squeeze %dma_wait3A_41 : memref<1x126xi32, #tpu.memory_space<vmem>> -> memref<126xi32, #tpu.memory_space<vmem>>
    %dma_wait3A_43 = arith.constant 0 : i32
    %dma_wait3A_44 = arith.constant 0 : i32
    %dma_wait3A_45 = tpu.memref_slice %arg2[%arg0, %dma_wait3A_43, %dma_wait3A_44] : memref<2x10000x128xf32, #tpu.memory_space<hbm>> -> memref<1x10000x128xf32, #tpu.memory_space<hbm>>
    %dma_wait3A_46 = tpu.memref_squeeze %dma_wait3A_45 : memref<1x10000x128xf32, #tpu.memory_space<hbm>> -> memref<10000x128xf32, #tpu.memory_space<hbm>>
    %dma_wait3A_47 = arith.constant 0 : i32
    %dma_wait3A_48 = arith.constant 0 : i32
    %dma_wait3A_49 = tpu.memref_slice %dma_wait3A_46[%dma_wait3A_47, %dma_wait3A_48] : memref<10000x128xf32, #tpu.memory_space<hbm>> -> memref<10000x128xf32, #tpu.memory_space<hbm>>
    tpu.wait_indirect_dma semaphore(%arg13 : memref<!tpu.dma_semaphore, #tpu.memory_space<semaphore_mem>>) src(%dma_wait3A_49 : memref<10000x128xf32, #tpu.memory_space<hbm>>) dst(%arg10 : memref<126x128xf32, #tpu.memory_space<vmem>>)
    %run_scoped3A_50 = arith.constant 39 : i32
    "tpu.region"() ({
      %run_scoped3A_110 = tpu.sem_alloc : memref<!tpu.dma_semaphore, #tpu.memory_space<semaphore_mem>>
      %dma_start3A_111 = arith.constant 0 : i32
      %dma_start3A_112 = tpu.memref_slice %arg8[%run_scoped3A_50, %dma_start3A_111] : memref<40x126xi32, #tpu.memory_space<vmem>> -> memref<1x126xi32, #tpu.memory_space<vmem>>
      %dma_start3A_113 = tpu.memref_squeeze %dma_start3A_112 : memref<1x126xi32, #tpu.memory_space<vmem>> -> memref<126xi32, #tpu.memory_space<vmem>>
      %dma_start3A_114 = arith.constant 0 : i32
      %dma_start3A_115 = arith.constant 0 : i32
      %dma_start3A_116 = tpu.memref_slice %arg11[%dma_start3A_114, %dma_start3A_115] : memref<10240x128xf32, #tpu.memory_space<vmem_shared>> -> memref<10240x128xf32, #tpu.memory_space<vmem_shared>>
      tpu.enqueue_indirect_dma source(%arg10 : memref<126x128xf32, #tpu.memory_space<vmem>>) target(%dma_start3A_116 : memref<10240x128xf32, #tpu.memory_space<vmem_shared>>) offsets(%dma_start3A_113 : memref<126xi32, #tpu.memory_space<vmem>>) semaphore(%run_scoped3A_110 : memref<!tpu.dma_semaphore, #tpu.memory_space<semaphore_mem>>) {add = true}
      %dma_wait3A_117 = arith.constant 0 : i32
      %dma_wait3A_118 = tpu.memref_slice %arg8[%run_scoped3A_50, %dma_wait3A_117] : memref<40x126xi32, #tpu.memory_space<vmem>> -> memref<1x126xi32, #tpu.memory_space<vmem>>
      %dma_wait3A_119 = tpu.memref_squeeze %dma_wait3A_118 : memref<1x126xi32, #tpu.memory_space<vmem>> -> memref<126xi32, #tpu.memory_space<vmem>>
      %dma_wait3A_120 = arith.constant 0 : i32
      %dma_wait3A_121 = arith.constant 0 : i32
      %dma_wait3A_122 = tpu.memref_slice %arg11[%dma_wait3A_120, %dma_wait3A_121] : memref<10240x128xf32, #tpu.memory_space<vmem_shared>> -> memref<10240x128xf32, #tpu.memory_space<vmem_shared>>
      tpu.wait_indirect_dma semaphore(%run_scoped3A_110 : memref<!tpu.dma_semaphore, #tpu.memory_space<semaphore_mem>>) src(%arg10 : memref<126x128xf32, #tpu.memory_space<vmem>>) dst(%dma_wait3A_122 : memref<10240x128xf32, #tpu.memory_space<vmem_shared>>)
      tpu.yield
    }) : () -> ()
    %run_scoped3A_51 = arith.constant 1 : i32
    "tpu.region"() ({
      %run_scoped3A_110 = tpu.sem_alloc : memref<!tpu.dma_semaphore, #tpu.memory_space<semaphore_mem>>
      %dma_start3A_111 = arith.constant 0 : i32
      %dma_start3A_112 = arith.constant 0 : i32
      %dma_start3A_113 = tpu.memref_slice %arg3[%arg1, %run_scoped3A_51, %dma_start3A_111, %dma_start3A_112] : memref<16x2x40x126xi32, #tpu.memory_space<hbm>> -> memref<1x1x40x126xi32, #tpu.memory_space<hbm>>
      %dma_start3A_114 = tpu.memref_squeeze %dma_start3A_113 : memref<1x1x40x126xi32, #tpu.memory_space<hbm>> -> memref<40x126xi32, #tpu.memory_space<hbm>>
      %dma_start3A_115 = arith.constant 0 : i32
      %dma_start3A_116 = arith.constant 0 : i32
      %dma_start3A_117 = tpu.memref_slice %arg3[%arg1, %run_scoped3A_51, %dma_start3A_115, %dma_start3A_116] : memref<16x2x40x126xi32, #tpu.memory_space<hbm>> -> memref<1x1x40x126xi32, #tpu.memory_space<hbm>>
      %dma_start3A_118 = tpu.memref_squeeze %dma_start3A_117 : memref<1x1x40x126xi32, #tpu.memory_space<hbm>> -> memref<40x126xi32, #tpu.memory_space<hbm>>
      tpu.enqueue_dma source(%dma_start3A_118 : memref<40x126xi32, #tpu.memory_space<hbm>>) target(%arg7 : memref<40x126xi32, #tpu.memory_space<vmem>>) target_semaphore(%run_scoped3A_110 : memref<!tpu.dma_semaphore, #tpu.memory_space<semaphore_mem>>)
      %dma_wait3A_119 = arith.constant 0 : i32
      %dma_wait3A_120 = arith.constant 0 : i32
      %dma_wait3A_121 = tpu.memref_slice %arg3[%arg1, %run_scoped3A_51, %dma_wait3A_119, %dma_wait3A_120] : memref<16x2x40x126xi32, #tpu.memory_space<hbm>> -> memref<1x1x40x126xi32, #tpu.memory_space<hbm>>
      %dma_wait3A_122 = tpu.memref_squeeze %dma_wait3A_121 : memref<1x1x40x126xi32, #tpu.memory_space<hbm>> -> memref<40x126xi32, #tpu.memory_space<hbm>>
      %dma_wait3A_123 = arith.constant 0 : i32
      %dma_wait3A_124 = arith.constant 0 : i32
      %dma_wait3A_125 = tpu.memref_slice %arg3[%arg1, %run_scoped3A_51, %dma_wait3A_123, %dma_wait3A_124] : memref<16x2x40x126xi32, #tpu.memory_space<hbm>> -> memref<1x1x40x126xi32, #tpu.memory_space<hbm>>
      %dma_wait3A_126 = tpu.memref_squeeze %dma_wait3A_125 : memref<1x1x40x126xi32, #tpu.memory_space<hbm>> -> memref<40x126xi32, #tpu.memory_space<hbm>>
      tpu.wait_dma2 semaphore(%run_scoped3A_110 : memref<!tpu.dma_semaphore, #tpu.memory_space<semaphore_mem>>) src(%dma_wait3A_126 : memref<40x126xi32, #tpu.memory_space<hbm>>) dst(%arg7 : memref<40x126xi32, #tpu.memory_space<vmem>>)
      tpu.yield
    }) : () -> ()
    %run_scoped3A_52 = arith.constant 1 : i32
    "tpu.region"() ({
      %run_scoped3A_110 = tpu.sem_alloc : memref<!tpu.dma_semaphore, #tpu.memory_space<semaphore_mem>>
      %dma_start3A_111 = arith.constant 0 : i32
      %dma_start3A_112 = arith.constant 0 : i32
      %dma_start3A_113 = tpu.memref_slice %arg4[%arg1, %run_scoped3A_52, %dma_start3A_111, %dma_start3A_112] : memref<16x2x40x126xi32, #tpu.memory_space<hbm>> -> memref<1x1x40x126xi32, #tpu.memory_space<hbm>>
      %dma_start3A_114 = tpu.memref_squeeze %dma_start3A_113 : memref<1x1x40x126xi32, #tpu.memory_space<hbm>> -> memref<40x126xi32, #tpu.memory_space<hbm>>
      %dma_start3A_115 = arith.constant 0 : i32
      %dma_start3A_116 = arith.constant 0 : i32
      %dma_start3A_117 = tpu.memref_slice %arg4[%arg1, %run_scoped3A_52, %dma_start3A_115, %dma_start3A_116] : memref<16x2x40x126xi32, #tpu.memory_space<hbm>> -> memref<1x1x40x126xi32, #tpu.memory_space<hbm>>
      %dma_start3A_118 = tpu.memref_squeeze %dma_start3A_117 : memref<1x1x40x126xi32, #tpu.memory_space<hbm>> -> memref<40x126xi32, #tpu.memory_space<hbm>>
      tpu.enqueue_dma source(%dma_start3A_118 : memref<40x126xi32, #tpu.memory_space<hbm>>) target(%arg8 : memref<40x126xi32, #tpu.memory_space<vmem>>) target_semaphore(%run_scoped3A_110 : memref<!tpu.dma_semaphore, #tpu.memory_space<semaphore_mem>>)
      %dma_wait3A_119 = arith.constant 0 : i32
      %dma_wait3A_120 = arith.constant 0 : i32
      %dma_wait3A_121 = tpu.memref_slice %arg4[%arg1, %run_scoped3A_52, %dma_wait3A_119, %dma_wait3A_120] : memref<16x2x40x126xi32, #tpu.memory_space<hbm>> -> memref<1x1x40x126xi32, #tpu.memory_space<hbm>>
      %dma_wait3A_122 = tpu.memref_squeeze %dma_wait3A_121 : memref<1x1x40x126xi32, #tpu.memory_space<hbm>> -> memref<40x126xi32, #tpu.memory_space<hbm>>
      %dma_wait3A_123 = arith.constant 0 : i32
      %dma_wait3A_124 = arith.constant 0 : i32
      %dma_wait3A_125 = tpu.memref_slice %arg4[%arg1, %run_scoped3A_52, %dma_wait3A_123, %dma_wait3A_124] : memref<16x2x40x126xi32, #tpu.memory_space<hbm>> -> memref<1x1x40x126xi32, #tpu.memory_space<hbm>>
      %dma_wait3A_126 = tpu.memref_squeeze %dma_wait3A_125 : memref<1x1x40x126xi32, #tpu.memory_space<hbm>> -> memref<40x126xi32, #tpu.memory_space<hbm>>
      tpu.wait_dma2 semaphore(%run_scoped3A_110 : memref<!tpu.dma_semaphore, #tpu.memory_space<semaphore_mem>>) src(%dma_wait3A_126 : memref<40x126xi32, #tpu.memory_space<hbm>>) dst(%arg8 : memref<40x126xi32, #tpu.memory_space<vmem>>)
      tpu.yield
    }) : () -> ()
    %dma_start3A_53 = arith.constant 0 : i32
    %dma_start3A_54 = arith.constant 0 : i32
    %dma_start3A_55 = tpu.memref_slice %arg7[%dma_start3A_53, %dma_start3A_54] : memref<40x126xi32, #tpu.memory_space<vmem>> -> memref<1x126xi32, #tpu.memory_space<vmem>>
    %dma_start3A_56 = tpu.memref_squeeze %dma_start3A_55 : memref<1x126xi32, #tpu.memory_space<vmem>> -> memref<126xi32, #tpu.memory_space<vmem>>
    %dma_start3A_57 = arith.constant 0 : i32
    %dma_start3A_58 = arith.constant 0 : i32
    %dma_start3A_59 = tpu.memref_slice %arg2[%arg0, %dma_start3A_57, %dma_start3A_58] : memref<2x10000x128xf32, #tpu.memory_space<hbm>> -> memref<1x10000x128xf32, #tpu.memory_space<hbm>>
    %dma_start3A_60 = tpu.memref_squeeze %dma_start3A_59 : memref<1x10000x128xf32, #tpu.memory_space<hbm>> -> memref<10000x128xf32, #tpu.memory_space<hbm>>
    %dma_start3A_61 = arith.constant 0 : i32
    %dma_start3A_62 = arith.constant 0 : i32
    %dma_start3A_63 = tpu.memref_slice %dma_start3A_60[%dma_start3A_61, %dma_start3A_62] : memref<10000x128xf32, #tpu.memory_space<hbm>> -> memref<10000x128xf32, #tpu.memory_space<hbm>>
    tpu.enqueue_indirect_dma source(%dma_start3A_63 : memref<10000x128xf32, #tpu.memory_space<hbm>>) target(%arg9 : memref<126x128xf32, #tpu.memory_space<vmem>>) offsets(%dma_start3A_56 : memref<126xi32, #tpu.memory_space<vmem>>) semaphore(%arg12 : memref<!tpu.dma_semaphore, #tpu.memory_space<semaphore_mem>>)
    %scan3A_64 = arith.constant 0 : i32
    %scan3A_65 = arith.constant 0 : i32
    %scan3A_66 = arith.constant 19 : i32
    %scan3A_67 = arith.addi %scan3A_65, %scan3A_66 : i32
    %scan3A_68 = arith.constant 1 : i32
    scf.for %scan3A_110 = %scan3A_65 to %scan3A_67 step %scan3A_68  : i32 {
      %mul3A_111 = arith.constant 2 : i32
      %mul3A_112 = arith.muli %mul3A_111, %scan3A_110 : i32
      %add3A = arith.constant 1 : i32
      %add3A_113 = arith.addi %mul3A_112, %add3A : i32
      %dma_start3A_114 = arith.constant 0 : i32
      %dma_start3A_115 = tpu.memref_slice %arg7[%add3A_113, %dma_start3A_114] : memref<40x126xi32, #tpu.memory_space<vmem>> -> memref<1x126xi32, #tpu.memory_space<vmem>>
      %dma_start3A_116 = tpu.memref_squeeze %dma_start3A_115 : memref<1x126xi32, #tpu.memory_space<vmem>> -> memref<126xi32, #tpu.memory_space<vmem>>
      %dma_start3A_117 = arith.constant 0 : i32
      %dma_start3A_118 = arith.constant 0 : i32
      %dma_start3A_119 = tpu.memref_slice %arg2[%arg0, %dma_start3A_117, %dma_start3A_118] : memref<2x10000x128xf32, #tpu.memory_space<hbm>> -> memref<1x10000x128xf32, #tpu.memory_space<hbm>>
      %dma_start3A_120 = tpu.memref_squeeze %dma_start3A_119 : memref<1x10000x128xf32, #tpu.memory_space<hbm>> -> memref<10000x128xf32, #tpu.memory_space<hbm>>
      %dma_start3A_121 = arith.constant 0 : i32
      %dma_start3A_122 = arith.constant 0 : i32
      %dma_start3A_123 = tpu.memref_slice %dma_start3A_120[%dma_start3A_121, %dma_start3A_122] : memref<10000x128xf32, #tpu.memory_space<hbm>> -> memref<10000x128xf32, #tpu.memory_space<hbm>>
      tpu.enqueue_indirect_dma source(%dma_start3A_123 : memref<10000x128xf32, #tpu.memory_space<hbm>>) target(%arg10 : memref<126x128xf32, #tpu.memory_space<vmem>>) offsets(%dma_start3A_116 : memref<126xi32, #tpu.memory_space<vmem>>) semaphore(%arg13 : memref<!tpu.dma_semaphore, #tpu.memory_space<semaphore_mem>>)
      %dma_wait3A_124 = arith.constant 0 : i32
      %dma_wait3A_125 = tpu.memref_slice %arg7[%mul3A_112, %dma_wait3A_124] : memref<40x126xi32, #tpu.memory_space<vmem>> -> memref<1x126xi32, #tpu.memory_space<vmem>>
      %dma_wait3A_126 = tpu.memref_squeeze %dma_wait3A_125 : memref<1x126xi32, #tpu.memory_space<vmem>> -> memref<126xi32, #tpu.memory_space<vmem>>
      %dma_wait3A_127 = arith.constant 0 : i32
      %dma_wait3A_128 = arith.constant 0 : i32
      %dma_wait3A_129 = tpu.memref_slice %arg2[%arg0, %dma_wait3A_127, %dma_wait3A_128] : memref<2x10000x128xf32, #tpu.memory_space<hbm>> -> memref<1x10000x128xf32, #tpu.memory_space<hbm>>
      %dma_wait3A_130 = tpu.memref_squeeze %dma_wait3A_129 : memref<1x10000x128xf32, #tpu.memory_space<hbm>> -> memref<10000x128xf32, #tpu.memory_space<hbm>>
      %dma_wait3A_131 = arith.constant 0 : i32
      %dma_wait3A_132 = arith.constant 0 : i32
      %dma_wait3A_133 = tpu.memref_slice %dma_wait3A_130[%dma_wait3A_131, %dma_wait3A_132] : memref<10000x128xf32, #tpu.memory_space<hbm>> -> memref<10000x128xf32, #tpu.memory_space<hbm>>
      tpu.wait_indirect_dma semaphore(%arg12 : memref<!tpu.dma_semaphore, #tpu.memory_space<semaphore_mem>>) src(%dma_wait3A_133 : memref<10000x128xf32, #tpu.memory_space<hbm>>) dst(%arg9 : memref<126x128xf32, #tpu.memory_space<vmem>>)
      "tpu.region"() ({
        %run_scoped3A_160 = tpu.sem_alloc : memref<!tpu.dma_semaphore, #tpu.memory_space<semaphore_mem>>
        %dma_start3A_161 = arith.constant 0 : i32
        %dma_start3A_162 = tpu.memref_slice %arg8[%mul3A_112, %dma_start3A_161] : memref<40x126xi32, #tpu.memory_space<vmem>> -> memref<1x126xi32, #tpu.memory_space<vmem>>
        %dma_start3A_163 = tpu.memref_squeeze %dma_start3A_162 : memref<1x126xi32, #tpu.memory_space<vmem>> -> memref<126xi32, #tpu.memory_space<vmem>>
        %dma_start3A_164 = arith.constant 0 : i32
        %dma_start3A_165 = arith.constant 0 : i32
        %dma_start3A_166 = tpu.memref_slice %arg11[%dma_start3A_164, %dma_start3A_165] : memref<10240x128xf32, #tpu.memory_space<vmem_shared>> -> memref<10240x128xf32, #tpu.memory_space<vmem_shared>>
        tpu.enqueue_indirect_dma source(%arg9 : memref<126x128xf32, #tpu.memory_space<vmem>>) target(%dma_start3A_166 : memref<10240x128xf32, #tpu.memory_space<vmem_shared>>) offsets(%dma_start3A_163 : memref<126xi32, #tpu.memory_space<vmem>>) semaphore(%run_scoped3A_160 : memref<!tpu.dma_semaphore, #tpu.memory_space<semaphore_mem>>) {add = true}
        %dma_wait3A_167 = arith.constant 0 : i32
        %dma_wait3A_168 = tpu.memref_slice %arg8[%mul3A_112, %dma_wait3A_167] : memref<40x126xi32, #tpu.memory_space<vmem>> -> memref<1x126xi32, #tpu.memory_space<vmem>>
        %dma_wait3A_169 = tpu.memref_squeeze %dma_wait3A_168 : memref<1x126xi32, #tpu.memory_space<vmem>> -> memref<126xi32, #tpu.memory_space<vmem>>
        %dma_wait3A_170 = arith.constant 0 : i32
        %dma_wait3A_171 = arith.constant 0 : i32
        %dma_wait3A_172 = tpu.memref_slice %arg11[%dma_wait3A_170, %dma_wait3A_171] : memref<10240x128xf32, #tpu.memory_space<vmem_shared>> -> memref<10240x128xf32, #tpu.memory_space<vmem_shared>>
        tpu.wait_indirect_dma semaphore(%run_scoped3A_160 : memref<!tpu.dma_semaphore, #tpu.memory_space<semaphore_mem>>) src(%arg9 : memref<126x128xf32, #tpu.memory_space<vmem>>) dst(%dma_wait3A_172 : memref<10240x128xf32, #tpu.memory_space<vmem_shared>>)
        tpu.yield
      }) : () -> ()
      %add3A_134 = arith.constant 2 : i32
      %add3A_135 = arith.addi %mul3A_112, %add3A_134 : i32
      %dma_start3A_136 = arith.constant 0 : i32
      %dma_start3A_137 = tpu.memref_slice %arg7[%add3A_135, %dma_start3A_136] : memref<40x126xi32, #tpu.memory_space<vmem>> -> memref<1x126xi32, #tpu.memory_space<vmem>>
      %dma_start3A_138 = tpu.memref_squeeze %dma_start3A_137 : memref<1x126xi32, #tpu.memory_space<vmem>> -> memref<126xi32, #tpu.memory_space<vmem>>
      %dma_start3A_139 = arith.constant 0 : i32
      %dma_start3A_140 = arith.constant 0 : i32
      %dma_start3A_141 = tpu.memref_slice %arg2[%arg0, %dma_start3A_139, %dma_start3A_140] : memref<2x10000x128xf32, #tpu.memory_space<hbm>> -> memref<1x10000x128xf32, #tpu.memory_space<hbm>>
      %dma_start3A_142 = tpu.memref_squeeze %dma_start3A_141 : memref<1x10000x128xf32, #tpu.memory_space<hbm>> -> memref<10000x128xf32, #tpu.memory_space<hbm>>
      %dma_start3A_143 = arith.constant 0 : i32
      %dma_start3A_144 = arith.constant 0 : i32
      %dma_start3A_145 = tpu.memref_slice %dma_start3A_142[%dma_start3A_143, %dma_start3A_144] : memref<10000x128xf32, #tpu.memory_space<hbm>> -> memref<10000x128xf32, #tpu.memory_space<hbm>>
      tpu.enqueue_indirect_dma source(%dma_start3A_145 : memref<10000x128xf32, #tpu.memory_space<hbm>>) target(%arg9 : memref<126x128xf32, #tpu.memory_space<vmem>>) offsets(%dma_start3A_138 : memref<126xi32, #tpu.memory_space<vmem>>) semaphore(%arg12 : memref<!tpu.dma_semaphore, #tpu.memory_space<semaphore_mem>>)
      %add3A_146 = arith.constant 1 : i32
      %add3A_147 = arith.addi %mul3A_112, %add3A_146 : i32
      %dma_wait3A_148 = arith.constant 0 : i32
      %dma_wait3A_149 = tpu.memref_slice %arg7[%add3A_147, %dma_wait3A_148] : memref<40x126xi32, #tpu.memory_space<vmem>> -> memref<1x126xi32, #tpu.memory_space<vmem>>
      %dma_wait3A_150 = tpu.memref_squeeze %dma_wait3A_149 : memref<1x126xi32, #tpu.memory_space<vmem>> -> memref<126xi32, #tpu.memory_space<vmem>>
      %dma_wait3A_151 = arith.constant 0 : i32
      %dma_wait3A_152 = arith.constant 0 : i32
      %dma_wait3A_153 = tpu.memref_slice %arg2[%arg0, %dma_wait3A_151, %dma_wait3A_152] : memref<2x10000x128xf32, #tpu.memory_space<hbm>> -> memref<1x10000x128xf32, #tpu.memory_space<hbm>>
      %dma_wait3A_154 = tpu.memref_squeeze %dma_wait3A_153 : memref<1x10000x128xf32, #tpu.memory_space<hbm>> -> memref<10000x128xf32, #tpu.memory_space<hbm>>
      %dma_wait3A_155 = arith.constant 0 : i32
      %dma_wait3A_156 = arith.constant 0 : i32
      %dma_wait3A_157 = tpu.memref_slice %dma_wait3A_154[%dma_wait3A_155, %dma_wait3A_156] : memref<10000x128xf32, #tpu.memory_space<hbm>> -> memref<10000x128xf32, #tpu.memory_space<hbm>>
      tpu.wait_indirect_dma semaphore(%arg13 : memref<!tpu.dma_semaphore, #tpu.memory_space<semaphore_mem>>) src(%dma_wait3A_157 : memref<10000x128xf32, #tpu.memory_space<hbm>>) dst(%arg10 : memref<126x128xf32, #tpu.memory_space<vmem>>)
      %add3A_158 = arith.constant 1 : i32
      %add3A_159 = arith.addi %mul3A_112, %add3A_158 : i32
      "tpu.region"() ({
        %run_scoped3A_160 = tpu.sem_alloc : memref<!tpu.dma_semaphore, #tpu.memory_space<semaphore_mem>>
        %dma_start3A_161 = arith.constant 0 : i32
        %dma_start3A_162 = tpu.memref_slice %arg8[%add3A_159, %dma_start3A_161] : memref<40x126xi32, #tpu.memory_space<vmem>> -> memref<1x126xi32, #tpu.memory_space<vmem>>
        %dma_start3A_163 = tpu.memref_squeeze %dma_start3A_162 : memref<1x126xi32, #tpu.memory_space<vmem>> -> memref<126xi32, #tpu.memory_space<vmem>>
        %dma_start3A_164 = arith.constant 0 : i32
        %dma_start3A_165 = arith.constant 0 : i32
        %dma_start3A_166 = tpu.memref_slice %arg11[%dma_start3A_164, %dma_start3A_165] : memref<10240x128xf32, #tpu.memory_space<vmem_shared>> -> memref<10240x128xf32, #tpu.memory_space<vmem_shared>>
        tpu.enqueue_indirect_dma source(%arg10 : memref<126x128xf32, #tpu.memory_space<vmem>>) target(%dma_start3A_166 : memref<10240x128xf32, #tpu.memory_space<vmem_shared>>) offsets(%dma_start3A_163 : memref<126xi32, #tpu.memory_space<vmem>>) semaphore(%run_scoped3A_160 : memref<!tpu.dma_semaphore, #tpu.memory_space<semaphore_mem>>) {add = true}
        %dma_wait3A_167 = arith.constant 0 : i32
        %dma_wait3A_168 = tpu.memref_slice %arg8[%add3A_159, %dma_wait3A_167] : memref<40x126xi32, #tpu.memory_space<vmem>> -> memref<1x126xi32, #tpu.memory_space<vmem>>
        %dma_wait3A_169 = tpu.memref_squeeze %dma_wait3A_168 : memref<1x126xi32, #tpu.memory_space<vmem>> -> memref<126xi32, #tpu.memory_space<vmem>>
        %dma_wait3A_170 = arith.constant 0 : i32
        %dma_wait3A_171 = arith.constant 0 : i32
        %dma_wait3A_172 = tpu.memref_slice %arg11[%dma_wait3A_170, %dma_wait3A_171] : memref<10240x128xf32, #tpu.memory_space<vmem_shared>> -> memref<10240x128xf32, #tpu.memory_space<vmem_shared>>
        tpu.wait_indirect_dma semaphore(%run_scoped3A_160 : memref<!tpu.dma_semaphore, #tpu.memory_space<semaphore_mem>>) src(%arg10 : memref<126x128xf32, #tpu.memory_space<vmem>>) dst(%dma_wait3A_172 : memref<10240x128xf32, #tpu.memory_space<vmem_shared>>)
        tpu.yield
      }) : () -> ()
    }
    %scan3A_69 = arith.constant 19 : i32
    %dma_start3A_70 = arith.constant 39 : i32
    %dma_start3A_71 = arith.constant 0 : i32
    %dma_start3A_72 = tpu.memref_slice %arg7[%dma_start3A_70, %dma_start3A_71] : memref<40x126xi32, #tpu.memory_space<vmem>> -> memref<1x126xi32, #tpu.memory_space<vmem>>
    %dma_start3A_73 = tpu.memref_squeeze %dma_start3A_72 : memref<1x126xi32, #tpu.memory_space<vmem>> -> memref<126xi32, #tpu.memory_space<vmem>>
    %dma_start3A_74 = arith.constant 0 : i32
    %dma_start3A_75 = arith.constant 0 : i32
    %dma_start3A_76 = tpu.memref_slice %arg2[%arg0, %dma_start3A_74, %dma_start3A_75] : memref<2x10000x128xf32, #tpu.memory_space<hbm>> -> memref<1x10000x128xf32, #tpu.memory_space<hbm>>
    %dma_start3A_77 = tpu.memref_squeeze %dma_start3A_76 : memref<1x10000x128xf32, #tpu.memory_space<hbm>> -> memref<10000x128xf32, #tpu.memory_space<hbm>>
    %dma_start3A_78 = arith.constant 0 : i32
    %dma_start3A_79 = arith.constant 0 : i32
    %dma_start3A_80 = tpu.memref_slice %dma_start3A_77[%dma_start3A_78, %dma_start3A_79] : memref<10000x128xf32, #tpu.memory_space<hbm>> -> memref<10000x128xf32, #tpu.memory_space<hbm>>
    tpu.enqueue_indirect_dma source(%dma_start3A_80 : memref<10000x128xf32, #tpu.memory_space<hbm>>) target(%arg10 : memref<126x128xf32, #tpu.memory_space<vmem>>) offsets(%dma_start3A_73 : memref<126xi32, #tpu.memory_space<vmem>>) semaphore(%arg13 : memref<!tpu.dma_semaphore, #tpu.memory_space<semaphore_mem>>)
    %dma_wait3A_81 = arith.constant 38 : i32
    %dma_wait3A_82 = arith.constant 0 : i32
    %dma_wait3A_83 = tpu.memref_slice %arg7[%dma_wait3A_81, %dma_wait3A_82] : memref<40x126xi32, #tpu.memory_space<vmem>> -> memref<1x126xi32, #tpu.memory_space<vmem>>
    %dma_wait3A_84 = tpu.memref_squeeze %dma_wait3A_83 : memref<1x126xi32, #tpu.memory_space<vmem>> -> memref<126xi32, #tpu.memory_space<vmem>>
    %dma_wait3A_85 = arith.constant 0 : i32
    %dma_wait3A_86 = arith.constant 0 : i32
    %dma_wait3A_87 = tpu.memref_slice %arg2[%arg0, %dma_wait3A_85, %dma_wait3A_86] : memref<2x10000x128xf32, #tpu.memory_space<hbm>> -> memref<1x10000x128xf32, #tpu.memory_space<hbm>>
    %dma_wait3A_88 = tpu.memref_squeeze %dma_wait3A_87 : memref<1x10000x128xf32, #tpu.memory_space<hbm>> -> memref<10000x128xf32, #tpu.memory_space<hbm>>
    %dma_wait3A_89 = arith.constant 0 : i32
    %dma_wait3A_90 = arith.constant 0 : i32
    %dma_wait3A_91 = tpu.memref_slice %dma_wait3A_88[%dma_wait3A_89, %dma_wait3A_90] : memref<10000x128xf32, #tpu.memory_space<hbm>> -> memref<10000x128xf32, #tpu.memory_space<hbm>>
    tpu.wait_indirect_dma semaphore(%arg12 : memref<!tpu.dma_semaphore, #tpu.memory_space<semaphore_mem>>) src(%dma_wait3A_91 : memref<10000x128xf32, #tpu.memory_space<hbm>>) dst(%arg9 : memref<126x128xf32, #tpu.memory_space<vmem>>)
    %run_scoped3A_92 = arith.constant 38 : i32
    "tpu.region"() ({
      %run_scoped3A_110 = tpu.sem_alloc : memref<!tpu.dma_semaphore, #tpu.memory_space<semaphore_mem>>
      %dma_start3A_111 = arith.constant 0 : i32
      %dma_start3A_112 = tpu.memref_slice %arg8[%run_scoped3A_92, %dma_start3A_111] : memref<40x126xi32, #tpu.memory_space<vmem>> -> memref<1x126xi32, #tpu.memory_space<vmem>>
      %dma_start3A_113 = tpu.memref_squeeze %dma_start3A_112 : memref<1x126xi32, #tpu.memory_space<vmem>> -> memref<126xi32, #tpu.memory_space<vmem>>
      %dma_start3A_114 = arith.constant 0 : i32
      %dma_start3A_115 = arith.constant 0 : i32
      %dma_start3A_116 = tpu.memref_slice %arg11[%dma_start3A_114, %dma_start3A_115] : memref<10240x128xf32, #tpu.memory_space<vmem_shared>> -> memref<10240x128xf32, #tpu.memory_space<vmem_shared>>
      tpu.enqueue_indirect_dma source(%arg9 : memref<126x128xf32, #tpu.memory_space<vmem>>) target(%dma_start3A_116 : memref<10240x128xf32, #tpu.memory_space<vmem_shared>>) offsets(%dma_start3A_113 : memref<126xi32, #tpu.memory_space<vmem>>) semaphore(%run_scoped3A_110 : memref<!tpu.dma_semaphore, #tpu.memory_space<semaphore_mem>>) {add = true}
      %dma_wait3A_117 = arith.constant 0 : i32
      %dma_wait3A_118 = tpu.memref_slice %arg8[%run_scoped3A_92, %dma_wait3A_117] : memref<40x126xi32, #tpu.memory_space<vmem>> -> memref<1x126xi32, #tpu.memory_space<vmem>>
      %dma_wait3A_119 = tpu.memref_squeeze %dma_wait3A_118 : memref<1x126xi32, #tpu.memory_space<vmem>> -> memref<126xi32, #tpu.memory_space<vmem>>
      %dma_wait3A_120 = arith.constant 0 : i32
      %dma_wait3A_121 = arith.constant 0 : i32
      %dma_wait3A_122 = tpu.memref_slice %arg11[%dma_wait3A_120, %dma_wait3A_121] : memref<10240x128xf32, #tpu.memory_space<vmem_shared>> -> memref<10240x128xf32, #tpu.memory_space<vmem_shared>>
      tpu.wait_indirect_dma semaphore(%run_scoped3A_110 : memref<!tpu.dma_semaphore, #tpu.memory_space<semaphore_mem>>) src(%arg9 : memref<126x128xf32, #tpu.memory_space<vmem>>) dst(%dma_wait3A_122 : memref<10240x128xf32, #tpu.memory_space<vmem_shared>>)
      tpu.yield
    }) : () -> ()
    %dma_wait3A_93 = arith.constant 39 : i32
    %dma_wait3A_94 = arith.constant 0 : i32
    %dma_wait3A_95 = tpu.memref_slice %arg7[%dma_wait3A_93, %dma_wait3A_94] : memref<40x126xi32, #tpu.memory_space<vmem>> -> memref<1x126xi32, #tpu.memory_space<vmem>>
    %dma_wait3A_96 = tpu.memref_squeeze %dma_wait3A_95 : memref<1x126xi32, #tpu.memory_space<vmem>> -> memref<126xi32, #tpu.memory_space<vmem>>
    %dma_wait3A_97 = arith.constant 0 : i32
    %dma_wait3A_98 = arith.constant 0 : i32
    %dma_wait3A_99 = tpu.memref_slice %arg2[%arg0, %dma_wait3A_97, %dma_wait3A_98] : memref<2x10000x128xf32, #tpu.memory_space<hbm>> -> memref<1x10000x128xf32, #tpu.memory_space<hbm>>
    %dma_wait3A_100 = tpu.memref_squeeze %dma_wait3A_99 : memref<1x10000x128xf32, #tpu.memory_space<hbm>> -> memref<10000x128xf32, #tpu.memory_space<hbm>>
    %dma_wait3A_101 = arith.constant 0 : i32
    %dma_wait3A_102 = arith.constant 0 : i32
    %dma_wait3A_103 = tpu.memref_slice %dma_wait3A_100[%dma_wait3A_101, %dma_wait3A_102] : memref<10000x128xf32, #tpu.memory_space<hbm>> -> memref<10000x128xf32, #tpu.memory_space<hbm>>
    tpu.wait_indirect_dma semaphore(%arg13 : memref<!tpu.dma_semaphore, #tpu.memory_space<semaphore_mem>>) src(%dma_wait3A_103 : memref<10000x128xf32, #tpu.memory_space<hbm>>) dst(%arg10 : memref<126x128xf32, #tpu.memory_space<vmem>>)
    %run_scoped3A_104 = arith.constant 39 : i32
    "tpu.region"() ({
      %run_scoped3A_110 = tpu.sem_alloc : memref<!tpu.dma_semaphore, #tpu.memory_space<semaphore_mem>>
      %dma_start3A_111 = arith.constant 0 : i32
      %dma_start3A_112 = tpu.memref_slice %arg8[%run_scoped3A_104, %dma_start3A_111] : memref<40x126xi32, #tpu.memory_space<vmem>> -> memref<1x126xi32, #tpu.memory_space<vmem>>
      %dma_start3A_113 = tpu.memref_squeeze %dma_start3A_112 : memref<1x126xi32, #tpu.memory_space<vmem>> -> memref<126xi32, #tpu.memory_space<vmem>>
      %dma_start3A_114 = arith.constant 0 : i32
      %dma_start3A_115 = arith.constant 0 : i32
      %dma_start3A_116 = tpu.memref_slice %arg11[%dma_start3A_114, %dma_start3A_115] : memref<10240x128xf32, #tpu.memory_space<vmem_shared>> -> memref<10240x128xf32, #tpu.memory_space<vmem_shared>>
      tpu.enqueue_indirect_dma source(%arg10 : memref<126x128xf32, #tpu.memory_space<vmem>>) target(%dma_start3A_116 : memref<10240x128xf32, #tpu.memory_space<vmem_shared>>) offsets(%dma_start3A_113 : memref<126xi32, #tpu.memory_space<vmem>>) semaphore(%run_scoped3A_110 : memref<!tpu.dma_semaphore, #tpu.memory_space<semaphore_mem>>) {add = true}
      %dma_wait3A_117 = arith.constant 0 : i32
      %dma_wait3A_118 = tpu.memref_slice %arg8[%run_scoped3A_104, %dma_wait3A_117] : memref<40x126xi32, #tpu.memory_space<vmem>> -> memref<1x126xi32, #tpu.memory_space<vmem>>
      %dma_wait3A_119 = tpu.memref_squeeze %dma_wait3A_118 : memref<1x126xi32, #tpu.memory_space<vmem>> -> memref<126xi32, #tpu.memory_space<vmem>>
      %dma_wait3A_120 = arith.constant 0 : i32
      %dma_wait3A_121 = arith.constant 0 : i32
      %dma_wait3A_122 = tpu.memref_slice %arg11[%dma_wait3A_120, %dma_wait3A_121] : memref<10240x128xf32, #tpu.memory_space<vmem_shared>> -> memref<10240x128xf32, #tpu.memory_space<vmem_shared>>
      tpu.wait_indirect_dma semaphore(%run_scoped3A_110 : memref<!tpu.dma_semaphore, #tpu.memory_space<semaphore_mem>>) src(%arg10 : memref<126x128xf32, #tpu.memory_space<vmem>>) dst(%dma_wait3A_122 : memref<10240x128xf32, #tpu.memory_space<vmem_shared>>)
      tpu.yield
    }) : () -> ()
    %barrier3A_105 = arith.constant 0 : index
    tpu.barrier barrier_id(%barrier3A_105)
    %mul3A_106 = arith.constant 640 : i32
    %mul3A_107 = arith.muli %arg1, %mul3A_106 : i32
    %mul3A_108 = arith.constant 640 : i32
    %mul3A_109 = arith.muli %arg1, %mul3A_108 : i32
    "tpu.region"() ({
      %run_scoped3A_110 = tpu.sem_alloc : memref<!tpu.dma_semaphore, #tpu.memory_space<semaphore_mem>>
      %dma_start3A_111 = arith.constant 0 : i32
      %dma_start3A_112 = tpu.memref_slice %arg6[%arg0, %mul3A_109, %dma_start3A_111] : memref<2x10240x128xf32, #tpu.memory_space<hbm>> -> memref<1x640x128xf32, #tpu.memory_space<hbm>>
      %dma_start3A_113 = tpu.memref_squeeze %dma_start3A_112 : memref<1x640x128xf32, #tpu.memory_space<hbm>> -> memref<640x128xf32, #tpu.memory_space<hbm>>
      %dma_start3A_114 = arith.constant 0 : i32
      %dma_start3A_115 = tpu.memref_slice %arg11[%mul3A_107, %dma_start3A_114] : memref<10240x128xf32, #tpu.memory_space<vmem_shared>> -> memref<640x128xf32, #tpu.memory_space<vmem_shared>>
      tpu.enqueue_dma source(%dma_start3A_115 : memref<640x128xf32, #tpu.memory_space<vmem_shared>>) target(%dma_start3A_113 : memref<640x128xf32, #tpu.memory_space<hbm>>) target_semaphore(%run_scoped3A_110 : memref<!tpu.dma_semaphore, #tpu.memory_space<semaphore_mem>>)
      %dma_wait3A_116 = arith.constant 0 : i32
      %dma_wait3A_117 = tpu.memref_slice %arg6[%arg0, %mul3A_109, %dma_wait3A_116] : memref<2x10240x128xf32, #tpu.memory_space<hbm>> -> memref<1x640x128xf32, #tpu.memory_space<hbm>>
      %dma_wait3A_118 = tpu.memref_squeeze %dma_wait3A_117 : memref<1x640x128xf32, #tpu.memory_space<hbm>> -> memref<640x128xf32, #tpu.memory_space<hbm>>
      %dma_wait3A_119 = arith.constant 0 : i32
      %dma_wait3A_120 = tpu.memref_slice %arg11[%mul3A_107, %dma_wait3A_119] : memref<10240x128xf32, #tpu.memory_space<vmem_shared>> -> memref<640x128xf32, #tpu.memory_space<vmem_shared>>
      tpu.wait_dma2 semaphore(%run_scoped3A_110 : memref<!tpu.dma_semaphore, #tpu.memory_space<semaphore_mem>>) src(%dma_wait3A_120 : memref<640x128xf32, #tpu.memory_space<vmem_shared>>) dst(%dma_wait3A_118 : memref<640x128xf32, #tpu.memory_space<hbm>>)
      tpu.yield
    }) : () -> ()
    return
  }
}

#map = affine_map<(d0, d1) -> (0, 0, 0)>
#map1 = affine_map<(d0, d1) -> (0, 0, 0, 0)>
#map2 = affine_map<(d0, d1) -> (0, 0)>
module attributes {stable_mosaic.version = 14 : i64} {
  func.func @_agg(%arg0: i32, %arg1: i32, %arg2: memref<2x10000x128xf32, #tpu.memory_space<hbm>>, %arg3: memref<16x2x40x126xi32, #tpu.memory_space<hbm>>, %arg4: memref<16x2x40x126xi32, #tpu.memory_space<hbm>>, %arg5: memref<640x128xf32, #tpu.memory_space<hbm>>, %arg6: memref<2x10240x128xf32, #tpu.memory_space<hbm>>, %arg7: memref<40x126xi32, #tpu.memory_space<vmem>>, %arg8: memref<40x126xi32, #tpu.memory_space<vmem>>, %arg9: memref<126x128xf32, #tpu.memory_space<vmem>>, %arg10: memref<126x128xf32, #tpu.memory_space<vmem>>, %arg11: memref<10240x128xf32, #tpu.memory_space<vmem_shared>>, %arg12: memref<!tpu.dma_semaphore, #tpu.memory_space<semaphore_mem>>, %arg13: memref<!tpu.dma_semaphore, #tpu.memory_space<semaphore_mem>>) attributes {dimension_semantics = [#tpu.dimension_semantics<core_parallel>, #tpu.dimension_semantics<subcore_parallel>], iteration_bounds = array<i64: 2, 16>, scalar_prefetch = 0 : i64, scratch_operands = 7 : i64, tpu.core_type = #tpu.core_type<sc_vector_subcore>, window_params = [{transform_indices = #map}, {transform_indices = #map1}, {transform_indices = #map1}, {transform_indices = #map2}, {transform_indices = #map}]} {
    %run_scoped3A = arith.constant 0 : i32
    "tpu.region"() ({
      %run_scoped3A_110 = tpu.sem_alloc : memref<!tpu.dma_semaphore, #tpu.memory_space<semaphore_mem>>
      %dma_start3A_111 = arith.constant 0 : i32
      %dma_start3A_112 = arith.constant 0 : i32
      %dma_start3A_113 = tpu.memref_slice %arg3[%arg1, %run_scoped3A, %dma_start3A_111, %dma_start3A_112] : memref<16x2x40x126xi32, #tpu.memory_space<hbm>> -> memref<1x1x40x126xi32, #tpu.memory_space<hbm>>
      %dma_start3A_114 = tpu.memref_squeeze %dma_start3A_113 : memref<1x1x40x126xi32, #tpu.memory_space<hbm>> -> memref<40x126xi32, #tpu.memory_space<hbm>>
      %dma_start3A_115 = arith.constant 0 : i32
      %dma_start3A_116 = arith.constant 0 : i32
      %dma_start3A_117 = tpu.memref_slice %arg3[%arg1, %run_scoped3A, %dma_start3A_115, %dma_start3A_116] : memref<16x2x40x126xi32, #tpu.memory_space<hbm>> -> memref<1x1x40x126xi32, #tpu.memory_space<hbm>>
      %dma_start3A_118 = tpu.memref_squeeze %dma_start3A_117 : memref<1x1x40x126xi32, #tpu.memory_space<hbm>> -> memref<40x126xi32, #tpu.memory_space<hbm>>
      tpu.enqueue_dma source(%dma_start3A_118 : memref<40x126xi32, #tpu.memory_space<hbm>>) target(%arg7 : memref<40x126xi32, #tpu.memory_space<vmem>>) target_semaphore(%run_scoped3A_110 : memref<!tpu.dma_semaphore, #tpu.memory_space<semaphore_mem>>)
      %dma_wait3A_119 = arith.constant 0 : i32
      %dma_wait3A_120 = arith.constant 0 : i32
      %dma_wait3A_121 = tpu.memref_slice %arg3[%arg1, %run_scoped3A, %dma_wait3A_119, %dma_wait3A_120] : memref<16x2x40x126xi32, #tpu.memory_space<hbm>> -> memref<1x1x40x126xi32, #tpu.memory_space<hbm>>
      %dma_wait3A_122 = tpu.memref_squeeze %dma_wait3A_121 : memref<1x1x40x126xi32, #tpu.memory_space<hbm>> -> memref<40x126xi32, #tpu.memory_space<hbm>>
      %dma_wait3A_123 = arith.constant 0 : i32
      %dma_wait3A_124 = arith.constant 0 : i32
      %dma_wait3A_125 = tpu.memref_slice %arg3[%arg1, %run_scoped3A, %dma_wait3A_123, %dma_wait3A_124] : memref<16x2x40x126xi32, #tpu.memory_space<hbm>> -> memref<1x1x40x126xi32, #tpu.memory_space<hbm>>
      %dma_wait3A_126 = tpu.memref_squeeze %dma_wait3A_125 : memref<1x1x40x126xi32, #tpu.memory_space<hbm>> -> memref<40x126xi32, #tpu.memory_space<hbm>>
      tpu.wait_dma2 semaphore(%run_scoped3A_110 : memref<!tpu.dma_semaphore, #tpu.memory_space<semaphore_mem>>) src(%dma_wait3A_126 : memref<40x126xi32, #tpu.memory_space<hbm>>) dst(%arg7 : memref<40x126xi32, #tpu.memory_space<vmem>>)
      tpu.yield
    }) : () -> ()
    %run_scoped3A_0 = arith.constant 0 : i32
    "tpu.region"() ({
      %run_scoped3A_110 = tpu.sem_alloc : memref<!tpu.dma_semaphore, #tpu.memory_space<semaphore_mem>>
      %dma_start3A_111 = arith.constant 0 : i32
      %dma_start3A_112 = arith.constant 0 : i32
      %dma_start3A_113 = tpu.memref_slice %arg4[%arg1, %run_scoped3A_0, %dma_start3A_111, %dma_start3A_112] : memref<16x2x40x126xi32, #tpu.memory_space<hbm>> -> memref<1x1x40x126xi32, #tpu.memory_space<hbm>>
      %dma_start3A_114 = tpu.memref_squeeze %dma_start3A_113 : memref<1x1x40x126xi32, #tpu.memory_space<hbm>> -> memref<40x126xi32, #tpu.memory_space<hbm>>
      %dma_start3A_115 = arith.constant 0 : i32
      %dma_start3A_116 = arith.constant 0 : i32
      %dma_start3A_117 = tpu.memref_slice %arg4[%arg1, %run_scoped3A_0, %dma_start3A_115, %dma_start3A_116] : memref<16x2x40x126xi32, #tpu.memory_space<hbm>> -> memref<1x1x40x126xi32, #tpu.memory_space<hbm>>
      %dma_start3A_118 = tpu.memref_squeeze %dma_start3A_117 : memref<1x1x40x126xi32, #tpu.memory_space<hbm>> -> memref<40x126xi32, #tpu.memory_space<hbm>>
      tpu.enqueue_dma source(%dma_start3A_118 : memref<40x126xi32, #tpu.memory_space<hbm>>) target(%arg8 : memref<40x126xi32, #tpu.memory_space<vmem>>) target_semaphore(%run_scoped3A_110 : memref<!tpu.dma_semaphore, #tpu.memory_space<semaphore_mem>>)
      %dma_wait3A_119 = arith.constant 0 : i32
      %dma_wait3A_120 = arith.constant 0 : i32
      %dma_wait3A_121 = tpu.memref_slice %arg4[%arg1, %run_scoped3A_0, %dma_wait3A_119, %dma_wait3A_120] : memref<16x2x40x126xi32, #tpu.memory_space<hbm>> -> memref<1x1x40x126xi32, #tpu.memory_space<hbm>>
      %dma_wait3A_122 = tpu.memref_squeeze %dma_wait3A_121 : memref<1x1x40x126xi32, #tpu.memory_space<hbm>> -> memref<40x126xi32, #tpu.memory_space<hbm>>
      %dma_wait3A_123 = arith.constant 0 : i32
      %dma_wait3A_124 = arith.constant 0 : i32
      %dma_wait3A_125 = tpu.memref_slice %arg4[%arg1, %run_scoped3A_0, %dma_wait3A_123, %dma_wait3A_124] : memref<16x2x40x126xi32, #tpu.memory_space<hbm>> -> memref<1x1x40x126xi32, #tpu.memory_space<hbm>>
      %dma_wait3A_126 = tpu.memref_squeeze %dma_wait3A_125 : memref<1x1x40x126xi32, #tpu.memory_space<hbm>> -> memref<40x126xi32, #tpu.memory_space<hbm>>
      tpu.wait_dma2 semaphore(%run_scoped3A_110 : memref<!tpu.dma_semaphore, #tpu.memory_space<semaphore_mem>>) src(%dma_wait3A_126 : memref<40x126xi32, #tpu.memory_space<hbm>>) dst(%arg8 : memref<40x126xi32, #tpu.memory_space<vmem>>)
      tpu.yield
    }) : () -> ()
    %dma_start3A = arith.constant 0 : i32
    %dma_start3A_1 = arith.constant 0 : i32
    %dma_start3A_2 = tpu.memref_slice %arg7[%dma_start3A, %dma_start3A_1] : memref<40x126xi32, #tpu.memory_space<vmem>> -> memref<1x126xi32, #tpu.memory_space<vmem>>
    %dma_start3A_3 = tpu.memref_squeeze %dma_start3A_2 : memref<1x126xi32, #tpu.memory_space<vmem>> -> memref<126xi32, #tpu.memory_space<vmem>>
    %dma_start3A_4 = arith.constant 0 : i32
    %dma_start3A_5 = arith.constant 0 : i32
    %dma_start3A_6 = tpu.memref_slice %arg2[%arg0, %dma_start3A_4, %dma_start3A_5] : memref<2x10000x128xf32, #tpu.memory_space<hbm>> -> memref<1x10000x128xf32, #tpu.memory_space<hbm>>
    %dma_start3A_7 = tpu.memref_squeeze %dma_start3A_6 : memref<1x10000x128xf32, #tpu.memory_space<hbm>> -> memref<10000x128xf32, #tpu.memory_space<hbm>>
    %dma_start3A_8 = arith.constant 0 : i32
    %dma_start3A_9 = arith.constant 0 : i32
    %dma_start3A_10 = tpu.memref_slice %dma_start3A_7[%dma_start3A_8, %dma_start3A_9] : memref<10000x128xf32, #tpu.memory_space<hbm>> -> memref<10000x128xf32, #tpu.memory_space<hbm>>
    tpu.enqueue_indirect_dma source(%dma_start3A_10 : memref<10000x128xf32, #tpu.memory_space<hbm>>) target(%arg9 : memref<126x128xf32, #tpu.memory_space<vmem>>) offsets(%dma_start3A_3 : memref<126xi32, #tpu.memory_space<vmem>>) semaphore(%arg12 : memref<!tpu.dma_semaphore, #tpu.memory_space<semaphore_mem>>)
    %mul3A = arith.constant 640 : i32
    %mul3A_11 = arith.muli %arg1, %mul3A : i32
    "tpu.region"() ({
      %run_scoped3A_110 = tpu.sem_alloc : memref<!tpu.dma_semaphore, #tpu.memory_space<semaphore_mem>>
      %dma_start3A_111 = arith.constant 0 : i32
      %dma_start3A_112 = tpu.memref_slice %arg11[%mul3A_11, %dma_start3A_111] : memref<10240x128xf32, #tpu.memory_space<vmem_shared>> -> memref<640x128xf32, #tpu.memory_space<vmem_shared>>
      tpu.enqueue_dma source(%arg5 : memref<640x128xf32, #tpu.memory_space<hbm>>) target(%dma_start3A_112 : memref<640x128xf32, #tpu.memory_space<vmem_shared>>) target_semaphore(%run_scoped3A_110 : memref<!tpu.dma_semaphore, #tpu.memory_space<semaphore_mem>>)
      %dma_wait3A_113 = arith.constant 0 : i32
      %dma_wait3A_114 = tpu.memref_slice %arg11[%mul3A_11, %dma_wait3A_113] : memref<10240x128xf32, #tpu.memory_space<vmem_shared>> -> memref<640x128xf32, #tpu.memory_space<vmem_shared>>
      tpu.wait_dma2 semaphore(%run_scoped3A_110 : memref<!tpu.dma_semaphore, #tpu.memory_space<semaphore_mem>>) src(%arg5 : memref<640x128xf32, #tpu.memory_space<hbm>>) dst(%dma_wait3A_114 : memref<640x128xf32, #tpu.memory_space<vmem_shared>>)
      tpu.yield
    }) : () -> ()
    %barrier3A = arith.constant 0 : index
    tpu.barrier barrier_id(%barrier3A)
    %scan3A = arith.constant 0 : i32
    %scan3A_12 = arith.constant 0 : i32
    %scan3A_13 = arith.constant 19 : i32
    %scan3A_14 = arith.addi %scan3A_12, %scan3A_13 : i32
    %scan3A_15 = arith.constant 1 : i32
    scf.for %scan3A_110 = %scan3A_12 to %scan3A_14 step %scan3A_15  : i32 {
      %mul3A_111 = arith.constant 2 : i32
      %mul3A_112 = arith.muli %mul3A_111, %scan3A_110 : i32
      %add3A = arith.constant 1 : i32
      %add3A_113 = arith.addi %mul3A_112, %add3A : i32
      %dma_start3A_114 = arith.constant 0 : i32
      %dma_start3A_115 = tpu.memref_slice %arg7[%add3A_113, %dma_start3A_114] : memref<40x126xi32, #tpu.memory_space<vmem>> -> memref<1x126xi32, #tpu.memory_space<vmem>>
      %dma_start3A_116 = tpu.memref_squeeze %dma_start3A_115 : memref<1x126xi32, #tpu.memory_space<vmem>> -> memref<126xi32, #tpu.memory_space<vmem>>
      %dma_start3A_117 = arith.constant 0 : i32
      %dma_start3A_118 = arith.constant 0 : i32
      %dma_start3A_119 = tpu.memref_slice %arg2[%arg0, %dma_start3A_117, %dma_start3A_118] : memref<2x10000x128xf32, #tpu.memory_space<hbm>> -> memref<1x10000x128xf32, #tpu.memory_space<hbm>>
      %dma_start3A_120 = tpu.memref_squeeze %dma_start3A_119 : memref<1x10000x128xf32, #tpu.memory_space<hbm>> -> memref<10000x128xf32, #tpu.memory_space<hbm>>
      %dma_start3A_121 = arith.constant 0 : i32
      %dma_start3A_122 = arith.constant 0 : i32
      %dma_start3A_123 = tpu.memref_slice %dma_start3A_120[%dma_start3A_121, %dma_start3A_122] : memref<10000x128xf32, #tpu.memory_space<hbm>> -> memref<10000x128xf32, #tpu.memory_space<hbm>>
      tpu.enqueue_indirect_dma source(%dma_start3A_123 : memref<10000x128xf32, #tpu.memory_space<hbm>>) target(%arg10 : memref<126x128xf32, #tpu.memory_space<vmem>>) offsets(%dma_start3A_116 : memref<126xi32, #tpu.memory_space<vmem>>) semaphore(%arg13 : memref<!tpu.dma_semaphore, #tpu.memory_space<semaphore_mem>>)
      %dma_wait3A_124 = arith.constant 0 : i32
      %dma_wait3A_125 = tpu.memref_slice %arg7[%mul3A_112, %dma_wait3A_124] : memref<40x126xi32, #tpu.memory_space<vmem>> -> memref<1x126xi32, #tpu.memory_space<vmem>>
      %dma_wait3A_126 = tpu.memref_squeeze %dma_wait3A_125 : memref<1x126xi32, #tpu.memory_space<vmem>> -> memref<126xi32, #tpu.memory_space<vmem>>
      %dma_wait3A_127 = arith.constant 0 : i32
      %dma_wait3A_128 = arith.constant 0 : i32
      %dma_wait3A_129 = tpu.memref_slice %arg2[%arg0, %dma_wait3A_127, %dma_wait3A_128] : memref<2x10000x128xf32, #tpu.memory_space<hbm>> -> memref<1x10000x128xf32, #tpu.memory_space<hbm>>
      %dma_wait3A_130 = tpu.memref_squeeze %dma_wait3A_129 : memref<1x10000x128xf32, #tpu.memory_space<hbm>> -> memref<10000x128xf32, #tpu.memory_space<hbm>>
      %dma_wait3A_131 = arith.constant 0 : i32
      %dma_wait3A_132 = arith.constant 0 : i32
      %dma_wait3A_133 = tpu.memref_slice %dma_wait3A_130[%dma_wait3A_131, %dma_wait3A_132] : memref<10000x128xf32, #tpu.memory_space<hbm>> -> memref<10000x128xf32, #tpu.memory_space<hbm>>
      tpu.wait_indirect_dma semaphore(%arg12 : memref<!tpu.dma_semaphore, #tpu.memory_space<semaphore_mem>>) src(%dma_wait3A_133 : memref<10000x128xf32, #tpu.memory_space<hbm>>) dst(%arg9 : memref<126x128xf32, #tpu.memory_space<vmem>>)
      "tpu.region"() ({
        %run_scoped3A_160 = tpu.sem_alloc : memref<!tpu.dma_semaphore, #tpu.memory_space<semaphore_mem>>
        %dma_start3A_161 = arith.constant 0 : i32
        %dma_start3A_162 = tpu.memref_slice %arg8[%mul3A_112, %dma_start3A_161] : memref<40x126xi32, #tpu.memory_space<vmem>> -> memref<1x126xi32, #tpu.memory_space<vmem>>
        %dma_start3A_163 = tpu.memref_squeeze %dma_start3A_162 : memref<1x126xi32, #tpu.memory_space<vmem>> -> memref<126xi32, #tpu.memory_space<vmem>>
        %dma_start3A_164 = arith.constant 0 : i32
        %dma_start3A_165 = arith.constant 0 : i32
        %dma_start3A_166 = tpu.memref_slice %arg11[%dma_start3A_164, %dma_start3A_165] : memref<10240x128xf32, #tpu.memory_space<vmem_shared>> -> memref<10240x128xf32, #tpu.memory_space<vmem_shared>>
        tpu.enqueue_indirect_dma source(%arg9 : memref<126x128xf32, #tpu.memory_space<vmem>>) target(%dma_start3A_166 : memref<10240x128xf32, #tpu.memory_space<vmem_shared>>) offsets(%dma_start3A_163 : memref<126xi32, #tpu.memory_space<vmem>>) semaphore(%run_scoped3A_160 : memref<!tpu.dma_semaphore, #tpu.memory_space<semaphore_mem>>) {add = true}
        %dma_wait3A_167 = arith.constant 0 : i32
        %dma_wait3A_168 = tpu.memref_slice %arg8[%mul3A_112, %dma_wait3A_167] : memref<40x126xi32, #tpu.memory_space<vmem>> -> memref<1x126xi32, #tpu.memory_space<vmem>>
        %dma_wait3A_169 = tpu.memref_squeeze %dma_wait3A_168 : memref<1x126xi32, #tpu.memory_space<vmem>> -> memref<126xi32, #tpu.memory_space<vmem>>
        %dma_wait3A_170 = arith.constant 0 : i32
        %dma_wait3A_171 = arith.constant 0 : i32
        %dma_wait3A_172 = tpu.memref_slice %arg11[%dma_wait3A_170, %dma_wait3A_171] : memref<10240x128xf32, #tpu.memory_space<vmem_shared>> -> memref<10240x128xf32, #tpu.memory_space<vmem_shared>>
        tpu.wait_indirect_dma semaphore(%run_scoped3A_160 : memref<!tpu.dma_semaphore, #tpu.memory_space<semaphore_mem>>) src(%arg9 : memref<126x128xf32, #tpu.memory_space<vmem>>) dst(%dma_wait3A_172 : memref<10240x128xf32, #tpu.memory_space<vmem_shared>>)
        tpu.yield
      }) : () -> ()
      %add3A_134 = arith.constant 2 : i32
      %add3A_135 = arith.addi %mul3A_112, %add3A_134 : i32
      %dma_start3A_136 = arith.constant 0 : i32
      %dma_start3A_137 = tpu.memref_slice %arg7[%add3A_135, %dma_start3A_136] : memref<40x126xi32, #tpu.memory_space<vmem>> -> memref<1x126xi32, #tpu.memory_space<vmem>>
      %dma_start3A_138 = tpu.memref_squeeze %dma_start3A_137 : memref<1x126xi32, #tpu.memory_space<vmem>> -> memref<126xi32, #tpu.memory_space<vmem>>
      %dma_start3A_139 = arith.constant 0 : i32
      %dma_start3A_140 = arith.constant 0 : i32
      %dma_start3A_141 = tpu.memref_slice %arg2[%arg0, %dma_start3A_139, %dma_start3A_140] : memref<2x10000x128xf32, #tpu.memory_space<hbm>> -> memref<1x10000x128xf32, #tpu.memory_space<hbm>>
      %dma_start3A_142 = tpu.memref_squeeze %dma_start3A_141 : memref<1x10000x128xf32, #tpu.memory_space<hbm>> -> memref<10000x128xf32, #tpu.memory_space<hbm>>
      %dma_start3A_143 = arith.constant 0 : i32
      %dma_start3A_144 = arith.constant 0 : i32
      %dma_start3A_145 = tpu.memref_slice %dma_start3A_142[%dma_start3A_143, %dma_start3A_144] : memref<10000x128xf32, #tpu.memory_space<hbm>> -> memref<10000x128xf32, #tpu.memory_space<hbm>>
      tpu.enqueue_indirect_dma source(%dma_start3A_145 : memref<10000x128xf32, #tpu.memory_space<hbm>>) target(%arg9 : memref<126x128xf32, #tpu.memory_space<vmem>>) offsets(%dma_start3A_138 : memref<126xi32, #tpu.memory_space<vmem>>) semaphore(%arg12 : memref<!tpu.dma_semaphore, #tpu.memory_space<semaphore_mem>>)
      %add3A_146 = arith.constant 1 : i32
      %add3A_147 = arith.addi %mul3A_112, %add3A_146 : i32
      %dma_wait3A_148 = arith.constant 0 : i32
      %dma_wait3A_149 = tpu.memref_slice %arg7[%add3A_147, %dma_wait3A_148] : memref<40x126xi32, #tpu.memory_space<vmem>> -> memref<1x126xi32, #tpu.memory_space<vmem>>
      %dma_wait3A_150 = tpu.memref_squeeze %dma_wait3A_149 : memref<1x126xi32, #tpu.memory_space<vmem>> -> memref<126xi32, #tpu.memory_space<vmem>>
      %dma_wait3A_151 = arith.constant 0 : i32
      %dma_wait3A_152 = arith.constant 0 : i32
      %dma_wait3A_153 = tpu.memref_slice %arg2[%arg0, %dma_wait3A_151, %dma_wait3A_152] : memref<2x10000x128xf32, #tpu.memory_space<hbm>> -> memref<1x10000x128xf32, #tpu.memory_space<hbm>>
      %dma_wait3A_154 = tpu.memref_squeeze %dma_wait3A_153 : memref<1x10000x128xf32, #tpu.memory_space<hbm>> -> memref<10000x128xf32, #tpu.memory_space<hbm>>
      %dma_wait3A_155 = arith.constant 0 : i32
      %dma_wait3A_156 = arith.constant 0 : i32
      %dma_wait3A_157 = tpu.memref_slice %dma_wait3A_154[%dma_wait3A_155, %dma_wait3A_156] : memref<10000x128xf32, #tpu.memory_space<hbm>> -> memref<10000x128xf32, #tpu.memory_space<hbm>>
      tpu.wait_indirect_dma semaphore(%arg13 : memref<!tpu.dma_semaphore, #tpu.memory_space<semaphore_mem>>) src(%dma_wait3A_157 : memref<10000x128xf32, #tpu.memory_space<hbm>>) dst(%arg10 : memref<126x128xf32, #tpu.memory_space<vmem>>)
      %add3A_158 = arith.constant 1 : i32
      %add3A_159 = arith.addi %mul3A_112, %add3A_158 : i32
      "tpu.region"() ({
        %run_scoped3A_160 = tpu.sem_alloc : memref<!tpu.dma_semaphore, #tpu.memory_space<semaphore_mem>>
        %dma_start3A_161 = arith.constant 0 : i32
        %dma_start3A_162 = tpu.memref_slice %arg8[%add3A_159, %dma_start3A_161] : memref<40x126xi32, #tpu.memory_space<vmem>> -> memref<1x126xi32, #tpu.memory_space<vmem>>
        %dma_start3A_163 = tpu.memref_squeeze %dma_start3A_162 : memref<1x126xi32, #tpu.memory_space<vmem>> -> memref<126xi32, #tpu.memory_space<vmem>>
        %dma_start3A_164 = arith.constant 0 : i32
        %dma_start3A_165 = arith.constant 0 : i32
        %dma_start3A_166 = tpu.memref_slice %arg11[%dma_start3A_164, %dma_start3A_165] : memref<10240x128xf32, #tpu.memory_space<vmem_shared>> -> memref<10240x128xf32, #tpu.memory_space<vmem_shared>>
        tpu.enqueue_indirect_dma source(%arg10 : memref<126x128xf32, #tpu.memory_space<vmem>>) target(%dma_start3A_166 : memref<10240x128xf32, #tpu.memory_space<vmem_shared>>) offsets(%dma_start3A_163 : memref<126xi32, #tpu.memory_space<vmem>>) semaphore(%run_scoped3A_160 : memref<!tpu.dma_semaphore, #tpu.memory_space<semaphore_mem>>) {add = true}
        %dma_wait3A_167 = arith.constant 0 : i32
        %dma_wait3A_168 = tpu.memref_slice %arg8[%add3A_159, %dma_wait3A_167] : memref<40x126xi32, #tpu.memory_space<vmem>> -> memref<1x126xi32, #tpu.memory_space<vmem>>
        %dma_wait3A_169 = tpu.memref_squeeze %dma_wait3A_168 : memref<1x126xi32, #tpu.memory_space<vmem>> -> memref<126xi32, #tpu.memory_space<vmem>>
        %dma_wait3A_170 = arith.constant 0 : i32
        %dma_wait3A_171 = arith.constant 0 : i32
        %dma_wait3A_172 = tpu.memref_slice %arg11[%dma_wait3A_170, %dma_wait3A_171] : memref<10240x128xf32, #tpu.memory_space<vmem_shared>> -> memref<10240x128xf32, #tpu.memory_space<vmem_shared>>
        tpu.wait_indirect_dma semaphore(%run_scoped3A_160 : memref<!tpu.dma_semaphore, #tpu.memory_space<semaphore_mem>>) src(%arg10 : memref<126x128xf32, #tpu.memory_space<vmem>>) dst(%dma_wait3A_172 : memref<10240x128xf32, #tpu.memory_space<vmem_shared>>)
        tpu.yield
      }) : () -> ()
    }
    %scan3A_16 = arith.constant 19 : i32
    %dma_start3A_17 = arith.constant 39 : i32
    %dma_start3A_18 = arith.constant 0 : i32
    %dma_start3A_19 = tpu.memref_slice %arg7[%dma_start3A_17, %dma_start3A_18] : memref<40x126xi32, #tpu.memory_space<vmem>> -> memref<1x126xi32, #tpu.memory_space<vmem>>
    %dma_start3A_20 = tpu.memref_squeeze %dma_start3A_19 : memref<1x126xi32, #tpu.memory_space<vmem>> -> memref<126xi32, #tpu.memory_space<vmem>>
    %dma_start3A_21 = arith.constant 0 : i32
    %dma_start3A_22 = arith.constant 0 : i32
    %dma_start3A_23 = tpu.memref_slice %arg2[%arg0, %dma_start3A_21, %dma_start3A_22] : memref<2x10000x128xf32, #tpu.memory_space<hbm>> -> memref<1x10000x128xf32, #tpu.memory_space<hbm>>
    %dma_start3A_24 = tpu.memref_squeeze %dma_start3A_23 : memref<1x10000x128xf32, #tpu.memory_space<hbm>> -> memref<10000x128xf32, #tpu.memory_space<hbm>>
    %dma_start3A_25 = arith.constant 0 : i32
    %dma_start3A_26 = arith.constant 0 : i32
    %dma_start3A_27 = tpu.memref_slice %dma_start3A_24[%dma_start3A_25, %dma_start3A_26] : memref<10000x128xf32, #tpu.memory_space<hbm>> -> memref<10000x128xf32, #tpu.memory_space<hbm>>
    tpu.enqueue_indirect_dma source(%dma_start3A_27 : memref<10000x128xf32, #tpu.memory_space<hbm>>) target(%arg10 : memref<126x128xf32, #tpu.memory_space<vmem>>) offsets(%dma_start3A_20 : memref<126xi32, #tpu.memory_space<vmem>>) semaphore(%arg13 : memref<!tpu.dma_semaphore, #tpu.memory_space<semaphore_mem>>)
    %dma_wait3A = arith.constant 38 : i32
    %dma_wait3A_28 = arith.constant 0 : i32
    %dma_wait3A_29 = tpu.memref_slice %arg7[%dma_wait3A, %dma_wait3A_28] : memref<40x126xi32, #tpu.memory_space<vmem>> -> memref<1x126xi32, #tpu.memory_space<vmem>>
    %dma_wait3A_30 = tpu.memref_squeeze %dma_wait3A_29 : memref<1x126xi32, #tpu.memory_space<vmem>> -> memref<126xi32, #tpu.memory_space<vmem>>
    %dma_wait3A_31 = arith.constant 0 : i32
    %dma_wait3A_32 = arith.constant 0 : i32
    %dma_wait3A_33 = tpu.memref_slice %arg2[%arg0, %dma_wait3A_31, %dma_wait3A_32] : memref<2x10000x128xf32, #tpu.memory_space<hbm>> -> memref<1x10000x128xf32, #tpu.memory_space<hbm>>
    %dma_wait3A_34 = tpu.memref_squeeze %dma_wait3A_33 : memref<1x10000x128xf32, #tpu.memory_space<hbm>> -> memref<10000x128xf32, #tpu.memory_space<hbm>>
    %dma_wait3A_35 = arith.constant 0 : i32
    %dma_wait3A_36 = arith.constant 0 : i32
    %dma_wait3A_37 = tpu.memref_slice %dma_wait3A_34[%dma_wait3A_35, %dma_wait3A_36] : memref<10000x128xf32, #tpu.memory_space<hbm>> -> memref<10000x128xf32, #tpu.memory_space<hbm>>
    tpu.wait_indirect_dma semaphore(%arg12 : memref<!tpu.dma_semaphore, #tpu.memory_space<semaphore_mem>>) src(%dma_wait3A_37 : memref<10000x128xf32, #tpu.memory_space<hbm>>) dst(%arg9 : memref<126x128xf32, #tpu.memory_space<vmem>>)
    %run_scoped3A_38 = arith.constant 38 : i32
    "tpu.region"() ({
      %run_scoped3A_110 = tpu.sem_alloc : memref<!tpu.dma_semaphore, #tpu.memory_space<semaphore_mem>>
      %dma_start3A_111 = arith.constant 0 : i32
      %dma_start3A_112 = tpu.memref_slice %arg8[%run_scoped3A_38, %dma_start3A_111] : memref<40x126xi32, #tpu.memory_space<vmem>> -> memref<1x126xi32, #tpu.memory_space<vmem>>
      %dma_start3A_113 = tpu.memref_squeeze %dma_start3A_112 : memref<1x126xi32, #tpu.memory_space<vmem>> -> memref<126xi32, #tpu.memory_space<vmem>>
      %dma_start3A_114 = arith.constant 0 : i32
      %dma_start3A_115 = arith.constant 0 : i32
      %dma_start3A_116 = tpu.memref_slice %arg11[%dma_start3A_114, %dma_start3A_115] : memref<10240x128xf32, #tpu.memory_space<vmem_shared>> -> memref<10240x128xf32, #tpu.memory_space<vmem_shared>>
      tpu.enqueue_indirect_dma source(%arg9 : memref<126x128xf32, #tpu.memory_space<vmem>>) target(%dma_start3A_116 : memref<10240x128xf32, #tpu.memory_space<vmem_shared>>) offsets(%dma_start3A_113 : memref<126xi32, #tpu.memory_space<vmem>>) semaphore(%run_scoped3A_110 : memref<!tpu.dma_semaphore, #tpu.memory_space<semaphore_mem>>) {add = true}
      %dma_wait3A_117 = arith.constant 0 : i32
      %dma_wait3A_118 = tpu.memref_slice %arg8[%run_scoped3A_38, %dma_wait3A_117] : memref<40x126xi32, #tpu.memory_space<vmem>> -> memref<1x126xi32, #tpu.memory_space<vmem>>
      %dma_wait3A_119 = tpu.memref_squeeze %dma_wait3A_118 : memref<1x126xi32, #tpu.memory_space<vmem>> -> memref<126xi32, #tpu.memory_space<vmem>>
      %dma_wait3A_120 = arith.constant 0 : i32
      %dma_wait3A_121 = arith.constant 0 : i32
      %dma_wait3A_122 = tpu.memref_slice %arg11[%dma_wait3A_120, %dma_wait3A_121] : memref<10240x128xf32, #tpu.memory_space<vmem_shared>> -> memref<10240x128xf32, #tpu.memory_space<vmem_shared>>
      tpu.wait_indirect_dma semaphore(%run_scoped3A_110 : memref<!tpu.dma_semaphore, #tpu.memory_space<semaphore_mem>>) src(%arg9 : memref<126x128xf32, #tpu.memory_space<vmem>>) dst(%dma_wait3A_122 : memref<10240x128xf32, #tpu.memory_space<vmem_shared>>)
      tpu.yield
    }) : () -> ()
    %dma_wait3A_39 = arith.constant 39 : i32
    %dma_wait3A_40 = arith.constant 0 : i32
    %dma_wait3A_41 = tpu.memref_slice %arg7[%dma_wait3A_39, %dma_wait3A_40] : memref<40x126xi32, #tpu.memory_space<vmem>> -> memref<1x126xi32, #tpu.memory_space<vmem>>
    %dma_wait3A_42 = tpu.memref_squeeze %dma_wait3A_41 : memref<1x126xi32, #tpu.memory_space<vmem>> -> memref<126xi32, #tpu.memory_space<vmem>>
    %dma_wait3A_43 = arith.constant 0 : i32
    %dma_wait3A_44 = arith.constant 0 : i32
    %dma_wait3A_45 = tpu.memref_slice %arg2[%arg0, %dma_wait3A_43, %dma_wait3A_44] : memref<2x10000x128xf32, #tpu.memory_space<hbm>> -> memref<1x10000x128xf32, #tpu.memory_space<hbm>>
    %dma_wait3A_46 = tpu.memref_squeeze %dma_wait3A_45 : memref<1x10000x128xf32, #tpu.memory_space<hbm>> -> memref<10000x128xf32, #tpu.memory_space<hbm>>
    %dma_wait3A_47 = arith.constant 0 : i32
    %dma_wait3A_48 = arith.constant 0 : i32
    %dma_wait3A_49 = tpu.memref_slice %dma_wait3A_46[%dma_wait3A_47, %dma_wait3A_48] : memref<10000x128xf32, #tpu.memory_space<hbm>> -> memref<10000x128xf32, #tpu.memory_space<hbm>>
    tpu.wait_indirect_dma semaphore(%arg13 : memref<!tpu.dma_semaphore, #tpu.memory_space<semaphore_mem>>) src(%dma_wait3A_49 : memref<10000x128xf32, #tpu.memory_space<hbm>>) dst(%arg10 : memref<126x128xf32, #tpu.memory_space<vmem>>)
    %run_scoped3A_50 = arith.constant 39 : i32
    "tpu.region"() ({
      %run_scoped3A_110 = tpu.sem_alloc : memref<!tpu.dma_semaphore, #tpu.memory_space<semaphore_mem>>
      %dma_start3A_111 = arith.constant 0 : i32
      %dma_start3A_112 = tpu.memref_slice %arg8[%run_scoped3A_50, %dma_start3A_111] : memref<40x126xi32, #tpu.memory_space<vmem>> -> memref<1x126xi32, #tpu.memory_space<vmem>>
      %dma_start3A_113 = tpu.memref_squeeze %dma_start3A_112 : memref<1x126xi32, #tpu.memory_space<vmem>> -> memref<126xi32, #tpu.memory_space<vmem>>
      %dma_start3A_114 = arith.constant 0 : i32
      %dma_start3A_115 = arith.constant 0 : i32
      %dma_start3A_116 = tpu.memref_slice %arg11[%dma_start3A_114, %dma_start3A_115] : memref<10240x128xf32, #tpu.memory_space<vmem_shared>> -> memref<10240x128xf32, #tpu.memory_space<vmem_shared>>
      tpu.enqueue_indirect_dma source(%arg10 : memref<126x128xf32, #tpu.memory_space<vmem>>) target(%dma_start3A_116 : memref<10240x128xf32, #tpu.memory_space<vmem_shared>>) offsets(%dma_start3A_113 : memref<126xi32, #tpu.memory_space<vmem>>) semaphore(%run_scoped3A_110 : memref<!tpu.dma_semaphore, #tpu.memory_space<semaphore_mem>>) {add = true}
      %dma_wait3A_117 = arith.constant 0 : i32
      %dma_wait3A_118 = tpu.memref_slice %arg8[%run_scoped3A_50, %dma_wait3A_117] : memref<40x126xi32, #tpu.memory_space<vmem>> -> memref<1x126xi32, #tpu.memory_space<vmem>>
      %dma_wait3A_119 = tpu.memref_squeeze %dma_wait3A_118 : memref<1x126xi32, #tpu.memory_space<vmem>> -> memref<126xi32, #tpu.memory_space<vmem>>
      %dma_wait3A_120 = arith.constant 0 : i32
      %dma_wait3A_121 = arith.constant 0 : i32
      %dma_wait3A_122 = tpu.memref_slice %arg11[%dma_wait3A_120, %dma_wait3A_121] : memref<10240x128xf32, #tpu.memory_space<vmem_shared>> -> memref<10240x128xf32, #tpu.memory_space<vmem_shared>>
      tpu.wait_indirect_dma semaphore(%run_scoped3A_110 : memref<!tpu.dma_semaphore, #tpu.memory_space<semaphore_mem>>) src(%arg10 : memref<126x128xf32, #tpu.memory_space<vmem>>) dst(%dma_wait3A_122 : memref<10240x128xf32, #tpu.memory_space<vmem_shared>>)
      tpu.yield
    }) : () -> ()
    %run_scoped3A_51 = arith.constant 1 : i32
    "tpu.region"() ({
      %run_scoped3A_110 = tpu.sem_alloc : memref<!tpu.dma_semaphore, #tpu.memory_space<semaphore_mem>>
      %dma_start3A_111 = arith.constant 0 : i32
      %dma_start3A_112 = arith.constant 0 : i32
      %dma_start3A_113 = tpu.memref_slice %arg3[%arg1, %run_scoped3A_51, %dma_start3A_111, %dma_start3A_112] : memref<16x2x40x126xi32, #tpu.memory_space<hbm>> -> memref<1x1x40x126xi32, #tpu.memory_space<hbm>>
      %dma_start3A_114 = tpu.memref_squeeze %dma_start3A_113 : memref<1x1x40x126xi32, #tpu.memory_space<hbm>> -> memref<40x126xi32, #tpu.memory_space<hbm>>
      %dma_start3A_115 = arith.constant 0 : i32
      %dma_start3A_116 = arith.constant 0 : i32
      %dma_start3A_117 = tpu.memref_slice %arg3[%arg1, %run_scoped3A_51, %dma_start3A_115, %dma_start3A_116] : memref<16x2x40x126xi32, #tpu.memory_space<hbm>> -> memref<1x1x40x126xi32, #tpu.memory_space<hbm>>
      %dma_start3A_118 = tpu.memref_squeeze %dma_start3A_117 : memref<1x1x40x126xi32, #tpu.memory_space<hbm>> -> memref<40x126xi32, #tpu.memory_space<hbm>>
      tpu.enqueue_dma source(%dma_start3A_118 : memref<40x126xi32, #tpu.memory_space<hbm>>) target(%arg7 : memref<40x126xi32, #tpu.memory_space<vmem>>) target_semaphore(%run_scoped3A_110 : memref<!tpu.dma_semaphore, #tpu.memory_space<semaphore_mem>>)
      %dma_wait3A_119 = arith.constant 0 : i32
      %dma_wait3A_120 = arith.constant 0 : i32
      %dma_wait3A_121 = tpu.memref_slice %arg3[%arg1, %run_scoped3A_51, %dma_wait3A_119, %dma_wait3A_120] : memref<16x2x40x126xi32, #tpu.memory_space<hbm>> -> memref<1x1x40x126xi32, #tpu.memory_space<hbm>>
      %dma_wait3A_122 = tpu.memref_squeeze %dma_wait3A_121 : memref<1x1x40x126xi32, #tpu.memory_space<hbm>> -> memref<40x126xi32, #tpu.memory_space<hbm>>
      %dma_wait3A_123 = arith.constant 0 : i32
      %dma_wait3A_124 = arith.constant 0 : i32
      %dma_wait3A_125 = tpu.memref_slice %arg3[%arg1, %run_scoped3A_51, %dma_wait3A_123, %dma_wait3A_124] : memref<16x2x40x126xi32, #tpu.memory_space<hbm>> -> memref<1x1x40x126xi32, #tpu.memory_space<hbm>>
      %dma_wait3A_126 = tpu.memref_squeeze %dma_wait3A_125 : memref<1x1x40x126xi32, #tpu.memory_space<hbm>> -> memref<40x126xi32, #tpu.memory_space<hbm>>
      tpu.wait_dma2 semaphore(%run_scoped3A_110 : memref<!tpu.dma_semaphore, #tpu.memory_space<semaphore_mem>>) src(%dma_wait3A_126 : memref<40x126xi32, #tpu.memory_space<hbm>>) dst(%arg7 : memref<40x126xi32, #tpu.memory_space<vmem>>)
      tpu.yield
    }) : () -> ()
    %run_scoped3A_52 = arith.constant 1 : i32
    "tpu.region"() ({
      %run_scoped3A_110 = tpu.sem_alloc : memref<!tpu.dma_semaphore, #tpu.memory_space<semaphore_mem>>
      %dma_start3A_111 = arith.constant 0 : i32
      %dma_start3A_112 = arith.constant 0 : i32
      %dma_start3A_113 = tpu.memref_slice %arg4[%arg1, %run_scoped3A_52, %dma_start3A_111, %dma_start3A_112] : memref<16x2x40x126xi32, #tpu.memory_space<hbm>> -> memref<1x1x40x126xi32, #tpu.memory_space<hbm>>
      %dma_start3A_114 = tpu.memref_squeeze %dma_start3A_113 : memref<1x1x40x126xi32, #tpu.memory_space<hbm>> -> memref<40x126xi32, #tpu.memory_space<hbm>>
      %dma_start3A_115 = arith.constant 0 : i32
      %dma_start3A_116 = arith.constant 0 : i32
      %dma_start3A_117 = tpu.memref_slice %arg4[%arg1, %run_scoped3A_52, %dma_start3A_115, %dma_start3A_116] : memref<16x2x40x126xi32, #tpu.memory_space<hbm>> -> memref<1x1x40x126xi32, #tpu.memory_space<hbm>>
      %dma_start3A_118 = tpu.memref_squeeze %dma_start3A_117 : memref<1x1x40x126xi32, #tpu.memory_space<hbm>> -> memref<40x126xi32, #tpu.memory_space<hbm>>
      tpu.enqueue_dma source(%dma_start3A_118 : memref<40x126xi32, #tpu.memory_space<hbm>>) target(%arg8 : memref<40x126xi32, #tpu.memory_space<vmem>>) target_semaphore(%run_scoped3A_110 : memref<!tpu.dma_semaphore, #tpu.memory_space<semaphore_mem>>)
      %dma_wait3A_119 = arith.constant 0 : i32
      %dma_wait3A_120 = arith.constant 0 : i32
      %dma_wait3A_121 = tpu.memref_slice %arg4[%arg1, %run_scoped3A_52, %dma_wait3A_119, %dma_wait3A_120] : memref<16x2x40x126xi32, #tpu.memory_space<hbm>> -> memref<1x1x40x126xi32, #tpu.memory_space<hbm>>
      %dma_wait3A_122 = tpu.memref_squeeze %dma_wait3A_121 : memref<1x1x40x126xi32, #tpu.memory_space<hbm>> -> memref<40x126xi32, #tpu.memory_space<hbm>>
      %dma_wait3A_123 = arith.constant 0 : i32
      %dma_wait3A_124 = arith.constant 0 : i32
      %dma_wait3A_125 = tpu.memref_slice %arg4[%arg1, %run_scoped3A_52, %dma_wait3A_123, %dma_wait3A_124] : memref<16x2x40x126xi32, #tpu.memory_space<hbm>> -> memref<1x1x40x126xi32, #tpu.memory_space<hbm>>
      %dma_wait3A_126 = tpu.memref_squeeze %dma_wait3A_125 : memref<1x1x40x126xi32, #tpu.memory_space<hbm>> -> memref<40x126xi32, #tpu.memory_space<hbm>>
      tpu.wait_dma2 semaphore(%run_scoped3A_110 : memref<!tpu.dma_semaphore, #tpu.memory_space<semaphore_mem>>) src(%dma_wait3A_126 : memref<40x126xi32, #tpu.memory_space<hbm>>) dst(%arg8 : memref<40x126xi32, #tpu.memory_space<vmem>>)
      tpu.yield
    }) : () -> ()
    %dma_start3A_53 = arith.constant 0 : i32
    %dma_start3A_54 = arith.constant 0 : i32
    %dma_start3A_55 = tpu.memref_slice %arg7[%dma_start3A_53, %dma_start3A_54] : memref<40x126xi32, #tpu.memory_space<vmem>> -> memref<1x126xi32, #tpu.memory_space<vmem>>
    %dma_start3A_56 = tpu.memref_squeeze %dma_start3A_55 : memref<1x126xi32, #tpu.memory_space<vmem>> -> memref<126xi32, #tpu.memory_space<vmem>>
    %dma_start3A_57 = arith.constant 0 : i32
    %dma_start3A_58 = arith.constant 0 : i32
    %dma_start3A_59 = tpu.memref_slice %arg2[%arg0, %dma_start3A_57, %dma_start3A_58] : memref<2x10000x128xf32, #tpu.memory_space<hbm>> -> memref<1x10000x128xf32, #tpu.memory_space<hbm>>
    %dma_start3A_60 = tpu.memref_squeeze %dma_start3A_59 : memref<1x10000x128xf32, #tpu.memory_space<hbm>> -> memref<10000x128xf32, #tpu.memory_space<hbm>>
    %dma_start3A_61 = arith.constant 0 : i32
    %dma_start3A_62 = arith.constant 0 : i32
    %dma_start3A_63 = tpu.memref_slice %dma_start3A_60[%dma_start3A_61, %dma_start3A_62] : memref<10000x128xf32, #tpu.memory_space<hbm>> -> memref<10000x128xf32, #tpu.memory_space<hbm>>
    tpu.enqueue_indirect_dma source(%dma_start3A_63 : memref<10000x128xf32, #tpu.memory_space<hbm>>) target(%arg9 : memref<126x128xf32, #tpu.memory_space<vmem>>) offsets(%dma_start3A_56 : memref<126xi32, #tpu.memory_space<vmem>>) semaphore(%arg12 : memref<!tpu.dma_semaphore, #tpu.memory_space<semaphore_mem>>)
    %scan3A_64 = arith.constant 0 : i32
    %scan3A_65 = arith.constant 0 : i32
    %scan3A_66 = arith.constant 19 : i32
    %scan3A_67 = arith.addi %scan3A_65, %scan3A_66 : i32
    %scan3A_68 = arith.constant 1 : i32
    scf.for %scan3A_110 = %scan3A_65 to %scan3A_67 step %scan3A_68  : i32 {
      %mul3A_111 = arith.constant 2 : i32
      %mul3A_112 = arith.muli %mul3A_111, %scan3A_110 : i32
      %add3A = arith.constant 1 : i32
      %add3A_113 = arith.addi %mul3A_112, %add3A : i32
      %dma_start3A_114 = arith.constant 0 : i32
      %dma_start3A_115 = tpu.memref_slice %arg7[%add3A_113, %dma_start3A_114] : memref<40x126xi32, #tpu.memory_space<vmem>> -> memref<1x126xi32, #tpu.memory_space<vmem>>
      %dma_start3A_116 = tpu.memref_squeeze %dma_start3A_115 : memref<1x126xi32, #tpu.memory_space<vmem>> -> memref<126xi32, #tpu.memory_space<vmem>>
      %dma_start3A_117 = arith.constant 0 : i32
      %dma_start3A_118 = arith.constant 0 : i32
      %dma_start3A_119 = tpu.memref_slice %arg2[%arg0, %dma_start3A_117, %dma_start3A_118] : memref<2x10000x128xf32, #tpu.memory_space<hbm>> -> memref<1x10000x128xf32, #tpu.memory_space<hbm>>
      %dma_start3A_120 = tpu.memref_squeeze %dma_start3A_119 : memref<1x10000x128xf32, #tpu.memory_space<hbm>> -> memref<10000x128xf32, #tpu.memory_space<hbm>>
      %dma_start3A_121 = arith.constant 0 : i32
      %dma_start3A_122 = arith.constant 0 : i32
      %dma_start3A_123 = tpu.memref_slice %dma_start3A_120[%dma_start3A_121, %dma_start3A_122] : memref<10000x128xf32, #tpu.memory_space<hbm>> -> memref<10000x128xf32, #tpu.memory_space<hbm>>
      tpu.enqueue_indirect_dma source(%dma_start3A_123 : memref<10000x128xf32, #tpu.memory_space<hbm>>) target(%arg10 : memref<126x128xf32, #tpu.memory_space<vmem>>) offsets(%dma_start3A_116 : memref<126xi32, #tpu.memory_space<vmem>>) semaphore(%arg13 : memref<!tpu.dma_semaphore, #tpu.memory_space<semaphore_mem>>)
      %dma_wait3A_124 = arith.constant 0 : i32
      %dma_wait3A_125 = tpu.memref_slice %arg7[%mul3A_112, %dma_wait3A_124] : memref<40x126xi32, #tpu.memory_space<vmem>> -> memref<1x126xi32, #tpu.memory_space<vmem>>
      %dma_wait3A_126 = tpu.memref_squeeze %dma_wait3A_125 : memref<1x126xi32, #tpu.memory_space<vmem>> -> memref<126xi32, #tpu.memory_space<vmem>>
      %dma_wait3A_127 = arith.constant 0 : i32
      %dma_wait3A_128 = arith.constant 0 : i32
      %dma_wait3A_129 = tpu.memref_slice %arg2[%arg0, %dma_wait3A_127, %dma_wait3A_128] : memref<2x10000x128xf32, #tpu.memory_space<hbm>> -> memref<1x10000x128xf32, #tpu.memory_space<hbm>>
      %dma_wait3A_130 = tpu.memref_squeeze %dma_wait3A_129 : memref<1x10000x128xf32, #tpu.memory_space<hbm>> -> memref<10000x128xf32, #tpu.memory_space<hbm>>
      %dma_wait3A_131 = arith.constant 0 : i32
      %dma_wait3A_132 = arith.constant 0 : i32
      %dma_wait3A_133 = tpu.memref_slice %dma_wait3A_130[%dma_wait3A_131, %dma_wait3A_132] : memref<10000x128xf32, #tpu.memory_space<hbm>> -> memref<10000x128xf32, #tpu.memory_space<hbm>>
      tpu.wait_indirect_dma semaphore(%arg12 : memref<!tpu.dma_semaphore, #tpu.memory_space<semaphore_mem>>) src(%dma_wait3A_133 : memref<10000x128xf32, #tpu.memory_space<hbm>>) dst(%arg9 : memref<126x128xf32, #tpu.memory_space<vmem>>)
      "tpu.region"() ({
        %run_scoped3A_160 = tpu.sem_alloc : memref<!tpu.dma_semaphore, #tpu.memory_space<semaphore_mem>>
        %dma_start3A_161 = arith.constant 0 : i32
        %dma_start3A_162 = tpu.memref_slice %arg8[%mul3A_112, %dma_start3A_161] : memref<40x126xi32, #tpu.memory_space<vmem>> -> memref<1x126xi32, #tpu.memory_space<vmem>>
        %dma_start3A_163 = tpu.memref_squeeze %dma_start3A_162 : memref<1x126xi32, #tpu.memory_space<vmem>> -> memref<126xi32, #tpu.memory_space<vmem>>
        %dma_start3A_164 = arith.constant 0 : i32
        %dma_start3A_165 = arith.constant 0 : i32
        %dma_start3A_166 = tpu.memref_slice %arg11[%dma_start3A_164, %dma_start3A_165] : memref<10240x128xf32, #tpu.memory_space<vmem_shared>> -> memref<10240x128xf32, #tpu.memory_space<vmem_shared>>
        tpu.enqueue_indirect_dma source(%arg9 : memref<126x128xf32, #tpu.memory_space<vmem>>) target(%dma_start3A_166 : memref<10240x128xf32, #tpu.memory_space<vmem_shared>>) offsets(%dma_start3A_163 : memref<126xi32, #tpu.memory_space<vmem>>) semaphore(%run_scoped3A_160 : memref<!tpu.dma_semaphore, #tpu.memory_space<semaphore_mem>>) {add = true}
        %dma_wait3A_167 = arith.constant 0 : i32
        %dma_wait3A_168 = tpu.memref_slice %arg8[%mul3A_112, %dma_wait3A_167] : memref<40x126xi32, #tpu.memory_space<vmem>> -> memref<1x126xi32, #tpu.memory_space<vmem>>
        %dma_wait3A_169 = tpu.memref_squeeze %dma_wait3A_168 : memref<1x126xi32, #tpu.memory_space<vmem>> -> memref<126xi32, #tpu.memory_space<vmem>>
        %dma_wait3A_170 = arith.constant 0 : i32
        %dma_wait3A_171 = arith.constant 0 : i32
        %dma_wait3A_172 = tpu.memref_slice %arg11[%dma_wait3A_170, %dma_wait3A_171] : memref<10240x128xf32, #tpu.memory_space<vmem_shared>> -> memref<10240x128xf32, #tpu.memory_space<vmem_shared>>
        tpu.wait_indirect_dma semaphore(%run_scoped3A_160 : memref<!tpu.dma_semaphore, #tpu.memory_space<semaphore_mem>>) src(%arg9 : memref<126x128xf32, #tpu.memory_space<vmem>>) dst(%dma_wait3A_172 : memref<10240x128xf32, #tpu.memory_space<vmem_shared>>)
        tpu.yield
      }) : () -> ()
      %add3A_134 = arith.constant 2 : i32
      %add3A_135 = arith.addi %mul3A_112, %add3A_134 : i32
      %dma_start3A_136 = arith.constant 0 : i32
      %dma_start3A_137 = tpu.memref_slice %arg7[%add3A_135, %dma_start3A_136] : memref<40x126xi32, #tpu.memory_space<vmem>> -> memref<1x126xi32, #tpu.memory_space<vmem>>
      %dma_start3A_138 = tpu.memref_squeeze %dma_start3A_137 : memref<1x126xi32, #tpu.memory_space<vmem>> -> memref<126xi32, #tpu.memory_space<vmem>>
      %dma_start3A_139 = arith.constant 0 : i32
      %dma_start3A_140 = arith.constant 0 : i32
      %dma_start3A_141 = tpu.memref_slice %arg2[%arg0, %dma_start3A_139, %dma_start3A_140] : memref<2x10000x128xf32, #tpu.memory_space<hbm>> -> memref<1x10000x128xf32, #tpu.memory_space<hbm>>
      %dma_start3A_142 = tpu.memref_squeeze %dma_start3A_141 : memref<1x10000x128xf32, #tpu.memory_space<hbm>> -> memref<10000x128xf32, #tpu.memory_space<hbm>>
      %dma_start3A_143 = arith.constant 0 : i32
      %dma_start3A_144 = arith.constant 0 : i32
      %dma_start3A_145 = tpu.memref_slice %dma_start3A_142[%dma_start3A_143, %dma_start3A_144] : memref<10000x128xf32, #tpu.memory_space<hbm>> -> memref<10000x128xf32, #tpu.memory_space<hbm>>
      tpu.enqueue_indirect_dma source(%dma_start3A_145 : memref<10000x128xf32, #tpu.memory_space<hbm>>) target(%arg9 : memref<126x128xf32, #tpu.memory_space<vmem>>) offsets(%dma_start3A_138 : memref<126xi32, #tpu.memory_space<vmem>>) semaphore(%arg12 : memref<!tpu.dma_semaphore, #tpu.memory_space<semaphore_mem>>)
      %add3A_146 = arith.constant 1 : i32
      %add3A_147 = arith.addi %mul3A_112, %add3A_146 : i32
      %dma_wait3A_148 = arith.constant 0 : i32
      %dma_wait3A_149 = tpu.memref_slice %arg7[%add3A_147, %dma_wait3A_148] : memref<40x126xi32, #tpu.memory_space<vmem>> -> memref<1x126xi32, #tpu.memory_space<vmem>>
      %dma_wait3A_150 = tpu.memref_squeeze %dma_wait3A_149 : memref<1x126xi32, #tpu.memory_space<vmem>> -> memref<126xi32, #tpu.memory_space<vmem>>
      %dma_wait3A_151 = arith.constant 0 : i32
      %dma_wait3A_152 = arith.constant 0 : i32
      %dma_wait3A_153 = tpu.memref_slice %arg2[%arg0, %dma_wait3A_151, %dma_wait3A_152] : memref<2x10000x128xf32, #tpu.memory_space<hbm>> -> memref<1x10000x128xf32, #tpu.memory_space<hbm>>
      %dma_wait3A_154 = tpu.memref_squeeze %dma_wait3A_153 : memref<1x10000x128xf32, #tpu.memory_space<hbm>> -> memref<10000x128xf32, #tpu.memory_space<hbm>>
      %dma_wait3A_155 = arith.constant 0 : i32
      %dma_wait3A_156 = arith.constant 0 : i32
      %dma_wait3A_157 = tpu.memref_slice %dma_wait3A_154[%dma_wait3A_155, %dma_wait3A_156] : memref<10000x128xf32, #tpu.memory_space<hbm>> -> memref<10000x128xf32, #tpu.memory_space<hbm>>
      tpu.wait_indirect_dma semaphore(%arg13 : memref<!tpu.dma_semaphore, #tpu.memory_space<semaphore_mem>>) src(%dma_wait3A_157 : memref<10000x128xf32, #tpu.memory_space<hbm>>) dst(%arg10 : memref<126x128xf32, #tpu.memory_space<vmem>>)
      %add3A_158 = arith.constant 1 : i32
      %add3A_159 = arith.addi %mul3A_112, %add3A_158 : i32
      "tpu.region"() ({
        %run_scoped3A_160 = tpu.sem_alloc : memref<!tpu.dma_semaphore, #tpu.memory_space<semaphore_mem>>
        %dma_start3A_161 = arith.constant 0 : i32
        %dma_start3A_162 = tpu.memref_slice %arg8[%add3A_159, %dma_start3A_161] : memref<40x126xi32, #tpu.memory_space<vmem>> -> memref<1x126xi32, #tpu.memory_space<vmem>>
        %dma_start3A_163 = tpu.memref_squeeze %dma_start3A_162 : memref<1x126xi32, #tpu.memory_space<vmem>> -> memref<126xi32, #tpu.memory_space<vmem>>
        %dma_start3A_164 = arith.constant 0 : i32
        %dma_start3A_165 = arith.constant 0 : i32
        %dma_start3A_166 = tpu.memref_slice %arg11[%dma_start3A_164, %dma_start3A_165] : memref<10240x128xf32, #tpu.memory_space<vmem_shared>> -> memref<10240x128xf32, #tpu.memory_space<vmem_shared>>
        tpu.enqueue_indirect_dma source(%arg10 : memref<126x128xf32, #tpu.memory_space<vmem>>) target(%dma_start3A_166 : memref<10240x128xf32, #tpu.memory_space<vmem_shared>>) offsets(%dma_start3A_163 : memref<126xi32, #tpu.memory_space<vmem>>) semaphore(%run_scoped3A_160 : memref<!tpu.dma_semaphore, #tpu.memory_space<semaphore_mem>>) {add = true}
        %dma_wait3A_167 = arith.constant 0 : i32
        %dma_wait3A_168 = tpu.memref_slice %arg8[%add3A_159, %dma_wait3A_167] : memref<40x126xi32, #tpu.memory_space<vmem>> -> memref<1x126xi32, #tpu.memory_space<vmem>>
        %dma_wait3A_169 = tpu.memref_squeeze %dma_wait3A_168 : memref<1x126xi32, #tpu.memory_space<vmem>> -> memref<126xi32, #tpu.memory_space<vmem>>
        %dma_wait3A_170 = arith.constant 0 : i32
        %dma_wait3A_171 = arith.constant 0 : i32
        %dma_wait3A_172 = tpu.memref_slice %arg11[%dma_wait3A_170, %dma_wait3A_171] : memref<10240x128xf32, #tpu.memory_space<vmem_shared>> -> memref<10240x128xf32, #tpu.memory_space<vmem_shared>>
        tpu.wait_indirect_dma semaphore(%run_scoped3A_160 : memref<!tpu.dma_semaphore, #tpu.memory_space<semaphore_mem>>) src(%arg10 : memref<126x128xf32, #tpu.memory_space<vmem>>) dst(%dma_wait3A_172 : memref<10240x128xf32, #tpu.memory_space<vmem_shared>>)
        tpu.yield
      }) : () -> ()
    }
    %scan3A_69 = arith.constant 19 : i32
    %dma_start3A_70 = arith.constant 39 : i32
    %dma_start3A_71 = arith.constant 0 : i32
    %dma_start3A_72 = tpu.memref_slice %arg7[%dma_start3A_70, %dma_start3A_71] : memref<40x126xi32, #tpu.memory_space<vmem>> -> memref<1x126xi32, #tpu.memory_space<vmem>>
    %dma_start3A_73 = tpu.memref_squeeze %dma_start3A_72 : memref<1x126xi32, #tpu.memory_space<vmem>> -> memref<126xi32, #tpu.memory_space<vmem>>
    %dma_start3A_74 = arith.constant 0 : i32
    %dma_start3A_75 = arith.constant 0 : i32
    %dma_start3A_76 = tpu.memref_slice %arg2[%arg0, %dma_start3A_74, %dma_start3A_75] : memref<2x10000x128xf32, #tpu.memory_space<hbm>> -> memref<1x10000x128xf32, #tpu.memory_space<hbm>>
    %dma_start3A_77 = tpu.memref_squeeze %dma_start3A_76 : memref<1x10000x128xf32, #tpu.memory_space<hbm>> -> memref<10000x128xf32, #tpu.memory_space<hbm>>
    %dma_start3A_78 = arith.constant 0 : i32
    %dma_start3A_79 = arith.constant 0 : i32
    %dma_start3A_80 = tpu.memref_slice %dma_start3A_77[%dma_start3A_78, %dma_start3A_79] : memref<10000x128xf32, #tpu.memory_space<hbm>> -> memref<10000x128xf32, #tpu.memory_space<hbm>>
    tpu.enqueue_indirect_dma source(%dma_start3A_80 : memref<10000x128xf32, #tpu.memory_space<hbm>>) target(%arg10 : memref<126x128xf32, #tpu.memory_space<vmem>>) offsets(%dma_start3A_73 : memref<126xi32, #tpu.memory_space<vmem>>) semaphore(%arg13 : memref<!tpu.dma_semaphore, #tpu.memory_space<semaphore_mem>>)
    %dma_wait3A_81 = arith.constant 38 : i32
    %dma_wait3A_82 = arith.constant 0 : i32
    %dma_wait3A_83 = tpu.memref_slice %arg7[%dma_wait3A_81, %dma_wait3A_82] : memref<40x126xi32, #tpu.memory_space<vmem>> -> memref<1x126xi32, #tpu.memory_space<vmem>>
    %dma_wait3A_84 = tpu.memref_squeeze %dma_wait3A_83 : memref<1x126xi32, #tpu.memory_space<vmem>> -> memref<126xi32, #tpu.memory_space<vmem>>
    %dma_wait3A_85 = arith.constant 0 : i32
    %dma_wait3A_86 = arith.constant 0 : i32
    %dma_wait3A_87 = tpu.memref_slice %arg2[%arg0, %dma_wait3A_85, %dma_wait3A_86] : memref<2x10000x128xf32, #tpu.memory_space<hbm>> -> memref<1x10000x128xf32, #tpu.memory_space<hbm>>
    %dma_wait3A_88 = tpu.memref_squeeze %dma_wait3A_87 : memref<1x10000x128xf32, #tpu.memory_space<hbm>> -> memref<10000x128xf32, #tpu.memory_space<hbm>>
    %dma_wait3A_89 = arith.constant 0 : i32
    %dma_wait3A_90 = arith.constant 0 : i32
    %dma_wait3A_91 = tpu.memref_slice %dma_wait3A_88[%dma_wait3A_89, %dma_wait3A_90] : memref<10000x128xf32, #tpu.memory_space<hbm>> -> memref<10000x128xf32, #tpu.memory_space<hbm>>
    tpu.wait_indirect_dma semaphore(%arg12 : memref<!tpu.dma_semaphore, #tpu.memory_space<semaphore_mem>>) src(%dma_wait3A_91 : memref<10000x128xf32, #tpu.memory_space<hbm>>) dst(%arg9 : memref<126x128xf32, #tpu.memory_space<vmem>>)
    %run_scoped3A_92 = arith.constant 38 : i32
    "tpu.region"() ({
      %run_scoped3A_110 = tpu.sem_alloc : memref<!tpu.dma_semaphore, #tpu.memory_space<semaphore_mem>>
      %dma_start3A_111 = arith.constant 0 : i32
      %dma_start3A_112 = tpu.memref_slice %arg8[%run_scoped3A_92, %dma_start3A_111] : memref<40x126xi32, #tpu.memory_space<vmem>> -> memref<1x126xi32, #tpu.memory_space<vmem>>
      %dma_start3A_113 = tpu.memref_squeeze %dma_start3A_112 : memref<1x126xi32, #tpu.memory_space<vmem>> -> memref<126xi32, #tpu.memory_space<vmem>>
      %dma_start3A_114 = arith.constant 0 : i32
      %dma_start3A_115 = arith.constant 0 : i32
      %dma_start3A_116 = tpu.memref_slice %arg11[%dma_start3A_114, %dma_start3A_115] : memref<10240x128xf32, #tpu.memory_space<vmem_shared>> -> memref<10240x128xf32, #tpu.memory_space<vmem_shared>>
      tpu.enqueue_indirect_dma source(%arg9 : memref<126x128xf32, #tpu.memory_space<vmem>>) target(%dma_start3A_116 : memref<10240x128xf32, #tpu.memory_space<vmem_shared>>) offsets(%dma_start3A_113 : memref<126xi32, #tpu.memory_space<vmem>>) semaphore(%run_scoped3A_110 : memref<!tpu.dma_semaphore, #tpu.memory_space<semaphore_mem>>) {add = true}
      %dma_wait3A_117 = arith.constant 0 : i32
      %dma_wait3A_118 = tpu.memref_slice %arg8[%run_scoped3A_92, %dma_wait3A_117] : memref<40x126xi32, #tpu.memory_space<vmem>> -> memref<1x126xi32, #tpu.memory_space<vmem>>
      %dma_wait3A_119 = tpu.memref_squeeze %dma_wait3A_118 : memref<1x126xi32, #tpu.memory_space<vmem>> -> memref<126xi32, #tpu.memory_space<vmem>>
      %dma_wait3A_120 = arith.constant 0 : i32
      %dma_wait3A_121 = arith.constant 0 : i32
      %dma_wait3A_122 = tpu.memref_slice %arg11[%dma_wait3A_120, %dma_wait3A_121] : memref<10240x128xf32, #tpu.memory_space<vmem_shared>> -> memref<10240x128xf32, #tpu.memory_space<vmem_shared>>
      tpu.wait_indirect_dma semaphore(%run_scoped3A_110 : memref<!tpu.dma_semaphore, #tpu.memory_space<semaphore_mem>>) src(%arg9 : memref<126x128xf32, #tpu.memory_space<vmem>>) dst(%dma_wait3A_122 : memref<10240x128xf32, #tpu.memory_space<vmem_shared>>)
      tpu.yield
    }) : () -> ()
    %dma_wait3A_93 = arith.constant 39 : i32
    %dma_wait3A_94 = arith.constant 0 : i32
    %dma_wait3A_95 = tpu.memref_slice %arg7[%dma_wait3A_93, %dma_wait3A_94] : memref<40x126xi32, #tpu.memory_space<vmem>> -> memref<1x126xi32, #tpu.memory_space<vmem>>
    %dma_wait3A_96 = tpu.memref_squeeze %dma_wait3A_95 : memref<1x126xi32, #tpu.memory_space<vmem>> -> memref<126xi32, #tpu.memory_space<vmem>>
    %dma_wait3A_97 = arith.constant 0 : i32
    %dma_wait3A_98 = arith.constant 0 : i32
    %dma_wait3A_99 = tpu.memref_slice %arg2[%arg0, %dma_wait3A_97, %dma_wait3A_98] : memref<2x10000x128xf32, #tpu.memory_space<hbm>> -> memref<1x10000x128xf32, #tpu.memory_space<hbm>>
    %dma_wait3A_100 = tpu.memref_squeeze %dma_wait3A_99 : memref<1x10000x128xf32, #tpu.memory_space<hbm>> -> memref<10000x128xf32, #tpu.memory_space<hbm>>
    %dma_wait3A_101 = arith.constant 0 : i32
    %dma_wait3A_102 = arith.constant 0 : i32
    %dma_wait3A_103 = tpu.memref_slice %dma_wait3A_100[%dma_wait3A_101, %dma_wait3A_102] : memref<10000x128xf32, #tpu.memory_space<hbm>> -> memref<10000x128xf32, #tpu.memory_space<hbm>>
    tpu.wait_indirect_dma semaphore(%arg13 : memref<!tpu.dma_semaphore, #tpu.memory_space<semaphore_mem>>) src(%dma_wait3A_103 : memref<10000x128xf32, #tpu.memory_space<hbm>>) dst(%arg10 : memref<126x128xf32, #tpu.memory_space<vmem>>)
    %run_scoped3A_104 = arith.constant 39 : i32
    "tpu.region"() ({
      %run_scoped3A_110 = tpu.sem_alloc : memref<!tpu.dma_semaphore, #tpu.memory_space<semaphore_mem>>
      %dma_start3A_111 = arith.constant 0 : i32
      %dma_start3A_112 = tpu.memref_slice %arg8[%run_scoped3A_104, %dma_start3A_111] : memref<40x126xi32, #tpu.memory_space<vmem>> -> memref<1x126xi32, #tpu.memory_space<vmem>>
      %dma_start3A_113 = tpu.memref_squeeze %dma_start3A_112 : memref<1x126xi32, #tpu.memory_space<vmem>> -> memref<126xi32, #tpu.memory_space<vmem>>
      %dma_start3A_114 = arith.constant 0 : i32
      %dma_start3A_115 = arith.constant 0 : i32
      %dma_start3A_116 = tpu.memref_slice %arg11[%dma_start3A_114, %dma_start3A_115] : memref<10240x128xf32, #tpu.memory_space<vmem_shared>> -> memref<10240x128xf32, #tpu.memory_space<vmem_shared>>
      tpu.enqueue_indirect_dma source(%arg10 : memref<126x128xf32, #tpu.memory_space<vmem>>) target(%dma_start3A_116 : memref<10240x128xf32, #tpu.memory_space<vmem_shared>>) offsets(%dma_start3A_113 : memref<126xi32, #tpu.memory_space<vmem>>) semaphore(%run_scoped3A_110 : memref<!tpu.dma_semaphore, #tpu.memory_space<semaphore_mem>>) {add = true}
      %dma_wait3A_117 = arith.constant 0 : i32
      %dma_wait3A_118 = tpu.memref_slice %arg8[%run_scoped3A_104, %dma_wait3A_117] : memref<40x126xi32, #tpu.memory_space<vmem>> -> memref<1x126xi32, #tpu.memory_space<vmem>>
      %dma_wait3A_119 = tpu.memref_squeeze %dma_wait3A_118 : memref<1x126xi32, #tpu.memory_space<vmem>> -> memref<126xi32, #tpu.memory_space<vmem>>
      %dma_wait3A_120 = arith.constant 0 : i32
      %dma_wait3A_121 = arith.constant 0 : i32
      %dma_wait3A_122 = tpu.memref_slice %arg11[%dma_wait3A_120, %dma_wait3A_121] : memref<10240x128xf32, #tpu.memory_space<vmem_shared>> -> memref<10240x128xf32, #tpu.memory_space<vmem_shared>>
      tpu.wait_indirect_dma semaphore(%run_scoped3A_110 : memref<!tpu.dma_semaphore, #tpu.memory_space<semaphore_mem>>) src(%arg10 : memref<126x128xf32, #tpu.memory_space<vmem>>) dst(%dma_wait3A_122 : memref<10240x128xf32, #tpu.memory_space<vmem_shared>>)
      tpu.yield
    }) : () -> ()
    %barrier3A_105 = arith.constant 0 : index
    tpu.barrier barrier_id(%barrier3A_105)
    %mul3A_106 = arith.constant 640 : i32
    %mul3A_107 = arith.muli %arg1, %mul3A_106 : i32
    %mul3A_108 = arith.constant 640 : i32
    %mul3A_109 = arith.muli %arg1, %mul3A_108 : i32
    "tpu.region"() ({
      %run_scoped3A_110 = tpu.sem_alloc : memref<!tpu.dma_semaphore, #tpu.memory_space<semaphore_mem>>
      %dma_start3A_111 = arith.constant 0 : i32
      %dma_start3A_112 = tpu.memref_slice %arg6[%arg0, %mul3A_109, %dma_start3A_111] : memref<2x10240x128xf32, #tpu.memory_space<hbm>> -> memref<1x640x128xf32, #tpu.memory_space<hbm>>
      %dma_start3A_113 = tpu.memref_squeeze %dma_start3A_112 : memref<1x640x128xf32, #tpu.memory_space<hbm>> -> memref<640x128xf32, #tpu.memory_space<hbm>>
      %dma_start3A_114 = arith.constant 0 : i32
      %dma_start3A_115 = tpu.memref_slice %arg11[%mul3A_107, %dma_start3A_114] : memref<10240x128xf32, #tpu.memory_space<vmem_shared>> -> memref<640x128xf32, #tpu.memory_space<vmem_shared>>
      tpu.enqueue_dma source(%dma_start3A_115 : memref<640x128xf32, #tpu.memory_space<vmem_shared>>) target(%dma_start3A_113 : memref<640x128xf32, #tpu.memory_space<hbm>>) target_semaphore(%run_scoped3A_110 : memref<!tpu.dma_semaphore, #tpu.memory_space<semaphore_mem>>)
      %dma_wait3A_116 = arith.constant 0 : i32
      %dma_wait3A_117 = tpu.memref_slice %arg6[%arg0, %mul3A_109, %dma_wait3A_116] : memref<2x10240x128xf32, #tpu.memory_space<hbm>> -> memref<1x640x128xf32, #tpu.memory_space<hbm>>
      %dma_wait3A_118 = tpu.memref_squeeze %dma_wait3A_117 : memref<1x640x128xf32, #tpu.memory_space<hbm>> -> memref<640x128xf32, #tpu.memory_space<hbm>>
      %dma_wait3A_119 = arith.constant 0 : i32
      %dma_wait3A_120 = tpu.memref_slice %arg11[%mul3A_107, %dma_wait3A_119] : memref<10240x128xf32, #tpu.memory_space<vmem_shared>> -> memref<640x128xf32, #tpu.memory_space<vmem_shared>>
      tpu.wait_dma2 semaphore(%run_scoped3A_110 : memref<!tpu.dma_semaphore, #tpu.memory_space<semaphore_mem>>) src(%dma_wait3A_120 : memref<640x128xf32, #tpu.memory_space<vmem_shared>>) dst(%dma_wait3A_118 : memref<640x128xf32, #tpu.memory_space<hbm>>)
      tpu.yield
    }) : () -> ()
    return
  }
}

module attributes {stable_mosaic.version = 14 : i64} {
  func.func @_stage_a_body(%arg0: i32, %arg1: memref<1000x256xf32, #tpu.memory_space<vmem>>, %arg2: memref<1000x32xf32, #tpu.memory_space<vmem>>, %arg3: memref<1x256xf32, #tpu.memory_space<vmem>>, %arg4: memref<1x256xf32, #tpu.memory_space<vmem>>, %arg5: memref<256x256xbf16, #tpu.memory_space<vmem>>, %arg6: memref<1x256xf32, #tpu.memory_space<vmem>>, %arg7: memref<1x256xf32, #tpu.memory_space<vmem>>, %arg8: memref<1x256xf32, #tpu.memory_space<vmem>>, %arg9: memref<256x256xbf16, #tpu.memory_space<vmem>>, %arg10: memref<1000x256xf32, #tpu.memory_space<vmem>>, %arg11: memref<2x1000x128xf32, #tpu.memory_space<vmem>>) attributes {dimension_semantics = [#tpu.dimension_semantics<arbitrary>], iteration_bounds = array<i64: 10>, scalar_prefetch = 0 : i64, scratch_operands = 0 : i64, tpu.core_type = #tpu.core_type<tc>, window_params = [{transform_indices = @transform_0, window_bounds = array<i64: 1000, 256>}, {transform_indices = @transform_1, window_bounds = array<i64: 1000, 32>}, {pipeline_mode = #tpu.pipeline_mode<synchronous>, transform_indices = @transform_2, window_bounds = array<i64: 1, 256>}, {pipeline_mode = #tpu.pipeline_mode<synchronous>, transform_indices = @transform_3, window_bounds = array<i64: 1, 256>}, {pipeline_mode = #tpu.pipeline_mode<synchronous>, transform_indices = @transform_4, window_bounds = array<i64: 256, 256>}, {pipeline_mode = #tpu.pipeline_mode<synchronous>, transform_indices = @transform_5, window_bounds = array<i64: 1, 256>}, {pipeline_mode = #tpu.pipeline_mode<synchronous>, transform_indices = @transform_6, window_bounds = array<i64: 1, 256>}, {pipeline_mode = #tpu.pipeline_mode<synchronous>, transform_indices = @transform_7, window_bounds = array<i64: 1, 256>}, {pipeline_mode = #tpu.pipeline_mode<synchronous>, transform_indices = @transform_8, window_bounds = array<i64: 256, 256>}, {transform_indices = @transform_9, window_bounds = array<i64: 1000, 256>}, {transform_indices = @transform_10, window_bounds = array<i64: 2, 1000, 128>}]} {
    %get3A = arith.constant 0 : index
    %get3A_0 = arith.constant 0 : index
    %get3A_1 = vector.load %arg1[%get3A, %get3A_0] : memref<1000x256xf32, #tpu.memory_space<vmem>>, vector<1000x256xf32>
    %get3A_2 = arith.constant 0 : index
    %get3A_3 = arith.constant 0 : index
    %get3A_4 = vector.load %arg2[%get3A_2, %get3A_3] : memref<1000x32xf32, #tpu.memory_space<vmem>>, vector<1000x32xf32>
    %reduce_sum3A = arith.constant dense<0.000000e+00> : vector<1000xf32>
    %reduce_sum3A_5 = vector.multi_reduction <add>, %get3A_4, %reduce_sum3A [1] : vector<1000x32xf32> to vector<1000xf32>
    %broadcast_in_dim3A = vector.shape_cast %reduce_sum3A_5 : vector<1000xf32> to vector<1000x1xf32>
    %add3A = arith.constant 1.000000e+00 : f32
    %add3A_6 = vector.broadcast %add3A : f32 to vector<1000x1xf32>
    %add3A_7 = arith.addf %broadcast_in_dim3A, %add3A_6 : vector<1000x1xf32>
    %rsqrt3A = math.rsqrt %add3A_7 : vector<1000x1xf32>
    %get3A_8 = arith.constant 0 : index
    %get3A_9 = arith.constant 0 : index
    %get3A_10 = vector.load %arg3[%get3A_8, %get3A_9] : memref<1x256xf32, #tpu.memory_space<vmem>>, vector<1x256xf32>
    %get3A_11 = arith.constant 0 : index
    %get3A_12 = arith.constant 0 : index
    %get3A_13 = vector.load %arg4[%get3A_11, %get3A_12] : memref<1x256xf32, #tpu.memory_space<vmem>>, vector<1x256xf32>
    %reduce_sum3A_14 = arith.constant dense<0.000000e+00> : vector<1000xf32>
    %reduce_sum3A_15 = vector.multi_reduction <add>, %get3A_1, %reduce_sum3A_14 [1] : vector<1000x256xf32> to vector<1000xf32>
    %broadcast_in_dim3A_16 = vector.shape_cast %reduce_sum3A_15 : vector<1000xf32> to vector<1000x1xf32>
    %div3A = arith.constant 2.560000e+02 : f32
    %div3A_17 = vector.broadcast %div3A : f32 to vector<1000x1xf32>
    %div3A_18 = arith.divf %broadcast_in_dim3A_16, %div3A_17 : vector<1000x1xf32>
    %sub3A = vector.broadcast %div3A_18 : vector<1000x1xf32> to vector<1000x256xf32>
    %sub3A_19 = arith.subf %get3A_1, %sub3A : vector<1000x256xf32>
    %integer_pow3A = arith.mulf %sub3A_19, %sub3A_19 : vector<1000x256xf32>
    %reduce_sum3A_20 = arith.constant dense<0.000000e+00> : vector<1000xf32>
    %reduce_sum3A_21 = vector.multi_reduction <add>, %integer_pow3A, %reduce_sum3A_20 [1] : vector<1000x256xf32> to vector<1000xf32>
    %broadcast_in_dim3A_22 = vector.shape_cast %reduce_sum3A_21 : vector<1000xf32> to vector<1000x1xf32>
    %div3A_23 = arith.constant 2.560000e+02 : f32
    %div3A_24 = vector.broadcast %div3A_23 : f32 to vector<1000x1xf32>
    %div3A_25 = arith.divf %broadcast_in_dim3A_22, %div3A_24 : vector<1000x1xf32>
    %sub3A_26 = vector.broadcast %div3A_18 : vector<1000x1xf32> to vector<1000x256xf32>
    %sub3A_27 = arith.subf %get3A_1, %sub3A_26 : vector<1000x256xf32>
    %add3A_28 = arith.constant 9.99999974E-6 : f32
    %add3A_29 = vector.broadcast %add3A_28 : f32 to vector<1000x1xf32>
    %add3A_30 = arith.addf %div3A_25, %add3A_29 : vector<1000x1xf32>
    %rsqrt3A_31 = math.rsqrt %add3A_30 : vector<1000x1xf32>
    %mul3A = vector.broadcast %rsqrt3A_31 : vector<1000x1xf32> to vector<1000x256xf32>
    %mul3A_32 = arith.mulf %sub3A_27, %mul3A : vector<1000x256xf32>
    %mul3A_33 = vector.broadcast %get3A_10 : vector<1x256xf32> to vector<1000x256xf32>
    %mul3A_34 = arith.mulf %mul3A_32, %mul3A_33 : vector<1000x256xf32>
    %add3A_35 = vector.broadcast %get3A_13 : vector<1x256xf32> to vector<1000x256xf32>
    %add3A_36 = arith.addf %mul3A_34, %add3A_35 : vector<1000x256xf32>
    %convert_element_type3A = arith.truncf %add3A_36 : vector<1000x256xf32> to vector<1000x256xbf16>
    %get3A_37 = arith.constant 0 : index
    %get3A_38 = arith.constant 0 : index
    %get3A_39 = vector.load %arg5[%get3A_37, %get3A_38] : memref<256x256xbf16, #tpu.memory_space<vmem>>, vector<256x256xbf16>
    %dot_general3A = arith.constant dense<0.000000e+00> : vector<1000x256xf32>
    %dot_general3A_40 = tpu.matmul %convert_element_type3A, %get3A_39, %dot_general3A {dimension_numbers = #tpu.dot_dimension_numbers<[1], [0], [0], [1], [0, 0, 1, 1], [], []>, transpose_lhs_hint = false} : vector<1000x256xbf16>, vector<256x256xbf16>, vector<1000x256xf32> -> vector<1000x256xf32>
    %get3A_41 = arith.constant 0 : index
    %get3A_42 = arith.constant 0 : index
    %get3A_43 = vector.load %arg6[%get3A_41, %get3A_42] : memref<1x256xf32, #tpu.memory_space<vmem>>, vector<1x256xf32>
    %add3A_44 = vector.broadcast %get3A_43 : vector<1x256xf32> to vector<1000x256xf32>
    %add3A_45 = arith.addf %dot_general3A_40, %add3A_44 : vector<1000x256xf32>
    %mul3A_46 = arith.constant 5.000000e-01 : f32
    %mul3A_47 = vector.broadcast %mul3A_46 : f32 to vector<1000x256xf32>
    %mul3A_48 = arith.mulf %mul3A_47, %add3A_45 : vector<1000x256xf32>
    %mul3A_49 = arith.constant 0.707106769 : f32
    %mul3A_50 = vector.broadcast %mul3A_49 : f32 to vector<1000x256xf32>
    %mul3A_51 = arith.mulf %add3A_45, %mul3A_50 : vector<1000x256xf32>
    %erf3A = math.erf %mul3A_51 : vector<1000x256xf32>
    %add3A_52 = arith.constant 1.000000e+00 : f32
    %add3A_53 = vector.broadcast %add3A_52 : f32 to vector<1000x256xf32>
    %add3A_54 = arith.addf %add3A_53, %erf3A : vector<1000x256xf32>
    %mul3A_55 = arith.mulf %mul3A_48, %add3A_54 : vector<1000x256xf32>
    %get3A_56 = arith.constant 0 : index
    %get3A_57 = arith.constant 0 : index
    %get3A_58 = vector.load %arg7[%get3A_56, %get3A_57] : memref<1x256xf32, #tpu.memory_space<vmem>>, vector<1x256xf32>
    %get3A_59 = arith.constant 0 : index
    %get3A_60 = arith.constant 0 : index
    %get3A_61 = vector.load %arg8[%get3A_59, %get3A_60] : memref<1x256xf32, #tpu.memory_space<vmem>>, vector<1x256xf32>
    %reduce_sum3A_62 = arith.constant dense<0.000000e+00> : vector<1000xf32>
    %reduce_sum3A_63 = vector.multi_reduction <add>, %mul3A_55, %reduce_sum3A_62 [1] : vector<1000x256xf32> to vector<1000xf32>
    %broadcast_in_dim3A_64 = vector.shape_cast %reduce_sum3A_63 : vector<1000xf32> to vector<1000x1xf32>
    %div3A_65 = arith.constant 2.560000e+02 : f32
    %div3A_66 = vector.broadcast %div3A_65 : f32 to vector<1000x1xf32>
    %div3A_67 = arith.divf %broadcast_in_dim3A_64, %div3A_66 : vector<1000x1xf32>
    %sub3A_68 = vector.broadcast %div3A_67 : vector<1000x1xf32> to vector<1000x256xf32>
    %sub3A_69 = arith.subf %mul3A_55, %sub3A_68 : vector<1000x256xf32>
    %integer_pow3A_70 = arith.mulf %sub3A_69, %sub3A_69 : vector<1000x256xf32>
    %reduce_sum3A_71 = arith.constant dense<0.000000e+00> : vector<1000xf32>
    %reduce_sum3A_72 = vector.multi_reduction <add>, %integer_pow3A_70, %reduce_sum3A_71 [1] : vector<1000x256xf32> to vector<1000xf32>
    %broadcast_in_dim3A_73 = vector.shape_cast %reduce_sum3A_72 : vector<1000xf32> to vector<1000x1xf32>
    %div3A_74 = arith.constant 2.560000e+02 : f32
    %div3A_75 = vector.broadcast %div3A_74 : f32 to vector<1000x1xf32>
    %div3A_76 = arith.divf %broadcast_in_dim3A_73, %div3A_75 : vector<1000x1xf32>
    %sub3A_77 = vector.broadcast %div3A_67 : vector<1000x1xf32> to vector<1000x256xf32>
    %sub3A_78 = arith.subf %mul3A_55, %sub3A_77 : vector<1000x256xf32>
    %add3A_79 = arith.constant 9.99999974E-6 : f32
    %add3A_80 = vector.broadcast %add3A_79 : f32 to vector<1000x1xf32>
    %add3A_81 = arith.addf %div3A_76, %add3A_80 : vector<1000x1xf32>
    %rsqrt3A_82 = math.rsqrt %add3A_81 : vector<1000x1xf32>
    %mul3A_83 = vector.broadcast %rsqrt3A_82 : vector<1000x1xf32> to vector<1000x256xf32>
    %mul3A_84 = arith.mulf %sub3A_78, %mul3A_83 : vector<1000x256xf32>
    %mul3A_85 = vector.broadcast %get3A_58 : vector<1x256xf32> to vector<1000x256xf32>
    %mul3A_86 = arith.mulf %mul3A_84, %mul3A_85 : vector<1000x256xf32>
    %add3A_87 = vector.broadcast %get3A_61 : vector<1x256xf32> to vector<1000x256xf32>
    %add3A_88 = arith.addf %mul3A_86, %add3A_87 : vector<1000x256xf32>
    %convert_element_type3A_89 = arith.truncf %add3A_88 : vector<1000x256xf32> to vector<1000x256xbf16>
    %get3A_90 = arith.constant 0 : index
    %get3A_91 = arith.constant 0 : index
    %get3A_92 = vector.load %arg9[%get3A_90, %get3A_91] : memref<256x256xbf16, #tpu.memory_space<vmem>>, vector<256x256xbf16>
    %dot_general3A_93 = arith.constant dense<0.000000e+00> : vector<1000x256xf32>
    %dot_general3A_94 = tpu.matmul %convert_element_type3A_89, %get3A_92, %dot_general3A_93 {dimension_numbers = #tpu.dot_dimension_numbers<[1], [0], [0], [1], [0, 0, 1, 1], [], []>, transpose_lhs_hint = false} : vector<1000x256xbf16>, vector<256x256xbf16>, vector<1000x256xf32> -> vector<1000x256xf32>
    %mul3A_95 = vector.broadcast %rsqrt3A : vector<1000x1xf32> to vector<1000x256xf32>
    %mul3A_96 = arith.mulf %mul3A_95, %dot_general3A_94 : vector<1000x256xf32>
    %swap3A = arith.constant 0 : index
    %swap3A_97 = arith.constant 0 : index
    %swap3A_98 = vector.load %arg10[%swap3A, %swap3A_97] : memref<1000x256xf32, #tpu.memory_space<vmem>>, vector<1000x256xf32>
    tpu.vector_store %arg10[%swap3A, %swap3A_97], %mul3A_55 {strides = array<i32>} : memref<1000x256xf32, #tpu.memory_space<vmem>>, vector<1000x256xf32>,
    %slice3A = vector.extract_strided_slice %mul3A_96 {offsets = [0, 0], sizes = [1000, 128], strides = [1, 1]} : vector<1000x256xf32> to vector<1000x128xf32>
    %swap3A_99 = arith.constant 0 : index
    %swap3A_100 = arith.constant 0 : index
    %swap3A_101 = arith.constant 0 : index
    %swap3A_102 = vector.load %arg11[%swap3A_99, %swap3A_100, %swap3A_101] : memref<2x1000x128xf32, #tpu.memory_space<vmem>>, vector<1x1000x128xf32>
    %swap3A_103 = vector.shape_cast %swap3A_102 : vector<1x1000x128xf32> to vector<1000x128xf32>
    %swap3A_104 = vector.shape_cast %slice3A : vector<1000x128xf32> to vector<1x1000x128xf32>
    tpu.vector_store %arg11[%swap3A_99, %swap3A_100, %swap3A_101], %swap3A_104 {strides = array<i32>} : memref<2x1000x128xf32, #tpu.memory_space<vmem>>, vector<1x1000x128xf32>,
    %slice3A_105 = vector.extract_strided_slice %mul3A_96 {offsets = [0, 128], sizes = [1000, 128], strides = [1, 1]} : vector<1000x256xf32> to vector<1000x128xf32>
    %swap3A_106 = arith.constant 1 : index
    %swap3A_107 = arith.constant 0 : index
    %swap3A_108 = arith.constant 0 : index
    %swap3A_109 = vector.load %arg11[%swap3A_106, %swap3A_107, %swap3A_108] : memref<2x1000x128xf32, #tpu.memory_space<vmem>>, vector<1x1000x128xf32>
    %swap3A_110 = vector.shape_cast %swap3A_109 : vector<1x1000x128xf32> to vector<1000x128xf32>
    %swap3A_111 = vector.shape_cast %slice3A_105 : vector<1000x128xf32> to vector<1x1000x128xf32>
    tpu.vector_store %arg11[%swap3A_106, %swap3A_107, %swap3A_108], %swap3A_111 {strides = array<i32>} : memref<2x1000x128xf32, #tpu.memory_space<vmem>>, vector<1x1000x128xf32>,
    return
  }
  func.func @transform_0(%arg0: i32) -> (i32, i32) {
    %c0_i32 = arith.constant 0 : i32
    %c0_i32_0 = arith.constant 0 : i32
    return %arg0, %c0_i32 : i32, i32
  }
  func.func @transform_1(%arg0: i32) -> (i32, i32) {
    %c0_i32 = arith.constant 0 : i32
    %c0_i32_0 = arith.constant 0 : i32
    return %arg0, %c0_i32 : i32, i32
  }
  func.func @transform_2(%arg0: i32) -> (i32, i32) {
    %c0_i32 = arith.constant 0 : i32
    %c0_i32_0 = arith.constant 0 : i32
    %c0_i32_1 = arith.constant 0 : i32
    return %c0_i32, %c0_i32_0 : i32, i32
  }
  func.func @transform_3(%arg0: i32) -> (i32, i32) {
    %c0_i32 = arith.constant 0 : i32
    %c0_i32_0 = arith.constant 0 : i32
    %c0_i32_1 = arith.constant 0 : i32
    return %c0_i32, %c0_i32_0 : i32, i32
  }
  func.func @transform_4(%arg0: i32) -> (i32, i32) {
    %c0_i32 = arith.constant 0 : i32
    %c0_i32_0 = arith.constant 0 : i32
    %c0_i32_1 = arith.constant 0 : i32
    return %c0_i32, %c0_i32_0 : i32, i32
  }
  func.func @transform_5(%arg0: i32) -> (i32, i32) {
    %c0_i32 = arith.constant 0 : i32
    %c0_i32_0 = arith.constant 0 : i32
    %c0_i32_1 = arith.constant 0 : i32
    return %c0_i32, %c0_i32_0 : i32, i32
  }
  func.func @transform_6(%arg0: i32) -> (i32, i32) {
    %c0_i32 = arith.constant 0 : i32
    %c0_i32_0 = arith.constant 0 : i32
    %c0_i32_1 = arith.constant 0 : i32
    return %c0_i32, %c0_i32_0 : i32, i32
  }
  func.func @transform_7(%arg0: i32) -> (i32, i32) {
    %c0_i32 = arith.constant 0 : i32
    %c0_i32_0 = arith.constant 0 : i32
    %c0_i32_1 = arith.constant 0 : i32
    return %c0_i32, %c0_i32_0 : i32, i32
  }
  func.func @transform_8(%arg0: i32) -> (i32, i32) {
    %c0_i32 = arith.constant 0 : i32
    %c0_i32_0 = arith.constant 0 : i32
    %c0_i32_1 = arith.constant 0 : i32
    return %c0_i32, %c0_i32_0 : i32, i32
  }
  func.func @transform_9(%arg0: i32) -> (i32, i32) {
    %c0_i32 = arith.constant 0 : i32
    %c0_i32_0 = arith.constant 0 : i32
    return %arg0, %c0_i32 : i32, i32
  }
  func.func @transform_10(%arg0: i32) -> (i32, i32, i32) {
    %c0_i32 = arith.constant 0 : i32
    %c0_i32_0 = arith.constant 0 : i32
    %c0_i32_1 = arith.constant 0 : i32
    return %c0_i32, %arg0, %c0_i32_0 : i32, i32, i32
  }
}

module attributes {stable_mosaic.version = 14 : i64} {
  func.func @_stage_b_body(%arg0: i32, %arg1: memref<1000x256xf32, #tpu.memory_space<vmem>>, %arg2: memref<1000x256xf32, #tpu.memory_space<vmem>>, %arg3: memref<2x1000x128xf32, #tpu.memory_space<vmem>>, %arg4: memref<2x1000x128xf32, #tpu.memory_space<vmem>>, %arg5: memref<1000x32xf32, #tpu.memory_space<vmem>>, %arg6: memref<1x256xf32, #tpu.memory_space<vmem>>, %arg7: memref<256x256xbf16, #tpu.memory_space<vmem>>, %arg8: memref<1x256xf32, #tpu.memory_space<vmem>>, %arg9: memref<1000x256xf32, #tpu.memory_space<vmem>>) attributes {dimension_semantics = [#tpu.dimension_semantics<arbitrary>], iteration_bounds = array<i64: 10>, scalar_prefetch = 0 : i64, scratch_operands = 0 : i64, tpu.core_type = #tpu.core_type<tc>, window_params = [{transform_indices = @transform_0, window_bounds = array<i64: 1000, 256>}, {transform_indices = @transform_1, window_bounds = array<i64: 1000, 256>}, {transform_indices = @transform_2, window_bounds = array<i64: 2, 1000, 128>}, {transform_indices = @transform_3, window_bounds = array<i64: 2, 1000, 128>}, {transform_indices = @transform_4, window_bounds = array<i64: 1000, 32>}, {pipeline_mode = #tpu.pipeline_mode<synchronous>, transform_indices = @transform_5, window_bounds = array<i64: 1, 256>}, {pipeline_mode = #tpu.pipeline_mode<synchronous>, transform_indices = @transform_6, window_bounds = array<i64: 256, 256>}, {pipeline_mode = #tpu.pipeline_mode<synchronous>, transform_indices = @transform_7, window_bounds = array<i64: 1, 256>}, {transform_indices = @transform_8, window_bounds = array<i64: 1000, 256>}]} {
    %get3A = arith.constant 0 : index
    %get3A_0 = arith.constant 0 : index
    %get3A_1 = vector.load %arg5[%get3A, %get3A_0] : memref<1000x32xf32, #tpu.memory_space<vmem>>, vector<1000x32xf32>
    %reduce_sum3A = arith.constant dense<0.000000e+00> : vector<1000xf32>
    %reduce_sum3A_2 = vector.multi_reduction <add>, %get3A_1, %reduce_sum3A [1] : vector<1000x32xf32> to vector<1000xf32>
    %broadcast_in_dim3A = vector.shape_cast %reduce_sum3A_2 : vector<1000xf32> to vector<1000x1xf32>
    %add3A = arith.constant 1.000000e+00 : f32
    %add3A_3 = vector.broadcast %add3A : f32 to vector<1000x1xf32>
    %add3A_4 = arith.addf %broadcast_in_dim3A, %add3A_3 : vector<1000x1xf32>
    %rsqrt3A = math.rsqrt %add3A_4 : vector<1000x1xf32>
    %get3A_5 = arith.constant 0 : index
    %get3A_6 = arith.constant 0 : index
    %get3A_7 = arith.constant 0 : index
    %get3A_8 = vector.load %arg4[%get3A_5, %get3A_6, %get3A_7] : memref<2x1000x128xf32, #tpu.memory_space<vmem>>, vector<1x1000x128xf32>
    %get3A_9 = vector.shape_cast %get3A_8 : vector<1x1000x128xf32> to vector<1000x128xf32>
    %get3A_10 = arith.constant 0 : index
    %get3A_11 = arith.constant 0 : index
    %get3A_12 = arith.constant 0 : index
    %get3A_13 = vector.load %arg3[%get3A_10, %get3A_11, %get3A_12] : memref<2x1000x128xf32, #tpu.memory_space<vmem>>, vector<1x1000x128xf32>
    %get3A_14 = vector.shape_cast %get3A_13 : vector<1x1000x128xf32> to vector<1000x128xf32>
    %add3A_15 = arith.addf %get3A_9, %get3A_14 : vector<1000x128xf32>
    %get3A_16 = arith.constant 1 : index
    %get3A_17 = arith.constant 0 : index
    %get3A_18 = arith.constant 0 : index
    %get3A_19 = vector.load %arg4[%get3A_16, %get3A_17, %get3A_18] : memref<2x1000x128xf32, #tpu.memory_space<vmem>>, vector<1x1000x128xf32>
    %get3A_20 = vector.shape_cast %get3A_19 : vector<1x1000x128xf32> to vector<1000x128xf32>
    %get3A_21 = arith.constant 1 : index
    %get3A_22 = arith.constant 0 : index
    %get3A_23 = arith.constant 0 : index
    %get3A_24 = vector.load %arg3[%get3A_21, %get3A_22, %get3A_23] : memref<2x1000x128xf32, #tpu.memory_space<vmem>>, vector<1x1000x128xf32>
    %get3A_25 = vector.shape_cast %get3A_24 : vector<1x1000x128xf32> to vector<1000x128xf32>
    %add3A_26 = arith.addf %get3A_20, %get3A_25 : vector<1000x128xf32>
    %concatenate3A = tpu.concatenate %add3A_15, %add3A_26 in 1 : vector<1000x128xf32>, vector<1000x128xf32> -> vector<1000x256xf32>
    %mul3A = vector.broadcast %rsqrt3A : vector<1000x1xf32> to vector<1000x256xf32>
    %mul3A_27 = arith.mulf %mul3A, %concatenate3A : vector<1000x256xf32>
    %get3A_28 = arith.constant 0 : index
    %get3A_29 = arith.constant 0 : index
    %get3A_30 = vector.load %arg6[%get3A_28, %get3A_29] : memref<1x256xf32, #tpu.memory_space<vmem>>, vector<1x256xf32>
    %add3A_31 = vector.broadcast %get3A_30 : vector<1x256xf32> to vector<1000x256xf32>
    %add3A_32 = arith.addf %mul3A_27, %add3A_31 : vector<1000x256xf32>
    %tanh3A = math.tanh %add3A_32 : vector<1000x256xf32>
    %get3A_33 = arith.constant 0 : index
    %get3A_34 = arith.constant 0 : index
    %get3A_35 = vector.load %arg2[%get3A_33, %get3A_34] : memref<1000x256xf32, #tpu.memory_space<vmem>>, vector<1000x256xf32>
    %mul3A_36 = arith.mulf %tanh3A, %get3A_35 : vector<1000x256xf32>
    %get3A_37 = arith.constant 0 : index
    %get3A_38 = arith.constant 0 : index
    %get3A_39 = vector.load %arg1[%get3A_37, %get3A_38] : memref<1000x256xf32, #tpu.memory_space<vmem>>, vector<1000x256xf32>
    %convert_element_type3A = arith.truncf %mul3A_36 : vector<1000x256xf32> to vector<1000x256xbf16>
    %get3A_40 = arith.constant 0 : index
    %get3A_41 = arith.constant 0 : index
    %get3A_42 = vector.load %arg7[%get3A_40, %get3A_41] : memref<256x256xbf16, #tpu.memory_space<vmem>>, vector<256x256xbf16>
    %dot_general3A = arith.constant dense<0.000000e+00> : vector<1000x256xf32>
    %dot_general3A_43 = tpu.matmul %convert_element_type3A, %get3A_42, %dot_general3A {dimension_numbers = #tpu.dot_dimension_numbers<[1], [0], [0], [1], [0, 0, 1, 1], [], []>, transpose_lhs_hint = false} : vector<1000x256xbf16>, vector<256x256xbf16>, vector<1000x256xf32> -> vector<1000x256xf32>
    %add3A_44 = arith.addf %get3A_39, %dot_general3A_43 : vector<1000x256xf32>
    %get3A_45 = arith.constant 0 : index
    %get3A_46 = arith.constant 0 : index
    %get3A_47 = vector.load %arg8[%get3A_45, %get3A_46] : memref<1x256xf32, #tpu.memory_space<vmem>>, vector<1x256xf32>
    %add3A_48 = vector.broadcast %get3A_47 : vector<1x256xf32> to vector<1000x256xf32>
    %add3A_49 = arith.addf %add3A_44, %add3A_48 : vector<1000x256xf32>
    %swap3A = arith.constant 0 : index
    %swap3A_50 = arith.constant 0 : index
    %swap3A_51 = vector.load %arg9[%swap3A, %swap3A_50] : memref<1000x256xf32, #tpu.memory_space<vmem>>, vector<1000x256xf32>
    tpu.vector_store %arg9[%swap3A, %swap3A_50], %add3A_49 {strides = array<i32>} : memref<1000x256xf32, #tpu.memory_space<vmem>>, vector<1000x256xf32>,
    return
  }
  func.func @transform_0(%arg0: i32) -> (i32, i32) {
    %c0_i32 = arith.constant 0 : i32
    %c0_i32_0 = arith.constant 0 : i32
    return %arg0, %c0_i32 : i32, i32
  }
  func.func @transform_1(%arg0: i32) -> (i32, i32) {
    %c0_i32 = arith.constant 0 : i32
    %c0_i32_0 = arith.constant 0 : i32
    return %arg0, %c0_i32 : i32, i32
  }
  func.func @transform_2(%arg0: i32) -> (i32, i32, i32) {
    %c0_i32 = arith.constant 0 : i32
    %c0_i32_0 = arith.constant 0 : i32
    %c0_i32_1 = arith.constant 0 : i32
    return %c0_i32, %arg0, %c0_i32_0 : i32, i32, i32
  }
  func.func @transform_3(%arg0: i32) -> (i32, i32, i32) {
    %c0_i32 = arith.constant 0 : i32
    %c0_i32_0 = arith.constant 0 : i32
    %c0_i32_1 = arith.constant 0 : i32
    return %c0_i32, %arg0, %c0_i32_0 : i32, i32, i32
  }
  func.func @transform_4(%arg0: i32) -> (i32, i32) {
    %c0_i32 = arith.constant 0 : i32
    %c0_i32_0 = arith.constant 0 : i32
    return %arg0, %c0_i32 : i32, i32
  }
  func.func @transform_5(%arg0: i32) -> (i32, i32) {
    %c0_i32 = arith.constant 0 : i32
    %c0_i32_0 = arith.constant 0 : i32
    %c0_i32_1 = arith.constant 0 : i32
    return %c0_i32, %c0_i32_0 : i32, i32
  }
  func.func @transform_6(%arg0: i32) -> (i32, i32) {
    %c0_i32 = arith.constant 0 : i32
    %c0_i32_0 = arith.constant 0 : i32
    %c0_i32_1 = arith.constant 0 : i32
    return %c0_i32, %c0_i32_0 : i32, i32
  }
  func.func @transform_7(%arg0: i32) -> (i32, i32) {
    %c0_i32 = arith.constant 0 : i32
    %c0_i32_0 = arith.constant 0 : i32
    %c0_i32_1 = arith.constant 0 : i32
    return %c0_i32, %c0_i32_0 : i32, i32
  }
  func.func @transform_8(%arg0: i32) -> (i32, i32) {
    %c0_i32 = arith.constant 0 : i32
    %c0_i32_0 = arith.constant 0 : i32
    return %arg0, %c0_i32 : i32, i32
  }
}

module attributes {stable_mosaic.version = 14 : i64} {
  func.func @_stage_ba_body(%arg0: i32, %arg1: memref<1000x256xf32, #tpu.memory_space<vmem>>, %arg2: memref<1000x256xf32, #tpu.memory_space<vmem>>, %arg3: memref<2x1000x128xf32, #tpu.memory_space<vmem>>, %arg4: memref<2x1000x128xf32, #tpu.memory_space<vmem>>, %arg5: memref<1000x32xf32, #tpu.memory_space<vmem>>, %arg6: memref<1x256xf32, #tpu.memory_space<vmem>>, %arg7: memref<256x256xbf16, #tpu.memory_space<vmem>>, %arg8: memref<1x256xf32, #tpu.memory_space<vmem>>, %arg9: memref<1x256xf32, #tpu.memory_space<vmem>>, %arg10: memref<1x256xf32, #tpu.memory_space<vmem>>, %arg11: memref<256x256xbf16, #tpu.memory_space<vmem>>, %arg12: memref<1x256xf32, #tpu.memory_space<vmem>>, %arg13: memref<1x256xf32, #tpu.memory_space<vmem>>, %arg14: memref<1x256xf32, #tpu.memory_space<vmem>>, %arg15: memref<256x256xbf16, #tpu.memory_space<vmem>>, %arg16: memref<1000x256xf32, #tpu.memory_space<vmem>>, %arg17: memref<1000x256xf32, #tpu.memory_space<vmem>>, %arg18: memref<2x1000x128xf32, #tpu.memory_space<vmem>>) attributes {dimension_semantics = [#tpu.dimension_semantics<arbitrary>], iteration_bounds = array<i64: 10>, scalar_prefetch = 0 : i64, scratch_operands = 0 : i64, tpu.core_type = #tpu.core_type<tc>, window_params = [{transform_indices = @transform_0, window_bounds = array<i64: 1000, 256>}, {transform_indices = @transform_1, window_bounds = array<i64: 1000, 256>}, {transform_indices = @transform_2, window_bounds = array<i64: 2, 1000, 128>}, {transform_indices = @transform_3, window_bounds = array<i64: 2, 1000, 128>}, {transform_indices = @transform_4, window_bounds = array<i64: 1000, 32>}, {pipeline_mode = #tpu.pipeline_mode<synchronous>, transform_indices = @transform_5, window_bounds = array<i64: 1, 256>}, {pipeline_mode = #tpu.pipeline_mode<synchronous>, transform_indices = @transform_6, window_bounds = array<i64: 256, 256>}, {pipeline_mode = #tpu.pipeline_mode<synchronous>, transform_indices = @transform_7, window_bounds = array<i64: 1, 256>}, {pipeline_mode = #tpu.pipeline_mode<synchronous>, transform_indices = @transform_8, window_bounds = array<i64: 1, 256>}, {pipeline_mode = #tpu.pipeline_mode<synchronous>, transform_indices = @transform_9, window_bounds = array<i64: 1, 256>}, {pipeline_mode = #tpu.pipeline_mode<synchronous>, transform_indices = @transform_10, window_bounds = array<i64: 256, 256>}, {pipeline_mode = #tpu.pipeline_mode<synchronous>, transform_indices = @transform_11, window_bounds = array<i64: 1, 256>}, {pipeline_mode = #tpu.pipeline_mode<synchronous>, transform_indices = @transform_12, window_bounds = array<i64: 1, 256>}, {pipeline_mode = #tpu.pipeline_mode<synchronous>, transform_indices = @transform_13, window_bounds = array<i64: 1, 256>}, {pipeline_mode = #tpu.pipeline_mode<synchronous>, transform_indices = @transform_14, window_bounds = array<i64: 256, 256>}, {transform_indices = @transform_15, window_bounds = array<i64: 1000, 256>}, {transform_indices = @transform_16, window_bounds = array<i64: 1000, 256>}, {transform_indices = @transform_17, window_bounds = array<i64: 2, 1000, 128>}]} {
    %get3A = arith.constant 0 : index
    %get3A_0 = arith.constant 0 : index
    %get3A_1 = vector.load %arg5[%get3A, %get3A_0] : memref<1000x32xf32, #tpu.memory_space<vmem>>, vector<1000x32xf32>
    %reduce_sum3A = arith.constant dense<0.000000e+00> : vector<1000xf32>
    %reduce_sum3A_2 = vector.multi_reduction <add>, %get3A_1, %reduce_sum3A [1] : vector<1000x32xf32> to vector<1000xf32>
    %broadcast_in_dim3A = vector.shape_cast %reduce_sum3A_2 : vector<1000xf32> to vector<1000x1xf32>
    %add3A = arith.constant 1.000000e+00 : f32
    %add3A_3 = vector.broadcast %add3A : f32 to vector<1000x1xf32>
    %add3A_4 = arith.addf %broadcast_in_dim3A, %add3A_3 : vector<1000x1xf32>
    %rsqrt3A = math.rsqrt %add3A_4 : vector<1000x1xf32>
    %get3A_5 = arith.constant 0 : index
    %get3A_6 = arith.constant 0 : index
    %get3A_7 = arith.constant 0 : index
    %get3A_8 = vector.load %arg4[%get3A_5, %get3A_6, %get3A_7] : memref<2x1000x128xf32, #tpu.memory_space<vmem>>, vector<1x1000x128xf32>
    %get3A_9 = vector.shape_cast %get3A_8 : vector<1x1000x128xf32> to vector<1000x128xf32>
    %get3A_10 = arith.constant 0 : index
    %get3A_11 = arith.constant 0 : index
    %get3A_12 = arith.constant 0 : index
    %get3A_13 = vector.load %arg3[%get3A_10, %get3A_11, %get3A_12] : memref<2x1000x128xf32, #tpu.memory_space<vmem>>, vector<1x1000x128xf32>
    %get3A_14 = vector.shape_cast %get3A_13 : vector<1x1000x128xf32> to vector<1000x128xf32>
    %add3A_15 = arith.addf %get3A_9, %get3A_14 : vector<1000x128xf32>
    %get3A_16 = arith.constant 1 : index
    %get3A_17 = arith.constant 0 : index
    %get3A_18 = arith.constant 0 : index
    %get3A_19 = vector.load %arg4[%get3A_16, %get3A_17, %get3A_18] : memref<2x1000x128xf32, #tpu.memory_space<vmem>>, vector<1x1000x128xf32>
    %get3A_20 = vector.shape_cast %get3A_19 : vector<1x1000x128xf32> to vector<1000x128xf32>
    %get3A_21 = arith.constant 1 : index
    %get3A_22 = arith.constant 0 : index
    %get3A_23 = arith.constant 0 : index
    %get3A_24 = vector.load %arg3[%get3A_21, %get3A_22, %get3A_23] : memref<2x1000x128xf32, #tpu.memory_space<vmem>>, vector<1x1000x128xf32>
    %get3A_25 = vector.shape_cast %get3A_24 : vector<1x1000x128xf32> to vector<1000x128xf32>
    %add3A_26 = arith.addf %get3A_20, %get3A_25 : vector<1000x128xf32>
    %concatenate3A = tpu.concatenate %add3A_15, %add3A_26 in 1 : vector<1000x128xf32>, vector<1000x128xf32> -> vector<1000x256xf32>
    %mul3A = vector.broadcast %rsqrt3A : vector<1000x1xf32> to vector<1000x256xf32>
    %mul3A_27 = arith.mulf %mul3A, %concatenate3A : vector<1000x256xf32>
    %get3A_28 = arith.constant 0 : index
    %get3A_29 = arith.constant 0 : index
    %get3A_30 = vector.load %arg6[%get3A_28, %get3A_29] : memref<1x256xf32, #tpu.memory_space<vmem>>, vector<1x256xf32>
    %add3A_31 = vector.broadcast %get3A_30 : vector<1x256xf32> to vector<1000x256xf32>
    %add3A_32 = arith.addf %mul3A_27, %add3A_31 : vector<1000x256xf32>
    %tanh3A = math.tanh %add3A_32 : vector<1000x256xf32>
    %get3A_33 = arith.constant 0 : index
    %get3A_34 = arith.constant 0 : index
    %get3A_35 = vector.load %arg2[%get3A_33, %get3A_34] : memref<1000x256xf32, #tpu.memory_space<vmem>>, vector<1000x256xf32>
    %mul3A_36 = arith.mulf %tanh3A, %get3A_35 : vector<1000x256xf32>
    %get3A_37 = arith.constant 0 : index
    %get3A_38 = arith.constant 0 : index
    %get3A_39 = vector.load %arg1[%get3A_37, %get3A_38] : memref<1000x256xf32, #tpu.memory_space<vmem>>, vector<1000x256xf32>
    %convert_element_type3A = arith.truncf %mul3A_36 : vector<1000x256xf32> to vector<1000x256xbf16>
    %get3A_40 = arith.constant 0 : index
    %get3A_41 = arith.constant 0 : index
    %get3A_42 = vector.load %arg7[%get3A_40, %get3A_41] : memref<256x256xbf16, #tpu.memory_space<vmem>>, vector<256x256xbf16>
    %dot_general3A = arith.constant dense<0.000000e+00> : vector<1000x256xf32>
    %dot_general3A_43 = tpu.matmul %convert_element_type3A, %get3A_42, %dot_general3A {dimension_numbers = #tpu.dot_dimension_numbers<[1], [0], [0], [1], [0, 0, 1, 1], [], []>, transpose_lhs_hint = false} : vector<1000x256xbf16>, vector<256x256xbf16>, vector<1000x256xf32> -> vector<1000x256xf32>
    %add3A_44 = arith.addf %get3A_39, %dot_general3A_43 : vector<1000x256xf32>
    %get3A_45 = arith.constant 0 : index
    %get3A_46 = arith.constant 0 : index
    %get3A_47 = vector.load %arg8[%get3A_45, %get3A_46] : memref<1x256xf32, #tpu.memory_space<vmem>>, vector<1x256xf32>
    %add3A_48 = vector.broadcast %get3A_47 : vector<1x256xf32> to vector<1000x256xf32>
    %add3A_49 = arith.addf %add3A_44, %add3A_48 : vector<1000x256xf32>
    %swap3A = arith.constant 0 : index
    %swap3A_50 = arith.constant 0 : index
    %swap3A_51 = vector.load %arg16[%swap3A, %swap3A_50] : memref<1000x256xf32, #tpu.memory_space<vmem>>, vector<1000x256xf32>
    tpu.vector_store %arg16[%swap3A, %swap3A_50], %add3A_49 {strides = array<i32>} : memref<1000x256xf32, #tpu.memory_space<vmem>>, vector<1000x256xf32>,
    %get3A_52 = arith.constant 0 : index
    %get3A_53 = arith.constant 0 : index
    %get3A_54 = vector.load %arg9[%get3A_52, %get3A_53] : memref<1x256xf32, #tpu.memory_space<vmem>>, vector<1x256xf32>
    %get3A_55 = arith.constant 0 : index
    %get3A_56 = arith.constant 0 : index
    %get3A_57 = vector.load %arg10[%get3A_55, %get3A_56] : memref<1x256xf32, #tpu.memory_space<vmem>>, vector<1x256xf32>
    %reduce_sum3A_58 = arith.constant dense<0.000000e+00> : vector<1000xf32>
    %reduce_sum3A_59 = vector.multi_reduction <add>, %add3A_49, %reduce_sum3A_58 [1] : vector<1000x256xf32> to vector<1000xf32>
    %broadcast_in_dim3A_60 = vector.shape_cast %reduce_sum3A_59 : vector<1000xf32> to vector<1000x1xf32>
    %div3A = arith.constant 2.560000e+02 : f32
    %div3A_61 = vector.broadcast %div3A : f32 to vector<1000x1xf32>
    %div3A_62 = arith.divf %broadcast_in_dim3A_60, %div3A_61 : vector<1000x1xf32>
    %sub3A = vector.broadcast %div3A_62 : vector<1000x1xf32> to vector<1000x256xf32>
    %sub3A_63 = arith.subf %add3A_49, %sub3A : vector<1000x256xf32>
    %integer_pow3A = arith.mulf %sub3A_63, %sub3A_63 : vector<1000x256xf32>
    %reduce_sum3A_64 = arith.constant dense<0.000000e+00> : vector<1000xf32>
    %reduce_sum3A_65 = vector.multi_reduction <add>, %integer_pow3A, %reduce_sum3A_64 [1] : vector<1000x256xf32> to vector<1000xf32>
    %broadcast_in_dim3A_66 = vector.shape_cast %reduce_sum3A_65 : vector<1000xf32> to vector<1000x1xf32>
    %div3A_67 = arith.constant 2.560000e+02 : f32
    %div3A_68 = vector.broadcast %div3A_67 : f32 to vector<1000x1xf32>
    %div3A_69 = arith.divf %broadcast_in_dim3A_66, %div3A_68 : vector<1000x1xf32>
    %sub3A_70 = vector.broadcast %div3A_62 : vector<1000x1xf32> to vector<1000x256xf32>
    %sub3A_71 = arith.subf %add3A_49, %sub3A_70 : vector<1000x256xf32>
    %add3A_72 = arith.constant 9.99999974E-6 : f32
    %add3A_73 = vector.broadcast %add3A_72 : f32 to vector<1000x1xf32>
    %add3A_74 = arith.addf %div3A_69, %add3A_73 : vector<1000x1xf32>
    %rsqrt3A_75 = math.rsqrt %add3A_74 : vector<1000x1xf32>
    %mul3A_76 = vector.broadcast %rsqrt3A_75 : vector<1000x1xf32> to vector<1000x256xf32>
    %mul3A_77 = arith.mulf %sub3A_71, %mul3A_76 : vector<1000x256xf32>
    %mul3A_78 = vector.broadcast %get3A_54 : vector<1x256xf32> to vector<1000x256xf32>
    %mul3A_79 = arith.mulf %mul3A_77, %mul3A_78 : vector<1000x256xf32>
    %add3A_80 = vector.broadcast %get3A_57 : vector<1x256xf32> to vector<1000x256xf32>
    %add3A_81 = arith.addf %mul3A_79, %add3A_80 : vector<1000x256xf32>
    %convert_element_type3A_82 = arith.truncf %add3A_81 : vector<1000x256xf32> to vector<1000x256xbf16>
    %get3A_83 = arith.constant 0 : index
    %get3A_84 = arith.constant 0 : index
    %get3A_85 = vector.load %arg11[%get3A_83, %get3A_84] : memref<256x256xbf16, #tpu.memory_space<vmem>>, vector<256x256xbf16>
    %dot_general3A_86 = arith.constant dense<0.000000e+00> : vector<1000x256xf32>
    %dot_general3A_87 = tpu.matmul %convert_element_type3A_82, %get3A_85, %dot_general3A_86 {dimension_numbers = #tpu.dot_dimension_numbers<[1], [0], [0], [1], [0, 0, 1, 1], [], []>, transpose_lhs_hint = false} : vector<1000x256xbf16>, vector<256x256xbf16>, vector<1000x256xf32> -> vector<1000x256xf32>
    %get3A_88 = arith.constant 0 : index
    %get3A_89 = arith.constant 0 : index
    %get3A_90 = vector.load %arg12[%get3A_88, %get3A_89] : memref<1x256xf32, #tpu.memory_space<vmem>>, vector<1x256xf32>
    %add3A_91 = vector.broadcast %get3A_90 : vector<1x256xf32> to vector<1000x256xf32>
    %add3A_92 = arith.addf %dot_general3A_87, %add3A_91 : vector<1000x256xf32>
    %mul3A_93 = arith.constant 5.000000e-01 : f32
    %mul3A_94 = vector.broadcast %mul3A_93 : f32 to vector<1000x256xf32>
    %mul3A_95 = arith.mulf %mul3A_94, %add3A_92 : vector<1000x256xf32>
    %mul3A_96 = arith.constant 0.707106769 : f32
    %mul3A_97 = vector.broadcast %mul3A_96 : f32 to vector<1000x256xf32>
    %mul3A_98 = arith.mulf %add3A_92, %mul3A_97 : vector<1000x256xf32>
    %erf3A = math.erf %mul3A_98 : vector<1000x256xf32>
    %add3A_99 = arith.constant 1.000000e+00 : f32
    %add3A_100 = vector.broadcast %add3A_99 : f32 to vector<1000x256xf32>
    %add3A_101 = arith.addf %add3A_100, %erf3A : vector<1000x256xf32>
    %mul3A_102 = arith.mulf %mul3A_95, %add3A_101 : vector<1000x256xf32>
    %get3A_103 = arith.constant 0 : index
    %get3A_104 = arith.constant 0 : index
    %get3A_105 = vector.load %arg13[%get3A_103, %get3A_104] : memref<1x256xf32, #tpu.memory_space<vmem>>, vector<1x256xf32>
    %get3A_106 = arith.constant 0 : index
    %get3A_107 = arith.constant 0 : index
    %get3A_108 = vector.load %arg14[%get3A_106, %get3A_107] : memref<1x256xf32, #tpu.memory_space<vmem>>, vector<1x256xf32>
    %reduce_sum3A_109 = arith.constant dense<0.000000e+00> : vector<1000xf32>
    %reduce_sum3A_110 = vector.multi_reduction <add>, %mul3A_102, %reduce_sum3A_109 [1] : vector<1000x256xf32> to vector<1000xf32>
    %broadcast_in_dim3A_111 = vector.shape_cast %reduce_sum3A_110 : vector<1000xf32> to vector<1000x1xf32>
    %div3A_112 = arith.constant 2.560000e+02 : f32
    %div3A_113 = vector.broadcast %div3A_112 : f32 to vector<1000x1xf32>
    %div3A_114 = arith.divf %broadcast_in_dim3A_111, %div3A_113 : vector<1000x1xf32>
    %sub3A_115 = vector.broadcast %div3A_114 : vector<1000x1xf32> to vector<1000x256xf32>
    %sub3A_116 = arith.subf %mul3A_102, %sub3A_115 : vector<1000x256xf32>
    %integer_pow3A_117 = arith.mulf %sub3A_116, %sub3A_116 : vector<1000x256xf32>
    %reduce_sum3A_118 = arith.constant dense<0.000000e+00> : vector<1000xf32>
    %reduce_sum3A_119 = vector.multi_reduction <add>, %integer_pow3A_117, %reduce_sum3A_118 [1] : vector<1000x256xf32> to vector<1000xf32>
    %broadcast_in_dim3A_120 = vector.shape_cast %reduce_sum3A_119 : vector<1000xf32> to vector<1000x1xf32>
    %div3A_121 = arith.constant 2.560000e+02 : f32
    %div3A_122 = vector.broadcast %div3A_121 : f32 to vector<1000x1xf32>
    %div3A_123 = arith.divf %broadcast_in_dim3A_120, %div3A_122 : vector<1000x1xf32>
    %sub3A_124 = vector.broadcast %div3A_114 : vector<1000x1xf32> to vector<1000x256xf32>
    %sub3A_125 = arith.subf %mul3A_102, %sub3A_124 : vector<1000x256xf32>
    %add3A_126 = arith.constant 9.99999974E-6 : f32
    %add3A_127 = vector.broadcast %add3A_126 : f32 to vector<1000x1xf32>
    %add3A_128 = arith.addf %div3A_123, %add3A_127 : vector<1000x1xf32>
    %rsqrt3A_129 = math.rsqrt %add3A_128 : vector<1000x1xf32>
    %mul3A_130 = vector.broadcast %rsqrt3A_129 : vector<1000x1xf32> to vector<1000x256xf32>
    %mul3A_131 = arith.mulf %sub3A_125, %mul3A_130 : vector<1000x256xf32>
    %mul3A_132 = vector.broadcast %get3A_105 : vector<1x256xf32> to vector<1000x256xf32>
    %mul3A_133 = arith.mulf %mul3A_131, %mul3A_132 : vector<1000x256xf32>
    %add3A_134 = vector.broadcast %get3A_108 : vector<1x256xf32> to vector<1000x256xf32>
    %add3A_135 = arith.addf %mul3A_133, %add3A_134 : vector<1000x256xf32>
    %convert_element_type3A_136 = arith.truncf %add3A_135 : vector<1000x256xf32> to vector<1000x256xbf16>
    %get3A_137 = arith.constant 0 : index
    %get3A_138 = arith.constant 0 : index
    %get3A_139 = vector.load %arg15[%get3A_137, %get3A_138] : memref<256x256xbf16, #tpu.memory_space<vmem>>, vector<256x256xbf16>
    %dot_general3A_140 = arith.constant dense<0.000000e+00> : vector<1000x256xf32>
    %dot_general3A_141 = tpu.matmul %convert_element_type3A_136, %get3A_139, %dot_general3A_140 {dimension_numbers = #tpu.dot_dimension_numbers<[1], [0], [0], [1], [0, 0, 1, 1], [], []>, transpose_lhs_hint = false} : vector<1000x256xbf16>, vector<256x256xbf16>, vector<1000x256xf32> -> vector<1000x256xf32>
    %mul3A_142 = vector.broadcast %rsqrt3A : vector<1000x1xf32> to vector<1000x256xf32>
    %mul3A_143 = arith.mulf %mul3A_142, %dot_general3A_141 : vector<1000x256xf32>
    %swap3A_144 = arith.constant 0 : index
    %swap3A_145 = arith.constant 0 : index
    %swap3A_146 = vector.load %arg17[%swap3A_144, %swap3A_145] : memref<1000x256xf32, #tpu.memory_space<vmem>>, vector<1000x256xf32>
    tpu.vector_store %arg17[%swap3A_144, %swap3A_145], %mul3A_102 {strides = array<i32>} : memref<1000x256xf32, #tpu.memory_space<vmem>>, vector<1000x256xf32>,
    %slice3A = vector.extract_strided_slice %mul3A_143 {offsets = [0, 0], sizes = [1000, 128], strides = [1, 1]} : vector<1000x256xf32> to vector<1000x128xf32>
    %swap3A_147 = arith.constant 0 : index
    %swap3A_148 = arith.constant 0 : index
    %swap3A_149 = arith.constant 0 : index
    %swap3A_150 = vector.load %arg18[%swap3A_147, %swap3A_148, %swap3A_149] : memref<2x1000x128xf32, #tpu.memory_space<vmem>>, vector<1x1000x128xf32>
    %swap3A_151 = vector.shape_cast %swap3A_150 : vector<1x1000x128xf32> to vector<1000x128xf32>
    %swap3A_152 = vector.shape_cast %slice3A : vector<1000x128xf32> to vector<1x1000x128xf32>
    tpu.vector_store %arg18[%swap3A_147, %swap3A_148, %swap3A_149], %swap3A_152 {strides = array<i32>} : memref<2x1000x128xf32, #tpu.memory_space<vmem>>, vector<1x1000x128xf32>,
    %slice3A_153 = vector.extract_strided_slice %mul3A_143 {offsets = [0, 128], sizes = [1000, 128], strides = [1, 1]} : vector<1000x256xf32> to vector<1000x128xf32>
    %swap3A_154 = arith.constant 1 : index
    %swap3A_155 = arith.constant 0 : index
    %swap3A_156 = arith.constant 0 : index
    %swap3A_157 = vector.load %arg18[%swap3A_154, %swap3A_155, %swap3A_156] : memref<2x1000x128xf32, #tpu.memory_space<vmem>>, vector<1x1000x128xf32>
    %swap3A_158 = vector.shape_cast %swap3A_157 : vector<1x1000x128xf32> to vector<1000x128xf32>
    %swap3A_159 = vector.shape_cast %slice3A_153 : vector<1000x128xf32> to vector<1x1000x128xf32>
    tpu.vector_store %arg18[%swap3A_154, %swap3A_155, %swap3A_156], %swap3A_159 {strides = array<i32>} : memref<2x1000x128xf32, #tpu.memory_space<vmem>>, vector<1x1000x128xf32>,
    return
  }
  func.func @transform_0(%arg0: i32) -> (i32, i32) {
    %c0_i32 = arith.constant 0 : i32
    %c0_i32_0 = arith.constant 0 : i32
    return %arg0, %c0_i32 : i32, i32
  }
  func.func @transform_1(%arg0: i32) -> (i32, i32) {
    %c0_i32 = arith.constant 0 : i32
    %c0_i32_0 = arith.constant 0 : i32
    return %arg0, %c0_i32 : i32, i32
  }
  func.func @transform_2(%arg0: i32) -> (i32, i32, i32) {
    %c0_i32 = arith.constant 0 : i32
    %c0_i32_0 = arith.constant 0 : i32
    %c0_i32_1 = arith.constant 0 : i32
    return %c0_i32, %arg0, %c0_i32_0 : i32, i32, i32
  }
  func.func @transform_3(%arg0: i32) -> (i32, i32, i32) {
    %c0_i32 = arith.constant 0 : i32
    %c0_i32_0 = arith.constant 0 : i32
    %c0_i32_1 = arith.constant 0 : i32
    return %c0_i32, %arg0, %c0_i32_0 : i32, i32, i32
  }
  func.func @transform_4(%arg0: i32) -> (i32, i32) {
    %c0_i32 = arith.constant 0 : i32
    %c0_i32_0 = arith.constant 0 : i32
    return %arg0, %c0_i32 : i32, i32
  }
  func.func @transform_5(%arg0: i32) -> (i32, i32) {
    %c0_i32 = arith.constant 0 : i32
    %c0_i32_0 = arith.constant 0 : i32
    %c0_i32_1 = arith.constant 0 : i32
    return %c0_i32, %c0_i32_0 : i32, i32
  }
  func.func @transform_6(%arg0: i32) -> (i32, i32) {
    %c0_i32 = arith.constant 0 : i32
    %c0_i32_0 = arith.constant 0 : i32
    %c0_i32_1 = arith.constant 0 : i32
    return %c0_i32, %c0_i32_0 : i32, i32
  }
  func.func @transform_7(%arg0: i32) -> (i32, i32) {
    %c0_i32 = arith.constant 0 : i32
    %c0_i32_0 = arith.constant 0 : i32
    %c0_i32_1 = arith.constant 0 : i32
    return %c0_i32, %c0_i32_0 : i32, i32
  }
  func.func @transform_8(%arg0: i32) -> (i32, i32) {
    %c0_i32 = arith.constant 0 : i32
    %c0_i32_0 = arith.constant 0 : i32
    %c0_i32_1 = arith.constant 0 : i32
    return %c0_i32, %c0_i32_0 : i32, i32
  }
  func.func @transform_9(%arg0: i32) -> (i32, i32) {
    %c0_i32 = arith.constant 0 : i32
    %c0_i32_0 = arith.constant 0 : i32
    %c0_i32_1 = arith.constant 0 : i32
    return %c0_i32, %c0_i32_0 : i32, i32
  }
  func.func @transform_10(%arg0: i32) -> (i32, i32) {
    %c0_i32 = arith.constant 0 : i32
    %c0_i32_0 = arith.constant 0 : i32
    %c0_i32_1 = arith.constant 0 : i32
    return %c0_i32, %c0_i32_0 : i32, i32
  }
  func.func @transform_11(%arg0: i32) -> (i32, i32) {
    %c0_i32 = arith.constant 0 : i32
    %c0_i32_0 = arith.constant 0 : i32
    %c0_i32_1 = arith.constant 0 : i32
    return %c0_i32, %c0_i32_0 : i32, i32
  }
  func.func @transform_12(%arg0: i32) -> (i32, i32) {
    %c0_i32 = arith.constant 0 : i32
    %c0_i32_0 = arith.constant 0 : i32
    %c0_i32_1 = arith.constant 0 : i32
    return %c0_i32, %c0_i32_0 : i32, i32
  }
  func.func @transform_13(%arg0: i32) -> (i32, i32) {
    %c0_i32 = arith.constant 0 : i32
    %c0_i32_0 = arith.constant 0 : i32
    %c0_i32_1 = arith.constant 0 : i32
    return %c0_i32, %c0_i32_0 : i32, i32
  }
  func.func @transform_14(%arg0: i32) -> (i32, i32) {
    %c0_i32 = arith.constant 0 : i32
    %c0_i32_0 = arith.constant 0 : i32
    %c0_i32_1 = arith.constant 0 : i32
    return %c0_i32, %c0_i32_0 : i32, i32
  }
  func.func @transform_15(%arg0: i32) -> (i32, i32) {
    %c0_i32 = arith.constant 0 : i32
    %c0_i32_0 = arith.constant 0 : i32
    return %arg0, %c0_i32 : i32, i32
  }
  func.func @transform_16(%arg0: i32) -> (i32, i32) {
    %c0_i32 = arith.constant 0 : i32
    %c0_i32_0 = arith.constant 0 : i32
    return %arg0, %c0_i32 : i32, i32
  }
  func.func @transform_17(%arg0: i32) -> (i32, i32, i32) {
    %c0_i32 = arith.constant 0 : i32
    %c0_i32_0 = arith.constant 0 : i32
    %c0_i32_1 = arith.constant 0 : i32
    return %c0_i32, %arg0, %c0_i32_0 : i32, i32, i32
  }
}

</mosaic_0001>

<sc_bundles>
// kernel: kernel.10.cloned.1.call-start
scs
__scs_entry_jumppad:
0x0: {  	(pc) =	sbr.rel $0x88, $3  }
0x1: {  	(tag) =	ssettag $0x0;
	lr =	simm.s32 $0x1  }
0x2: {  	[smem:$0x3F95] =	sst lr;
	_ =	strace $0xD0000000  }
0x3: {  	_ = 	snop  }
0x4: {  	_ = 	snop  }
0x5: {  	_ = 	snop  }
0x6: {  	_ = 	snop  }
0x7: {  	_ = 	snop  }
__scs_overlays_trampoline_lowered:
0x8: {  	[smem:$0x3FA4] =	sst s0  }
0x9: {  	[smem:$0x3FA5] =	sst s1  }
0xa: {  	[smem:$0x3FA6] =	sst s2  }
0xb: {  	[smem:$0x3FA7] =	sst s3  }
0xc: {  	[smem:$0x3FA8] =	sst s4  }
0xd: {  	[smem:$0x3FA9] =	sst s5  }
0xe: {  	[smem:$0x3FAA] =	sst s6  }
0xf: {  	[smem:$0x3FAB] =	sst s7  }
0x10: {  	[smem:$0x3FAC] =	sst s8  }
0x11: {  	[smem:$0x3FAD] =	sst s9;
	s0 =	simm.s32 @!p0 $0x0  }
0x12: {  	s1 =	sld [smem:$0x3F93];
	s0 =	simm.s32 @p0 $0x1  }
0x13: {  	[smem:$0x3FAE] =	sst s0;
	s0 =	simm.s32 @!p1 $0x0  }
0x14: {  	s2 =	sld [smem:$0x3F92];
	s0 =	simm.s32 @p1 $0x1  }
0x15: {  	[smem:$0x3FAF] =	sst s0;
	s0 =	simm.s32 @!p2 $0x0  }
0x16: {  	s3 =	sld [smem:$0x3FDB];
	s0 =	simm.s32 @p2 $0x1  }
0x17: {  	s4 =	simm.s32 $0x1BF5;
	[smem:$0x3FB1] =	sst s0  }
0x18: {  	s0 =	sld [smem:$0x3F94];
	_ =	swait.ge [sflag:s4], $0x0  }
0x19: {  	s7 =	sld [smem:$0x3F95]  }
0x1a: {  	s8 =	sadd.s32 $0xFFFFE003, lr  }
0x1b: {  	s9 =	sadd.s32 $0xFFFFFEF7, lr;
	s5 =	simm.s32 $0xFFFFFFFF;
	p2 =	slt.u32 s8, $0xFFFFF086  }
0x1c: {  	p1 =	slt.u32 s9, $0xF7A;
	s5 =	simm.s32 @!p2 $0x0  }
0x1d: {  	s5 =	simm.s32 @p1 $0x1;
	p0 =	seq.s32 s7, s2  }
0x1e: {  	s7 =	smul.u32 @!p0 $0xF7A, s2;
	p2 =	seq.s32 @!p0 s5, $0x0  }
0x1f: {  	s9 =	smul.u32 $0xF7A, s1;
	s8 =	simm.s32 @!p0 $0x1BF5;
	p2 =	por !p2, p0  }
0x20: {  	[sflag:s8] =	ssyncset.s32 @!p0 $0xFFFFF086;
	s6 =	sadd.s32 @!p0 s3, s7;
	s7 =	simm.s32 @!p0 $0x108  }
0x21: {  	s3 =	sadd.s32 s3, s9;
	s6 =	sadd.s32 @!p0 $0x88, s6;
	s7 =	simm.s32 @p2 $0x1082  }
0x22: {  	[simem:s7], [sflag:s8] =	dma.local @!p0 [hbm:s6], $0xF7A  }
0x23: {  	s9 =	sor.u32 $0xD0000000, s2;
	s6 =	simm.s32 $0x108;
	_ =	swait.ge @!p0 [sflag:s8], $0x0  }
0x24: {  	s3 =	sadd.s32 $0x88, s3;
	s6 =	simm.s32 @!p1 $0x1082;
	[sflag:s4] =	ssyncset.s32 $0xFFFFF086  }
0x25: {  	[simem:s6], [sflag:s4] =	dma.local [hbm:s3], $0xF7A  }
0x26: {  	[smem:$0x3F95] =	sst s1;
	(tag) =	ssettag s2;
	_ =	strace s9  }
0x27: {  	s1 =	sld [smem:$0x3FA5]  }
0x28: {  	s2 =	sld [smem:$0x3FA6]  }
0x29: {  	s4 =	sld [smem:$0x3FA8]  }
0x2a: {  	p0 =	seq.s32 s5, $0x0;
	s5 =	sld [smem:$0x3FA9]  }
0x2b: {  	s6 =	sld [smem:$0x3FAA]  }
0x2c: {  	s7 =	sld [smem:$0x3FAB]  }
0x2d: {  	s3 =	simm.s32 $0x108;
	s8 =	sld [smem:$0x3FAC]  }
0x2e: {  	s3 =	simm.s32 @!p0 $0x1082;
	s9 =	sld [smem:$0x3FAD]  }
0x2f: {  	lr =	sadd.s32 s0, s3;
	s0 =	sld [smem:$0x3FA4]  }
0x30: {  	s3 =	sld [smem:$0x3FA7]  }
0x31: {  	[smem:$0x3FB0] =	sst s10  }
0x32: {  	s10 =	sld [smem:$0x3FAE];
	_ =	sdelay $0x3  }
0x33: {  	p0 =	seq.s32 s10, $0x1;
	s10 =	sld [smem:$0x3FB0];
	_ =	sdelay $0x3  }
0x34: {  	[smem:$0x3FB0] =	sst s10  }
0x35: {  	s10 =	sld [smem:$0x3FAF];
	_ =	sdelay $0x3  }
0x36: {  	p1 =	seq.s32 s10, $0x1;
	s10 =	sld [smem:$0x3FB0];
	_ =	sdelay $0x3  }
0x37: {  	[smem:$0x3FB0] =	sst s10  }
0x38: {  	s10 =	sld [smem:$0x3FB1]  }
0x39: {  	_ = 	snop;
	(pc) =	sbr.ind lr, $3  }
0x3a: {  	_ = 	snop  }
0x3b: {  	_ = 	snop  }
0x3c: {  	p2 =	seq.s32 s10, $0x1;
	s10 =	sld [smem:$0x3FB0]  }
0x3d: {  	_ =	shalt  }
0x3e: {  	_ =	shalt  }
0x3f: {  	_ =	shalt  }
0x40: {  	_ =	shalt  }
0x41: {  	_ =	shalt  }
0x42: {  	_ =	shalt  }
0x43: {  	_ =	shalt  }
0x44: {  	_ =	shalt  }
0x45: {  	_ =	shalt  }
0x46: {  	_ =	shalt  }
0x47: {  	_ =	shalt  }
0x48: {  	_ =	shalt  }
0x49: {  	_ =	shalt  }
0x4a: {  	_ =	shalt  }
0x4b: {  	_ =	shalt  }
0x4c: {  	_ =	shalt  }
0x4d: {  	_ =	shalt  }
0x4e: {  	_ =	shalt  }
0x4f: {  	_ =	shalt  }
0x50: {  	_ =	shalt  }
0x51: {  	_ =	shalt  }
0x52: {  	_ =	shalt  }
0x53: {  	_ =	shalt  }
0x54: {  	_ =	shalt  }
0x55: {  	_ =	shalt  }
0x56: {  	_ =	shalt  }
0x57: {  	_ =	shalt  }
0x58: {  	_ =	shalt  }
0x59: {  	_ =	shalt  }
0x5a: {  	_ =	shalt  }
0x5b: {  	_ =	shalt  }
0x5c: {  	_ =	shalt  }
0x5d: {  	_ =	shalt  }
0x5e: {  	_ =	shalt  }
0x5f: {  	_ =	shalt  }
0x60: {  	_ =	shalt  }
0x61: {  	_ =	shalt  }
0x62: {  	_ =	shalt  }
0x63: {  	_ =	shalt  }
0x64: {  	_ =	shalt  }
0x65: {  	_ =	shalt  }
0x66: {  	_ =	shalt  }
0x67: {  	_ =	shalt  }
0x68: {  	_ =	shalt  }
0x69: {  	_ =	shalt  }
0x6a: {  	_ =	shalt  }
0x6b: {  	_ =	shalt  }
0x6c: {  	_ =	shalt  }
0x6d: {  	_ =	shalt  }
0x6e: {  	_ =	shalt  }
0x6f: {  	_ =	shalt  }
0x70: {  	_ =	shalt  }
0x71: {  	_ =	shalt  }
0x72: {  	_ =	shalt  }
0x73: {  	_ =	shalt  }
0x74: {  	_ =	shalt  }
0x75: {  	_ =	shalt  }
0x76: {  	_ =	shalt  }
0x77: {  	_ =	shalt  }
0x78: {  	_ =	shalt  }
0x79: {  	_ =	shalt  }
0x7a: {  	_ =	shalt  }
0x7b: {  	_ =	shalt  }
0x7c: {  	_ =	shalt  }
0x7d: {  	_ =	shalt  }
0x7e: {  	_ =	shalt  }
0x7f: {  	_ =	shalt  }
0x80: {  	_ =	shalt  }
0x81: {  	_ =	shalt  }
0x82: {  	_ =	shalt  }
0x83: {  	_ =	shalt  }
0x84: {  	_ =	shalt  }
0x85: {  	_ =	shalt  }
0x86: {  	_ =	shalt  }
0x87: {  	_ =	shalt  }
.Lfunc_end0:
.L_simem_size_0:
called_computation_lowered:
.L_overlay_start_0:
0x88: {  	s2 =	sld [smem:$0x3FD9]  }
0x89: {  	s3 =	sld [smem:$0x3FFE];
	_ =	sdelay $0x1  }
0x8a: {  	s1 =	srdreg.scid  }
0x8b: {  	s0 =	sand.u32 $0x1, s1  }
0x8c: {  	s17 =	sshll.u32 s0, $0xA;
	s2 =	sadd.s32 s3, s2  }
0x8d: {  	s2 =	sadd.s32 s2, s17  }
0x8e: {  	[smem:$0x3FBC] =	sst s2  }
0x8f: {  	_ = 	snop  }
0x90: {  	s2 =	sld [smem:$0x3FD0];
	(tm) =	ssettm $0x1  }
0x91: {  	s18 =	sld [smem:$0x3FFB];
	_ =	sdelay $0x3  }
0x92: {  	_ =	strace s18  }
0x93: {  	s3 =	sld [smem:$0x3FFC];
	_ =	sdelay $0x3  }
0x94: {  	_ =	strace s3  }
0x95: {  	s3 =	sld [smem:$0x3FFD];
	_ =	sdelay $0x3  }
0x96: {  	_ =	strace s3  }
0x97: {  	_ =	strace $0x8FFFFFFF  }
0x98: {  	s19 =	sld [smem:$0x3FDB];
	_ =	sdelay $0x1  }
0x99: {  	s4 =	simm.s32 $_scs_section_size  }
0x9a: {  	s5 =	simm.s32 $_size__tile_overlayer_lowered;
	s6 =	simm.s32 $_tile_overlayer_lowered  }
0x9b: {  	s22 =	simm.s32 $0x1BFF;
	s21 =	sshll.u32 s6, $0x1;
	s3 =	sadd.s32 s4, s19  }
0x9c: {  	s7 =	simm.s32 $0x0;
	s20 =	sshll.u32 s5, $0x1;
	s5 =	sadd.s32 s21, s3  }
0x9d: {  	[timem:s7], [sflag:s22] =	dma.local [hbm:s5], s20  }
0x9e: {  	_ =	swait.ge [sflag:s22], s20  }
0x9f: {  	s4 =	ssub.s32 $0x0, s20;
	[sflag:s22] =	ssyncset.done $0x0  }
0xa0: {  	[sflag:s22] =	ssyncadd.s32 s4;
	_ =	sdelay $0x1  }
0xa1: {  	s23 =	simm.s32 $0x1B8B  }
0xa2: {  	_ =	swait.ge [sflag:s23], $0x1  }
0xa3: {  	[sflag:s23] =	ssyncset.done $0x0  }
0xa4: {  	s25 =	simm.s32 $0x1B8E;
	s24 =	sld [smem:$0x3FFE];
	[sflag:s23] =	ssyncadd.s32 $0xFFFFFFFF  }
0xa5: {  	s26 =	simm.s32 $execute0_lowered;
	[smem:$0x3FD2] =	sst s25  }
0xa6: {  	s5 =	sshll.u32 s26, $0x1;
	_ =	strace $0x80000046;
	[dreg:$0x1] =	wrdreg $0xFFFFFFFF  }
0xa7: {  	s28 =	simm.s32 $_size_execute0_lowered;
	s3 =	sadd.s32 s3, s5;
	[dreg:$0x0] =	wrdreg $0x0  }
0xa8: {  	s5 =	sshll.u32 s28, $0x1;
	[dreg:$0x2] =	wrdreg s3  }
0xa9: {  	[dreg:$0x3] =	wrdreg s5  }
0xaa: {  	[dreg:$0x4] =	wrdreg $0xC0  }
0xab: {  	_ =	task [dreg:s7], $0x5FFFF  }
0xac: {  	[dreg:$0x1] =	wrdreg $0xFFFFFFFF  }
0xad: {  	[dreg:$0x0] =	wrdreg $0x60  }
0xae: {  	[dreg:$0x2] =	wrdreg s24  }
0xaf: {  	[dreg:$0x3] =	wrdreg s2  }
0xb0: {  	[dreg:$0x4] =	wrdreg $0x9  }
0xb1: {  	_ =	task.clear_ibuf [dreg:s7], $0x5FFFF;
	_ =	strace $0x90000046  }
0xb2: {  	s29 =	simm.s32 $0x9;
	_ =	strace $0x80000048  }
0xb3: {  	_ =	swait.ge [sflag:s29], $0x1  }
0xb4: {  	[sflag:s29] =	ssyncadd.s32 $0xFFFFFFFF  }
0xb5: {  	_ =	strace $0x90000048  }
0xb6: {  	_ =	sfence  }
0xb7: {  	s30 =	sld [smem:$0x0];
	_ =	sdelay $0x2  }
0xb8: {  	s31 =	sshll.u32 s1, $0xD;
	s1 =	sshrl.u32 s1, $0x2  }
0xb9: {  	s3 =	sand.u32 $0x4000, s31;
	s1 =	sadd.s32 s1, s30  }
0xba: {  	s0 =	sor.u32 s3, s0;
	s1 =	sshll.u32 s1, $0x11  }
0xbb: {  	s0 =	sor.u32 s1, s0  }
0xbc: {  	s0 =	sadd.s32 $0x8F2B, s0  }
0xbd: {  	[sflag:s0] =	ssyncadd.remote.s32 $0x1  }
0xbe: {  	_ =	sfence.sel $0xFFFF  }
0xbf: {  	[dreg:$0x0] =	wrdreg $0xFFFFFFFF;
	(pc) =	sbr.abs _section_cstart, $3  }
0xc0: {  	[dreg:$0x1] =	wrdreg $0xFFFFFFFF  }
0xc1: {  	_ =	task.clear_ibuf [dreg:s7], $0x2FFFF;
	_ =	strace $0x9FFFFFFF  }
0xc2: {  	(tm) =	ssettm $0x7FFFFFFF  }
0xc3: {  	_ =	shalt  }
tec
execute0_lowered:
.L_overlay_start_1:
0x0: {  	(tag) =	ssettag $0x1  }
0x1: {  	s3 =	rddreg [dreg:$0x0];
	s1 =	srdreg.scid  }
0x2: {  	s0 =	stileid.u32;
	s5 =	rddreg [dreg:$0x1]  }
0x3: {  	s9 =	simm.s32 $0x80;
	s10 =	simm.s32 $0x400;
	s11 =	simm.s32 $0x0  }
0x4: {  	s4 =	sand.u32 $0x1, s1;
	s2 =	sshll.u32 s0, $0x1;
	s8 =	sshrl.u32 s0, $0x2  }
0x5: {  	s1 =	rddreg [dreg:$0x2];
	s6 =	sor.u32 s4, s2;
	s8 =	smul.u32 $0x13C00, s8  }
0x6: {  	s2 =	simm.s32 $0x0;
	s4 =	ssub.s32 $0x2, s4;
	s7 =	smul.u32 $0x271, s6  }
0x7: {  	[smem:$0x7FF] =	sst s2;
	s6 =	sshll.u32 s6, $0x7;
	s31 =	sshrl.u32 s4, $0x1  }
0x8: {  	v0 =	vlaneseq.u32;
	_ =	strace $0x80000047;
	s6 =	sand.u32 $0x380, s6;
	s7 =	sadd.s32 s7, s3  }
0x9: {  	v0 =	vmul.u32 $0xFFFFFFFF, v0;
	s6 =	sor.u32 s8, s6;
	s3 =	sadd.s32 $0x8200, s3;
	s8 =	ssub.s32 s4, s31  }
0xa: {  	s6 =	sshrl.u32 s6, $0x3;
	s4 =	sadd.s32 $0x3200, s7;
	s7 =	simm.s32 $0x1  }
0xb: {  	v1 =	vimm.f32 $1.000000000e+00;
	v0 =	vadd.s32 $0x1388, v0;
	s5 =	sadd.s32 s5, s6;
	s6 =	smax.u32 s8, $0x1;
	s8 =	simm.s32 $0x1400  }
.LBB2_1:
0xc: {  	[tilespmem:s2], [sflag:$0x1] =	stream.linear.gather [hbm4b:s4+s2], $0x1388, $0x38;
	[tilespmem:$0x3B80] =	vst v63  }
0xd: {  	_ =	swait.ge [sflag:s7], $0x1388  }
0xe: {  	[sflag:s7] =	ssyncset.done $0x0  }
0xf: {  	[sflag:s7] =	ssyncadd.s32 $0xFFFFEC78  }
0x10: {  	[tilespmem:s8], [sflag:$0x1] =	stream.linear.gather [hbm4b:s3+s2], $0x2780, $0x38;
	[tilespmem:$0x3B80] =	vst v63  }
0x11: {  	_ =	swait.ge [sflag:s7], $0x2780  }
0x12: {  	[sflag:s7] =	ssyncset.done $0x0  }
0x13: {  	[sflag:s7] =	ssyncadd.s32 $0xFFFFD880  }
0x14: {  	s12 =	simm.s32 $0x10;
	s13 =	simm.s32 $0x0;
	s14 =	simm.s32 $0x0;
	v2 =	vld [tilespmem:s2+$0x0]  }
.LBB2_2:
0x15: {  	p0 =	sne.s32 s12, $0x1380;
	v3 =	vmov s13;
	s13 =	smov.u32 s12  }
0x16: {  	vm0 =	vlt.u32 v3, v0;
	_ =	sdelay $0x2  }
.Ltmp0:
0x17: {  	(pc) =	sbr.rel @p0 .LBB2_2-.Ltmp0, $3  }
0x18: {  	_ =	sdelay $0x1  }
0x19: {  	s14 =	sadd.s32 $0x10, s14;
	[tilespmem:v2+s8+$0x0] =	vst.idx.add.f32.msk vm0, v1  }
0x1a: {  	s12 =	sadd.s32 $0x10, s12;
	v2 =	vld [tilespmem:s14+$0x0]  }
0x1b: {  	_ = 	snop  }
0x1c: {  	v3 =	vmov s13  }
0x1d: {  	vm0 =	vlt.u32 v3, v0;
	_ =	sdelay $0x3  }
0x1e: {  	s11 =	sadd.s32 $0x1, s11  }
0x1f: {  	p0 =	sne.s32 s11, s6  }
.Ltmp1:
0x20: {  	[tilespmem:v2+s8+$0x0] =	vst.idx.add.f32.msk vm0, v1;
	(pc) =	sbr.rel @p0 .LBB2_1-.Ltmp1, $4  }
0x21: {  	[hbm4b:s5+s9] =	stream.strided.scatter [tilespmem:s8], [sflag:$0x1], $0x2780, s10, s9, $0x38;
	[tilespmem:$0x3B80] =	vst v63  }
0x22: {  	_ =	swait.ge [sflag:s7], $0x2780  }
0x23: {  	[sflag:s7] =	ssyncset.done $0x0  }
0x24: {  	[sflag:s7] =	ssyncadd.s32 $0xFFFFD880  }
0x25: {  	_ =	sfence.sel $0x180000  }
0x26: {  	[bflag:$0x0] =	sbarrier.arrive $0xFFFF  }
0x27: {  	p0 =	sne.s32 s0, $0x0;
	_ =	strace $0x90000047  }
0x28: {  	s0 =	sadd.s32 @!p0 $0x100000, s1;
	[bflag:$0x2] =	sbarrier.arrive $0xFFFF  }
0x29: {  	[sflag:s0] =	ssyncadd.tile.s32 @!p0 $0x1;
	_ =	shalt  }
.Lfunc_end2:
_tile_overlayer_lowered:
.L_overlay_start_2:
0x2a: {  	(tag) =	ssettag $0x2  }
0x2b: {  	s0 =	rddreg [dreg:$0x0];
	s2 =	stileid.u32  }
0x2c: {  	s1 =	rddreg [dreg:$0x1];
	p0 =	sne.s32 s2, $0x0  }
0x2d: {  	s3 =	rddreg [dreg:$0x2];
	[bflag:$0x3] =	sbarrier.arrive $0xFFFF;
	s2 =	simm.s32 @!p0 $0x1C01  }
0x2e: {  	[timem:s3], [sflag:s2] =	dma.local @!p0 [hbm:s0], s1  }
0x2f: {  	s0 =	simm.s32 @!p0 $0x1  }
0x30: {  	_ =	swait.ge @!p0 [sflag:s0], s1  }
0x31: {  	s1 =	ssub.s32 @!p0 $0x0, s1;
	[sflag:s0] =	ssyncset.done @!p0 $0x0  }
0x32: {  	[sflag:s0] =	ssyncadd.s32 @!p0 s1  }
0x33: {  	[bflag:$0x3] =	sbarrier.arrive $0xFFFF  }
0x34: {  	_ =	shalt  }

// kernel: kernel.13.cloned.1.call-start
scs
__scs_entry_jumppad:
0x0: {  	(pc) =	sbr.rel $0x88, $3  }
0x1: {  	(tag) =	ssettag $0x0;
	lr =	simm.s32 $0x1  }
0x2: {  	[smem:$0x3F95] =	sst lr;
	_ =	strace $0xD0000000  }
0x3: {  	_ = 	snop  }
0x4: {  	_ = 	snop  }
0x5: {  	_ = 	snop  }
0x6: {  	_ = 	snop  }
0x7: {  	_ = 	snop  }
__scs_overlays_trampoline_lowered:
0x8: {  	[smem:$0x3FA4] =	sst s0  }
0x9: {  	[smem:$0x3FA5] =	sst s1  }
0xa: {  	[smem:$0x3FA6] =	sst s2  }
0xb: {  	[smem:$0x3FA7] =	sst s3  }
0xc: {  	[smem:$0x3FA8] =	sst s4  }
0xd: {  	[smem:$0x3FA9] =	sst s5  }
0xe: {  	[smem:$0x3FAA] =	sst s6  }
0xf: {  	[smem:$0x3FAB] =	sst s7  }
0x10: {  	[smem:$0x3FAC] =	sst s8  }
0x11: {  	[smem:$0x3FAD] =	sst s9;
	s0 =	simm.s32 @!p0 $0x0  }
0x12: {  	s1 =	sld [smem:$0x3F93];
	s0 =	simm.s32 @p0 $0x1  }
0x13: {  	[smem:$0x3FAE] =	sst s0;
	s0 =	simm.s32 @!p1 $0x0  }
0x14: {  	s2 =	sld [smem:$0x3F92];
	s0 =	simm.s32 @p1 $0x1  }
0x15: {  	[smem:$0x3FAF] =	sst s0;
	s0 =	simm.s32 @!p2 $0x0  }
0x16: {  	s3 =	sld [smem:$0x3FDB];
	s0 =	simm.s32 @p2 $0x1  }
0x17: {  	s4 =	simm.s32 $0x1BF5;
	[smem:$0x3FB1] =	sst s0  }
0x18: {  	s0 =	sld [smem:$0x3F94];
	_ =	swait.ge [sflag:s4], $0x0  }
0x19: {  	s7 =	sld [smem:$0x3F95]  }
0x1a: {  	s8 =	sadd.s32 $0xFFFFE003, lr  }
0x1b: {  	s9 =	sadd.s32 $0xFFFFFEF7, lr;
	s5 =	simm.s32 $0xFFFFFFFF;
	p2 =	slt.u32 s8, $0xFFFFF086  }
0x1c: {  	p1 =	slt.u32 s9, $0xF7A;
	s5 =	simm.s32 @!p2 $0x0  }
0x1d: {  	s5 =	simm.s32 @p1 $0x1;
	p0 =	seq.s32 s7, s2  }
0x1e: {  	s7 =	smul.u32 @!p0 $0xF7A, s2;
	p2 =	seq.s32 @!p0 s5, $0x0  }
0x1f: {  	s9 =	smul.u32 $0xF7A, s1;
	s8 =	simm.s32 @!p0 $0x1BF5;
	p2 =	por !p2, p0  }
0x20: {  	[sflag:s8] =	ssyncset.s32 @!p0 $0xFFFFF086;
	s6 =	sadd.s32 @!p0 s3, s7;
	s7 =	simm.s32 @!p0 $0x108  }
0x21: {  	s3 =	sadd.s32 s3, s9;
	s6 =	sadd.s32 @!p0 $0x88, s6;
	s7 =	simm.s32 @p2 $0x1082  }
0x22: {  	[simem:s7], [sflag:s8] =	dma.local @!p0 [hbm:s6], $0xF7A  }
0x23: {  	s9 =	sor.u32 $0xD0000000, s2;
	s6 =	simm.s32 $0x108;
	_ =	swait.ge @!p0 [sflag:s8], $0x0  }
0x24: {  	s3 =	sadd.s32 $0x88, s3;
	s6 =	simm.s32 @!p1 $0x1082;
	[sflag:s4] =	ssyncset.s32 $0xFFFFF086  }
0x25: {  	[simem:s6], [sflag:s4] =	dma.local [hbm:s3], $0xF7A  }
0x26: {  	[smem:$0x3F95] =	sst s1;
	(tag) =	ssettag s2;
	_ =	strace s9  }
0x27: {  	s1 =	sld [smem:$0x3FA5]  }
0x28: {  	s2 =	sld [smem:$0x3FA6]  }
0x29: {  	s4 =	sld [smem:$0x3FA8]  }
0x2a: {  	p0 =	seq.s32 s5, $0x0;
	s5 =	sld [smem:$0x3FA9]  }
0x2b: {  	s6 =	sld [smem:$0x3FAA]  }
0x2c: {  	s7 =	sld [smem:$0x3FAB]  }
0x2d: {  	s3 =	simm.s32 $0x108;
	s8 =	sld [smem:$0x3FAC]  }
0x2e: {  	s3 =	simm.s32 @!p0 $0x1082;
	s9 =	sld [smem:$0x3FAD]  }
0x2f: {  	lr =	sadd.s32 s0, s3;
	s0 =	sld [smem:$0x3FA4]  }
0x30: {  	s3 =	sld [smem:$0x3FA7]  }
0x31: {  	[smem:$0x3FB0] =	sst s10  }
0x32: {  	s10 =	sld [smem:$0x3FAE];
	_ =	sdelay $0x3  }
0x33: {  	p0 =	seq.s32 s10, $0x1;
	s10 =	sld [smem:$0x3FB0];
	_ =	sdelay $0x3  }
0x34: {  	[smem:$0x3FB0] =	sst s10  }
0x35: {  	s10 =	sld [smem:$0x3FAF];
	_ =	sdelay $0x3  }
0x36: {  	p1 =	seq.s32 s10, $0x1;
	s10 =	sld [smem:$0x3FB0];
	_ =	sdelay $0x3  }
0x37: {  	[smem:$0x3FB0] =	sst s10  }
0x38: {  	s10 =	sld [smem:$0x3FB1]  }
0x39: {  	_ = 	snop;
	(pc) =	sbr.ind lr, $3  }
0x3a: {  	_ = 	snop  }
0x3b: {  	_ = 	snop  }
0x3c: {  	p2 =	seq.s32 s10, $0x1;
	s10 =	sld [smem:$0x3FB0]  }
0x3d: {  	_ =	shalt  }
0x3e: {  	_ =	shalt  }
0x3f: {  	_ =	shalt  }
0x40: {  	_ =	shalt  }
0x41: {  	_ =	shalt  }
0x42: {  	_ =	shalt  }
0x43: {  	_ =	shalt  }
0x44: {  	_ =	shalt  }
0x45: {  	_ =	shalt  }
0x46: {  	_ =	shalt  }
0x47: {  	_ =	shalt  }
0x48: {  	_ =	shalt  }
0x49: {  	_ =	shalt  }
0x4a: {  	_ =	shalt  }
0x4b: {  	_ =	shalt  }
0x4c: {  	_ =	shalt  }
0x4d: {  	_ =	shalt  }
0x4e: {  	_ =	shalt  }
0x4f: {  	_ =	shalt  }
0x50: {  	_ =	shalt  }
0x51: {  	_ =	shalt  }
0x52: {  	_ =	shalt  }
0x53: {  	_ =	shalt  }
0x54: {  	_ =	shalt  }
0x55: {  	_ =	shalt  }
0x56: {  	_ =	shalt  }
0x57: {  	_ =	shalt  }
0x58: {  	_ =	shalt  }
0x59: {  	_ =	shalt  }
0x5a: {  	_ =	shalt  }
0x5b: {  	_ =	shalt  }
0x5c: {  	_ =	shalt  }
0x5d: {  	_ =	shalt  }
0x5e: {  	_ =	shalt  }
0x5f: {  	_ =	shalt  }
0x60: {  	_ =	shalt  }
0x61: {  	_ =	shalt  }
0x62: {  	_ =	shalt  }
0x63: {  	_ =	shalt  }
0x64: {  	_ =	shalt  }
0x65: {  	_ =	shalt  }
0x66: {  	_ =	shalt  }
0x67: {  	_ =	shalt  }
0x68: {  	_ =	shalt  }
0x69: {  	_ =	shalt  }
0x6a: {  	_ =	shalt  }
0x6b: {  	_ =	shalt  }
0x6c: {  	_ =	shalt  }
0x6d: {  	_ =	shalt  }
0x6e: {  	_ =	shalt  }
0x6f: {  	_ =	shalt  }
0x70: {  	_ =	shalt  }
0x71: {  	_ =	shalt  }
0x72: {  	_ =	shalt  }
0x73: {  	_ =	shalt  }
0x74: {  	_ =	shalt  }
0x75: {  	_ =	shalt  }
0x76: {  	_ =	shalt  }
0x77: {  	_ =	shalt  }
0x78: {  	_ =	shalt  }
0x79: {  	_ =	shalt  }
0x7a: {  	_ =	shalt  }
0x7b: {  	_ =	shalt  }
0x7c: {  	_ =	shalt  }
0x7d: {  	_ =	shalt  }
0x7e: {  	_ =	shalt  }
0x7f: {  	_ =	shalt  }
0x80: {  	_ =	shalt  }
0x81: {  	_ =	shalt  }
0x82: {  	_ =	shalt  }
0x83: {  	_ =	shalt  }
0x84: {  	_ =	shalt  }
0x85: {  	_ =	shalt  }
0x86: {  	_ =	shalt  }
0x87: {  	_ =	shalt  }
.Lfunc_end0:
.L_simem_size_0:
called_computation.1_lowered:
.L_overlay_start_0:
0x88: {  	s2 =	sld [smem:$0x3FD9]  }
0x89: {  	s3 =	sld [smem:$0x3FFE];
	_ =	sdelay $0x1  }
0x8a: {  	s1 =	srdreg.scid  }
0x8b: {  	s0 =	sand.u32 $0x1, s1  }
0x8c: {  	s17 =	sshll.u32 s0, $0xA;
	s2 =	sadd.s32 s3, s2  }
0x8d: {  	s2 =	sadd.s32 s2, s17  }
0x8e: {  	[smem:$0x3FBC] =	sst s2  }
0x8f: {  	_ = 	snop  }
0x90: {  	s2 =	sld [smem:$0x3FD0];
	(tm) =	ssettm $0x1  }
0x91: {  	s18 =	sld [smem:$0x3FFB];
	_ =	sdelay $0x3  }
0x92: {  	_ =	strace s18  }
0x93: {  	s3 =	sld [smem:$0x3FFC];
	_ =	sdelay $0x3  }
0x94: {  	_ =	strace s3  }
0x95: {  	s3 =	sld [smem:$0x3FFD];
	_ =	sdelay $0x3  }
0x96: {  	_ =	strace s3  }
0x97: {  	_ =	strace $0x8FFFFFFF  }
0x98: {  	s19 =	sld [smem:$0x3FDB];
	_ =	sdelay $0x1  }
0x99: {  	s4 =	simm.s32 $_scs_section_size  }
0x9a: {  	s5 =	simm.s32 $_size__tile_overlayer_lowered;
	s6 =	simm.s32 $_tile_overlayer_lowered  }
0x9b: {  	s22 =	simm.s32 $0x1BFF;
	s21 =	sshll.u32 s6, $0x1;
	s3 =	sadd.s32 s4, s19  }
0x9c: {  	s7 =	simm.s32 $0x0;
	s20 =	sshll.u32 s5, $0x1;
	s5 =	sadd.s32 s21, s3  }
0x9d: {  	[timem:s7], [sflag:s22] =	dma.local [hbm:s5], s20  }
0x9e: {  	_ =	swait.ge [sflag:s22], s20  }
0x9f: {  	s4 =	ssub.s32 $0x0, s20;
	[sflag:s22] =	ssyncset.done $0x0  }
0xa0: {  	[sflag:s22] =	ssyncadd.s32 s4;
	_ =	sdelay $0x1  }
0xa1: {  	s23 =	simm.s32 $0x1B8B  }
0xa2: {  	_ =	swait.ge [sflag:s23], $0x1  }
0xa3: {  	[sflag:s23] =	ssyncset.done $0x0  }
0xa4: {  	s25 =	simm.s32 $0x1B8E;
	s24 =	sld [smem:$0x3FFE];
	[sflag:s23] =	ssyncadd.s32 $0xFFFFFFFF  }
0xa5: {  	s26 =	simm.s32 $execute0_lowered;
	[smem:$0x3FD2] =	sst s25  }
0xa6: {  	s5 =	sshll.u32 s26, $0x1;
	_ =	strace $0x80000049;
	[dreg:$0x1] =	wrdreg $0xFFFFFFFF  }
0xa7: {  	s28 =	simm.s32 $_size_execute0_lowered;
	s3 =	sadd.s32 s3, s5;
	[dreg:$0x0] =	wrdreg $0x0  }
0xa8: {  	s5 =	sshll.u32 s28, $0x1;
	[dreg:$0x2] =	wrdreg s3  }
0xa9: {  	[dreg:$0x3] =	wrdreg s5  }
0xaa: {  	[dreg:$0x4] =	wrdreg $0xC0  }
0xab: {  	_ =	task [dreg:s7], $0x5FFFF  }
0xac: {  	[dreg:$0x1] =	wrdreg $0xFFFFFFFF  }
0xad: {  	[dreg:$0x0] =	wrdreg $0x60  }
0xae: {  	[dreg:$0x2] =	wrdreg s2  }
0xaf: {  	[dreg:$0x3] =	wrdreg s24  }
0xb0: {  	[dreg:$0x4] =	wrdreg $0xA8000  }
0xb1: {  	[dreg:$0x5] =	wrdreg $0x9  }
0xb2: {  	_ =	task.clear_ibuf [dreg:s7], $0x6FFFF;
	_ =	strace $0x90000049  }
0xb3: {  	s29 =	simm.s32 $0x9;
	_ =	strace $0x8000004B  }
0xb4: {  	_ =	swait.ge [sflag:s29], $0x1  }
0xb5: {  	[sflag:s29] =	ssyncadd.s32 $0xFFFFFFFF  }
0xb6: {  	_ =	strace $0x9000004B  }
0xb7: {  	_ =	sfence  }
0xb8: {  	s30 =	sld [smem:$0x0];
	_ =	sdelay $0x2  }
0xb9: {  	s31 =	sshll.u32 s1, $0xD;
	s1 =	sshrl.u32 s1, $0x2  }
0xba: {  	s3 =	sand.u32 $0x4000, s31;
	s1 =	sadd.s32 s1, s30  }
0xbb: {  	s0 =	sor.u32 s3, s0;
	s1 =	sshll.u32 s1, $0x11  }
0xbc: {  	s0 =	sor.u32 s1, s0  }
0xbd: {  	s0 =	sadd.s32 $0x8F2B, s0  }
0xbe: {  	[sflag:s0] =	ssyncadd.remote.s32 $0x1  }
0xbf: {  	_ =	sfence.sel $0xFFFF  }
0xc0: {  	[dreg:$0x0] =	wrdreg $0xFFFFFFFF;
	(pc) =	sbr.abs _section_cstart, $3  }
0xc1: {  	[dreg:$0x1] =	wrdreg $0xFFFFFFFF  }
0xc2: {  	_ =	task.clear_ibuf [dreg:s7], $0x2FFFF;
	_ =	strace $0x9FFFFFFF  }
0xc3: {  	(tm) =	ssettm $0x7FFFFFFF  }
tec
execute0_lowered:
.L_overlay_start_1:
0x0: {  	(tag) =	ssettag $0x1  }
0x1: {  	s7 =	rddreg [dreg:$0x0]  }
0x2: {  	s5 =	rddreg [dreg:$0x1]  }
0x3: {  	s1 =	rddreg [dreg:$0x2];
	s2 =	srdreg.scid  }
0x4: {  	s0 =	rddreg [dreg:$0x3];
	s3 =	simm.s32 $0x0;
	s15 =	simm.s32 $0x2800  }
0x5: {  	s18 =	simm.s32 $0x6800;
	s19 =	simm.s32 $0x1;
	s20 =	simm.s32 $0x2  }
0x6: {  	s21 =	simm.s32 $0x1380;
	s22 =	simm.s32 $0x2700;
	s6 =	sand.u32 $0x1, s2  }
0x7: {  	s23 =	simm.s32 $0x2780;
	s2 =	stileid.u32;
	s8 =	smul.u32 $0x140000, s6  }
0x8: {  	s24 =	simm.s32 $0x0;
	[smem:$0x7FF] =	sst s3;
	s9 =	smul.u32 $0x14000, s2  }
0x9: {  	s10 =	sadd.s32 $0x8800, s5;
	s11 =	sadd.s32 $0xD800, s5;
	s12 =	smul.u32 $0x2800, s2  }
0xa: {  	s4 =	sadd.s32 $0x3200, s5;
	_ =	strace $0x8000004A;
	s29 =	smul.u32 $0x50000, s2  }
0xb: {  	s26 =	ssub.s32 $0x2, s6;
	s31 =	smul.u32 $0x27100, s6;
	s16 =	sshll.u32 s2, $0x6  }
0xc: {  	s28 =	sshrl.u32 s26, $0x1;
	s16 =	sor.u32 $0x1C03, s16;
	s8 =	sadd.s32 s9, s8  }
0xd: {  	s14 =	ssub.s32 s26, s28;
	s30 =	sshrl.u32 s12, $0x3;
	s7 =	sadd.s32 s7, s31  }
0xe: {  	s12 =	simm.s32 $0x3;
	s8 =	sshrl.u32 s8, $0x3;
	s6 =	sadd.s32 s11, s30  }
0xf: {  	s9 =	sadd.s32 $0x280, s30;
	s13 =	sadd.s32 s8, s5;
	s8 =	sshrl.u32 s29, $0x2  }
0x10: {  	s5 =	sadd.s32 s10, s30;
	s17 =	sadd.s32 s8, s1;
	s8 =	sadd.s32 s10, s9  }
0x11: {  	s9 =	sadd.s32 s11, s9;
	s10 =	sadd.s32 $0x60A00, s13;
	s11 =	smax.u32 s14, $0x1  }
0x12: {  	s13 =	simm.s32 $0x1400;
	s14 =	simm.s32 $0x7E;
	s17 =	sshrl.u32 s17, $0x3  }
.LBB2_1:
0x13: {  	[tilespmem:s3], [sflag:$0x3] =	stream.linear.gather [hbm4b:s5+s3], $0x1400, $0x38;
	[tilespmem:$0x1E800] =	vst v63  }
0x14: {  	_ =	swait.ge [sflag:s12], $0x1400  }
0x15: {  	[sflag:s12] =	ssyncset.done $0x0  }
0x16: {  	[sflag:s12] =	ssyncadd.s32 $0xFFFFEC00  }
0x17: {  	[tilespmem:s13], [sflag:$0x3] =	stream.linear.gather [hbm4b:s6+s3], $0x1400, $0x38;
	[tilespmem:$0x1E800] =	vst v63  }
0x18: {  	_ =	swait.ge [sflag:s12], $0x1400  }
0x19: {  	[sflag:s12] =	ssyncset.done $0x0  }
0x1a: {  	[sflag:s12] =	ssyncadd.s32 $0xFFFFEC00  }
0x1b: {  	[tilespmem:s15], [sflag:$0x1] =	stream.indirect.gather [hbm4b:s7+s14], $0x80, s3, s14, $0xb8;
	[tilespmem:$0x1E800] =	vst v63  }
0x1c: {  	[spmem:s17], [sflag:s16] =	dma.local [hbm:s4], $0x2800  }
0x1d: {  	_ =	swait.ge [sflag:s12], $0x2800  }
0x1e: {  	[sflag:s12] =	ssyncset.done $0x0  }
0x1f: {  	[sflag:s12] =	ssyncadd.s32 $0xFFFFD800  }
0x20: {  	s25 =	simm.s32 $0x80;
	[bflag:$0x0] =	sbarrier.arrive $0xFFFF  }
0x21: {  	[tilespmem:s18], [sflag:$0x2] =	stream.indirect.gather [hbm4b:s7+s14], $0x80, s25, s14, $0xb8;
	[tilespmem:$0x1E800] =	vst v63  }
0x22: {  	_ =	swait.ge [sflag:s19], $0x3F00  }
0x23: {  	[sflag:s19] =	ssyncset.done $0x0  }
0x24: {  	s29 =	simm.s32 $0x1400;
	[sflag:s19] =	ssyncadd.s32 $0xFFFFC100  }
0x25: {  	[spmem:s1] =	stream.indirect.scatter.add.f32 [tilespmem:s15], [sflag:$0x3], $0x80, s29, s14, $0xb8;
	[tilespmem:$0x1E800] =	vst v63  }
0x26: {  	_ =	swait.ge [sflag:s12], $0x3F00  }
0x27: {  	[sflag:s12] =	ssyncset.done $0x0  }
0x28: {  	s30 =	simm.s32 $0x100;
	[sflag:s12] =	ssyncadd.s32 $0xFFFFC100  }
0x29: {  	[tilespmem:s15], [sflag:$0x1] =	stream.indirect.gather [hbm4b:s7+s14], $0x80, s30, s14, $0xb8;
	[tilespmem:$0x1E800] =	vst v63  }
0x2a: {  	_ =	swait.ge [sflag:s20], $0x3F00  }
0x2b: {  	[sflag:s20] =	ssyncset.done $0x0  }
0x2c: {  	s31 =	simm.s32 $0x1480;
	[sflag:s20] =	ssyncadd.s32 $0xFFFFC100  }
0x2d: {  	[spmem:s1] =	stream.indirect.scatter.add.f32 [tilespmem:s18], [sflag:$0x3], $0x80, s31, s14, $0xb8;
	[tilespmem:$0x1E800] =	vst v63  }
0x2e: {  	_ =	swait.ge [sflag:s12], $0x3F00  }
0x2f: {  	s26 =	simm.s32 $0x800;
	s25 =	simm.s32 $0x100;
	[sflag:s12] =	ssyncset.done $0x0  }
.LBB2_2:
0x30: {  	s28 =	sadd.s32 $0x80, s25  }
0x31: {  	[sflag:s12] =	ssyncadd.s32 $0xFFFFC100;
	s29 =	smov.u32 s26;
	s30 =	sadd.s32 $0x400, s26  }
0x32: {  	[tilespmem:s18], [sflag:$0x2] =	stream.indirect.gather [hbm4b:s7+s14], $0x80, s28, s14, $0xb8;
	[tilespmem:$0x1E800] =	vst v63  }
0x33: {  	p0 =	sne.s32 s26, $0x4800;
	_ =	swait.ge [sflag:s19], $0x3F00  }
0x34: {  	[sflag:s19] =	ssyncset.done $0x0  }
0x35: {  	s26 =	sadd.s32 $0x1400, s25;
	[sflag:s19] =	ssyncadd.s32 $0xFFFFC100  }
0x36: {  	[spmem:s1] =	stream.indirect.scatter.add.f32 [tilespmem:s15], [sflag:$0x3], $0x80, s26, s14, $0xb8;
	[tilespmem:$0x1E800] =	vst v63  }
0x37: {  	_ =	swait.ge [sflag:s12], $0x3F00  }
0x38: {  	[sflag:s12] =	ssyncset.done $0x0  }
0x39: {  	s26 =	sadd.s32 $0x100, s25;
	[sflag:s12] =	ssyncadd.s32 $0xFFFFC100  }
0x3a: {  	[tilespmem:s15], [sflag:$0x1] =	stream.indirect.gather [hbm4b:s7+s14], $0x80, s26, s14, $0xb8;
	[tilespmem:$0x1E800] =	vst v63  }
0x3b: {  	_ =	swait.ge [sflag:s20], $0x3F00  }
.Ltmp0:
0x3c: {  	[sflag:s20] =	ssyncset.done $0x0;
	(pc) =	sbr.rel @p0 .LBB2_2-.Ltmp0, $4  }
0x3d: {  	s25 =	sadd.s32 $0x1480, s25;
	[sflag:s20] =	ssyncadd.s32 $0xFFFFC100  }
0x3e: {  	[spmem:s1] =	stream.indirect.scatter.add.f32 [tilespmem:s18], [sflag:$0x3], $0x80, s25, s14, $0xb8;
	[tilespmem:$0x1E800] =	vst v63  }
0x3f: {  	_ =	swait.ge [sflag:s12], $0x3F00  }
0x40: {  	s26 =	smov.u32 s30;
	s25 =	sshra.s32 s29, $0x2;
	[sflag:s12] =	ssyncset.done $0x0  }
0x41: {  	s26 =	sadd.s32 $0x80, s25;
	[sflag:s12] =	ssyncadd.s32 $0xFFFFC100  }
0x42: {  	[tilespmem:s18], [sflag:$0x2] =	stream.indirect.gather [hbm4b:s7+s14], $0x80, s26, s14, $0xb8;
	[tilespmem:$0x1E800] =	vst v63  }
0x43: {  	_ =	swait.ge [sflag:s19], $0x3F00  }
0x44: {  	[sflag:s19] =	ssyncset.done $0x0  }
0x45: {  	s29 =	sadd.s32 $0x1400, s25;
	[sflag:s19] =	ssyncadd.s32 $0xFFFFC100  }
0x46: {  	[spmem:s1] =	stream.indirect.scatter.add.f32 [tilespmem:s15], [sflag:$0x3], $0x80, s29, s14, $0xb8;
	[tilespmem:$0x1E800] =	vst v63  }
0x47: {  	_ =	swait.ge [sflag:s12], $0x3F00  }
0x48: {  	[sflag:s12] =	ssyncset.done $0x0  }
0x49: {  	s30 =	sadd.s32 $0x100, s25;
	[sflag:s12] =	ssyncadd.s32 $0xFFFFC100  }
0x4a: {  	[tilespmem:s15], [sflag:$0x1] =	stream.indirect.gather [hbm4b:s7+s14], $0x80, s30, s14, $0xb8;
	[tilespmem:$0x1E800] =	vst v63  }
0x4b: {  	_ =	swait.ge [sflag:s20], $0x3F00  }
0x4c: {  	[sflag:s20] =	ssyncset.done $0x0  }
0x4d: {  	s31 =	sadd.s32 $0x1480, s25;
	[sflag:s20] =	ssyncadd.s32 $0xFFFFC100  }
0x4e: {  	[spmem:s1] =	stream.indirect.scatter.add.f32 [tilespmem:s18], [sflag:$0x3], $0x80, s31, s14, $0xb8;
	[tilespmem:$0x1E800] =	vst v63  }
0x4f: {  	_ =	swait.ge [sflag:s12], $0x3F00  }
0x50: {  	[sflag:s12] =	ssyncset.done $0x0  }
0x51: {  	[sflag:s12] =	ssyncadd.s32 $0xFFFFC100  }
0x52: {  	[tilespmem:s18], [sflag:$0x2] =	stream.indirect.gather [hbm4b:s7+s14], $0x80, s21, s14, $0xb8;
	[tilespmem:$0x1E800] =	vst v63  }
0x53: {  	_ =	swait.ge [sflag:s19], $0x3F00  }
0x54: {  	[sflag:s19] =	ssyncset.done $0x0  }
0x55: {  	[sflag:s19] =	ssyncadd.s32 $0xFFFFC100  }
0x56: {  	[spmem:s1] =	stream.indirect.scatter.add.f32 [tilespmem:s15], [sflag:$0x3], $0x80, s22, s14, $0xb8;
	[tilespmem:$0x1E800] =	vst v63  }
0x57: {  	_ =	swait.ge [sflag:s12], $0x3F00  }
0x58: {  	[sflag:s12] =	ssyncset.done $0x0  }
0x59: {  	[sflag:s12] =	ssyncadd.s32 $0xFFFFC100  }
0x5a: {  	_ =	swait.ge [sflag:s20], $0x3F00  }
0x5b: {  	[sflag:s20] =	ssyncset.done $0x0  }
0x5c: {  	[sflag:s20] =	ssyncadd.s32 $0xFFFFC100  }
0x5d: {  	[spmem:s1] =	stream.indirect.scatter.add.f32 [tilespmem:s18], [sflag:$0x3], $0x80, s23, s14, $0xb8;
	[tilespmem:$0x1E800] =	vst v63  }
0x5e: {  	_ =	swait.ge [sflag:s12], $0x3F00  }
0x5f: {  	[sflag:s12] =	ssyncset.done $0x0  }
0x60: {  	s26 =	simm.s32 $0x0;
	[sflag:s12] =	ssyncadd.s32 $0xFFFFC100  }
0x61: {  	[tilespmem:s26], [sflag:$0x3] =	stream.linear.gather [hbm4b:s8+s26], $0x1400, $0x38;
	[tilespmem:$0x1E800] =	vst v63  }
0x62: {  	_ =	swait.ge [sflag:s12], $0x1400  }
0x63: {  	[sflag:s12] =	ssyncset.done $0x0  }
0x64: {  	[sflag:s12] =	ssyncadd.s32 $0xFFFFEC00  }
0x65: {  	[tilespmem:s13], [sflag:$0x3] =	stream.linear.gather [hbm4b:s9+s26], $0x1400, $0x38;
	[tilespmem:$0x1E800] =	vst v63  }
0x66: {  	_ =	swait.ge [sflag:s12], $0x1400  }
0x67: {  	[sflag:s12] =	ssyncset.done $0x0  }
0x68: {  	[sflag:s12] =	ssyncadd.s32 $0xFFFFEC00  }
0x69: {  	[tilespmem:s15], [sflag:$0x1] =	stream.indirect.gather [hbm4b:s7+s14], $0x80, s26, s14, $0xb8;
	[tilespmem:$0x1E800] =	vst v63  }
0x6a: {  	s28 =	simm.s32 $0x80  }
0x6b: {  	[tilespmem:s18], [sflag:$0x2] =	stream.indirect.gather [hbm4b:s7+s14], $0x80, s28, s14, $0xb8;
	[tilespmem:$0x1E800] =	vst v63  }
0x6c: {  	_ =	swait.ge [sflag:s19], $0x3F00  }
0x6d: {  	[sflag:s19] =	ssyncset.done $0x0  }
0x6e: {  	s29 =	simm.s32 $0x1400;
	[sflag:s19] =	ssyncadd.s32 $0xFFFFC100  }
0x6f: {  	[spmem:s1] =	stream.indirect.scatter.add.f32 [tilespmem:s15], [sflag:$0x3], $0x80, s29, s14, $0xb8;
	[tilespmem:$0x1E800] =	vst v63  }
0x70: {  	_ =	swait.ge [sflag:s12], $0x3F00  }
0x71: {  	[sflag:s12] =	ssyncset.done $0x0  }
0x72: {  	s30 =	simm.s32 $0x100;
	[sflag:s12] =	ssyncadd.s32 $0xFFFFC100  }
0x73: {  	[tilespmem:s15], [sflag:$0x1] =	stream.indirect.gather [hbm4b:s7+s14], $0x80, s30, s14, $0xb8;
	[tilespmem:$0x1E800] =	vst v63  }
0x74: {  	_ =	swait.ge [sflag:s20], $0x3F00  }
0x75: {  	[sflag:s20] =	ssyncset.done $0x0  }
0x76: {  	s31 =	simm.s32 $0x1480;
	[sflag:s20] =	ssyncadd.s32 $0xFFFFC100  }
0x77: {  	[spmem:s1] =	stream.indirect.scatter.add.f32 [tilespmem:s18], [sflag:$0x3], $0x80, s31, s14, $0xb8;
	[tilespmem:$0x1E800] =	vst v63  }
0x78: {  	_ =	swait.ge [sflag:s12], $0x3F00  }
0x79: {  	s25 =	simm.s32 $0x100;
	s26 =	simm.s32 $0x800;
	[sflag:s12] =	ssyncset.done $0x0  }
.LBB2_4:
0x7a: {  	s28 =	sadd.s32 $0x80, s25  }
0x7b: {  	[sflag:s12] =	ssyncadd.s32 $0xFFFFC100;
	s29 =	smov.u32 s26;
	s30 =	sadd.s32 $0x400, s26  }
0x7c: {  	[tilespmem:s18], [sflag:$0x2] =	stream.indirect.gather [hbm4b:s7+s14], $0x80, s28, s14, $0xb8;
	[tilespmem:$0x1E800] =	vst v63  }
0x7d: {  	p0 =	sne.s32 s26, $0x4800;
	_ =	swait.ge [sflag:s19], $0x3F00  }
0x7e: {  	[sflag:s19] =	ssyncset.done $0x0  }
0x7f: {  	s26 =	sadd.s32 $0x1400, s25;
	[sflag:s19] =	ssyncadd.s32 $0xFFFFC100  }
0x80: {  	[spmem:s1] =	stream.indirect.scatter.add.f32 [tilespmem:s15], [sflag:$0x3], $0x80, s26, s14, $0xb8;
	[tilespmem:$0x1E800] =	vst v63  }
0x81: {  	_ =	swait.ge [sflag:s12], $0x3F00  }
0x82: {  	[sflag:s12] =	ssyncset.done $0x0  }
0x83: {  	s26 =	sadd.s32 $0x100, s25;
	[sflag:s12] =	ssyncadd.s32 $0xFFFFC100  }
0x84: {  	[tilespmem:s15], [sflag:$0x1] =	stream.indirect.gather [hbm4b:s7+s14], $0x80, s26, s14, $0xb8;
	[tilespmem:$0x1E800] =	vst v63  }
0x85: {  	_ =	swait.ge [sflag:s20], $0x3F00  }
.Ltmp1:
0x86: {  	[sflag:s20] =	ssyncset.done $0x0;
	(pc) =	sbr.rel @p0 .LBB2_4-.Ltmp1, $4  }
0x87: {  	s25 =	sadd.s32 $0x1480, s25;
	[sflag:s20] =	ssyncadd.s32 $0xFFFFC100  }
0x88: {  	[spmem:s1] =	stream.indirect.scatter.add.f32 [tilespmem:s18], [sflag:$0x3], $0x80, s25, s14, $0xb8;
	[tilespmem:$0x1E800] =	vst v63  }
0x89: {  	_ =	swait.ge [sflag:s12], $0x3F00  }
0x8a: {  	s26 =	smov.u32 s30;
	s25 =	sshra.s32 s29, $0x2;
	[sflag:s12] =	ssyncset.done $0x0  }
0x8b: {  	s26 =	sadd.s32 $0x80, s25;
	[sflag:s12] =	ssyncadd.s32 $0xFFFFC100  }
0x8c: {  	[tilespmem:s18], [sflag:$0x2] =	stream.indirect.gather [hbm4b:s7+s14], $0x80, s26, s14, $0xb8;
	[tilespmem:$0x1E800] =	vst v63  }
0x8d: {  	_ =	swait.ge [sflag:s19], $0x3F00  }
0x8e: {  	[sflag:s19] =	ssyncset.done $0x0  }
0x8f: {  	s29 =	sadd.s32 $0x1400, s25;
	[sflag:s19] =	ssyncadd.s32 $0xFFFFC100  }
0x90: {  	[spmem:s1] =	stream.indirect.scatter.add.f32 [tilespmem:s15], [sflag:$0x3], $0x80, s29, s14, $0xb8;
	[tilespmem:$0x1E800] =	vst v63  }
0x91: {  	_ =	swait.ge [sflag:s12], $0x3F00  }
0x92: {  	[sflag:s12] =	ssyncset.done $0x0  }
0x93: {  	s30 =	sadd.s32 $0x100, s25;
	[sflag:s12] =	ssyncadd.s32 $0xFFFFC100  }
0x94: {  	[tilespmem:s15], [sflag:$0x1] =	stream.indirect.gather [hbm4b:s7+s14], $0x80, s30, s14, $0xb8;
	[tilespmem:$0x1E800] =	vst v63  }
0x95: {  	_ =	swait.ge [sflag:s20], $0x3F00  }
0x96: {  	[sflag:s20] =	ssyncset.done $0x0  }
0x97: {  	s31 =	sadd.s32 $0x1480, s25;
	[sflag:s20] =	ssyncadd.s32 $0xFFFFC100  }
0x98: {  	[spmem:s1] =	stream.indirect.scatter.add.f32 [tilespmem:s18], [sflag:$0x3], $0x80, s31, s14, $0xb8;
	[tilespmem:$0x1E800] =	vst v63  }
0x99: {  	_ =	swait.ge [sflag:s12], $0x3F00  }
0x9a: {  	[sflag:s12] =	ssyncset.done $0x0  }
0x9b: {  	[sflag:s12] =	ssyncadd.s32 $0xFFFFC100  }
0x9c: {  	[tilespmem:s18], [sflag:$0x2] =	stream.indirect.gather [hbm4b:s7+s14], $0x80, s21, s14, $0xb8;
	[tilespmem:$0x1E800] =	vst v63  }
0x9d: {  	_ =	swait.ge [sflag:s19], $0x3F00  }
0x9e: {  	[sflag:s19] =	ssyncset.done $0x0  }
0x9f: {  	[sflag:s19] =	ssyncadd.s32 $0xFFFFC100  }
0xa0: {  	[spmem:s1] =	stream.indirect.scatter.add.f32 [tilespmem:s15], [sflag:$0x3], $0x80, s22, s14, $0xb8;
	[tilespmem:$0x1E800] =	vst v63  }
0xa1: {  	_ =	swait.ge [sflag:s12], $0x3F00  }
0xa2: {  	[sflag:s12] =	ssyncset.done $0x0  }
0xa3: {  	[sflag:s12] =	ssyncadd.s32 $0xFFFFC100  }
0xa4: {  	_ =	swait.ge [sflag:s20], $0x3F00  }
0xa5: {  	[sflag:s20] =	ssyncset.done $0x0  }
0xa6: {  	[sflag:s20] =	ssyncadd.s32 $0xFFFFC100  }
0xa7: {  	[spmem:s1] =	stream.indirect.scatter.add.f32 [tilespmem:s18], [sflag:$0x3], $0x80, s23, s14, $0xb8;
	[tilespmem:$0x1E800] =	vst v63  }
0xa8: {  	_ =	swait.ge [sflag:s12], $0x3F00  }
0xa9: {  	s24 =	sadd.s32 $0x1, s24;
	[sflag:s12] =	ssyncset.done $0x0  }
0xaa: {  	p0 =	sne.s32 s24, s11;
	[sflag:s12] =	ssyncadd.s32 $0xFFFFC100  }
.Ltmp2:
0xab: {  	[bflag:$0x0] =	sbarrier.arrive $0xFFFF;
	(pc) =	sbr.rel @p0 .LBB2_1-.Ltmp2, $4  }
0xac: {  	[hbm:s10], [sflag:s16] =	dma.local [spmem:s17], $0x2800  }
0xad: {  	_ =	swait.ge [sflag:s12], $0x2800  }
0xae: {  	[sflag:s12] =	ssyncset.done $0x0  }
0xaf: {  	[sflag:s12] =	ssyncadd.s32 $0xFFFFD800  }
0xb0: {  	_ =	sfence.sel $0x180000  }
0xb1: {  	[bflag:$0x0] =	sbarrier.arrive $0xFFFF  }
0xb2: {  	p0 =	sne.s32 s2, $0x0;
	_ =	strace $0x9000004A  }
0xb3: {  	s0 =	sadd.s32 @!p0 $0x100000, s0;
	[bflag:$0x2] =	sbarrier.arrive $0xFFFF  }
0xb4: {  	[sflag:s0] =	ssyncadd.tile.s32 @!p0 $0x1;
	_ =	shalt  }
.Lfunc_end2:
_tile_overlayer_lowered:
.L_overlay_start_2:
0xb5: {  	(tag) =	ssettag $0x2  }
0xb6: {  	s0 =	rddreg [dreg:$0x0];
	s2 =	stileid.u32  }
0xb7: {  	s1 =	rddreg [dreg:$0x1];
	p0 =	sne.s32 s2, $0x0  }
0xb8: {  	s3 =	rddreg [dreg:$0x2];
	[bflag:$0x3] =	sbarrier.arrive $0xFFFF;
	s2 =	simm.s32 @!p0 $0x1C03  }
0xb9: {  	[timem:s3], [sflag:s2] =	dma.local @!p0 [hbm:s0], s1  }
0xba: {  	s0 =	simm.s32 @!p0 $0x3  }
0xbb: {  	_ =	swait.ge @!p0 [sflag:s0], s1  }
0xbc: {  	s1 =	ssub.s32 @!p0 $0x0, s1;
	[sflag:s0] =	ssyncset.done @!p0 $0x0  }
0xbd: {  	[sflag:s0] =	ssyncadd.s32 @!p0 s1  }
0xbe: {  	[bflag:$0x3] =	sbarrier.arrive $0xFFFF  }
0xbf: {  	_ =	shalt  }

// kernel: kernel.16.cloned.1.call-start
scs
__scs_entry_jumppad:
0x0: {  	(pc) =	sbr.rel $0x88, $3  }
0x1: {  	(tag) =	ssettag $0x0;
	lr =	simm.s32 $0x1  }
0x2: {  	[smem:$0x3F95] =	sst lr;
	_ =	strace $0xD0000000  }
0x3: {  	_ = 	snop  }
0x4: {  	_ = 	snop  }
0x5: {  	_ = 	snop  }
0x6: {  	_ = 	snop  }
0x7: {  	_ = 	snop  }
__scs_overlays_trampoline_lowered:
0x8: {  	[smem:$0x3FA4] =	sst s0  }
0x9: {  	[smem:$0x3FA5] =	sst s1  }
0xa: {  	[smem:$0x3FA6] =	sst s2  }
0xb: {  	[smem:$0x3FA7] =	sst s3  }
0xc: {  	[smem:$0x3FA8] =	sst s4  }
0xd: {  	[smem:$0x3FA9] =	sst s5  }
0xe: {  	[smem:$0x3FAA] =	sst s6  }
0xf: {  	[smem:$0x3FAB] =	sst s7  }
0x10: {  	[smem:$0x3FAC] =	sst s8  }
0x11: {  	[smem:$0x3FAD] =	sst s9;
	s0 =	simm.s32 @!p0 $0x0  }
0x12: {  	s1 =	sld [smem:$0x3F93];
	s0 =	simm.s32 @p0 $0x1  }
0x13: {  	[smem:$0x3FAE] =	sst s0;
	s0 =	simm.s32 @!p1 $0x0  }
0x14: {  	s2 =	sld [smem:$0x3F92];
	s0 =	simm.s32 @p1 $0x1  }
0x15: {  	[smem:$0x3FAF] =	sst s0;
	s0 =	simm.s32 @!p2 $0x0  }
0x16: {  	s3 =	sld [smem:$0x3FDB];
	s0 =	simm.s32 @p2 $0x1  }
0x17: {  	s4 =	simm.s32 $0x1BF5;
	[smem:$0x3FB1] =	sst s0  }
0x18: {  	s0 =	sld [smem:$0x3F94];
	_ =	swait.ge [sflag:s4], $0x0  }
0x19: {  	s7 =	sld [smem:$0x3F95]  }
0x1a: {  	s8 =	sadd.s32 $0xFFFFE003, lr  }
0x1b: {  	s9 =	sadd.s32 $0xFFFFFEF7, lr;
	s5 =	simm.s32 $0xFFFFFFFF;
	p2 =	slt.u32 s8, $0xFFFFF086  }
0x1c: {  	p1 =	slt.u32 s9, $0xF7A;
	s5 =	simm.s32 @!p2 $0x0  }
0x1d: {  	s5 =	simm.s32 @p1 $0x1;
	p0 =	seq.s32 s7, s2  }
0x1e: {  	s7 =	smul.u32 @!p0 $0xF7A, s2;
	p2 =	seq.s32 @!p0 s5, $0x0  }
0x1f: {  	s9 =	smul.u32 $0xF7A, s1;
	s8 =	simm.s32 @!p0 $0x1BF5;
	p2 =	por !p2, p0  }
0x20: {  	[sflag:s8] =	ssyncset.s32 @!p0 $0xFFFFF086;
	s6 =	sadd.s32 @!p0 s3, s7;
	s7 =	simm.s32 @!p0 $0x108  }
0x21: {  	s3 =	sadd.s32 s3, s9;
	s6 =	sadd.s32 @!p0 $0x88, s6;
	s7 =	simm.s32 @p2 $0x1082  }
0x22: {  	[simem:s7], [sflag:s8] =	dma.local @!p0 [hbm:s6], $0xF7A  }
0x23: {  	s9 =	sor.u32 $0xD0000000, s2;
	s6 =	simm.s32 $0x108;
	_ =	swait.ge @!p0 [sflag:s8], $0x0  }
0x24: {  	s3 =	sadd.s32 $0x88, s3;
	s6 =	simm.s32 @!p1 $0x1082;
	[sflag:s4] =	ssyncset.s32 $0xFFFFF086  }
0x25: {  	[simem:s6], [sflag:s4] =	dma.local [hbm:s3], $0xF7A  }
0x26: {  	[smem:$0x3F95] =	sst s1;
	(tag) =	ssettag s2;
	_ =	strace s9  }
0x27: {  	s1 =	sld [smem:$0x3FA5]  }
0x28: {  	s2 =	sld [smem:$0x3FA6]  }
0x29: {  	s4 =	sld [smem:$0x3FA8]  }
0x2a: {  	p0 =	seq.s32 s5, $0x0;
	s5 =	sld [smem:$0x3FA9]  }
0x2b: {  	s6 =	sld [smem:$0x3FAA]  }
0x2c: {  	s7 =	sld [smem:$0x3FAB]  }
0x2d: {  	s3 =	simm.s32 $0x108;
	s8 =	sld [smem:$0x3FAC]  }
0x2e: {  	s3 =	simm.s32 @!p0 $0x1082;
	s9 =	sld [smem:$0x3FAD]  }
0x2f: {  	lr =	sadd.s32 s0, s3;
	s0 =	sld [smem:$0x3FA4]  }
0x30: {  	s3 =	sld [smem:$0x3FA7]  }
0x31: {  	[smem:$0x3FB0] =	sst s10  }
0x32: {  	s10 =	sld [smem:$0x3FAE];
	_ =	sdelay $0x3  }
0x33: {  	p0 =	seq.s32 s10, $0x1;
	s10 =	sld [smem:$0x3FB0];
	_ =	sdelay $0x3  }
0x34: {  	[smem:$0x3FB0] =	sst s10  }
0x35: {  	s10 =	sld [smem:$0x3FAF];
	_ =	sdelay $0x3  }
0x36: {  	p1 =	seq.s32 s10, $0x1;
	s10 =	sld [smem:$0x3FB0];
	_ =	sdelay $0x3  }
0x37: {  	[smem:$0x3FB0] =	sst s10  }
0x38: {  	s10 =	sld [smem:$0x3FB1]  }
0x39: {  	_ = 	snop;
	(pc) =	sbr.ind lr, $3  }
0x3a: {  	_ = 	snop  }
0x3b: {  	_ = 	snop  }
0x3c: {  	p2 =	seq.s32 s10, $0x1;
	s10 =	sld [smem:$0x3FB0]  }
0x3d: {  	_ =	shalt  }
0x3e: {  	_ =	shalt  }
0x3f: {  	_ =	shalt  }
0x40: {  	_ =	shalt  }
0x41: {  	_ =	shalt  }
0x42: {  	_ =	shalt  }
0x43: {  	_ =	shalt  }
0x44: {  	_ =	shalt  }
0x45: {  	_ =	shalt  }
0x46: {  	_ =	shalt  }
0x47: {  	_ =	shalt  }
0x48: {  	_ =	shalt  }
0x49: {  	_ =	shalt  }
0x4a: {  	_ =	shalt  }
0x4b: {  	_ =	shalt  }
0x4c: {  	_ =	shalt  }
0x4d: {  	_ =	shalt  }
0x4e: {  	_ =	shalt  }
0x4f: {  	_ =	shalt  }
0x50: {  	_ =	shalt  }
0x51: {  	_ =	shalt  }
0x52: {  	_ =	shalt  }
0x53: {  	_ =	shalt  }
0x54: {  	_ =	shalt  }
0x55: {  	_ =	shalt  }
0x56: {  	_ =	shalt  }
0x57: {  	_ =	shalt  }
0x58: {  	_ =	shalt  }
0x59: {  	_ =	shalt  }
0x5a: {  	_ =	shalt  }
0x5b: {  	_ =	shalt  }
0x5c: {  	_ =	shalt  }
0x5d: {  	_ =	shalt  }
0x5e: {  	_ =	shalt  }
0x5f: {  	_ =	shalt  }
0x60: {  	_ =	shalt  }
0x61: {  	_ =	shalt  }
0x62: {  	_ =	shalt  }
0x63: {  	_ =	shalt  }
0x64: {  	_ =	shalt  }
0x65: {  	_ =	shalt  }
0x66: {  	_ =	shalt  }
0x67: {  	_ =	shalt  }
0x68: {  	_ =	shalt  }
0x69: {  	_ =	shalt  }
0x6a: {  	_ =	shalt  }
0x6b: {  	_ =	shalt  }
0x6c: {  	_ =	shalt  }
0x6d: {  	_ =	shalt  }
0x6e: {  	_ =	shalt  }
0x6f: {  	_ =	shalt  }
0x70: {  	_ =	shalt  }
0x71: {  	_ =	shalt  }
0x72: {  	_ =	shalt  }
0x73: {  	_ =	shalt  }
0x74: {  	_ =	shalt  }
0x75: {  	_ =	shalt  }
0x76: {  	_ =	shalt  }
0x77: {  	_ =	shalt  }
0x78: {  	_ =	shalt  }
0x79: {  	_ =	shalt  }
0x7a: {  	_ =	shalt  }
0x7b: {  	_ =	shalt  }
0x7c: {  	_ =	shalt  }
0x7d: {  	_ =	shalt  }
0x7e: {  	_ =	shalt  }
0x7f: {  	_ =	shalt  }
0x80: {  	_ =	shalt  }
0x81: {  	_ =	shalt  }
0x82: {  	_ =	shalt  }
0x83: {  	_ =	shalt  }
0x84: {  	_ =	shalt  }
0x85: {  	_ =	shalt  }
0x86: {  	_ =	shalt  }
0x87: {  	_ =	shalt  }
.Lfunc_end0:
.L_simem_size_0:
called_computation.2_lowered:
.L_overlay_start_0:
0x88: {  	s2 =	sld [smem:$0x3FD9]  }
0x89: {  	s3 =	sld [smem:$0x3FFE];
	_ =	sdelay $0x1  }
0x8a: {  	s1 =	srdreg.scid  }
0x8b: {  	s0 =	sand.u32 $0x1, s1  }
0x8c: {  	s16 =	sshll.u32 s0, $0xA;
	s2 =	sadd.s32 s3, s2  }
0x8d: {  	s2 =	sadd.s32 s2, s16  }
0x8e: {  	[smem:$0x3FBC] =	sst s2  }
0x8f: {  	_ = 	snop  }
0x90: {  	(tm) =	ssettm $0x1  }
0x91: {  	s17 =	sld [smem:$0x3FFB];
	_ =	sdelay $0x3  }
0x92: {  	_ =	strace s17  }
0x93: {  	s2 =	sld [smem:$0x3FFC];
	_ =	sdelay $0x3  }
0x94: {  	_ =	strace s2  }
0x95: {  	s2 =	sld [smem:$0x3FFD];
	_ =	sdelay $0x3  }
0x96: {  	_ =	strace s2  }
0x97: {  	_ =	strace $0x8FFFFFFF  }
0x98: {  	s18 =	sld [smem:$0x3FDB];
	_ =	sdelay $0x1  }
0x99: {  	s19 =	simm.s32 $_scs_section_size  }
0x9a: {  	s4 =	simm.s32 $_size__tile_overlayer_lowered;
	s5 =	simm.s32 $_tile_overlayer_lowered  }
0x9b: {  	s22 =	simm.s32 $0x1BFF;
	s21 =	sshll.u32 s5, $0x1;
	s2 =	sadd.s32 s19, s18  }
0x9c: {  	s6 =	simm.s32 $0x0;
	s20 =	sshll.u32 s4, $0x1;
	s4 =	sadd.s32 s21, s2  }
0x9d: {  	[timem:s6], [sflag:s22] =	dma.local [hbm:s4], s20  }
0x9e: {  	_ =	swait.ge [sflag:s22], s20  }
0x9f: {  	s3 =	ssub.s32 $0x0, s20;
	[sflag:s22] =	ssyncset.done $0x0  }
0xa0: {  	[sflag:s22] =	ssyncadd.s32 s3;
	_ =	sdelay $0x1  }
0xa1: {  	s23 =	simm.s32 $0x1B8B  }
0xa2: {  	_ =	swait.ge [sflag:s23], $0x1  }
0xa3: {  	[sflag:s23] =	ssyncset.done $0x0  }
0xa4: {  	s25 =	simm.s32 $0x1B8E;
	s24 =	sld [smem:$0x3FFE];
	[sflag:s23] =	ssyncadd.s32 $0xFFFFFFFF  }
0xa5: {  	s26 =	simm.s32 $execute0_lowered;
	[smem:$0x3FD2] =	sst s25  }
0xa6: {  	s4 =	sshll.u32 s26, $0x1;
	_ =	strace $0x8000004C;
	[dreg:$0x1] =	wrdreg $0xFFFFFFFF  }
0xa7: {  	s28 =	simm.s32 $_size_execute0_lowered;
	s2 =	sadd.s32 s2, s4;
	[dreg:$0x0] =	wrdreg $0x0  }
0xa8: {  	s4 =	sshll.u32 s28, $0x1;
	[dreg:$0x2] =	wrdreg s2  }
0xa9: {  	[dreg:$0x3] =	wrdreg s4  }
0xaa: {  	[dreg:$0x4] =	wrdreg $0xC0  }
0xab: {  	_ =	task [dreg:s6], $0x5FFFF  }
0xac: {  	[dreg:$0x1] =	wrdreg $0xFFFFFFFF  }
0xad: {  	[dreg:$0x0] =	wrdreg $0x60  }
0xae: {  	[dreg:$0x2] =	wrdreg s24  }
0xaf: {  	[dreg:$0x3] =	wrdreg $0xA8000  }
0xb0: {  	[dreg:$0x4] =	wrdreg $0x9  }
0xb1: {  	_ =	task.clear_ibuf [dreg:s6], $0x5FFFF;
	_ =	strace $0x9000004C  }
0xb2: {  	s29 =	simm.s32 $0x9;
	_ =	strace $0x8000004E  }
0xb3: {  	_ =	swait.ge [sflag:s29], $0x1  }
0xb4: {  	[sflag:s29] =	ssyncadd.s32 $0xFFFFFFFF  }
0xb5: {  	_ =	strace $0x9000004E  }
0xb6: {  	_ =	sfence  }
0xb7: {  	s30 =	sld [smem:$0x0];
	_ =	sdelay $0x2  }
0xb8: {  	s31 =	sshll.u32 s1, $0xD;
	s1 =	sshrl.u32 s1, $0x2  }
0xb9: {  	s3 =	sand.u32 $0x4000, s31;
	s1 =	sadd.s32 s1, s30  }
0xba: {  	s0 =	sor.u32 s3, s0;
	s1 =	sshll.u32 s1, $0x11  }
0xbb: {  	s0 =	sor.u32 s1, s0  }
0xbc: {  	s0 =	sadd.s32 $0x8F2B, s0  }
0xbd: {  	[sflag:s0] =	ssyncadd.remote.s32 $0x1  }
0xbe: {  	_ =	sfence.sel $0xFFFF  }
0xbf: {  	[dreg:$0x0] =	wrdreg $0xFFFFFFFF;
	(pc) =	sbr.abs _section_cstart, $3  }
0xc0: {  	[dreg:$0x1] =	wrdreg $0xFFFFFFFF  }
0xc1: {  	_ =	task.clear_ibuf [dreg:s6], $0x2FFFF;
	_ =	strace $0x9FFFFFFF  }
0xc2: {  	(tm) =	ssettm $0x7FFFFFFF  }
0xc3: {  	_ =	shalt  }
tec
execute0_lowered:
.L_overlay_start_1:
0x0: {  	(tag) =	ssettag $0x1  }
0x1: {  	s5 =	rddreg [dreg:$0x0]  }
0x2: {  	s1 =	rddreg [dreg:$0x1]  }
0x3: {  	s2 =	srdreg.scid;
	s0 =	rddreg [dreg:$0x2]  }
0x4: {  	s3 =	simm.s32 $0x0;
	s15 =	simm.s32 $0x2800;
	s18 =	simm.s32 $0x6800  }
0x5: {  	s19 =	simm.s32 $0x1;
	s20 =	simm.s32 $0x2;
	s21 =	simm.s32 $0x1380  }
0x6: {  	s22 =	simm.s32 $0x2700;
	s23 =	simm.s32 $0x2780;
	s6 =	sand.u32 $0x1, s2  }
0x7: {  	s24 =	simm.s32 $0x0;
	[smem:$0x7FF] =	sst s3;
	s4 =	smul.u32 $0x27100, s6  }
0x8: {  	s2 =	stileid.u32;
	s10 =	sadd.s32 $0x8800, s5;
	s7 =	smul.u32 $0x140000, s6  }
0x9: {  	s11 =	sadd.s32 $0xD800, s5;
	_ =	strace $0x8000004D;
	s9 =	smul.u32 $0x14000, s2  }
0xa: {  	s6 =	ssub.s32 $0x2, s6;
	s31 =	smul.u32 $0x2800, s2;
	s16 =	sshll.u32 s2, $0x6  }
0xb: {  	s13 =	smul.u32 $0x50000, s2;
	s12 =	sshrl.u32 s6, $0x1;
	s16 =	sor.u32 $0x1C03, s16  }
0xc: {  	s8 =	sadd.s32 s4, s5;
	s4 =	sadd.s32 $0x3200, s5;
	s7 =	sadd.s32 s9, s7  }
0xd: {  	s12 =	ssub.s32 s6, s12;
	s9 =	sshrl.u32 s31, $0x3;
	s13 =	sshrl.u32 s13, $0x2  }
0xe: {  	s7 =	sshrl.u32 s7, $0x3;
	s6 =	sadd.s32 s11, s9;
	s17 =	sadd.s32 s13, s1  }
0xf: {  	s13 =	simm.s32 $0x1400;
	s14 =	sadd.s32 s7, s5;
	s5 =	sadd.s32 s10, s9  }
0x10: {  	s7 =	sadd.s32 $0xFEC00, s8;
	s9 =	sadd.s32 $0x280, s9;
	s17 =	sshrl.u32 s17, $0x3  }
0x11: {  	s8 =	sadd.s32 s10, s9;
	s9 =	sadd.s32 s11, s9;
	s10 =	sadd.s32 $0x12800, s14  }
0x12: {  	s11 =	smax.u32 s12, $0x1;
	s12 =	simm.s32 $0x3;
	s14 =	simm.s32 $0x7E  }
.LBB2_1:
0x13: {  	[tilespmem:s3], [sflag:$0x3] =	stream.linear.gather [hbm4b:s5+s3], $0x1400, $0x38;
	[tilespmem:$0x1E800] =	vst v63  }
0x14: {  	_ =	swait.ge [sflag:s12], $0x1400  }
0x15: {  	[sflag:s12] =	ssyncset.done $0x0  }
0x16: {  	[sflag:s12] =	ssyncadd.s32 $0xFFFFEC00  }
0x17: {  	[tilespmem:s13], [sflag:$0x3] =	stream.linear.gather [hbm4b:s6+s3], $0x1400, $0x38;
	[tilespmem:$0x1E800] =	vst v63  }
0x18: {  	_ =	swait.ge [sflag:s12], $0x1400  }
0x19: {  	[sflag:s12] =	ssyncset.done $0x0  }
0x1a: {  	[sflag:s12] =	ssyncadd.s32 $0xFFFFEC00  }
0x1b: {  	[tilespmem:s15], [sflag:$0x1] =	stream.indirect.gather [hbm4b:s7+s14], $0x80, s3, s14, $0xb8;
	[tilespmem:$0x1E800] =	vst v63  }
0x1c: {  	[spmem:s17], [sflag:s16] =	dma.local [hbm:s4], $0x2800  }
0x1d: {  	_ =	swait.ge [sflag:s12], $0x2800  }
0x1e: {  	[sflag:s12] =	ssyncset.done $0x0  }
0x1f: {  	[sflag:s12] =	ssyncadd.s32 $0xFFFFD800  }
0x20: {  	s25 =	simm.s32 $0x80;
	[bflag:$0x0] =	sbarrier.arrive $0xFFFF  }
0x21: {  	[tilespmem:s18], [sflag:$0x2] =	stream.indirect.gather [hbm4b:s7+s14], $0x80, s25, s14, $0xb8;
	[tilespmem:$0x1E800] =	vst v63  }
0x22: {  	_ =	swait.ge [sflag:s19], $0x3F00  }
0x23: {  	[sflag:s19] =	ssyncset.done $0x0  }
0x24: {  	s29 =	simm.s32 $0x1400;
	[sflag:s19] =	ssyncadd.s32 $0xFFFFC100  }
0x25: {  	[spmem:s1] =	stream.indirect.scatter.add.f32 [tilespmem:s15], [sflag:$0x3], $0x80, s29, s14, $0xb8;
	[tilespmem:$0x1E800] =	vst v63  }
0x26: {  	_ =	swait.ge [sflag:s12], $0x3F00  }
0x27: {  	[sflag:s12] =	ssyncset.done $0x0  }
0x28: {  	s30 =	simm.s32 $0x100;
	[sflag:s12] =	ssyncadd.s32 $0xFFFFC100  }
0x29: {  	[tilespmem:s15], [sflag:$0x1] =	stream.indirect.gather [hbm4b:s7+s14], $0x80, s30, s14, $0xb8;
	[tilespmem:$0x1E800] =	vst v63  }
0x2a: {  	_ =	swait.ge [sflag:s20], $0x3F00  }
0x2b: {  	[sflag:s20] =	ssyncset.done $0x0  }
0x2c: {  	s31 =	simm.s32 $0x1480;
	[sflag:s20] =	ssyncadd.s32 $0xFFFFC100  }
0x2d: {  	[spmem:s1] =	stream.indirect.scatter.add.f32 [tilespmem:s18], [sflag:$0x3], $0x80, s31, s14, $0xb8;
	[tilespmem:$0x1E800] =	vst v63  }
0x2e: {  	_ =	swait.ge [sflag:s12], $0x3F00  }
0x2f: {  	s26 =	simm.s32 $0x800;
	s25 =	simm.s32 $0x100;
	[sflag:s12] =	ssyncset.done $0x0  }
.LBB2_2:
0x30: {  	s28 =	sadd.s32 $0x80, s25  }
0x31: {  	[sflag:s12] =	ssyncadd.s32 $0xFFFFC100;
	s29 =	smov.u32 s26;
	s30 =	sadd.s32 $0x400, s26  }
0x32: {  	[tilespmem:s18], [sflag:$0x2] =	stream.indirect.gather [hbm4b:s7+s14], $0x80, s28, s14, $0xb8;
	[tilespmem:$0x1E800] =	vst v63  }
0x33: {  	p0 =	sne.s32 s26, $0x4800;
	_ =	swait.ge [sflag:s19], $0x3F00  }
0x34: {  	[sflag:s19] =	ssyncset.done $0x0  }
0x35: {  	s26 =	sadd.s32 $0x1400, s25;
	[sflag:s19] =	ssyncadd.s32 $0xFFFFC100  }
0x36: {  	[spmem:s1] =	stream.indirect.scatter.add.f32 [tilespmem:s15], [sflag:$0x3], $0x80, s26, s14, $0xb8;
	[tilespmem:$0x1E800] =	vst v63  }
0x37: {  	_ =	swait.ge [sflag:s12], $0x3F00  }
0x38: {  	[sflag:s12] =	ssyncset.done $0x0  }
0x39: {  	s26 =	sadd.s32 $0x100, s25;
	[sflag:s12] =	ssyncadd.s32 $0xFFFFC100  }
0x3a: {  	[tilespmem:s15], [sflag:$0x1] =	stream.indirect.gather [hbm4b:s7+s14], $0x80, s26, s14, $0xb8;
	[tilespmem:$0x1E800] =	vst v63  }
0x3b: {  	_ =	swait.ge [sflag:s20], $0x3F00  }
.Ltmp0:
0x3c: {  	[sflag:s20] =	ssyncset.done $0x0;
	(pc) =	sbr.rel @p0 .LBB2_2-.Ltmp0, $4  }
0x3d: {  	s25 =	sadd.s32 $0x1480, s25;
	[sflag:s20] =	ssyncadd.s32 $0xFFFFC100  }
0x3e: {  	[spmem:s1] =	stream.indirect.scatter.add.f32 [tilespmem:s18], [sflag:$0x3], $0x80, s25, s14, $0xb8;
	[tilespmem:$0x1E800] =	vst v63  }
0x3f: {  	_ =	swait.ge [sflag:s12], $0x3F00  }
0x40: {  	s26 =	smov.u32 s30;
	s25 =	sshra.s32 s29, $0x2;
	[sflag:s12] =	ssyncset.done $0x0  }
0x41: {  	s26 =	sadd.s32 $0x80, s25;
	[sflag:s12] =	ssyncadd.s32 $0xFFFFC100  }
0x42: {  	[tilespmem:s18], [sflag:$0x2] =	stream.indirect.gather [hbm4b:s7+s14], $0x80, s26, s14, $0xb8;
	[tilespmem:$0x1E800] =	vst v63  }
0x43: {  	_ =	swait.ge [sflag:s19], $0x3F00  }
0x44: {  	[sflag:s19] =	ssyncset.done $0x0  }
0x45: {  	s29 =	sadd.s32 $0x1400, s25;
	[sflag:s19] =	ssyncadd.s32 $0xFFFFC100  }
0x46: {  	[spmem:s1] =	stream.indirect.scatter.add.f32 [tilespmem:s15], [sflag:$0x3], $0x80, s29, s14, $0xb8;
	[tilespmem:$0x1E800] =	vst v63  }
0x47: {  	_ =	swait.ge [sflag:s12], $0x3F00  }
0x48: {  	[sflag:s12] =	ssyncset.done $0x0  }
0x49: {  	s30 =	sadd.s32 $0x100, s25;
	[sflag:s12] =	ssyncadd.s32 $0xFFFFC100  }
0x4a: {  	[tilespmem:s15], [sflag:$0x1] =	stream.indirect.gather [hbm4b:s7+s14], $0x80, s30, s14, $0xb8;
	[tilespmem:$0x1E800] =	vst v63  }
0x4b: {  	_ =	swait.ge [sflag:s20], $0x3F00  }
0x4c: {  	[sflag:s20] =	ssyncset.done $0x0  }
0x4d: {  	s31 =	sadd.s32 $0x1480, s25;
	[sflag:s20] =	ssyncadd.s32 $0xFFFFC100  }
0x4e: {  	[spmem:s1] =	stream.indirect.scatter.add.f32 [tilespmem:s18], [sflag:$0x3], $0x80, s31, s14, $0xb8;
	[tilespmem:$0x1E800] =	vst v63  }
0x4f: {  	_ =	swait.ge [sflag:s12], $0x3F00  }
0x50: {  	[sflag:s12] =	ssyncset.done $0x0  }
0x51: {  	[sflag:s12] =	ssyncadd.s32 $0xFFFFC100  }
0x52: {  	[tilespmem:s18], [sflag:$0x2] =	stream.indirect.gather [hbm4b:s7+s14], $0x80, s21, s14, $0xb8;
	[tilespmem:$0x1E800] =	vst v63  }
0x53: {  	_ =	swait.ge [sflag:s19], $0x3F00  }
0x54: {  	[sflag:s19] =	ssyncset.done $0x0  }
0x55: {  	[sflag:s19] =	ssyncadd.s32 $0xFFFFC100  }
0x56: {  	[spmem:s1] =	stream.indirect.scatter.add.f32 [tilespmem:s15], [sflag:$0x3], $0x80, s22, s14, $0xb8;
	[tilespmem:$0x1E800] =	vst v63  }
0x57: {  	_ =	swait.ge [sflag:s12], $0x3F00  }
0x58: {  	[sflag:s12] =	ssyncset.done $0x0  }
0x59: {  	[sflag:s12] =	ssyncadd.s32 $0xFFFFC100  }
0x5a: {  	_ =	swait.ge [sflag:s20], $0x3F00  }
0x5b: {  	[sflag:s20] =	ssyncset.done $0x0  }
0x5c: {  	[sflag:s20] =	ssyncadd.s32 $0xFFFFC100  }
0x5d: {  	[spmem:s1] =	stream.indirect.scatter.add.f32 [tilespmem:s18], [sflag:$0x3], $0x80, s23, s14, $0xb8;
	[tilespmem:$0x1E800] =	vst v63  }
0x5e: {  	_ =	swait.ge [sflag:s12], $0x3F00  }
0x5f: {  	[sflag:s12] =	ssyncset.done $0x0  }
0x60: {  	s26 =	simm.s32 $0x0;
	[sflag:s12] =	ssyncadd.s32 $0xFFFFC100  }
0x61: {  	[tilespmem:s26], [sflag:$0x3] =	stream.linear.gather [hbm4b:s8+s26], $0x1400, $0x38;
	[tilespmem:$0x1E800] =	vst v63  }
0x62: {  	_ =	swait.ge [sflag:s12], $0x1400  }
0x63: {  	[sflag:s12] =	ssyncset.done $0x0  }
0x64: {  	[sflag:s12] =	ssyncadd.s32 $0xFFFFEC00  }
0x65: {  	[tilespmem:s13], [sflag:$0x3] =	stream.linear.gather [hbm4b:s9+s26], $0x1400, $0x38;
	[tilespmem:$0x1E800] =	vst v63  }
0x66: {  	_ =	swait.ge [sflag:s12], $0x1400  }
0x67: {  	[sflag:s12] =	ssyncset.done $0x0  }
0x68: {  	[sflag:s12] =	ssyncadd.s32 $0xFFFFEC00  }
0x69: {  	[tilespmem:s15], [sflag:$0x1] =	stream.indirect.gather [hbm4b:s7+s14], $0x80, s26, s14, $0xb8;
	[tilespmem:$0x1E800] =	vst v63  }
0x6a: {  	s28 =	simm.s32 $0x80  }
0x6b: {  	[tilespmem:s18], [sflag:$0x2] =	stream.indirect.gather [hbm4b:s7+s14], $0x80, s28, s14, $0xb8;
	[tilespmem:$0x1E800] =	vst v63  }
0x6c: {  	_ =	swait.ge [sflag:s19], $0x3F00  }
0x6d: {  	[sflag:s19] =	ssyncset.done $0x0  }
0x6e: {  	s29 =	simm.s32 $0x1400;
	[sflag:s19] =	ssyncadd.s32 $0xFFFFC100  }
0x6f: {  	[spmem:s1] =	stream.indirect.scatter.add.f32 [tilespmem:s15], [sflag:$0x3], $0x80, s29, s14, $0xb8;
	[tilespmem:$0x1E800] =	vst v63  }
0x70: {  	_ =	swait.ge [sflag:s12], $0x3F00  }
0x71: {  	[sflag:s12] =	ssyncset.done $0x0  }
0x72: {  	s30 =	simm.s32 $0x100;
	[sflag:s12] =	ssyncadd.s32 $0xFFFFC100  }
0x73: {  	[tilespmem:s15], [sflag:$0x1] =	stream.indirect.gather [hbm4b:s7+s14], $0x80, s30, s14, $0xb8;
	[tilespmem:$0x1E800] =	vst v63  }
0x74: {  	_ =	swait.ge [sflag:s20], $0x3F00  }
0x75: {  	[sflag:s20] =	ssyncset.done $0x0  }
0x76: {  	s31 =	simm.s32 $0x1480;
	[sflag:s20] =	ssyncadd.s32 $0xFFFFC100  }
0x77: {  	[spmem:s1] =	stream.indirect.scatter.add.f32 [tilespmem:s18], [sflag:$0x3], $0x80, s31, s14, $0xb8;
	[tilespmem:$0x1E800] =	vst v63  }
0x78: {  	_ =	swait.ge [sflag:s12], $0x3F00  }
0x79: {  	s25 =	simm.s32 $0x100;
	s26 =	simm.s32 $0x800;
	[sflag:s12] =	ssyncset.done $0x0  }
.LBB2_4:
0x7a: {  	s28 =	sadd.s32 $0x80, s25  }
0x7b: {  	[sflag:s12] =	ssyncadd.s32 $0xFFFFC100;
	s29 =	smov.u32 s26;
	s30 =	sadd.s32 $0x400, s26  }
0x7c: {  	[tilespmem:s18], [sflag:$0x2] =	stream.indirect.gather [hbm4b:s7+s14], $0x80, s28, s14, $0xb8;
	[tilespmem:$0x1E800] =	vst v63  }
0x7d: {  	p0 =	sne.s32 s26, $0x4800;
	_ =	swait.ge [sflag:s19], $0x3F00  }
0x7e: {  	[sflag:s19] =	ssyncset.done $0x0  }
0x7f: {  	s26 =	sadd.s32 $0x1400, s25;
	[sflag:s19] =	ssyncadd.s32 $0xFFFFC100  }
0x80: {  	[spmem:s1] =	stream.indirect.scatter.add.f32 [tilespmem:s15], [sflag:$0x3], $0x80, s26, s14, $0xb8;
	[tilespmem:$0x1E800] =	vst v63  }
0x81: {  	_ =	swait.ge [sflag:s12], $0x3F00  }
0x82: {  	[sflag:s12] =	ssyncset.done $0x0  }
0x83: {  	s26 =	sadd.s32 $0x100, s25;
	[sflag:s12] =	ssyncadd.s32 $0xFFFFC100  }
0x84: {  	[tilespmem:s15], [sflag:$0x1] =	stream.indirect.gather [hbm4b:s7+s14], $0x80, s26, s14, $0xb8;
	[tilespmem:$0x1E800] =	vst v63  }
0x85: {  	_ =	swait.ge [sflag:s20], $0x3F00  }
.Ltmp1:
0x86: {  	[sflag:s20] =	ssyncset.done $0x0;
	(pc) =	sbr.rel @p0 .LBB2_4-.Ltmp1, $4  }
0x87: {  	s25 =	sadd.s32 $0x1480, s25;
	[sflag:s20] =	ssyncadd.s32 $0xFFFFC100  }
0x88: {  	[spmem:s1] =	stream.indirect.scatter.add.f32 [tilespmem:s18], [sflag:$0x3], $0x80, s25, s14, $0xb8;
	[tilespmem:$0x1E800] =	vst v63  }
0x89: {  	_ =	swait.ge [sflag:s12], $0x3F00  }
0x8a: {  	s26 =	smov.u32 s30;
	s25 =	sshra.s32 s29, $0x2;
	[sflag:s12] =	ssyncset.done $0x0  }
0x8b: {  	s26 =	sadd.s32 $0x80, s25;
	[sflag:s12] =	ssyncadd.s32 $0xFFFFC100  }
0x8c: {  	[tilespmem:s18], [sflag:$0x2] =	stream.indirect.gather [hbm4b:s7+s14], $0x80, s26, s14, $0xb8;
	[tilespmem:$0x1E800] =	vst v63  }
0x8d: {  	_ =	swait.ge [sflag:s19], $0x3F00  }
0x8e: {  	[sflag:s19] =	ssyncset.done $0x0  }
0x8f: {  	s29 =	sadd.s32 $0x1400, s25;
	[sflag:s19] =	ssyncadd.s32 $0xFFFFC100  }
0x90: {  	[spmem:s1] =	stream.indirect.scatter.add.f32 [tilespmem:s15], [sflag:$0x3], $0x80, s29, s14, $0xb8;
	[tilespmem:$0x1E800] =	vst v63  }
0x91: {  	_ =	swait.ge [sflag:s12], $0x3F00  }
0x92: {  	[sflag:s12] =	ssyncset.done $0x0  }
0x93: {  	s30 =	sadd.s32 $0x100, s25;
	[sflag:s12] =	ssyncadd.s32 $0xFFFFC100  }
0x94: {  	[tilespmem:s15], [sflag:$0x1] =	stream.indirect.gather [hbm4b:s7+s14], $0x80, s30, s14, $0xb8;
	[tilespmem:$0x1E800] =	vst v63  }
0x95: {  	_ =	swait.ge [sflag:s20], $0x3F00  }
0x96: {  	[sflag:s20] =	ssyncset.done $0x0  }
0x97: {  	s31 =	sadd.s32 $0x1480, s25;
	[sflag:s20] =	ssyncadd.s32 $0xFFFFC100  }
0x98: {  	[spmem:s1] =	stream.indirect.scatter.add.f32 [tilespmem:s18], [sflag:$0x3], $0x80, s31, s14, $0xb8;
	[tilespmem:$0x1E800] =	vst v63  }
0x99: {  	_ =	swait.ge [sflag:s12], $0x3F00  }
0x9a: {  	[sflag:s12] =	ssyncset.done $0x0  }
0x9b: {  	[sflag:s12] =	ssyncadd.s32 $0xFFFFC100  }
0x9c: {  	[tilespmem:s18], [sflag:$0x2] =	stream.indirect.gather [hbm4b:s7+s14], $0x80, s21, s14, $0xb8;
	[tilespmem:$0x1E800] =	vst v63  }
0x9d: {  	_ =	swait.ge [sflag:s19], $0x3F00  }
0x9e: {  	[sflag:s19] =	ssyncset.done $0x0  }
0x9f: {  	[sflag:s19] =	ssyncadd.s32 $0xFFFFC100  }
0xa0: {  	[spmem:s1] =	stream.indirect.scatter.add.f32 [tilespmem:s15], [sflag:$0x3], $0x80, s22, s14, $0xb8;
	[tilespmem:$0x1E800] =	vst v63  }
0xa1: {  	_ =	swait.ge [sflag:s12], $0x3F00  }
0xa2: {  	[sflag:s12] =	ssyncset.done $0x0  }
0xa3: {  	[sflag:s12] =	ssyncadd.s32 $0xFFFFC100  }
0xa4: {  	_ =	swait.ge [sflag:s20], $0x3F00  }
0xa5: {  	[sflag:s20] =	ssyncset.done $0x0  }
0xa6: {  	[sflag:s20] =	ssyncadd.s32 $0xFFFFC100  }
0xa7: {  	[spmem:s1] =	stream.indirect.scatter.add.f32 [tilespmem:s18], [sflag:$0x3], $0x80, s23, s14, $0xb8;
	[tilespmem:$0x1E800] =	vst v63  }
0xa8: {  	_ =	swait.ge [sflag:s12], $0x3F00  }
0xa9: {  	s24 =	sadd.s32 $0x1, s24;
	[sflag:s12] =	ssyncset.done $0x0  }
0xaa: {  	p0 =	sne.s32 s24, s11;
	[sflag:s12] =	ssyncadd.s32 $0xFFFFC100  }
.Ltmp2:
0xab: {  	[bflag:$0x0] =	sbarrier.arrive $0xFFFF;
	(pc) =	sbr.rel @p0 .LBB2_1-.Ltmp2, $4  }
0xac: {  	[hbm:s10], [sflag:s16] =	dma.local [spmem:s17], $0x2800  }
0xad: {  	_ =	swait.ge [sflag:s12], $0x2800  }
0xae: {  	[sflag:s12] =	ssyncset.done $0x0  }
0xaf: {  	[sflag:s12] =	ssyncadd.s32 $0xFFFFD800  }
0xb0: {  	_ =	sfence.sel $0x180000  }
0xb1: {  	[bflag:$0x0] =	sbarrier.arrive $0xFFFF  }
0xb2: {  	p0 =	sne.s32 s2, $0x0;
	_ =	strace $0x9000004D  }
0xb3: {  	s0 =	sadd.s32 @!p0 $0x100000, s0;
	[bflag:$0x2] =	sbarrier.arrive $0xFFFF  }
0xb4: {  	[sflag:s0] =	ssyncadd.tile.s32 @!p0 $0x1;
	_ =	shalt  }
.Lfunc_end2:
_tile_overlayer_lowered:
.L_overlay_start_2:
0xb5: {  	(tag) =	ssettag $0x2  }
0xb6: {  	s0 =	rddreg [dreg:$0x0];
	s2 =	stileid.u32  }
0xb7: {  	s1 =	rddreg [dreg:$0x1];
	p0 =	sne.s32 s2, $0x0  }
0xb8: {  	s3 =	rddreg [dreg:$0x2];
	[bflag:$0x3] =	sbarrier.arrive $0xFFFF;
	s2 =	simm.s32 @!p0 $0x1C03  }
0xb9: {  	[timem:s3], [sflag:s2] =	dma.local @!p0 [hbm:s0], s1  }
0xba: {  	s0 =	simm.s32 @!p0 $0x3  }
0xbb: {  	_ =	swait.ge @!p0 [sflag:s0], s1  }
0xbc: {  	s1 =	ssub.s32 @!p0 $0x0, s1;
	[sflag:s0] =	ssyncset.done @!p0 $0x0  }
0xbd: {  	[sflag:s0] =	ssyncadd.s32 @!p0 s1  }
0xbe: {  	[bflag:$0x3] =	sbarrier.arrive $0xFFFF  }
0xbf: {  	_ =	shalt  }

// kernel: kernel.19.cloned.1.call-start
scs
__scs_entry_jumppad:
0x0: {  	(pc) =	sbr.rel $0x88, $3  }
0x1: {  	(tag) =	ssettag $0x0;
	lr =	simm.s32 $0x1  }
0x2: {  	[smem:$0x3F95] =	sst lr;
	_ =	strace $0xD0000000  }
0x3: {  	_ = 	snop  }
0x4: {  	_ = 	snop  }
0x5: {  	_ = 	snop  }
0x6: {  	_ = 	snop  }
0x7: {  	_ = 	snop  }
__scs_overlays_trampoline_lowered:
0x8: {  	[smem:$0x3FA4] =	sst s0  }
0x9: {  	[smem:$0x3FA5] =	sst s1  }
0xa: {  	[smem:$0x3FA6] =	sst s2  }
0xb: {  	[smem:$0x3FA7] =	sst s3  }
0xc: {  	[smem:$0x3FA8] =	sst s4  }
0xd: {  	[smem:$0x3FA9] =	sst s5  }
0xe: {  	[smem:$0x3FAA] =	sst s6  }
0xf: {  	[smem:$0x3FAB] =	sst s7  }
0x10: {  	[smem:$0x3FAC] =	sst s8  }
0x11: {  	[smem:$0x3FAD] =	sst s9;
	s0 =	simm.s32 @!p0 $0x0  }
0x12: {  	s1 =	sld [smem:$0x3F93];
	s0 =	simm.s32 @p0 $0x1  }
0x13: {  	[smem:$0x3FAE] =	sst s0;
	s0 =	simm.s32 @!p1 $0x0  }
0x14: {  	s2 =	sld [smem:$0x3F92];
	s0 =	simm.s32 @p1 $0x1  }
0x15: {  	[smem:$0x3FAF] =	sst s0;
	s0 =	simm.s32 @!p2 $0x0  }
0x16: {  	s3 =	sld [smem:$0x3FDB];
	s0 =	simm.s32 @p2 $0x1  }
0x17: {  	s4 =	simm.s32 $0x1BF5;
	[smem:$0x3FB1] =	sst s0  }
0x18: {  	s0 =	sld [smem:$0x3F94];
	_ =	swait.ge [sflag:s4], $0x0  }
0x19: {  	s7 =	sld [smem:$0x3F95]  }
0x1a: {  	s8 =	sadd.s32 $0xFFFFE003, lr  }
0x1b: {  	s9 =	sadd.s32 $0xFFFFFEF7, lr;
	s5 =	simm.s32 $0xFFFFFFFF;
	p2 =	slt.u32 s8, $0xFFFFF086  }
0x1c: {  	p1 =	slt.u32 s9, $0xF7A;
	s5 =	simm.s32 @!p2 $0x0  }
0x1d: {  	s5 =	simm.s32 @p1 $0x1;
	p0 =	seq.s32 s7, s2  }
0x1e: {  	s7 =	smul.u32 @!p0 $0xF7A, s2;
	p2 =	seq.s32 @!p0 s5, $0x0  }
0x1f: {  	s9 =	smul.u32 $0xF7A, s1;
	s8 =	simm.s32 @!p0 $0x1BF5;
	p2 =	por !p2, p0  }
0x20: {  	[sflag:s8] =	ssyncset.s32 @!p0 $0xFFFFF086;
	s6 =	sadd.s32 @!p0 s3, s7;
	s7 =	simm.s32 @!p0 $0x108  }
0x21: {  	s3 =	sadd.s32 s3, s9;
	s6 =	sadd.s32 @!p0 $0x88, s6;
	s7 =	simm.s32 @p2 $0x1082  }
0x22: {  	[simem:s7], [sflag:s8] =	dma.local @!p0 [hbm:s6], $0xF7A  }
0x23: {  	s9 =	sor.u32 $0xD0000000, s2;
	s6 =	simm.s32 $0x108;
	_ =	swait.ge @!p0 [sflag:s8], $0x0  }
0x24: {  	s3 =	sadd.s32 $0x88, s3;
	s6 =	simm.s32 @!p1 $0x1082;
	[sflag:s4] =	ssyncset.s32 $0xFFFFF086  }
0x25: {  	[simem:s6], [sflag:s4] =	dma.local [hbm:s3], $0xF7A  }
0x26: {  	[smem:$0x3F95] =	sst s1;
	(tag) =	ssettag s2;
	_ =	strace s9  }
0x27: {  	s1 =	sld [smem:$0x3FA5]  }
0x28: {  	s2 =	sld [smem:$0x3FA6]  }
0x29: {  	s4 =	sld [smem:$0x3FA8]  }
0x2a: {  	p0 =	seq.s32 s5, $0x0;
	s5 =	sld [smem:$0x3FA9]  }
0x2b: {  	s6 =	sld [smem:$0x3FAA]  }
0x2c: {  	s7 =	sld [smem:$0x3FAB]  }
0x2d: {  	s3 =	simm.s32 $0x108;
	s8 =	sld [smem:$0x3FAC]  }
0x2e: {  	s3 =	simm.s32 @!p0 $0x1082;
	s9 =	sld [smem:$0x3FAD]  }
0x2f: {  	lr =	sadd.s32 s0, s3;
	s0 =	sld [smem:$0x3FA4]  }
0x30: {  	s3 =	sld [smem:$0x3FA7]  }
0x31: {  	[smem:$0x3FB0] =	sst s10  }
0x32: {  	s10 =	sld [smem:$0x3FAE];
	_ =	sdelay $0x3  }
0x33: {  	p0 =	seq.s32 s10, $0x1;
	s10 =	sld [smem:$0x3FB0];
	_ =	sdelay $0x3  }
0x34: {  	[smem:$0x3FB0] =	sst s10  }
0x35: {  	s10 =	sld [smem:$0x3FAF];
	_ =	sdelay $0x3  }
0x36: {  	p1 =	seq.s32 s10, $0x1;
	s10 =	sld [smem:$0x3FB0];
	_ =	sdelay $0x3  }
0x37: {  	[smem:$0x3FB0] =	sst s10  }
0x38: {  	s10 =	sld [smem:$0x3FB1]  }
0x39: {  	_ = 	snop;
	(pc) =	sbr.ind lr, $3  }
0x3a: {  	_ = 	snop  }
0x3b: {  	_ = 	snop  }
0x3c: {  	p2 =	seq.s32 s10, $0x1;
	s10 =	sld [smem:$0x3FB0]  }
0x3d: {  	_ =	shalt  }
0x3e: {  	_ =	shalt  }
0x3f: {  	_ =	shalt  }
0x40: {  	_ =	shalt  }
0x41: {  	_ =	shalt  }
0x42: {  	_ =	shalt  }
0x43: {  	_ =	shalt  }
0x44: {  	_ =	shalt  }
0x45: {  	_ =	shalt  }
0x46: {  	_ =	shalt  }
0x47: {  	_ =	shalt  }
0x48: {  	_ =	shalt  }
0x49: {  	_ =	shalt  }
0x4a: {  	_ =	shalt  }
0x4b: {  	_ =	shalt  }
0x4c: {  	_ =	shalt  }
0x4d: {  	_ =	shalt  }
0x4e: {  	_ =	shalt  }
0x4f: {  	_ =	shalt  }
0x50: {  	_ =	shalt  }
0x51: {  	_ =	shalt  }
0x52: {  	_ =	shalt  }
0x53: {  	_ =	shalt  }
0x54: {  	_ =	shalt  }
0x55: {  	_ =	shalt  }
0x56: {  	_ =	shalt  }
0x57: {  	_ =	shalt  }
0x58: {  	_ =	shalt  }
0x59: {  	_ =	shalt  }
0x5a: {  	_ =	shalt  }
0x5b: {  	_ =	shalt  }
0x5c: {  	_ =	shalt  }
0x5d: {  	_ =	shalt  }
0x5e: {  	_ =	shalt  }
0x5f: {  	_ =	shalt  }
0x60: {  	_ =	shalt  }
0x61: {  	_ =	shalt  }
0x62: {  	_ =	shalt  }
0x63: {  	_ =	shalt  }
0x64: {  	_ =	shalt  }
0x65: {  	_ =	shalt  }
0x66: {  	_ =	shalt  }
0x67: {  	_ =	shalt  }
0x68: {  	_ =	shalt  }
0x69: {  	_ =	shalt  }
0x6a: {  	_ =	shalt  }
0x6b: {  	_ =	shalt  }
0x6c: {  	_ =	shalt  }
0x6d: {  	_ =	shalt  }
0x6e: {  	_ =	shalt  }
0x6f: {  	_ =	shalt  }
0x70: {  	_ =	shalt  }
0x71: {  	_ =	shalt  }
0x72: {  	_ =	shalt  }
0x73: {  	_ =	shalt  }
0x74: {  	_ =	shalt  }
0x75: {  	_ =	shalt  }
0x76: {  	_ =	shalt  }
0x77: {  	_ =	shalt  }
0x78: {  	_ =	shalt  }
0x79: {  	_ =	shalt  }
0x7a: {  	_ =	shalt  }
0x7b: {  	_ =	shalt  }
0x7c: {  	_ =	shalt  }
0x7d: {  	_ =	shalt  }
0x7e: {  	_ =	shalt  }
0x7f: {  	_ =	shalt  }
0x80: {  	_ =	shalt  }
0x81: {  	_ =	shalt  }
0x82: {  	_ =	shalt  }
0x83: {  	_ =	shalt  }
0x84: {  	_ =	shalt  }
0x85: {  	_ =	shalt  }
0x86: {  	_ =	shalt  }
0x87: {  	_ =	shalt  }
.Lfunc_end0:
.L_simem_size_0:
called_computation.3_lowered:
.L_overlay_start_0:
0x88: {  	s2 =	sld [smem:$0x3FD9]  }
0x89: {  	s3 =	sld [smem:$0x3FFE];
	_ =	sdelay $0x1  }
0x8a: {  	s1 =	srdreg.scid  }
0x8b: {  	s0 =	sand.u32 $0x1, s1  }
0x8c: {  	s16 =	sshll.u32 s0, $0xA;
	s2 =	sadd.s32 s3, s2  }
0x8d: {  	s2 =	sadd.s32 s2, s16  }
0x8e: {  	[smem:$0x3FBC] =	sst s2  }
0x8f: {  	_ = 	snop  }
0x90: {  	(tm) =	ssettm $0x1  }
0x91: {  	s17 =	sld [smem:$0x3FFB];
	_ =	sdelay $0x3  }
0x92: {  	_ =	strace s17  }
0x93: {  	s2 =	sld [smem:$0x3FFC];
	_ =	sdelay $0x3  }
0x94: {  	_ =	strace s2  }
0x95: {  	s2 =	sld [smem:$0x3FFD];
	_ =	sdelay $0x3  }
0x96: {  	_ =	strace s2  }
0x97: {  	_ =	strace $0x8FFFFFFF  }
0x98: {  	s18 =	sld [smem:$0x3FDB];
	_ =	sdelay $0x1  }
0x99: {  	s19 =	simm.s32 $_scs_section_size  }
0x9a: {  	s4 =	simm.s32 $_size__tile_overlayer_lowered;
	s5 =	simm.s32 $_tile_overlayer_lowered  }
0x9b: {  	s22 =	simm.s32 $0x1BFF;
	s21 =	sshll.u32 s5, $0x1;
	s2 =	sadd.s32 s19, s18  }
0x9c: {  	s6 =	simm.s32 $0x0;
	s20 =	sshll.u32 s4, $0x1;
	s4 =	sadd.s32 s21, s2  }
0x9d: {  	[timem:s6], [sflag:s22] =	dma.local [hbm:s4], s20  }
0x9e: {  	_ =	swait.ge [sflag:s22], s20  }
0x9f: {  	s3 =	ssub.s32 $0x0, s20;
	[sflag:s22] =	ssyncset.done $0x0  }
0xa0: {  	[sflag:s22] =	ssyncadd.s32 s3;
	_ =	sdelay $0x1  }
0xa1: {  	s23 =	simm.s32 $0x1B8B  }
0xa2: {  	_ =	swait.ge [sflag:s23], $0x1  }
0xa3: {  	[sflag:s23] =	ssyncset.done $0x0  }
0xa4: {  	s25 =	simm.s32 $0x1B8E;
	s24 =	sld [smem:$0x3FFE];
	[sflag:s23] =	ssyncadd.s32 $0xFFFFFFFF  }
0xa5: {  	s26 =	simm.s32 $execute0_lowered;
	[smem:$0x3FD2] =	sst s25  }
0xa6: {  	s4 =	sshll.u32 s26, $0x1;
	_ =	strace $0x8000004F;
	[dreg:$0x1] =	wrdreg $0xFFFFFFFF  }
0xa7: {  	s28 =	simm.s32 $_size_execute0_lowered;
	s2 =	sadd.s32 s2, s4;
	[dreg:$0x0] =	wrdreg $0x0  }
0xa8: {  	s4 =	sshll.u32 s28, $0x1;
	[dreg:$0x2] =	wrdreg s2  }
0xa9: {  	[dreg:$0x3] =	wrdreg s4  }
0xaa: {  	[dreg:$0x4] =	wrdreg $0xC0  }
0xab: {  	_ =	task [dreg:s6], $0x5FFFF  }
0xac: {  	[dreg:$0x1] =	wrdreg $0xFFFFFFFF  }
0xad: {  	[dreg:$0x0] =	wrdreg $0x60  }
0xae: {  	[dreg:$0x2] =	wrdreg s24  }
0xaf: {  	[dreg:$0x3] =	wrdreg $0xA8000  }
0xb0: {  	[dreg:$0x4] =	wrdreg $0x9  }
0xb1: {  	_ =	task.clear_ibuf [dreg:s6], $0x5FFFF;
	_ =	strace $0x9000004F  }
0xb2: {  	s29 =	simm.s32 $0x9;
	_ =	strace $0x80000051  }
0xb3: {  	_ =	swait.ge [sflag:s29], $0x1  }
0xb4: {  	[sflag:s29] =	ssyncadd.s32 $0xFFFFFFFF  }
0xb5: {  	_ =	strace $0x90000051  }
0xb6: {  	_ =	sfence  }
0xb7: {  	s30 =	sld [smem:$0x0];
	_ =	sdelay $0x2  }
0xb8: {  	s31 =	sshll.u32 s1, $0xD;
	s1 =	sshrl.u32 s1, $0x2  }
0xb9: {  	s3 =	sand.u32 $0x4000, s31;
	s1 =	sadd.s32 s1, s30  }
0xba: {  	s0 =	sor.u32 s3, s0;
	s1 =	sshll.u32 s1, $0x11  }
0xbb: {  	s0 =	sor.u32 s1, s0  }
0xbc: {  	s0 =	sadd.s32 $0x8F2B, s0  }
0xbd: {  	[sflag:s0] =	ssyncadd.remote.s32 $0x1  }
0xbe: {  	_ =	sfence.sel $0xFFFF  }
0xbf: {  	[dreg:$0x0] =	wrdreg $0xFFFFFFFF;
	(pc) =	sbr.abs _section_cstart, $3  }
0xc0: {  	[dreg:$0x1] =	wrdreg $0xFFFFFFFF  }
0xc1: {  	_ =	task.clear_ibuf [dreg:s6], $0x2FFFF;
	_ =	strace $0x9FFFFFFF  }
0xc2: {  	(tm) =	ssettm $0x7FFFFFFF  }
0xc3: {  	_ =	shalt  }
tec
execute0_lowered:
.L_overlay_start_1:
0x0: {  	(tag) =	ssettag $0x1  }
0x1: {  	s5 =	rddreg [dreg:$0x0]  }
0x2: {  	s1 =	rddreg [dreg:$0x1]  }
0x3: {  	s2 =	srdreg.scid;
	s0 =	rddreg [dreg:$0x2]  }
0x4: {  	s3 =	simm.s32 $0x0;
	s15 =	simm.s32 $0x2800;
	s18 =	simm.s32 $0x6800  }
0x5: {  	s19 =	simm.s32 $0x1;
	s20 =	simm.s32 $0x2;
	s21 =	simm.s32 $0x1380  }
0x6: {  	s22 =	simm.s32 $0x2700;
	s23 =	simm.s32 $0x2780;
	s6 =	sand.u32 $0x1, s2  }
0x7: {  	s24 =	simm.s32 $0x0;
	[smem:$0x7FF] =	sst s3;
	s4 =	smul.u32 $0x27100, s6  }
0x8: {  	s2 =	stileid.u32;
	s10 =	sadd.s32 $0x8800, s5;
	s7 =	smul.u32 $0x140000, s6  }
0x9: {  	s11 =	sadd.s32 $0xD800, s5;
	_ =	strace $0x80000050;
	s9 =	smul.u32 $0x14000, s2  }
0xa: {  	s6 =	ssub.s32 $0x2, s6;
	s31 =	smul.u32 $0x2800, s2;
	s16 =	sshll.u32 s2, $0x6  }
0xb: {  	s13 =	smul.u32 $0x50000, s2;
	s12 =	sshrl.u32 s6, $0x1;
	s16 =	sor.u32 $0x1C03, s16  }
0xc: {  	s8 =	sadd.s32 s4, s5;
	s4 =	sadd.s32 $0x3200, s5;
	s7 =	sadd.s32 s9, s7  }
0xd: {  	s12 =	ssub.s32 s6, s12;
	s9 =	sshrl.u32 s31, $0x3;
	s13 =	sshrl.u32 s13, $0x2  }
0xe: {  	s7 =	sshrl.u32 s7, $0x3;
	s6 =	sadd.s32 s11, s9;
	s17 =	sadd.s32 s13, s1  }
0xf: {  	s13 =	simm.s32 $0x1400;
	s14 =	sadd.s32 s7, s5;
	s5 =	sadd.s32 s10, s9  }
0x10: {  	s7 =	sadd.s32 $0x14CE00, s8;
	s9 =	sadd.s32 $0x280, s9;
	s17 =	sshrl.u32 s17, $0x3  }
0x11: {  	s8 =	sadd.s32 s10, s9;
	s9 =	sadd.s32 s11, s9;
	s10 =	sadd.s32 $0x12800, s14  }
0x12: {  	s11 =	smax.u32 s12, $0x1;
	s12 =	simm.s32 $0x3;
	s14 =	simm.s32 $0x7E  }
.LBB2_1:
0x13: {  	[tilespmem:s3], [sflag:$0x3] =	stream.linear.gather [hbm4b:s5+s3], $0x1400, $0x38;
	[tilespmem:$0x1E800] =	vst v63  }
0x14: {  	_ =	swait.ge [sflag:s12], $0x1400  }
0x15: {  	[sflag:s12] =	ssyncset.done $0x0  }
0x16: {  	[sflag:s12] =	ssyncadd.s32 $0xFFFFEC00  }
0x17: {  	[tilespmem:s13], [sflag:$0x3] =	stream.linear.gather [hbm4b:s6+s3], $0x1400, $0x38;
	[tilespmem:$0x1E800] =	vst v63  }
0x18: {  	_ =	swait.ge [sflag:s12], $0x1400  }
0x19: {  	[sflag:s12] =	ssyncset.done $0x0  }
0x1a: {  	[sflag:s12] =	ssyncadd.s32 $0xFFFFEC00  }
0x1b: {  	[tilespmem:s15], [sflag:$0x1] =	stream.indirect.gather [hbm4b:s7+s14], $0x80, s3, s14, $0xb8;
	[tilespmem:$0x1E800] =	vst v63  }
0x1c: {  	[spmem:s17], [sflag:s16] =	dma.local [hbm:s4], $0x2800  }
0x1d: {  	_ =	swait.ge [sflag:s12], $0x2800  }
0x1e: {  	[sflag:s12] =	ssyncset.done $0x0  }
0x1f: {  	[sflag:s12] =	ssyncadd.s32 $0xFFFFD800  }
0x20: {  	s25 =	simm.s32 $0x80;
	[bflag:$0x0] =	sbarrier.arrive $0xFFFF  }
0x21: {  	[tilespmem:s18], [sflag:$0x2] =	stream.indirect.gather [hbm4b:s7+s14], $0x80, s25, s14, $0xb8;
	[tilespmem:$0x1E800] =	vst v63  }
0x22: {  	_ =	swait.ge [sflag:s19], $0x3F00  }
0x23: {  	[sflag:s19] =	ssyncset.done $0x0  }
0x24: {  	s29 =	simm.s32 $0x1400;
	[sflag:s19] =	ssyncadd.s32 $0xFFFFC100  }
0x25: {  	[spmem:s1] =	stream.indirect.scatter.add.f32 [tilespmem:s15], [sflag:$0x3], $0x80, s29, s14, $0xb8;
	[tilespmem:$0x1E800] =	vst v63  }
0x26: {  	_ =	swait.ge [sflag:s12], $0x3F00  }
0x27: {  	[sflag:s12] =	ssyncset.done $0x0  }
0x28: {  	s30 =	simm.s32 $0x100;
	[sflag:s12] =	ssyncadd.s32 $0xFFFFC100  }
0x29: {  	[tilespmem:s15], [sflag:$0x1] =	stream.indirect.gather [hbm4b:s7+s14], $0x80, s30, s14, $0xb8;
	[tilespmem:$0x1E800] =	vst v63  }
0x2a: {  	_ =	swait.ge [sflag:s20], $0x3F00  }
0x2b: {  	[sflag:s20] =	ssyncset.done $0x0  }
0x2c: {  	s31 =	simm.s32 $0x1480;
	[sflag:s20] =	ssyncadd.s32 $0xFFFFC100  }
0x2d: {  	[spmem:s1] =	stream.indirect.scatter.add.f32 [tilespmem:s18], [sflag:$0x3], $0x80, s31, s14, $0xb8;
	[tilespmem:$0x1E800] =	vst v63  }
0x2e: {  	_ =	swait.ge [sflag:s12], $0x3F00  }
0x2f: {  	s26 =	simm.s32 $0x800;
	s25 =	simm.s32 $0x100;
	[sflag:s12] =	ssyncset.done $0x0  }
.LBB2_2:
0x30: {  	s28 =	sadd.s32 $0x80, s25  }
0x31: {  	[sflag:s12] =	ssyncadd.s32 $0xFFFFC100;
	s29 =	smov.u32 s26;
	s30 =	sadd.s32 $0x400, s26  }
0x32: {  	[tilespmem:s18], [sflag:$0x2] =	stream.indirect.gather [hbm4b:s7+s14], $0x80, s28, s14, $0xb8;
	[tilespmem:$0x1E800] =	vst v63  }
0x33: {  	p0 =	sne.s32 s26, $0x4800;
	_ =	swait.ge [sflag:s19], $0x3F00  }
0x34: {  	[sflag:s19] =	ssyncset.done $0x0  }
0x35: {  	s26 =	sadd.s32 $0x1400, s25;
	[sflag:s19] =	ssyncadd.s32 $0xFFFFC100  }
0x36: {  	[spmem:s1] =	stream.indirect.scatter.add.f32 [tilespmem:s15], [sflag:$0x3], $0x80, s26, s14, $0xb8;
	[tilespmem:$0x1E800] =	vst v63  }
0x37: {  	_ =	swait.ge [sflag:s12], $0x3F00  }
0x38: {  	[sflag:s12] =	ssyncset.done $0x0  }
0x39: {  	s26 =	sadd.s32 $0x100, s25;
	[sflag:s12] =	ssyncadd.s32 $0xFFFFC100  }
0x3a: {  	[tilespmem:s15], [sflag:$0x1] =	stream.indirect.gather [hbm4b:s7+s14], $0x80, s26, s14, $0xb8;
	[tilespmem:$0x1E800] =	vst v63  }
0x3b: {  	_ =	swait.ge [sflag:s20], $0x3F00  }
.Ltmp0:
0x3c: {  	[sflag:s20] =	ssyncset.done $0x0;
	(pc) =	sbr.rel @p0 .LBB2_2-.Ltmp0, $4  }
0x3d: {  	s25 =	sadd.s32 $0x1480, s25;
	[sflag:s20] =	ssyncadd.s32 $0xFFFFC100  }
0x3e: {  	[spmem:s1] =	stream.indirect.scatter.add.f32 [tilespmem:s18], [sflag:$0x3], $0x80, s25, s14, $0xb8;
	[tilespmem:$0x1E800] =	vst v63  }
0x3f: {  	_ =	swait.ge [sflag:s12], $0x3F00  }
0x40: {  	s26 =	smov.u32 s30;
	s25 =	sshra.s32 s29, $0x2;
	[sflag:s12] =	ssyncset.done $0x0  }
0x41: {  	s26 =	sadd.s32 $0x80, s25;
	[sflag:s12] =	ssyncadd.s32 $0xFFFFC100  }
0x42: {  	[tilespmem:s18], [sflag:$0x2] =	stream.indirect.gather [hbm4b:s7+s14], $0x80, s26, s14, $0xb8;
	[tilespmem:$0x1E800] =	vst v63  }
0x43: {  	_ =	swait.ge [sflag:s19], $0x3F00  }
0x44: {  	[sflag:s19] =	ssyncset.done $0x0  }
0x45: {  	s29 =	sadd.s32 $0x1400, s25;
	[sflag:s19] =	ssyncadd.s32 $0xFFFFC100  }
0x46: {  	[spmem:s1] =	stream.indirect.scatter.add.f32 [tilespmem:s15], [sflag:$0x3], $0x80, s29, s14, $0xb8;
	[tilespmem:$0x1E800] =	vst v63  }
0x47: {  	_ =	swait.ge [sflag:s12], $0x3F00  }
0x48: {  	[sflag:s12] =	ssyncset.done $0x0  }
0x49: {  	s30 =	sadd.s32 $0x100, s25;
	[sflag:s12] =	ssyncadd.s32 $0xFFFFC100  }
0x4a: {  	[tilespmem:s15], [sflag:$0x1] =	stream.indirect.gather [hbm4b:s7+s14], $0x80, s30, s14, $0xb8;
	[tilespmem:$0x1E800] =	vst v63  }
0x4b: {  	_ =	swait.ge [sflag:s20], $0x3F00  }
0x4c: {  	[sflag:s20] =	ssyncset.done $0x0  }
0x4d: {  	s31 =	sadd.s32 $0x1480, s25;
	[sflag:s20] =	ssyncadd.s32 $0xFFFFC100  }
0x4e: {  	[spmem:s1] =	stream.indirect.scatter.add.f32 [tilespmem:s18], [sflag:$0x3], $0x80, s31, s14, $0xb8;
	[tilespmem:$0x1E800] =	vst v63  }
0x4f: {  	_ =	swait.ge [sflag:s12], $0x3F00  }
0x50: {  	[sflag:s12] =	ssyncset.done $0x0  }
0x51: {  	[sflag:s12] =	ssyncadd.s32 $0xFFFFC100  }
0x52: {  	[tilespmem:s18], [sflag:$0x2] =	stream.indirect.gather [hbm4b:s7+s14], $0x80, s21, s14, $0xb8;
	[tilespmem:$0x1E800] =	vst v63  }
0x53: {  	_ =	swait.ge [sflag:s19], $0x3F00  }
0x54: {  	[sflag:s19] =	ssyncset.done $0x0  }
0x55: {  	[sflag:s19] =	ssyncadd.s32 $0xFFFFC100  }
0x56: {  	[spmem:s1] =	stream.indirect.scatter.add.f32 [tilespmem:s15], [sflag:$0x3], $0x80, s22, s14, $0xb8;
	[tilespmem:$0x1E800] =	vst v63  }
0x57: {  	_ =	swait.ge [sflag:s12], $0x3F00  }
0x58: {  	[sflag:s12] =	ssyncset.done $0x0  }
0x59: {  	[sflag:s12] =	ssyncadd.s32 $0xFFFFC100  }
0x5a: {  	_ =	swait.ge [sflag:s20], $0x3F00  }
0x5b: {  	[sflag:s20] =	ssyncset.done $0x0  }
0x5c: {  	[sflag:s20] =	ssyncadd.s32 $0xFFFFC100  }
0x5d: {  	[spmem:s1] =	stream.indirect.scatter.add.f32 [tilespmem:s18], [sflag:$0x3], $0x80, s23, s14, $0xb8;
	[tilespmem:$0x1E800] =	vst v63  }
0x5e: {  	_ =	swait.ge [sflag:s12], $0x3F00  }
0x5f: {  	[sflag:s12] =	ssyncset.done $0x0  }
0x60: {  	s26 =	simm.s32 $0x0;
	[sflag:s12] =	ssyncadd.s32 $0xFFFFC100  }
0x61: {  	[tilespmem:s26], [sflag:$0x3] =	stream.linear.gather [hbm4b:s8+s26], $0x1400, $0x38;
	[tilespmem:$0x1E800] =	vst v63  }
0x62: {  	_ =	swait.ge [sflag:s12], $0x1400  }
0x63: {  	[sflag:s12] =	ssyncset.done $0x0  }
0x64: {  	[sflag:s12] =	ssyncadd.s32 $0xFFFFEC00  }
0x65: {  	[tilespmem:s13], [sflag:$0x3] =	stream.linear.gather [hbm4b:s9+s26], $0x1400, $0x38;
	[tilespmem:$0x1E800] =	vst v63  }
0x66: {  	_ =	swait.ge [sflag:s12], $0x1400  }
0x67: {  	[sflag:s12] =	ssyncset.done $0x0  }
0x68: {  	[sflag:s12] =	ssyncadd.s32 $0xFFFFEC00  }
0x69: {  	[tilespmem:s15], [sflag:$0x1] =	stream.indirect.gather [hbm4b:s7+s14], $0x80, s26, s14, $0xb8;
	[tilespmem:$0x1E800] =	vst v63  }
0x6a: {  	s28 =	simm.s32 $0x80  }
0x6b: {  	[tilespmem:s18], [sflag:$0x2] =	stream.indirect.gather [hbm4b:s7+s14], $0x80, s28, s14, $0xb8;
	[tilespmem:$0x1E800] =	vst v63  }
0x6c: {  	_ =	swait.ge [sflag:s19], $0x3F00  }
0x6d: {  	[sflag:s19] =	ssyncset.done $0x0  }
0x6e: {  	s29 =	simm.s32 $0x1400;
	[sflag:s19] =	ssyncadd.s32 $0xFFFFC100  }
0x6f: {  	[spmem:s1] =	stream.indirect.scatter.add.f32 [tilespmem:s15], [sflag:$0x3], $0x80, s29, s14, $0xb8;
	[tilespmem:$0x1E800] =	vst v63  }
0x70: {  	_ =	swait.ge [sflag:s12], $0x3F00  }
0x71: {  	[sflag:s12] =	ssyncset.done $0x0  }
0x72: {  	s30 =	simm.s32 $0x100;
	[sflag:s12] =	ssyncadd.s32 $0xFFFFC100  }
0x73: {  	[tilespmem:s15], [sflag:$0x1] =	stream.indirect.gather [hbm4b:s7+s14], $0x80, s30, s14, $0xb8;
	[tilespmem:$0x1E800] =	vst v63  }
0x74: {  	_ =	swait.ge [sflag:s20], $0x3F00  }
0x75: {  	[sflag:s20] =	ssyncset.done $0x0  }
0x76: {  	s31 =	simm.s32 $0x1480;
	[sflag:s20] =	ssyncadd.s32 $0xFFFFC100  }
0x77: {  	[spmem:s1] =	stream.indirect.scatter.add.f32 [tilespmem:s18], [sflag:$0x3], $0x80, s31, s14, $0xb8;
	[tilespmem:$0x1E800] =	vst v63  }
0x78: {  	_ =	swait.ge [sflag:s12], $0x3F00  }
0x79: {  	s25 =	simm.s32 $0x100;
	s26 =	simm.s32 $0x800;
	[sflag:s12] =	ssyncset.done $0x0  }
.LBB2_4:
0x7a: {  	s28 =	sadd.s32 $0x80, s25  }
0x7b: {  	[sflag:s12] =	ssyncadd.s32 $0xFFFFC100;
	s29 =	smov.u32 s26;
	s30 =	sadd.s32 $0x400, s26  }
0x7c: {  	[tilespmem:s18], [sflag:$0x2] =	stream.indirect.gather [hbm4b:s7+s14], $0x80, s28, s14, $0xb8;
	[tilespmem:$0x1E800] =	vst v63  }
0x7d: {  	p0 =	sne.s32 s26, $0x4800;
	_ =	swait.ge [sflag:s19], $0x3F00  }
0x7e: {  	[sflag:s19] =	ssyncset.done $0x0  }
0x7f: {  	s26 =	sadd.s32 $0x1400, s25;
	[sflag:s19] =	ssyncadd.s32 $0xFFFFC100  }
0x80: {  	[spmem:s1] =	stream.indirect.scatter.add.f32 [tilespmem:s15], [sflag:$0x3], $0x80, s26, s14, $0xb8;
	[tilespmem:$0x1E800] =	vst v63  }
0x81: {  	_ =	swait.ge [sflag:s12], $0x3F00  }
0x82: {  	[sflag:s12] =	ssyncset.done $0x0  }
0x83: {  	s26 =	sadd.s32 $0x100, s25;
	[sflag:s12] =	ssyncadd.s32 $0xFFFFC100  }
0x84: {  	[tilespmem:s15], [sflag:$0x1] =	stream.indirect.gather [hbm4b:s7+s14], $0x80, s26, s14, $0xb8;
	[tilespmem:$0x1E800] =	vst v63  }
0x85: {  	_ =	swait.ge [sflag:s20], $0x3F00  }
.Ltmp1:
0x86: {  	[sflag:s20] =	ssyncset.done $0x0;
	(pc) =	sbr.rel @p0 .LBB2_4-.Ltmp1, $4  }
0x87: {  	s25 =	sadd.s32 $0x1480, s25;
	[sflag:s20] =	ssyncadd.s32 $0xFFFFC100  }
0x88: {  	[spmem:s1] =	stream.indirect.scatter.add.f32 [tilespmem:s18], [sflag:$0x3], $0x80, s25, s14, $0xb8;
	[tilespmem:$0x1E800] =	vst v63  }
0x89: {  	_ =	swait.ge [sflag:s12], $0x3F00  }
0x8a: {  	s26 =	smov.u32 s30;
	s25 =	sshra.s32 s29, $0x2;
	[sflag:s12] =	ssyncset.done $0x0  }
0x8b: {  	s26 =	sadd.s32 $0x80, s25;
	[sflag:s12] =	ssyncadd.s32 $0xFFFFC100  }
0x8c: {  	[tilespmem:s18], [sflag:$0x2] =	stream.indirect.gather [hbm4b:s7+s14], $0x80, s26, s14, $0xb8;
	[tilespmem:$0x1E800] =	vst v63  }
0x8d: {  	_ =	swait.ge [sflag:s19], $0x3F00  }
0x8e: {  	[sflag:s19] =	ssyncset.done $0x0  }
0x8f: {  	s29 =	sadd.s32 $0x1400, s25;
	[sflag:s19] =	ssyncadd.s32 $0xFFFFC100  }
0x90: {  	[spmem:s1] =	stream.indirect.scatter.add.f32 [tilespmem:s15], [sflag:$0x3], $0x80, s29, s14, $0xb8;
	[tilespmem:$0x1E800] =	vst v63  }
0x91: {  	_ =	swait.ge [sflag:s12], $0x3F00  }
0x92: {  	[sflag:s12] =	ssyncset.done $0x0  }
0x93: {  	s30 =	sadd.s32 $0x100, s25;
	[sflag:s12] =	ssyncadd.s32 $0xFFFFC100  }
0x94: {  	[tilespmem:s15], [sflag:$0x1] =	stream.indirect.gather [hbm4b:s7+s14], $0x80, s30, s14, $0xb8;
	[tilespmem:$0x1E800] =	vst v63  }
0x95: {  	_ =	swait.ge [sflag:s20], $0x3F00  }
0x96: {  	[sflag:s20] =	ssyncset.done $0x0  }
0x97: {  	s31 =	sadd.s32 $0x1480, s25;
	[sflag:s20] =	ssyncadd.s32 $0xFFFFC100  }
0x98: {  	[spmem:s1] =	stream.indirect.scatter.add.f32 [tilespmem:s18], [sflag:$0x3], $0x80, s31, s14, $0xb8;
	[tilespmem:$0x1E800] =	vst v63  }
0x99: {  	_ =	swait.ge [sflag:s12], $0x3F00  }
0x9a: {  	[sflag:s12] =	ssyncset.done $0x0  }
0x9b: {  	[sflag:s12] =	ssyncadd.s32 $0xFFFFC100  }
0x9c: {  	[tilespmem:s18], [sflag:$0x2] =	stream.indirect.gather [hbm4b:s7+s14], $0x80, s21, s14, $0xb8;
	[tilespmem:$0x1E800] =	vst v63  }
0x9d: {  	_ =	swait.ge [sflag:s19], $0x3F00  }
0x9e: {  	[sflag:s19] =	ssyncset.done $0x0  }
0x9f: {  	[sflag:s19] =	ssyncadd.s32 $0xFFFFC100  }
0xa0: {  	[spmem:s1] =	stream.indirect.scatter.add.f32 [tilespmem:s15], [sflag:$0x3], $0x80, s22, s14, $0xb8;
	[tilespmem:$0x1E800] =	vst v63  }
0xa1: {  	_ =	swait.ge [sflag:s12], $0x3F00  }
0xa2: {  	[sflag:s12] =	ssyncset.done $0x0  }
0xa3: {  	[sflag:s12] =	ssyncadd.s32 $0xFFFFC100  }
0xa4: {  	_ =	swait.ge [sflag:s20], $0x3F00  }
0xa5: {  	[sflag:s20] =	ssyncset.done $0x0  }
0xa6: {  	[sflag:s20] =	ssyncadd.s32 $0xFFFFC100  }
0xa7: {  	[spmem:s1] =	stream.indirect.scatter.add.f32 [tilespmem:s18], [sflag:$0x3], $0x80, s23, s14, $0xb8;
	[tilespmem:$0x1E800] =	vst v63  }
0xa8: {  	_ =	swait.ge [sflag:s12], $0x3F00  }
0xa9: {  	s24 =	sadd.s32 $0x1, s24;
	[sflag:s12] =	ssyncset.done $0x0  }
0xaa: {  	p0 =	sne.s32 s24, s11;
	[sflag:s12] =	ssyncadd.s32 $0xFFFFC100  }
.Ltmp2:
0xab: {  	[bflag:$0x0] =	sbarrier.arrive $0xFFFF;
	(pc) =	sbr.rel @p0 .LBB2_1-.Ltmp2, $4  }
0xac: {  	[hbm:s10], [sflag:s16] =	dma.local [spmem:s17], $0x2800  }
0xad: {  	_ =	swait.ge [sflag:s12], $0x2800  }
0xae: {  	[sflag:s12] =	ssyncset.done $0x0  }
0xaf: {  	[sflag:s12] =	ssyncadd.s32 $0xFFFFD800  }
0xb0: {  	_ =	sfence.sel $0x180000  }
0xb1: {  	[bflag:$0x0] =	sbarrier.arrive $0xFFFF  }
0xb2: {  	p0 =	sne.s32 s2, $0x0;
	_ =	strace $0x90000050  }
0xb3: {  	s0 =	sadd.s32 @!p0 $0x100000, s0;
	[bflag:$0x2] =	sbarrier.arrive $0xFFFF  }
0xb4: {  	[sflag:s0] =	ssyncadd.tile.s32 @!p0 $0x1;
	_ =	shalt  }
.Lfunc_end2:
_tile_overlayer_lowered:
.L_overlay_start_2:
0xb5: {  	(tag) =	ssettag $0x2  }
0xb6: {  	s0 =	rddreg [dreg:$0x0];
	s2 =	stileid.u32  }
0xb7: {  	s1 =	rddreg [dreg:$0x1];
	p0 =	sne.s32 s2, $0x0  }
0xb8: {  	s3 =	rddreg [dreg:$0x2];
	[bflag:$0x3] =	sbarrier.arrive $0xFFFF;
	s2 =	simm.s32 @!p0 $0x1C03  }
0xb9: {  	[timem:s3], [sflag:s2] =	dma.local @!p0 [hbm:s0], s1  }
0xba: {  	s0 =	simm.s32 @!p0 $0x3  }
0xbb: {  	_ =	swait.ge @!p0 [sflag:s0], s1  }
0xbc: {  	s1 =	ssub.s32 @!p0 $0x0, s1;
	[sflag:s0] =	ssyncset.done @!p0 $0x0  }
0xbd: {  	[sflag:s0] =	ssyncadd.s32 @!p0 s1  }
0xbe: {  	[bflag:$0x3] =	sbarrier.arrive $0xFFFF  }
0xbf: {  	_ =	shalt  }

</sc_bundles>
